<compile_context>
chip_gen: v7x
topology: tpu7x:2x2x1
jax: 0.10.2.dev20260603
libtpu: 0.0.44.dev20260713+nightly
codegen_flags: <defaults>
</compile_context>

<pallas_src>
import functools

import jax
import jax.numpy as jnp
from jax import lax
from jax.experimental import pallas as pl
from jax.experimental.pallas import tpu as pltpu
from jax.experimental.pallas import tpu_sc as plsc

B = 16384
DIM = 128


def _sc_info():
    try:
        info = plsc.get_sparse_core_info()
        return info.num_cores, info.num_subcores
    except Exception:
        return 2, 16


def _make_gather(nb):
    NC, NS = _sc_info()
    NW = NC * NS
    b_per_w = nb // NW
    C = min(64, b_per_w)
    n_chunks = b_per_w // C
    S = 3 if n_chunks >= 3 else 2

    mesh = plsc.VectorSubcoreMesh(core_axis_name="c", subcore_axis_name="s")

    @functools.partial(
        pl.kernel,
        mesh=mesh,
        out_type=[
            jax.ShapeDtypeStruct((nb, DIM), jnp.float32),
            jax.ShapeDtypeStruct((nb, DIM), jnp.float32),
        ],
        scratch_types=[
            pltpu.VMEM((n_chunks, C), jnp.int32),
            pltpu.VMEM((n_chunks, C), jnp.int32),
            pltpu.VMEM((n_chunks, C), jnp.int32),
        ] + [pltpu.VMEM((C, DIM), jnp.float32)
             for _ in range(3 * S)]
          + [pltpu.SemaphoreType.DMA]
          + [pltpu.SemaphoreType.DMA
             for _ in range(S)]
          + [pltpu.SemaphoreType.DMA
             for _ in range(S)],
    )
    def gather_kernel(heads_hbm, rels_hbm, tails_hbm, ent_hbm, rel_hbm,
                      u_out, t_out, hidx, ridx, tidx, *rest):
        bufs, rest = rest[:3 * S], rest[3 * S:]
        isem = rest[0]
        gsems = rest[1:1 + S]
        wsems = rest[1 + S:1 + 2 * S]
        wid = lax.axis_index("s") * NC + lax.axis_index("c")
        base = wid * b_per_w
        slots = [(bufs[3 * s], bufs[3 * s + 1], bufs[3 * s + 2],
                  gsems[s], wsems[s]) for s in range(S)]

        idescs = []
        for ci in range(n_chunks):
            off = base + ci * C
            idescs.append(pltpu.async_copy(
                heads_hbm.at[pl.ds(off, C)], hidx.at[ci], isem))
            idescs.append(pltpu.async_copy(
                rels_hbm.at[pl.ds(off, C)], ridx.at[ci], isem))
            idescs.append(pltpu.async_copy(
                tails_hbm.at[pl.ds(off, C)], tidx.at[ci], isem))
        for d in idescs:
            d.wait()

        def fire(ci):
            hv, rv, tv, gsem, _ = slots[ci % S]
            return (pltpu.async_copy(ent_hbm.at[hidx.at[ci]], hv, gsem),
                    pltpu.async_copy(rel_hbm.at[ridx.at[ci]], rv, gsem),
                    pltpu.async_copy(ent_hbm.at[tidx.at[ci]], tv, gsem))

        gd = {0: fire(0)}
        if n_chunks > 1:
            gd[1] = fire(1)
        wd = {}
        for ci in range(n_chunks):
            hv, rv, tv, _, wsem = slots[ci % S]
            off = base + ci * C
            if ci + 2 < n_chunks:
                prev = ci + 2 - S
                if prev in wd:
                    for d in wd.pop(prev):
                        d.wait()
                gd[ci + 2] = fire(ci + 2)
            for d in gd.pop(ci):
                d.wait()
            wt = pltpu.async_copy(tv, t_out.at[pl.ds(off, C)], wsem)

            def mul_body(i, carry):
                for j in range(DIM // 16):
                    sl = pl.ds(j * 16, 16)
                    hv[i, sl] = hv[i, sl] * rv[i, sl]
                return carry
            lax.fori_loop(0, C, mul_body, 0, unroll=2)

            wu = pltpu.async_copy(hv, u_out.at[pl.ds(off, C)], wsem)
            wd[ci] = (wt, wu)
        for ci in list(wd):
            for d in wd.pop(ci):
                d.wait()

    return gather_kernel


def _score_body(u_ref, t_ref, w1_ref, w2_ref, b_ref, ones_ref, out_ref):
    u = u_ref[...]
    t = t_ref[...]
    acc = jnp.dot(u, w1_ref[...], preferred_element_type=jnp.float32)
    acc = acc + jnp.dot(t, w2_ref[...], preferred_element_type=jnp.float32)
    acc = acc + b_ref[...]
    out_ref[...] = jnp.dot(acc * t, ones_ref[...],
                           preferred_element_type=jnp.float32)


def _score_call(u, t, w1, w2, b, nb):
    RB = min(4096, nb)
    ones = jnp.ones((DIM, 8), jnp.float32)
    out2d = pl.pallas_call(
        _score_body,
        grid=(nb // RB,),
        in_specs=[
            pl.BlockSpec((RB, DIM), lambda i: (i, 0)),
            pl.BlockSpec((RB, DIM), lambda i: (i, 0)),
            pl.BlockSpec((DIM, DIM), lambda i: (0, 0)),
            pl.BlockSpec((DIM, DIM), lambda i: (0, 0)),
            pl.BlockSpec((DIM,), lambda i: (0,)),
            pl.BlockSpec((DIM, 8), lambda i: (0, 0)),
        ],
        out_specs=pl.BlockSpec((RB, 8), lambda i: (i, 0)),
        out_shape=jax.ShapeDtypeStruct((nb, 8), jnp.float32),
    )(u, t, w1, w2, b, ones)
    return out2d[:, 0]


NSLICES = 1


@jax.jit
def kernel(heads, rels, tails, entity_emb, rel_emb, W, b):
    nb = B // NSLICES
    gather = _make_gather(nb)
    w1 = W[:DIM]
    w2 = W[DIM:]
    outs = []
    for k in range(NSLICES):
        sl = slice(k * nb, (k + 1) * nb)
        u, t = gather(heads[sl], rels[sl], tails[sl], entity_emb, rel_emb)
        outs.append(_score_call(u, t, w1, w2, b, nb))
    return jnp.concatenate(outs) if NSLICES > 1 else outs[0]

# --- scband reference (transcript-rebuilt; emitter-appended) ---
"""Pipeline reference for scband-simple-graph-sage-72713796322201 (READ-ONLY COPY).

The authoritative reference and input builder live on the scoring server;
editing this copy changes nothing except your own understanding.
"""

import jax, jax.numpy as jnp
import numpy as np

B = 16384
NUM_ENTITIES = 1000000
NUM_RELATIONS = 1000
DIM = 128


def setup_inputs(seed: int = 0) -> dict:
    key = jax.random.key(seed)
    k1, k2, k3, k4, k5, k6 = jax.random.split(key, 6)
    heads = jax.random.randint(k1, (B,), 0, NUM_ENTITIES, dtype=jnp.int64 if jax.config.jax_enable_x64 else jnp.int32).astype(jnp.int32)
    rels = jax.random.randint(k2, (B,), 0, NUM_RELATIONS).astype(jnp.int32)
    tails = jax.random.randint(k3, (B,), 0, NUM_ENTITIES).astype(jnp.int32)
    entity_emb = jax.random.normal(k4, (NUM_ENTITIES, DIM), dtype=jnp.float32) * 0.02
    rel_emb = jax.random.normal(k5, (NUM_RELATIONS, DIM), dtype=jnp.float32) * 0.02
    W = jax.random.normal(k6, (2 * DIM, DIM), dtype=jnp.float32) * 0.02
    b = jnp.zeros((DIM,), dtype=jnp.float32)
    return {"heads": heads, "rels": rels, "tails": tails,
            "entity_emb": entity_emb, "rel_emb": rel_emb, "W": W, "b": b}


def reference(heads, rels, tails, entity_emb, rel_emb, W, b):
    # Embedding lookups (gather) -- dropout is identity (p=0.0 / eval mode)
    h = jnp.take(entity_emb, heads, axis=0)
    r = jnp.take(rel_emb, rels, axis=0)
    t = jnp.take(entity_emb, tails, axis=0)
    concat = jnp.concatenate([h * r, t], axis=-1)
    out = concat @ W + b
    score = jnp.sum(out * t, axis=-1)
    return score

if __name__ == "__main__":
    import jax
    _d = setup_inputs()
    print(jax.jit(kernel)(*tuple(_d.values())))

</pallas_src>

<mosaic_0001>
#map = affine_map<(d0, d1) -> (0)>
#map1 = affine_map<(d0, d1) -> (0, 0)>
module attributes {stable_mosaic.version = 14 : i64} {
  func.func @gather_kernel(%arg0: i32, %arg1: i32, %arg2: memref<16384xi32, #tpu.memory_space<hbm>>, %arg3: memref<16384xi32, #tpu.memory_space<hbm>>, %arg4: memref<16384xi32, #tpu.memory_space<hbm>>, %arg5: memref<1000000x128xf32, #tpu.memory_space<hbm>>, %arg6: memref<1000x128xf32, #tpu.memory_space<hbm>>, %arg7: memref<16384x128xf32, #tpu.memory_space<hbm>>, %arg8: memref<16384x128xf32, #tpu.memory_space<hbm>>, %arg9: memref<8x64xi32, #tpu.memory_space<vmem>>, %arg10: memref<8x64xi32, #tpu.memory_space<vmem>>, %arg11: memref<8x64xi32, #tpu.memory_space<vmem>>, %arg12: memref<64x128xf32, #tpu.memory_space<vmem>>, %arg13: memref<64x128xf32, #tpu.memory_space<vmem>>, %arg14: memref<64x128xf32, #tpu.memory_space<vmem>>, %arg15: memref<64x128xf32, #tpu.memory_space<vmem>>, %arg16: memref<64x128xf32, #tpu.memory_space<vmem>>, %arg17: memref<64x128xf32, #tpu.memory_space<vmem>>, %arg18: memref<64x128xf32, #tpu.memory_space<vmem>>, %arg19: memref<64x128xf32, #tpu.memory_space<vmem>>, %arg20: memref<64x128xf32, #tpu.memory_space<vmem>>, %arg21: memref<!tpu.dma_semaphore, #tpu.memory_space<semaphore_mem>>, %arg22: memref<!tpu.dma_semaphore, #tpu.memory_space<semaphore_mem>>, %arg23: memref<!tpu.dma_semaphore, #tpu.memory_space<semaphore_mem>>, %arg24: memref<!tpu.dma_semaphore, #tpu.memory_space<semaphore_mem>>, %arg25: memref<!tpu.dma_semaphore, #tpu.memory_space<semaphore_mem>>, %arg26: memref<!tpu.dma_semaphore, #tpu.memory_space<semaphore_mem>>, %arg27: memref<!tpu.dma_semaphore, #tpu.memory_space<semaphore_mem>>) attributes {dimension_semantics = [#tpu.dimension_semantics<core_parallel>, #tpu.dimension_semantics<subcore_parallel>], iteration_bounds = array<i64: 2, 16>, scalar_prefetch = 0 : i64, scratch_operands = 19 : i64, tpu.core_type = #tpu.core_type<sc_vector_subcore>, window_params = [{transform_indices = #map}, {transform_indices = #map}, {transform_indices = #map}, {transform_indices = #map1}, {transform_indices = #map1}, {transform_indices = #map1}, {transform_indices = #map1}]} {
    %mul3A = arith.constant 2 : i32
    %mul3A_0 = arith.muli %arg1, %mul3A : i32
    %add3A = arith.addi %mul3A_0, %arg0 : i32
    %mul3A_1 = arith.constant 512 : i32
    %mul3A_2 = arith.muli %add3A, %mul3A_1 : i32
    %add3A_3 = arith.constant 0 : i32
    %add3A_4 = arith.addi %mul3A_2, %add3A_3 : i32
    %dma_start3A = arith.constant 0 : i32
    %dma_start3A_5 = arith.constant 0 : i32
    %dma_start3A_6 = tpu.memref_slice %arg9[%dma_start3A, %dma_start3A_5] : memref<8x64xi32, #tpu.memory_space<vmem>> -> memref<1x64xi32, #tpu.memory_space<vmem>>
    %dma_start3A_7 = tpu.memref_squeeze %dma_start3A_6 : memref<1x64xi32, #tpu.memory_space<vmem>> -> memref<64xi32, #tpu.memory_space<vmem>>
    %dma_start3A_8 = tpu.memref_slice %arg2[%add3A_4] : memref<16384xi32, #tpu.memory_space<hbm>> -> memref<64xi32, #tpu.memory_space<hbm>>
    %dma_start3A_9 = arith.constant 0 : i32
    %dma_start3A_10 = tpu.memref_slice %arg9[%dma_start3A, %dma_start3A_9] : memref<8x64xi32, #tpu.memory_space<vmem>> -> memref<1x64xi32, #tpu.memory_space<vmem>>
    %dma_start3A_11 = tpu.memref_squeeze %dma_start3A_10 : memref<1x64xi32, #tpu.memory_space<vmem>> -> memref<64xi32, #tpu.memory_space<vmem>>
    %dma_start3A_12 = tpu.memref_slice %arg2[%add3A_4] : memref<16384xi32, #tpu.memory_space<hbm>> -> memref<64xi32, #tpu.memory_space<hbm>>
    tpu.enqueue_dma source(%dma_start3A_12 : memref<64xi32, #tpu.memory_space<hbm>>) target(%dma_start3A_11 : memref<64xi32, #tpu.memory_space<vmem>>) target_semaphore(%arg21 : memref<!tpu.dma_semaphore, #tpu.memory_space<semaphore_mem>>)
    %dma_start3A_13 = arith.constant 0 : i32
    %dma_start3A_14 = arith.constant 0 : i32
    %dma_start3A_15 = tpu.memref_slice %arg10[%dma_start3A_13, %dma_start3A_14] : memref<8x64xi32, #tpu.memory_space<vmem>> -> memref<1x64xi32, #tpu.memory_space<vmem>>
    %dma_start3A_16 = tpu.memref_squeeze %dma_start3A_15 : memref<1x64xi32, #tpu.memory_space<vmem>> -> memref<64xi32, #tpu.memory_space<vmem>>
    %dma_start3A_17 = tpu.memref_slice %arg3[%add3A_4] : memref<16384xi32, #tpu.memory_space<hbm>> -> memref<64xi32, #tpu.memory_space<hbm>>
    %dma_start3A_18 = arith.constant 0 : i32
    %dma_start3A_19 = tpu.memref_slice %arg10[%dma_start3A_13, %dma_start3A_18] : memref<8x64xi32, #tpu.memory_space<vmem>> -> memref<1x64xi32, #tpu.memory_space<vmem>>
    %dma_start3A_20 = tpu.memref_squeeze %dma_start3A_19 : memref<1x64xi32, #tpu.memory_space<vmem>> -> memref<64xi32, #tpu.memory_space<vmem>>
    %dma_start3A_21 = tpu.memref_slice %arg3[%add3A_4] : memref<16384xi32, #tpu.memory_space<hbm>> -> memref<64xi32, #tpu.memory_space<hbm>>
    tpu.enqueue_dma source(%dma_start3A_21 : memref<64xi32, #tpu.memory_space<hbm>>) target(%dma_start3A_20 : memref<64xi32, #tpu.memory_space<vmem>>) target_semaphore(%arg21 : memref<!tpu.dma_semaphore, #tpu.memory_space<semaphore_mem>>)
    %dma_start3A_22 = arith.constant 0 : i32
    %dma_start3A_23 = arith.constant 0 : i32
    %dma_start3A_24 = tpu.memref_slice %arg11[%dma_start3A_22, %dma_start3A_23] : memref<8x64xi32, #tpu.memory_space<vmem>> -> memref<1x64xi32, #tpu.memory_space<vmem>>
    %dma_start3A_25 = tpu.memref_squeeze %dma_start3A_24 : memref<1x64xi32, #tpu.memory_space<vmem>> -> memref<64xi32, #tpu.memory_space<vmem>>
    %dma_start3A_26 = tpu.memref_slice %arg4[%add3A_4] : memref<16384xi32, #tpu.memory_space<hbm>> -> memref<64xi32, #tpu.memory_space<hbm>>
    %dma_start3A_27 = arith.constant 0 : i32
    %dma_start3A_28 = tpu.memref_slice %arg11[%dma_start3A_22, %dma_start3A_27] : memref<8x64xi32, #tpu.memory_space<vmem>> -> memref<1x64xi32, #tpu.memory_space<vmem>>
    %dma_start3A_29 = tpu.memref_squeeze %dma_start3A_28 : memref<1x64xi32, #tpu.memory_space<vmem>> -> memref<64xi32, #tpu.memory_space<vmem>>
    %dma_start3A_30 = tpu.memref_slice %arg4[%add3A_4] : memref<16384xi32, #tpu.memory_space<hbm>> -> memref<64xi32, #tpu.memory_space<hbm>>
    tpu.enqueue_dma source(%dma_start3A_30 : memref<64xi32, #tpu.memory_space<hbm>>) target(%dma_start3A_29 : memref<64xi32, #tpu.memory_space<vmem>>) target_semaphore(%arg21 : memref<!tpu.dma_semaphore, #tpu.memory_space<semaphore_mem>>)
    %add3A_31 = arith.constant 64 : i32
    %add3A_32 = arith.addi %mul3A_2, %add3A_31 : i32
    %dma_start3A_33 = arith.constant 1 : i32
    %dma_start3A_34 = arith.constant 0 : i32
    %dma_start3A_35 = tpu.memref_slice %arg9[%dma_start3A_33, %dma_start3A_34] : memref<8x64xi32, #tpu.memory_space<vmem>> -> memref<1x64xi32, #tpu.memory_space<vmem>>
    %dma_start3A_36 = tpu.memref_squeeze %dma_start3A_35 : memref<1x64xi32, #tpu.memory_space<vmem>> -> memref<64xi32, #tpu.memory_space<vmem>>
    %dma_start3A_37 = tpu.memref_slice %arg2[%add3A_32] : memref<16384xi32, #tpu.memory_space<hbm>> -> memref<64xi32, #tpu.memory_space<hbm>>
    %dma_start3A_38 = arith.constant 0 : i32
    %dma_start3A_39 = tpu.memref_slice %arg9[%dma_start3A_33, %dma_start3A_38] : memref<8x64xi32, #tpu.memory_space<vmem>> -> memref<1x64xi32, #tpu.memory_space<vmem>>
    %dma_start3A_40 = tpu.memref_squeeze %dma_start3A_39 : memref<1x64xi32, #tpu.memory_space<vmem>> -> memref<64xi32, #tpu.memory_space<vmem>>
    %dma_start3A_41 = tpu.memref_slice %arg2[%add3A_32] : memref<16384xi32, #tpu.memory_space<hbm>> -> memref<64xi32, #tpu.memory_space<hbm>>
    tpu.enqueue_dma source(%dma_start3A_41 : memref<64xi32, #tpu.memory_space<hbm>>) target(%dma_start3A_40 : memref<64xi32, #tpu.memory_space<vmem>>) target_semaphore(%arg21 : memref<!tpu.dma_semaphore, #tpu.memory_space<semaphore_mem>>)
    %dma_start3A_42 = arith.constant 1 : i32
    %dma_start3A_43 = arith.constant 0 : i32
    %dma_start3A_44 = tpu.memref_slice %arg10[%dma_start3A_42, %dma_start3A_43] : memref<8x64xi32, #tpu.memory_space<vmem>> -> memref<1x64xi32, #tpu.memory_space<vmem>>
    %dma_start3A_45 = tpu.memref_squeeze %dma_start3A_44 : memref<1x64xi32, #tpu.memory_space<vmem>> -> memref<64xi32, #tpu.memory_space<vmem>>
    %dma_start3A_46 = tpu.memref_slice %arg3[%add3A_32] : memref<16384xi32, #tpu.memory_space<hbm>> -> memref<64xi32, #tpu.memory_space<hbm>>
    %dma_start3A_47 = arith.constant 0 : i32
    %dma_start3A_48 = tpu.memref_slice %arg10[%dma_start3A_42, %dma_start3A_47] : memref<8x64xi32, #tpu.memory_space<vmem>> -> memref<1x64xi32, #tpu.memory_space<vmem>>
    %dma_start3A_49 = tpu.memref_squeeze %dma_start3A_48 : memref<1x64xi32, #tpu.memory_space<vmem>> -> memref<64xi32, #tpu.memory_space<vmem>>
    %dma_start3A_50 = tpu.memref_slice %arg3[%add3A_32] : memref<16384xi32, #tpu.memory_space<hbm>> -> memref<64xi32, #tpu.memory_space<hbm>>
    tpu.enqueue_dma source(%dma_start3A_50 : memref<64xi32, #tpu.memory_space<hbm>>) target(%dma_start3A_49 : memref<64xi32, #tpu.memory_space<vmem>>) target_semaphore(%arg21 : memref<!tpu.dma_semaphore, #tpu.memory_space<semaphore_mem>>)
    %dma_start3A_51 = arith.constant 1 : i32
    %dma_start3A_52 = arith.constant 0 : i32
    %dma_start3A_53 = tpu.memref_slice %arg11[%dma_start3A_51, %dma_start3A_52] : memref<8x64xi32, #tpu.memory_space<vmem>> -> memref<1x64xi32, #tpu.memory_space<vmem>>
    %dma_start3A_54 = tpu.memref_squeeze %dma_start3A_53 : memref<1x64xi32, #tpu.memory_space<vmem>> -> memref<64xi32, #tpu.memory_space<vmem>>
    %dma_start3A_55 = tpu.memref_slice %arg4[%add3A_32] : memref<16384xi32, #tpu.memory_space<hbm>> -> memref<64xi32, #tpu.memory_space<hbm>>
    %dma_start3A_56 = arith.constant 0 : i32
    %dma_start3A_57 = tpu.memref_slice %arg11[%dma_start3A_51, %dma_start3A_56] : memref<8x64xi32, #tpu.memory_space<vmem>> -> memref<1x64xi32, #tpu.memory_space<vmem>>
    %dma_start3A_58 = tpu.memref_squeeze %dma_start3A_57 : memref<1x64xi32, #tpu.memory_space<vmem>> -> memref<64xi32, #tpu.memory_space<vmem>>
    %dma_start3A_59 = tpu.memref_slice %arg4[%add3A_32] : memref<16384xi32, #tpu.memory_space<hbm>> -> memref<64xi32, #tpu.memory_space<hbm>>
    tpu.enqueue_dma source(%dma_start3A_59 : memref<64xi32, #tpu.memory_space<hbm>>) target(%dma_start3A_58 : memref<64xi32, #tpu.memory_space<vmem>>) target_semaphore(%arg21 : memref<!tpu.dma_semaphore, #tpu.memory_space<semaphore_mem>>)
    %add3A_60 = arith.constant 128 : i32
    %add3A_61 = arith.addi %mul3A_2, %add3A_60 : i32
    %dma_start3A_62 = arith.constant 2 : i32
    %dma_start3A_63 = arith.constant 0 : i32
    %dma_start3A_64 = tpu.memref_slice %arg9[%dma_start3A_62, %dma_start3A_63] : memref<8x64xi32, #tpu.memory_space<vmem>> -> memref<1x64xi32, #tpu.memory_space<vmem>>
    %dma_start3A_65 = tpu.memref_squeeze %dma_start3A_64 : memref<1x64xi32, #tpu.memory_space<vmem>> -> memref<64xi32, #tpu.memory_space<vmem>>
    %dma_start3A_66 = tpu.memref_slice %arg2[%add3A_61] : memref<16384xi32, #tpu.memory_space<hbm>> -> memref<64xi32, #tpu.memory_space<hbm>>
    %dma_start3A_67 = arith.constant 0 : i32
    %dma_start3A_68 = tpu.memref_slice %arg9[%dma_start3A_62, %dma_start3A_67] : memref<8x64xi32, #tpu.memory_space<vmem>> -> memref<1x64xi32, #tpu.memory_space<vmem>>
    %dma_start3A_69 = tpu.memref_squeeze %dma_start3A_68 : memref<1x64xi32, #tpu.memory_space<vmem>> -> memref<64xi32, #tpu.memory_space<vmem>>
    %dma_start3A_70 = tpu.memref_slice %arg2[%add3A_61] : memref<16384xi32, #tpu.memory_space<hbm>> -> memref<64xi32, #tpu.memory_space<hbm>>
    tpu.enqueue_dma source(%dma_start3A_70 : memref<64xi32, #tpu.memory_space<hbm>>) target(%dma_start3A_69 : memref<64xi32, #tpu.memory_space<vmem>>) target_semaphore(%arg21 : memref<!tpu.dma_semaphore, #tpu.memory_space<semaphore_mem>>)
    %dma_start3A_71 = arith.constant 2 : i32
    %dma_start3A_72 = arith.constant 0 : i32
    %dma_start3A_73 = tpu.memref_slice %arg10[%dma_start3A_71, %dma_start3A_72] : memref<8x64xi32, #tpu.memory_space<vmem>> -> memref<1x64xi32, #tpu.memory_space<vmem>>
    %dma_start3A_74 = tpu.memref_squeeze %dma_start3A_73 : memref<1x64xi32, #tpu.memory_space<vmem>> -> memref<64xi32, #tpu.memory_space<vmem>>
    %dma_start3A_75 = tpu.memref_slice %arg3[%add3A_61] : memref<16384xi32, #tpu.memory_space<hbm>> -> memref<64xi32, #tpu.memory_space<hbm>>
    %dma_start3A_76 = arith.constant 0 : i32
    %dma_start3A_77 = tpu.memref_slice %arg10[%dma_start3A_71, %dma_start3A_76] : memref<8x64xi32, #tpu.memory_space<vmem>> -> memref<1x64xi32, #tpu.memory_space<vmem>>
    %dma_start3A_78 = tpu.memref_squeeze %dma_start3A_77 : memref<1x64xi32, #tpu.memory_space<vmem>> -> memref<64xi32, #tpu.memory_space<vmem>>
    %dma_start3A_79 = tpu.memref_slice %arg3[%add3A_61] : memref<16384xi32, #tpu.memory_space<hbm>> -> memref<64xi32, #tpu.memory_space<hbm>>
    tpu.enqueue_dma source(%dma_start3A_79 : memref<64xi32, #tpu.memory_space<hbm>>) target(%dma_start3A_78 : memref<64xi32, #tpu.memory_space<vmem>>) target_semaphore(%arg21 : memref<!tpu.dma_semaphore, #tpu.memory_space<semaphore_mem>>)
    %dma_start3A_80 = arith.constant 2 : i32
    %dma_start3A_81 = arith.constant 0 : i32
    %dma_start3A_82 = tpu.memref_slice %arg11[%dma_start3A_80, %dma_start3A_81] : memref<8x64xi32, #tpu.memory_space<vmem>> -> memref<1x64xi32, #tpu.memory_space<vmem>>
    %dma_start3A_83 = tpu.memref_squeeze %dma_start3A_82 : memref<1x64xi32, #tpu.memory_space<vmem>> -> memref<64xi32, #tpu.memory_space<vmem>>
    %dma_start3A_84 = tpu.memref_slice %arg4[%add3A_61] : memref<16384xi32, #tpu.memory_space<hbm>> -> memref<64xi32, #tpu.memory_space<hbm>>
    %dma_start3A_85 = arith.constant 0 : i32
    %dma_start3A_86 = tpu.memref_slice %arg11[%dma_start3A_80, %dma_start3A_85] : memref<8x64xi32, #tpu.memory_space<vmem>> -> memref<1x64xi32, #tpu.memory_space<vmem>>
    %dma_start3A_87 = tpu.memref_squeeze %dma_start3A_86 : memref<1x64xi32, #tpu.memory_space<vmem>> -> memref<64xi32, #tpu.memory_space<vmem>>
    %dma_start3A_88 = tpu.memref_slice %arg4[%add3A_61] : memref<16384xi32, #tpu.memory_space<hbm>> -> memref<64xi32, #tpu.memory_space<hbm>>
    tpu.enqueue_dma source(%dma_start3A_88 : memref<64xi32, #tpu.memory_space<hbm>>) target(%dma_start3A_87 : memref<64xi32, #tpu.memory_space<vmem>>) target_semaphore(%arg21 : memref<!tpu.dma_semaphore, #tpu.memory_space<semaphore_mem>>)
    %add3A_89 = arith.constant 192 : i32
    %add3A_90 = arith.addi %mul3A_2, %add3A_89 : i32
    %dma_start3A_91 = arith.constant 3 : i32
    %dma_start3A_92 = arith.constant 0 : i32
    %dma_start3A_93 = tpu.memref_slice %arg9[%dma_start3A_91, %dma_start3A_92] : memref<8x64xi32, #tpu.memory_space<vmem>> -> memref<1x64xi32, #tpu.memory_space<vmem>>
    %dma_start3A_94 = tpu.memref_squeeze %dma_start3A_93 : memref<1x64xi32, #tpu.memory_space<vmem>> -> memref<64xi32, #tpu.memory_space<vmem>>
    %dma_start3A_95 = tpu.memref_slice %arg2[%add3A_90] : memref<16384xi32, #tpu.memory_space<hbm>> -> memref<64xi32, #tpu.memory_space<hbm>>
    %dma_start3A_96 = arith.constant 0 : i32
    %dma_start3A_97 = tpu.memref_slice %arg9[%dma_start3A_91, %dma_start3A_96] : memref<8x64xi32, #tpu.memory_space<vmem>> -> memref<1x64xi32, #tpu.memory_space<vmem>>
    %dma_start3A_98 = tpu.memref_squeeze %dma_start3A_97 : memref<1x64xi32, #tpu.memory_space<vmem>> -> memref<64xi32, #tpu.memory_space<vmem>>
    %dma_start3A_99 = tpu.memref_slice %arg2[%add3A_90] : memref<16384xi32, #tpu.memory_space<hbm>> -> memref<64xi32, #tpu.memory_space<hbm>>
    tpu.enqueue_dma source(%dma_start3A_99 : memref<64xi32, #tpu.memory_space<hbm>>) target(%dma_start3A_98 : memref<64xi32, #tpu.memory_space<vmem>>) target_semaphore(%arg21 : memref<!tpu.dma_semaphore, #tpu.memory_space<semaphore_mem>>)
    %dma_start3A_100 = arith.constant 3 : i32
    %dma_start3A_101 = arith.constant 0 : i32
    %dma_start3A_102 = tpu.memref_slice %arg10[%dma_start3A_100, %dma_start3A_101] : memref<8x64xi32, #tpu.memory_space<vmem>> -> memref<1x64xi32, #tpu.memory_space<vmem>>
    %dma_start3A_103 = tpu.memref_squeeze %dma_start3A_102 : memref<1x64xi32, #tpu.memory_space<vmem>> -> memref<64xi32, #tpu.memory_space<vmem>>
    %dma_start3A_104 = tpu.memref_slice %arg3[%add3A_90] : memref<16384xi32, #tpu.memory_space<hbm>> -> memref<64xi32, #tpu.memory_space<hbm>>
    %dma_start3A_105 = arith.constant 0 : i32
    %dma_start3A_106 = tpu.memref_slice %arg10[%dma_start3A_100, %dma_start3A_105] : memref<8x64xi32, #tpu.memory_space<vmem>> -> memref<1x64xi32, #tpu.memory_space<vmem>>
    %dma_start3A_107 = tpu.memref_squeeze %dma_start3A_106 : memref<1x64xi32, #tpu.memory_space<vmem>> -> memref<64xi32, #tpu.memory_space<vmem>>
    %dma_start3A_108 = tpu.memref_slice %arg3[%add3A_90] : memref<16384xi32, #tpu.memory_space<hbm>> -> memref<64xi32, #tpu.memory_space<hbm>>
    tpu.enqueue_dma source(%dma_start3A_108 : memref<64xi32, #tpu.memory_space<hbm>>) target(%dma_start3A_107 : memref<64xi32, #tpu.memory_space<vmem>>) target_semaphore(%arg21 : memref<!tpu.dma_semaphore, #tpu.memory_space<semaphore_mem>>)
    %dma_start3A_109 = arith.constant 3 : i32
    %dma_start3A_110 = arith.constant 0 : i32
    %dma_start3A_111 = tpu.memref_slice %arg11[%dma_start3A_109, %dma_start3A_110] : memref<8x64xi32, #tpu.memory_space<vmem>> -> memref<1x64xi32, #tpu.memory_space<vmem>>
    %dma_start3A_112 = tpu.memref_squeeze %dma_start3A_111 : memref<1x64xi32, #tpu.memory_space<vmem>> -> memref<64xi32, #tpu.memory_space<vmem>>
    %dma_start3A_113 = tpu.memref_slice %arg4[%add3A_90] : memref<16384xi32, #tpu.memory_space<hbm>> -> memref<64xi32, #tpu.memory_space<hbm>>
    %dma_start3A_114 = arith.constant 0 : i32
    %dma_start3A_115 = tpu.memref_slice %arg11[%dma_start3A_109, %dma_start3A_114] : memref<8x64xi32, #tpu.memory_space<vmem>> -> memref<1x64xi32, #tpu.memory_space<vmem>>
    %dma_start3A_116 = tpu.memref_squeeze %dma_start3A_115 : memref<1x64xi32, #tpu.memory_space<vmem>> -> memref<64xi32, #tpu.memory_space<vmem>>
    %dma_start3A_117 = tpu.memref_slice %arg4[%add3A_90] : memref<16384xi32, #tpu.memory_space<hbm>> -> memref<64xi32, #tpu.memory_space<hbm>>
    tpu.enqueue_dma source(%dma_start3A_117 : memref<64xi32, #tpu.memory_space<hbm>>) target(%dma_start3A_116 : memref<64xi32, #tpu.memory_space<vmem>>) target_semaphore(%arg21 : memref<!tpu.dma_semaphore, #tpu.memory_space<semaphore_mem>>)
    %add3A_118 = arith.constant 256 : i32
    %add3A_119 = arith.addi %mul3A_2, %add3A_118 : i32
    %dma_start3A_120 = arith.constant 4 : i32
    %dma_start3A_121 = arith.constant 0 : i32
    %dma_start3A_122 = tpu.memref_slice %arg9[%dma_start3A_120, %dma_start3A_121] : memref<8x64xi32, #tpu.memory_space<vmem>> -> memref<1x64xi32, #tpu.memory_space<vmem>>
    %dma_start3A_123 = tpu.memref_squeeze %dma_start3A_122 : memref<1x64xi32, #tpu.memory_space<vmem>> -> memref<64xi32, #tpu.memory_space<vmem>>
    %dma_start3A_124 = tpu.memref_slice %arg2[%add3A_119] : memref<16384xi32, #tpu.memory_space<hbm>> -> memref<64xi32, #tpu.memory_space<hbm>>
    %dma_start3A_125 = arith.constant 0 : i32
    %dma_start3A_126 = tpu.memref_slice %arg9[%dma_start3A_120, %dma_start3A_125] : memref<8x64xi32, #tpu.memory_space<vmem>> -> memref<1x64xi32, #tpu.memory_space<vmem>>
    %dma_start3A_127 = tpu.memref_squeeze %dma_start3A_126 : memref<1x64xi32, #tpu.memory_space<vmem>> -> memref<64xi32, #tpu.memory_space<vmem>>
    %dma_start3A_128 = tpu.memref_slice %arg2[%add3A_119] : memref<16384xi32, #tpu.memory_space<hbm>> -> memref<64xi32, #tpu.memory_space<hbm>>
    tpu.enqueue_dma source(%dma_start3A_128 : memref<64xi32, #tpu.memory_space<hbm>>) target(%dma_start3A_127 : memref<64xi32, #tpu.memory_space<vmem>>) target_semaphore(%arg21 : memref<!tpu.dma_semaphore, #tpu.memory_space<semaphore_mem>>)
    %dma_start3A_129 = arith.constant 4 : i32
    %dma_start3A_130 = arith.constant 0 : i32
    %dma_start3A_131 = tpu.memref_slice %arg10[%dma_start3A_129, %dma_start3A_130] : memref<8x64xi32, #tpu.memory_space<vmem>> -> memref<1x64xi32, #tpu.memory_space<vmem>>
    %dma_start3A_132 = tpu.memref_squeeze %dma_start3A_131 : memref<1x64xi32, #tpu.memory_space<vmem>> -> memref<64xi32, #tpu.memory_space<vmem>>
    %dma_start3A_133 = tpu.memref_slice %arg3[%add3A_119] : memref<16384xi32, #tpu.memory_space<hbm>> -> memref<64xi32, #tpu.memory_space<hbm>>
    %dma_start3A_134 = arith.constant 0 : i32
    %dma_start3A_135 = tpu.memref_slice %arg10[%dma_start3A_129, %dma_start3A_134] : memref<8x64xi32, #tpu.memory_space<vmem>> -> memref<1x64xi32, #tpu.memory_space<vmem>>
    %dma_start3A_136 = tpu.memref_squeeze %dma_start3A_135 : memref<1x64xi32, #tpu.memory_space<vmem>> -> memref<64xi32, #tpu.memory_space<vmem>>
    %dma_start3A_137 = tpu.memref_slice %arg3[%add3A_119] : memref<16384xi32, #tpu.memory_space<hbm>> -> memref<64xi32, #tpu.memory_space<hbm>>
    tpu.enqueue_dma source(%dma_start3A_137 : memref<64xi32, #tpu.memory_space<hbm>>) target(%dma_start3A_136 : memref<64xi32, #tpu.memory_space<vmem>>) target_semaphore(%arg21 : memref<!tpu.dma_semaphore, #tpu.memory_space<semaphore_mem>>)
    %dma_start3A_138 = arith.constant 4 : i32
    %dma_start3A_139 = arith.constant 0 : i32
    %dma_start3A_140 = tpu.memref_slice %arg11[%dma_start3A_138, %dma_start3A_139] : memref<8x64xi32, #tpu.memory_space<vmem>> -> memref<1x64xi32, #tpu.memory_space<vmem>>
    %dma_start3A_141 = tpu.memref_squeeze %dma_start3A_140 : memref<1x64xi32, #tpu.memory_space<vmem>> -> memref<64xi32, #tpu.memory_space<vmem>>
    %dma_start3A_142 = tpu.memref_slice %arg4[%add3A_119] : memref<16384xi32, #tpu.memory_space<hbm>> -> memref<64xi32, #tpu.memory_space<hbm>>
    %dma_start3A_143 = arith.constant 0 : i32
    %dma_start3A_144 = tpu.memref_slice %arg11[%dma_start3A_138, %dma_start3A_143] : memref<8x64xi32, #tpu.memory_space<vmem>> -> memref<1x64xi32, #tpu.memory_space<vmem>>
    %dma_start3A_145 = tpu.memref_squeeze %dma_start3A_144 : memref<1x64xi32, #tpu.memory_space<vmem>> -> memref<64xi32, #tpu.memory_space<vmem>>
    %dma_start3A_146 = tpu.memref_slice %arg4[%add3A_119] : memref<16384xi32, #tpu.memory_space<hbm>> -> memref<64xi32, #tpu.memory_space<hbm>>
    tpu.enqueue_dma source(%dma_start3A_146 : memref<64xi32, #tpu.memory_space<hbm>>) target(%dma_start3A_145 : memref<64xi32, #tpu.memory_space<vmem>>) target_semaphore(%arg21 : memref<!tpu.dma_semaphore, #tpu.memory_space<semaphore_mem>>)
    %add3A_147 = arith.constant 320 : i32
    %add3A_148 = arith.addi %mul3A_2, %add3A_147 : i32
    %dma_start3A_149 = arith.constant 5 : i32
    %dma_start3A_150 = arith.constant 0 : i32
    %dma_start3A_151 = tpu.memref_slice %arg9[%dma_start3A_149, %dma_start3A_150] : memref<8x64xi32, #tpu.memory_space<vmem>> -> memref<1x64xi32, #tpu.memory_space<vmem>>
    %dma_start3A_152 = tpu.memref_squeeze %dma_start3A_151 : memref<1x64xi32, #tpu.memory_space<vmem>> -> memref<64xi32, #tpu.memory_space<vmem>>
    %dma_start3A_153 = tpu.memref_slice %arg2[%add3A_148] : memref<16384xi32, #tpu.memory_space<hbm>> -> memref<64xi32, #tpu.memory_space<hbm>>
    %dma_start3A_154 = arith.constant 0 : i32
    %dma_start3A_155 = tpu.memref_slice %arg9[%dma_start3A_149, %dma_start3A_154] : memref<8x64xi32, #tpu.memory_space<vmem>> -> memref<1x64xi32, #tpu.memory_space<vmem>>
    %dma_start3A_156 = tpu.memref_squeeze %dma_start3A_155 : memref<1x64xi32, #tpu.memory_space<vmem>> -> memref<64xi32, #tpu.memory_space<vmem>>
    %dma_start3A_157 = tpu.memref_slice %arg2[%add3A_148] : memref<16384xi32, #tpu.memory_space<hbm>> -> memref<64xi32, #tpu.memory_space<hbm>>
    tpu.enqueue_dma source(%dma_start3A_157 : memref<64xi32, #tpu.memory_space<hbm>>) target(%dma_start3A_156 : memref<64xi32, #tpu.memory_space<vmem>>) target_semaphore(%arg21 : memref<!tpu.dma_semaphore, #tpu.memory_space<semaphore_mem>>)
    %dma_start3A_158 = arith.constant 5 : i32
    %dma_start3A_159 = arith.constant 0 : i32
    %dma_start3A_160 = tpu.memref_slice %arg10[%dma_start3A_158, %dma_start3A_159] : memref<8x64xi32, #tpu.memory_space<vmem>> -> memref<1x64xi32, #tpu.memory_space<vmem>>
    %dma_start3A_161 = tpu.memref_squeeze %dma_start3A_160 : memref<1x64xi32, #tpu.memory_space<vmem>> -> memref<64xi32, #tpu.memory_space<vmem>>
    %dma_start3A_162 = tpu.memref_slice %arg3[%add3A_148] : memref<16384xi32, #tpu.memory_space<hbm>> -> memref<64xi32, #tpu.memory_space<hbm>>
    %dma_start3A_163 = arith.constant 0 : i32
    %dma_start3A_164 = tpu.memref_slice %arg10[%dma_start3A_158, %dma_start3A_163] : memref<8x64xi32, #tpu.memory_space<vmem>> -> memref<1x64xi32, #tpu.memory_space<vmem>>
    %dma_start3A_165 = tpu.memref_squeeze %dma_start3A_164 : memref<1x64xi32, #tpu.memory_space<vmem>> -> memref<64xi32, #tpu.memory_space<vmem>>
    %dma_start3A_166 = tpu.memref_slice %arg3[%add3A_148] : memref<16384xi32, #tpu.memory_space<hbm>> -> memref<64xi32, #tpu.memory_space<hbm>>
    tpu.enqueue_dma source(%dma_start3A_166 : memref<64xi32, #tpu.memory_space<hbm>>) target(%dma_start3A_165 : memref<64xi32, #tpu.memory_space<vmem>>) target_semaphore(%arg21 : memref<!tpu.dma_semaphore, #tpu.memory_space<semaphore_mem>>)
    %dma_start3A_167 = arith.constant 5 : i32
    %dma_start3A_168 = arith.constant 0 : i32
    %dma_start3A_169 = tpu.memref_slice %arg11[%dma_start3A_167, %dma_start3A_168] : memref<8x64xi32, #tpu.memory_space<vmem>> -> memref<1x64xi32, #tpu.memory_space<vmem>>
    %dma_start3A_170 = tpu.memref_squeeze %dma_start3A_169 : memref<1x64xi32, #tpu.memory_space<vmem>> -> memref<64xi32, #tpu.memory_space<vmem>>
    %dma_start3A_171 = tpu.memref_slice %arg4[%add3A_148] : memref<16384xi32, #tpu.memory_space<hbm>> -> memref<64xi32, #tpu.memory_space<hbm>>
    %dma_start3A_172 = arith.constant 0 : i32
    %dma_start3A_173 = tpu.memref_slice %arg11[%dma_start3A_167, %dma_start3A_172] : memref<8x64xi32, #tpu.memory_space<vmem>> -> memref<1x64xi32, #tpu.memory_space<vmem>>
    %dma_start3A_174 = tpu.memref_squeeze %dma_start3A_173 : memref<1x64xi32, #tpu.memory_space<vmem>> -> memref<64xi32, #tpu.memory_space<vmem>>
    %dma_start3A_175 = tpu.memref_slice %arg4[%add3A_148] : memref<16384xi32, #tpu.memory_space<hbm>> -> memref<64xi32, #tpu.memory_space<hbm>>
    tpu.enqueue_dma source(%dma_start3A_175 : memref<64xi32, #tpu.memory_space<hbm>>) target(%dma_start3A_174 : memref<64xi32, #tpu.memory_space<vmem>>) target_semaphore(%arg21 : memref<!tpu.dma_semaphore, #tpu.memory_space<semaphore_mem>>)
    %add3A_176 = arith.constant 384 : i32
    %add3A_177 = arith.addi %mul3A_2, %add3A_176 : i32
    %dma_start3A_178 = arith.constant 6 : i32
    %dma_start3A_179 = arith.constant 0 : i32
    %dma_start3A_180 = tpu.memref_slice %arg9[%dma_start3A_178, %dma_start3A_179] : memref<8x64xi32, #tpu.memory_space<vmem>> -> memref<1x64xi32, #tpu.memory_space<vmem>>
    %dma_start3A_181 = tpu.memref_squeeze %dma_start3A_180 : memref<1x64xi32, #tpu.memory_space<vmem>> -> memref<64xi32, #tpu.memory_space<vmem>>
    %dma_start3A_182 = tpu.memref_slice %arg2[%add3A_177] : memref<16384xi32, #tpu.memory_space<hbm>> -> memref<64xi32, #tpu.memory_space<hbm>>
    %dma_start3A_183 = arith.constant 0 : i32
    %dma_start3A_184 = tpu.memref_slice %arg9[%dma_start3A_178, %dma_start3A_183] : memref<8x64xi32, #tpu.memory_space<vmem>> -> memref<1x64xi32, #tpu.memory_space<vmem>>
    %dma_start3A_185 = tpu.memref_squeeze %dma_start3A_184 : memref<1x64xi32, #tpu.memory_space<vmem>> -> memref<64xi32, #tpu.memory_space<vmem>>
    %dma_start3A_186 = tpu.memref_slice %arg2[%add3A_177] : memref<16384xi32, #tpu.memory_space<hbm>> -> memref<64xi32, #tpu.memory_space<hbm>>
    tpu.enqueue_dma source(%dma_start3A_186 : memref<64xi32, #tpu.memory_space<hbm>>) target(%dma_start3A_185 : memref<64xi32, #tpu.memory_space<vmem>>) target_semaphore(%arg21 : memref<!tpu.dma_semaphore, #tpu.memory_space<semaphore_mem>>)
    %dma_start3A_187 = arith.constant 6 : i32
    %dma_start3A_188 = arith.constant 0 : i32
    %dma_start3A_189 = tpu.memref_slice %arg10[%dma_start3A_187, %dma_start3A_188] : memref<8x64xi32, #tpu.memory_space<vmem>> -> memref<1x64xi32, #tpu.memory_space<vmem>>
    %dma_start3A_190 = tpu.memref_squeeze %dma_start3A_189 : memref<1x64xi32, #tpu.memory_space<vmem>> -> memref<64xi32, #tpu.memory_space<vmem>>
    %dma_start3A_191 = tpu.memref_slice %arg3[%add3A_177] : memref<16384xi32, #tpu.memory_space<hbm>> -> memref<64xi32, #tpu.memory_space<hbm>>
    %dma_start3A_192 = arith.constant 0 : i32
    %dma_start3A_193 = tpu.memref_slice %arg10[%dma_start3A_187, %dma_start3A_192] : memref<8x64xi32, #tpu.memory_space<vmem>> -> memref<1x64xi32, #tpu.memory_space<vmem>>
    %dma_start3A_194 = tpu.memref_squeeze %dma_start3A_193 : memref<1x64xi32, #tpu.memory_space<vmem>> -> memref<64xi32, #tpu.memory_space<vmem>>
    %dma_start3A_195 = tpu.memref_slice %arg3[%add3A_177] : memref<16384xi32, #tpu.memory_space<hbm>> -> memref<64xi32, #tpu.memory_space<hbm>>
    tpu.enqueue_dma source(%dma_start3A_195 : memref<64xi32, #tpu.memory_space<hbm>>) target(%dma_start3A_194 : memref<64xi32, #tpu.memory_space<vmem>>) target_semaphore(%arg21 : memref<!tpu.dma_semaphore, #tpu.memory_space<semaphore_mem>>)
    %dma_start3A_196 = arith.constant 6 : i32
    %dma_start3A_197 = arith.constant 0 : i32
    %dma_start3A_198 = tpu.memref_slice %arg11[%dma_start3A_196, %dma_start3A_197] : memref<8x64xi32, #tpu.memory_space<vmem>> -> memref<1x64xi32, #tpu.memory_space<vmem>>
    %dma_start3A_199 = tpu.memref_squeeze %dma_start3A_198 : memref<1x64xi32, #tpu.memory_space<vmem>> -> memref<64xi32, #tpu.memory_space<vmem>>
    %dma_start3A_200 = tpu.memref_slice %arg4[%add3A_177] : memref<16384xi32, #tpu.memory_space<hbm>> -> memref<64xi32, #tpu.memory_space<hbm>>
    %dma_start3A_201 = arith.constant 0 : i32
    %dma_start3A_202 = tpu.memref_slice %arg11[%dma_start3A_196, %dma_start3A_201] : memref<8x64xi32, #tpu.memory_space<vmem>> -> memref<1x64xi32, #tpu.memory_space<vmem>>
    %dma_start3A_203 = tpu.memref_squeeze %dma_start3A_202 : memref<1x64xi32, #tpu.memory_space<vmem>> -> memref<64xi32, #tpu.memory_space<vmem>>
    %dma_start3A_204 = tpu.memref_slice %arg4[%add3A_177] : memref<16384xi32, #tpu.memory_space<hbm>> -> memref<64xi32, #tpu.memory_space<hbm>>
    tpu.enqueue_dma source(%dma_start3A_204 : memref<64xi32, #tpu.memory_space<hbm>>) target(%dma_start3A_203 : memref<64xi32, #tpu.memory_space<vmem>>) target_semaphore(%arg21 : memref<!tpu.dma_semaphore, #tpu.memory_space<semaphore_mem>>)
    %add3A_205 = arith.constant 448 : i32
    %add3A_206 = arith.addi %mul3A_2, %add3A_205 : i32
    %dma_start3A_207 = arith.constant 7 : i32
    %dma_start3A_208 = arith.constant 0 : i32
    %dma_start3A_209 = tpu.memref_slice %arg9[%dma_start3A_207, %dma_start3A_208] : memref<8x64xi32, #tpu.memory_space<vmem>> -> memref<1x64xi32, #tpu.memory_space<vmem>>
    %dma_start3A_210 = tpu.memref_squeeze %dma_start3A_209 : memref<1x64xi32, #tpu.memory_space<vmem>> -> memref<64xi32, #tpu.memory_space<vmem>>
    %dma_start3A_211 = tpu.memref_slice %arg2[%add3A_206] : memref<16384xi32, #tpu.memory_space<hbm>> -> memref<64xi32, #tpu.memory_space<hbm>>
    %dma_start3A_212 = arith.constant 0 : i32
    %dma_start3A_213 = tpu.memref_slice %arg9[%dma_start3A_207, %dma_start3A_212] : memref<8x64xi32, #tpu.memory_space<vmem>> -> memref<1x64xi32, #tpu.memory_space<vmem>>
    %dma_start3A_214 = tpu.memref_squeeze %dma_start3A_213 : memref<1x64xi32, #tpu.memory_space<vmem>> -> memref<64xi32, #tpu.memory_space<vmem>>
    %dma_start3A_215 = tpu.memref_slice %arg2[%add3A_206] : memref<16384xi32, #tpu.memory_space<hbm>> -> memref<64xi32, #tpu.memory_space<hbm>>
    tpu.enqueue_dma source(%dma_start3A_215 : memref<64xi32, #tpu.memory_space<hbm>>) target(%dma_start3A_214 : memref<64xi32, #tpu.memory_space<vmem>>) target_semaphore(%arg21 : memref<!tpu.dma_semaphore, #tpu.memory_space<semaphore_mem>>)
    %dma_start3A_216 = arith.constant 7 : i32
    %dma_start3A_217 = arith.constant 0 : i32
    %dma_start3A_218 = tpu.memref_slice %arg10[%dma_start3A_216, %dma_start3A_217] : memref<8x64xi32, #tpu.memory_space<vmem>> -> memref<1x64xi32, #tpu.memory_space<vmem>>
    %dma_start3A_219 = tpu.memref_squeeze %dma_start3A_218 : memref<1x64xi32, #tpu.memory_space<vmem>> -> memref<64xi32, #tpu.memory_space<vmem>>
    %dma_start3A_220 = tpu.memref_slice %arg3[%add3A_206] : memref<16384xi32, #tpu.memory_space<hbm>> -> memref<64xi32, #tpu.memory_space<hbm>>
    %dma_start3A_221 = arith.constant 0 : i32
    %dma_start3A_222 = tpu.memref_slice %arg10[%dma_start3A_216, %dma_start3A_221] : memref<8x64xi32, #tpu.memory_space<vmem>> -> memref<1x64xi32, #tpu.memory_space<vmem>>
    %dma_start3A_223 = tpu.memref_squeeze %dma_start3A_222 : memref<1x64xi32, #tpu.memory_space<vmem>> -> memref<64xi32, #tpu.memory_space<vmem>>
    %dma_start3A_224 = tpu.memref_slice %arg3[%add3A_206] : memref<16384xi32, #tpu.memory_space<hbm>> -> memref<64xi32, #tpu.memory_space<hbm>>
    tpu.enqueue_dma source(%dma_start3A_224 : memref<64xi32, #tpu.memory_space<hbm>>) target(%dma_start3A_223 : memref<64xi32, #tpu.memory_space<vmem>>) target_semaphore(%arg21 : memref<!tpu.dma_semaphore, #tpu.memory_space<semaphore_mem>>)
    %dma_start3A_225 = arith.constant 7 : i32
    %dma_start3A_226 = arith.constant 0 : i32
    %dma_start3A_227 = tpu.memref_slice %arg11[%dma_start3A_225, %dma_start3A_226] : memref<8x64xi32, #tpu.memory_space<vmem>> -> memref<1x64xi32, #tpu.memory_space<vmem>>
    %dma_start3A_228 = tpu.memref_squeeze %dma_start3A_227 : memref<1x64xi32, #tpu.memory_space<vmem>> -> memref<64xi32, #tpu.memory_space<vmem>>
    %dma_start3A_229 = tpu.memref_slice %arg4[%add3A_206] : memref<16384xi32, #tpu.memory_space<hbm>> -> memref<64xi32, #tpu.memory_space<hbm>>
    %dma_start3A_230 = arith.constant 0 : i32
    %dma_start3A_231 = tpu.memref_slice %arg11[%dma_start3A_225, %dma_start3A_230] : memref<8x64xi32, #tpu.memory_space<vmem>> -> memref<1x64xi32, #tpu.memory_space<vmem>>
    %dma_start3A_232 = tpu.memref_squeeze %dma_start3A_231 : memref<1x64xi32, #tpu.memory_space<vmem>> -> memref<64xi32, #tpu.memory_space<vmem>>
    %dma_start3A_233 = tpu.memref_slice %arg4[%add3A_206] : memref<16384xi32, #tpu.memory_space<hbm>> -> memref<64xi32, #tpu.memory_space<hbm>>
    tpu.enqueue_dma source(%dma_start3A_233 : memref<64xi32, #tpu.memory_space<hbm>>) target(%dma_start3A_232 : memref<64xi32, #tpu.memory_space<vmem>>) target_semaphore(%arg21 : memref<!tpu.dma_semaphore, #tpu.memory_space<semaphore_mem>>)
    %dma_wait3A = arith.constant 0 : i32
    %dma_wait3A_234 = arith.constant 0 : i32
    %dma_wait3A_235 = tpu.memref_slice %arg9[%dma_wait3A, %dma_wait3A_234] : memref<8x64xi32, #tpu.memory_space<vmem>> -> memref<1x64xi32, #tpu.memory_space<vmem>>
    %dma_wait3A_236 = tpu.memref_squeeze %dma_wait3A_235 : memref<1x64xi32, #tpu.memory_space<vmem>> -> memref<64xi32, #tpu.memory_space<vmem>>
    %dma_wait3A_237 = tpu.memref_slice %arg2[%add3A_4] : memref<16384xi32, #tpu.memory_space<hbm>> -> memref<64xi32, #tpu.memory_space<hbm>>
    %dma_wait3A_238 = arith.constant 0 : i32
    %dma_wait3A_239 = tpu.memref_slice %arg9[%dma_wait3A, %dma_wait3A_238] : memref<8x64xi32, #tpu.memory_space<vmem>> -> memref<1x64xi32, #tpu.memory_space<vmem>>
    %dma_wait3A_240 = tpu.memref_squeeze %dma_wait3A_239 : memref<1x64xi32, #tpu.memory_space<vmem>> -> memref<64xi32, #tpu.memory_space<vmem>>
    %dma_wait3A_241 = tpu.memref_slice %arg2[%add3A_4] : memref<16384xi32, #tpu.memory_space<hbm>> -> memref<64xi32, #tpu.memory_space<hbm>>
    tpu.wait_dma2 semaphore(%arg21 : memref<!tpu.dma_semaphore, #tpu.memory_space<semaphore_mem>>) src(%dma_wait3A_241 : memref<64xi32, #tpu.memory_space<hbm>>) dst(%dma_wait3A_240 : memref<64xi32, #tpu.memory_space<vmem>>)
    %dma_wait3A_242 = arith.constant 0 : i32
    %dma_wait3A_243 = arith.constant 0 : i32
    %dma_wait3A_244 = tpu.memref_slice %arg10[%dma_wait3A_242, %dma_wait3A_243] : memref<8x64xi32, #tpu.memory_space<vmem>> -> memref<1x64xi32, #tpu.memory_space<vmem>>
    %dma_wait3A_245 = tpu.memref_squeeze %dma_wait3A_244 : memref<1x64xi32, #tpu.memory_space<vmem>> -> memref<64xi32, #tpu.memory_space<vmem>>
    %dma_wait3A_246 = tpu.memref_slice %arg3[%add3A_4] : memref<16384xi32, #tpu.memory_space<hbm>> -> memref<64xi32, #tpu.memory_space<hbm>>
    %dma_wait3A_247 = arith.constant 0 : i32
    %dma_wait3A_248 = tpu.memref_slice %arg10[%dma_wait3A_242, %dma_wait3A_247] : memref<8x64xi32, #tpu.memory_space<vmem>> -> memref<1x64xi32, #tpu.memory_space<vmem>>
    %dma_wait3A_249 = tpu.memref_squeeze %dma_wait3A_248 : memref<1x64xi32, #tpu.memory_space<vmem>> -> memref<64xi32, #tpu.memory_space<vmem>>
    %dma_wait3A_250 = tpu.memref_slice %arg3[%add3A_4] : memref<16384xi32, #tpu.memory_space<hbm>> -> memref<64xi32, #tpu.memory_space<hbm>>
    tpu.wait_dma2 semaphore(%arg21 : memref<!tpu.dma_semaphore, #tpu.memory_space<semaphore_mem>>) src(%dma_wait3A_250 : memref<64xi32, #tpu.memory_space<hbm>>) dst(%dma_wait3A_249 : memref<64xi32, #tpu.memory_space<vmem>>)
    %dma_wait3A_251 = arith.constant 0 : i32
    %dma_wait3A_252 = arith.constant 0 : i32
    %dma_wait3A_253 = tpu.memref_slice %arg11[%dma_wait3A_251, %dma_wait3A_252] : memref<8x64xi32, #tpu.memory_space<vmem>> -> memref<1x64xi32, #tpu.memory_space<vmem>>
    %dma_wait3A_254 = tpu.memref_squeeze %dma_wait3A_253 : memref<1x64xi32, #tpu.memory_space<vmem>> -> memref<64xi32, #tpu.memory_space<vmem>>
    %dma_wait3A_255 = tpu.memref_slice %arg4[%add3A_4] : memref<16384xi32, #tpu.memory_space<hbm>> -> memref<64xi32, #tpu.memory_space<hbm>>
    %dma_wait3A_256 = arith.constant 0 : i32
    %dma_wait3A_257 = tpu.memref_slice %arg11[%dma_wait3A_251, %dma_wait3A_256] : memref<8x64xi32, #tpu.memory_space<vmem>> -> memref<1x64xi32, #tpu.memory_space<vmem>>
    %dma_wait3A_258 = tpu.memref_squeeze %dma_wait3A_257 : memref<1x64xi32, #tpu.memory_space<vmem>> -> memref<64xi32, #tpu.memory_space<vmem>>
    %dma_wait3A_259 = tpu.memref_slice %arg4[%add3A_4] : memref<16384xi32, #tpu.memory_space<hbm>> -> memref<64xi32, #tpu.memory_space<hbm>>
    tpu.wait_dma2 semaphore(%arg21 : memref<!tpu.dma_semaphore, #tpu.memory_space<semaphore_mem>>) src(%dma_wait3A_259 : memref<64xi32, #tpu.memory_space<hbm>>) dst(%dma_wait3A_258 : memref<64xi32, #tpu.memory_space<vmem>>)
    %dma_wait3A_260 = arith.constant 1 : i32
    %dma_wait3A_261 = arith.constant 0 : i32
    %dma_wait3A_262 = tpu.memref_slice %arg9[%dma_wait3A_260, %dma_wait3A_261] : memref<8x64xi32, #tpu.memory_space<vmem>> -> memref<1x64xi32, #tpu.memory_space<vmem>>
    %dma_wait3A_263 = tpu.memref_squeeze %dma_wait3A_262 : memref<1x64xi32, #tpu.memory_space<vmem>> -> memref<64xi32, #tpu.memory_space<vmem>>
    %dma_wait3A_264 = tpu.memref_slice %arg2[%add3A_32] : memref<16384xi32, #tpu.memory_space<hbm>> -> memref<64xi32, #tpu.memory_space<hbm>>
    %dma_wait3A_265 = arith.constant 0 : i32
    %dma_wait3A_266 = tpu.memref_slice %arg9[%dma_wait3A_260, %dma_wait3A_265] : memref<8x64xi32, #tpu.memory_space<vmem>> -> memref<1x64xi32, #tpu.memory_space<vmem>>
    %dma_wait3A_267 = tpu.memref_squeeze %dma_wait3A_266 : memref<1x64xi32, #tpu.memory_space<vmem>> -> memref<64xi32, #tpu.memory_space<vmem>>
    %dma_wait3A_268 = tpu.memref_slice %arg2[%add3A_32] : memref<16384xi32, #tpu.memory_space<hbm>> -> memref<64xi32, #tpu.memory_space<hbm>>
    tpu.wait_dma2 semaphore(%arg21 : memref<!tpu.dma_semaphore, #tpu.memory_space<semaphore_mem>>) src(%dma_wait3A_268 : memref<64xi32, #tpu.memory_space<hbm>>) dst(%dma_wait3A_267 : memref<64xi32, #tpu.memory_space<vmem>>)
    %dma_wait3A_269 = arith.constant 1 : i32
    %dma_wait3A_270 = arith.constant 0 : i32
    %dma_wait3A_271 = tpu.memref_slice %arg10[%dma_wait3A_269, %dma_wait3A_270] : memref<8x64xi32, #tpu.memory_space<vmem>> -> memref<1x64xi32, #tpu.memory_space<vmem>>
    %dma_wait3A_272 = tpu.memref_squeeze %dma_wait3A_271 : memref<1x64xi32, #tpu.memory_space<vmem>> -> memref<64xi32, #tpu.memory_space<vmem>>
    %dma_wait3A_273 = tpu.memref_slice %arg3[%add3A_32] : memref<16384xi32, #tpu.memory_space<hbm>> -> memref<64xi32, #tpu.memory_space<hbm>>
    %dma_wait3A_274 = arith.constant 0 : i32
    %dma_wait3A_275 = tpu.memref_slice %arg10[%dma_wait3A_269, %dma_wait3A_274] : memref<8x64xi32, #tpu.memory_space<vmem>> -> memref<1x64xi32, #tpu.memory_space<vmem>>
    %dma_wait3A_276 = tpu.memref_squeeze %dma_wait3A_275 : memref<1x64xi32, #tpu.memory_space<vmem>> -> memref<64xi32, #tpu.memory_space<vmem>>
    %dma_wait3A_277 = tpu.memref_slice %arg3[%add3A_32] : memref<16384xi32, #tpu.memory_space<hbm>> -> memref<64xi32, #tpu.memory_space<hbm>>
    tpu.wait_dma2 semaphore(%arg21 : memref<!tpu.dma_semaphore, #tpu.memory_space<semaphore_mem>>) src(%dma_wait3A_277 : memref<64xi32, #tpu.memory_space<hbm>>) dst(%dma_wait3A_276 : memref<64xi32, #tpu.memory_space<vmem>>)
    %dma_wait3A_278 = arith.constant 1 : i32
    %dma_wait3A_279 = arith.constant 0 : i32
    %dma_wait3A_280 = tpu.memref_slice %arg11[%dma_wait3A_278, %dma_wait3A_279] : memref<8x64xi32, #tpu.memory_space<vmem>> -> memref<1x64xi32, #tpu.memory_space<vmem>>
    %dma_wait3A_281 = tpu.memref_squeeze %dma_wait3A_280 : memref<1x64xi32, #tpu.memory_space<vmem>> -> memref<64xi32, #tpu.memory_space<vmem>>
    %dma_wait3A_282 = tpu.memref_slice %arg4[%add3A_32] : memref<16384xi32, #tpu.memory_space<hbm>> -> memref<64xi32, #tpu.memory_space<hbm>>
    %dma_wait3A_283 = arith.constant 0 : i32
    %dma_wait3A_284 = tpu.memref_slice %arg11[%dma_wait3A_278, %dma_wait3A_283] : memref<8x64xi32, #tpu.memory_space<vmem>> -> memref<1x64xi32, #tpu.memory_space<vmem>>
    %dma_wait3A_285 = tpu.memref_squeeze %dma_wait3A_284 : memref<1x64xi32, #tpu.memory_space<vmem>> -> memref<64xi32, #tpu.memory_space<vmem>>
    %dma_wait3A_286 = tpu.memref_slice %arg4[%add3A_32] : memref<16384xi32, #tpu.memory_space<hbm>> -> memref<64xi32, #tpu.memory_space<hbm>>
    tpu.wait_dma2 semaphore(%arg21 : memref<!tpu.dma_semaphore, #tpu.memory_space<semaphore_mem>>) src(%dma_wait3A_286 : memref<64xi32, #tpu.memory_space<hbm>>) dst(%dma_wait3A_285 : memref<64xi32, #tpu.memory_space<vmem>>)
    %dma_wait3A_287 = arith.constant 2 : i32
    %dma_wait3A_288 = arith.constant 0 : i32
    %dma_wait3A_289 = tpu.memref_slice %arg9[%dma_wait3A_287, %dma_wait3A_288] : memref<8x64xi32, #tpu.memory_space<vmem>> -> memref<1x64xi32, #tpu.memory_space<vmem>>
    %dma_wait3A_290 = tpu.memref_squeeze %dma_wait3A_289 : memref<1x64xi32, #tpu.memory_space<vmem>> -> memref<64xi32, #tpu.memory_space<vmem>>
    %dma_wait3A_291 = tpu.memref_slice %arg2[%add3A_61] : memref<16384xi32, #tpu.memory_space<hbm>> -> memref<64xi32, #tpu.memory_space<hbm>>
    %dma_wait3A_292 = arith.constant 0 : i32
    %dma_wait3A_293 = tpu.memref_slice %arg9[%dma_wait3A_287, %dma_wait3A_292] : memref<8x64xi32, #tpu.memory_space<vmem>> -> memref<1x64xi32, #tpu.memory_space<vmem>>
    %dma_wait3A_294 = tpu.memref_squeeze %dma_wait3A_293 : memref<1x64xi32, #tpu.memory_space<vmem>> -> memref<64xi32, #tpu.memory_space<vmem>>
    %dma_wait3A_295 = tpu.memref_slice %arg2[%add3A_61] : memref<16384xi32, #tpu.memory_space<hbm>> -> memref<64xi32, #tpu.memory_space<hbm>>
    tpu.wait_dma2 semaphore(%arg21 : memref<!tpu.dma_semaphore, #tpu.memory_space<semaphore_mem>>) src(%dma_wait3A_295 : memref<64xi32, #tpu.memory_space<hbm>>) dst(%dma_wait3A_294 : memref<64xi32, #tpu.memory_space<vmem>>)
    %dma_wait3A_296 = arith.constant 2 : i32
    %dma_wait3A_297 = arith.constant 0 : i32
    %dma_wait3A_298 = tpu.memref_slice %arg10[%dma_wait3A_296, %dma_wait3A_297] : memref<8x64xi32, #tpu.memory_space<vmem>> -> memref<1x64xi32, #tpu.memory_space<vmem>>
    %dma_wait3A_299 = tpu.memref_squeeze %dma_wait3A_298 : memref<1x64xi32, #tpu.memory_space<vmem>> -> memref<64xi32, #tpu.memory_space<vmem>>
    %dma_wait3A_300 = tpu.memref_slice %arg3[%add3A_61] : memref<16384xi32, #tpu.memory_space<hbm>> -> memref<64xi32, #tpu.memory_space<hbm>>
    %dma_wait3A_301 = arith.constant 0 : i32
    %dma_wait3A_302 = tpu.memref_slice %arg10[%dma_wait3A_296, %dma_wait3A_301] : memref<8x64xi32, #tpu.memory_space<vmem>> -> memref<1x64xi32, #tpu.memory_space<vmem>>
    %dma_wait3A_303 = tpu.memref_squeeze %dma_wait3A_302 : memref<1x64xi32, #tpu.memory_space<vmem>> -> memref<64xi32, #tpu.memory_space<vmem>>
    %dma_wait3A_304 = tpu.memref_slice %arg3[%add3A_61] : memref<16384xi32, #tpu.memory_space<hbm>> -> memref<64xi32, #tpu.memory_space<hbm>>
    tpu.wait_dma2 semaphore(%arg21 : memref<!tpu.dma_semaphore, #tpu.memory_space<semaphore_mem>>) src(%dma_wait3A_304 : memref<64xi32, #tpu.memory_space<hbm>>) dst(%dma_wait3A_303 : memref<64xi32, #tpu.memory_space<vmem>>)
    %dma_wait3A_305 = arith.constant 2 : i32
    %dma_wait3A_306 = arith.constant 0 : i32
    %dma_wait3A_307 = tpu.memref_slice %arg11[%dma_wait3A_305, %dma_wait3A_306] : memref<8x64xi32, #tpu.memory_space<vmem>> -> memref<1x64xi32, #tpu.memory_space<vmem>>
    %dma_wait3A_308 = tpu.memref_squeeze %dma_wait3A_307 : memref<1x64xi32, #tpu.memory_space<vmem>> -> memref<64xi32, #tpu.memory_space<vmem>>
    %dma_wait3A_309 = tpu.memref_slice %arg4[%add3A_61] : memref<16384xi32, #tpu.memory_space<hbm>> -> memref<64xi32, #tpu.memory_space<hbm>>
    %dma_wait3A_310 = arith.constant 0 : i32
    %dma_wait3A_311 = tpu.memref_slice %arg11[%dma_wait3A_305, %dma_wait3A_310] : memref<8x64xi32, #tpu.memory_space<vmem>> -> memref<1x64xi32, #tpu.memory_space<vmem>>
    %dma_wait3A_312 = tpu.memref_squeeze %dma_wait3A_311 : memref<1x64xi32, #tpu.memory_space<vmem>> -> memref<64xi32, #tpu.memory_space<vmem>>
    %dma_wait3A_313 = tpu.memref_slice %arg4[%add3A_61] : memref<16384xi32, #tpu.memory_space<hbm>> -> memref<64xi32, #tpu.memory_space<hbm>>
    tpu.wait_dma2 semaphore(%arg21 : memref<!tpu.dma_semaphore, #tpu.memory_space<semaphore_mem>>) src(%dma_wait3A_313 : memref<64xi32, #tpu.memory_space<hbm>>) dst(%dma_wait3A_312 : memref<64xi32, #tpu.memory_space<vmem>>)
    %dma_wait3A_314 = arith.constant 3 : i32
    %dma_wait3A_315 = arith.constant 0 : i32
    %dma_wait3A_316 = tpu.memref_slice %arg9[%dma_wait3A_314, %dma_wait3A_315] : memref<8x64xi32, #tpu.memory_space<vmem>> -> memref<1x64xi32, #tpu.memory_space<vmem>>
    %dma_wait3A_317 = tpu.memref_squeeze %dma_wait3A_316 : memref<1x64xi32, #tpu.memory_space<vmem>> -> memref<64xi32, #tpu.memory_space<vmem>>
    %dma_wait3A_318 = tpu.memref_slice %arg2[%add3A_90] : memref<16384xi32, #tpu.memory_space<hbm>> -> memref<64xi32, #tpu.memory_space<hbm>>
    %dma_wait3A_319 = arith.constant 0 : i32
    %dma_wait3A_320 = tpu.memref_slice %arg9[%dma_wait3A_314, %dma_wait3A_319] : memref<8x64xi32, #tpu.memory_space<vmem>> -> memref<1x64xi32, #tpu.memory_space<vmem>>
    %dma_wait3A_321 = tpu.memref_squeeze %dma_wait3A_320 : memref<1x64xi32, #tpu.memory_space<vmem>> -> memref<64xi32, #tpu.memory_space<vmem>>
    %dma_wait3A_322 = tpu.memref_slice %arg2[%add3A_90] : memref<16384xi32, #tpu.memory_space<hbm>> -> memref<64xi32, #tpu.memory_space<hbm>>
    tpu.wait_dma2 semaphore(%arg21 : memref<!tpu.dma_semaphore, #tpu.memory_space<semaphore_mem>>) src(%dma_wait3A_322 : memref<64xi32, #tpu.memory_space<hbm>>) dst(%dma_wait3A_321 : memref<64xi32, #tpu.memory_space<vmem>>)
    %dma_wait3A_323 = arith.constant 3 : i32
    %dma_wait3A_324 = arith.constant 0 : i32
    %dma_wait3A_325 = tpu.memref_slice %arg10[%dma_wait3A_323, %dma_wait3A_324] : memref<8x64xi32, #tpu.memory_space<vmem>> -> memref<1x64xi32, #tpu.memory_space<vmem>>
    %dma_wait3A_326 = tpu.memref_squeeze %dma_wait3A_325 : memref<1x64xi32, #tpu.memory_space<vmem>> -> memref<64xi32, #tpu.memory_space<vmem>>
    %dma_wait3A_327 = tpu.memref_slice %arg3[%add3A_90] : memref<16384xi32, #tpu.memory_space<hbm>> -> memref<64xi32, #tpu.memory_space<hbm>>
    %dma_wait3A_328 = arith.constant 0 : i32
    %dma_wait3A_329 = tpu.memref_slice %arg10[%dma_wait3A_323, %dma_wait3A_328] : memref<8x64xi32, #tpu.memory_space<vmem>> -> memref<1x64xi32, #tpu.memory_space<vmem>>
    %dma_wait3A_330 = tpu.memref_squeeze %dma_wait3A_329 : memref<1x64xi32, #tpu.memory_space<vmem>> -> memref<64xi32, #tpu.memory_space<vmem>>
    %dma_wait3A_331 = tpu.memref_slice %arg3[%add3A_90] : memref<16384xi32, #tpu.memory_space<hbm>> -> memref<64xi32, #tpu.memory_space<hbm>>
    tpu.wait_dma2 semaphore(%arg21 : memref<!tpu.dma_semaphore, #tpu.memory_space<semaphore_mem>>) src(%dma_wait3A_331 : memref<64xi32, #tpu.memory_space<hbm>>) dst(%dma_wait3A_330 : memref<64xi32, #tpu.memory_space<vmem>>)
    %dma_wait3A_332 = arith.constant 3 : i32
    %dma_wait3A_333 = arith.constant 0 : i32
    %dma_wait3A_334 = tpu.memref_slice %arg11[%dma_wait3A_332, %dma_wait3A_333] : memref<8x64xi32, #tpu.memory_space<vmem>> -> memref<1x64xi32, #tpu.memory_space<vmem>>
    %dma_wait3A_335 = tpu.memref_squeeze %dma_wait3A_334 : memref<1x64xi32, #tpu.memory_space<vmem>> -> memref<64xi32, #tpu.memory_space<vmem>>
    %dma_wait3A_336 = tpu.memref_slice %arg4[%add3A_90] : memref<16384xi32, #tpu.memory_space<hbm>> -> memref<64xi32, #tpu.memory_space<hbm>>
    %dma_wait3A_337 = arith.constant 0 : i32
    %dma_wait3A_338 = tpu.memref_slice %arg11[%dma_wait3A_332, %dma_wait3A_337] : memref<8x64xi32, #tpu.memory_space<vmem>> -> memref<1x64xi32, #tpu.memory_space<vmem>>
    %dma_wait3A_339 = tpu.memref_squeeze %dma_wait3A_338 : memref<1x64xi32, #tpu.memory_space<vmem>> -> memref<64xi32, #tpu.memory_space<vmem>>
    %dma_wait3A_340 = tpu.memref_slice %arg4[%add3A_90] : memref<16384xi32, #tpu.memory_space<hbm>> -> memref<64xi32, #tpu.memory_space<hbm>>
    tpu.wait_dma2 semaphore(%arg21 : memref<!tpu.dma_semaphore, #tpu.memory_space<semaphore_mem>>) src(%dma_wait3A_340 : memref<64xi32, #tpu.memory_space<hbm>>) dst(%dma_wait3A_339 : memref<64xi32, #tpu.memory_space<vmem>>)
    %dma_wait3A_341 = arith.constant 4 : i32
    %dma_wait3A_342 = arith.constant 0 : i32
    %dma_wait3A_343 = tpu.memref_slice %arg9[%dma_wait3A_341, %dma_wait3A_342] : memref<8x64xi32, #tpu.memory_space<vmem>> -> memref<1x64xi32, #tpu.memory_space<vmem>>
    %dma_wait3A_344 = tpu.memref_squeeze %dma_wait3A_343 : memref<1x64xi32, #tpu.memory_space<vmem>> -> memref<64xi32, #tpu.memory_space<vmem>>
    %dma_wait3A_345 = tpu.memref_slice %arg2[%add3A_119] : memref<16384xi32, #tpu.memory_space<hbm>> -> memref<64xi32, #tpu.memory_space<hbm>>
    %dma_wait3A_346 = arith.constant 0 : i32
    %dma_wait3A_347 = tpu.memref_slice %arg9[%dma_wait3A_341, %dma_wait3A_346] : memref<8x64xi32, #tpu.memory_space<vmem>> -> memref<1x64xi32, #tpu.memory_space<vmem>>
    %dma_wait3A_348 = tpu.memref_squeeze %dma_wait3A_347 : memref<1x64xi32, #tpu.memory_space<vmem>> -> memref<64xi32, #tpu.memory_space<vmem>>
    %dma_wait3A_349 = tpu.memref_slice %arg2[%add3A_119] : memref<16384xi32, #tpu.memory_space<hbm>> -> memref<64xi32, #tpu.memory_space<hbm>>
    tpu.wait_dma2 semaphore(%arg21 : memref<!tpu.dma_semaphore, #tpu.memory_space<semaphore_mem>>) src(%dma_wait3A_349 : memref<64xi32, #tpu.memory_space<hbm>>) dst(%dma_wait3A_348 : memref<64xi32, #tpu.memory_space<vmem>>)
    %dma_wait3A_350 = arith.constant 4 : i32
    %dma_wait3A_351 = arith.constant 0 : i32
    %dma_wait3A_352 = tpu.memref_slice %arg10[%dma_wait3A_350, %dma_wait3A_351] : memref<8x64xi32, #tpu.memory_space<vmem>> -> memref<1x64xi32, #tpu.memory_space<vmem>>
    %dma_wait3A_353 = tpu.memref_squeeze %dma_wait3A_352 : memref<1x64xi32, #tpu.memory_space<vmem>> -> memref<64xi32, #tpu.memory_space<vmem>>
    %dma_wait3A_354 = tpu.memref_slice %arg3[%add3A_119] : memref<16384xi32, #tpu.memory_space<hbm>> -> memref<64xi32, #tpu.memory_space<hbm>>
    %dma_wait3A_355 = arith.constant 0 : i32
    %dma_wait3A_356 = tpu.memref_slice %arg10[%dma_wait3A_350, %dma_wait3A_355] : memref<8x64xi32, #tpu.memory_space<vmem>> -> memref<1x64xi32, #tpu.memory_space<vmem>>
    %dma_wait3A_357 = tpu.memref_squeeze %dma_wait3A_356 : memref<1x64xi32, #tpu.memory_space<vmem>> -> memref<64xi32, #tpu.memory_space<vmem>>
    %dma_wait3A_358 = tpu.memref_slice %arg3[%add3A_119] : memref<16384xi32, #tpu.memory_space<hbm>> -> memref<64xi32, #tpu.memory_space<hbm>>
    tpu.wait_dma2 semaphore(%arg21 : memref<!tpu.dma_semaphore, #tpu.memory_space<semaphore_mem>>) src(%dma_wait3A_358 : memref<64xi32, #tpu.memory_space<hbm>>) dst(%dma_wait3A_357 : memref<64xi32, #tpu.memory_space<vmem>>)
    %dma_wait3A_359 = arith.constant 4 : i32
    %dma_wait3A_360 = arith.constant 0 : i32
    %dma_wait3A_361 = tpu.memref_slice %arg11[%dma_wait3A_359, %dma_wait3A_360] : memref<8x64xi32, #tpu.memory_space<vmem>> -> memref<1x64xi32, #tpu.memory_space<vmem>>
    %dma_wait3A_362 = tpu.memref_squeeze %dma_wait3A_361 : memref<1x64xi32, #tpu.memory_space<vmem>> -> memref<64xi32, #tpu.memory_space<vmem>>
    %dma_wait3A_363 = tpu.memref_slice %arg4[%add3A_119] : memref<16384xi32, #tpu.memory_space<hbm>> -> memref<64xi32, #tpu.memory_space<hbm>>
    %dma_wait3A_364 = arith.constant 0 : i32
    %dma_wait3A_365 = tpu.memref_slice %arg11[%dma_wait3A_359, %dma_wait3A_364] : memref<8x64xi32, #tpu.memory_space<vmem>> -> memref<1x64xi32, #tpu.memory_space<vmem>>
    %dma_wait3A_366 = tpu.memref_squeeze %dma_wait3A_365 : memref<1x64xi32, #tpu.memory_space<vmem>> -> memref<64xi32, #tpu.memory_space<vmem>>
    %dma_wait3A_367 = tpu.memref_slice %arg4[%add3A_119] : memref<16384xi32, #tpu.memory_space<hbm>> -> memref<64xi32, #tpu.memory_space<hbm>>
    tpu.wait_dma2 semaphore(%arg21 : memref<!tpu.dma_semaphore, #tpu.memory_space<semaphore_mem>>) src(%dma_wait3A_367 : memref<64xi32, #tpu.memory_space<hbm>>) dst(%dma_wait3A_366 : memref<64xi32, #tpu.memory_space<vmem>>)
    %dma_wait3A_368 = arith.constant 5 : i32
    %dma_wait3A_369 = arith.constant 0 : i32
    %dma_wait3A_370 = tpu.memref_slice %arg9[%dma_wait3A_368, %dma_wait3A_369] : memref<8x64xi32, #tpu.memory_space<vmem>> -> memref<1x64xi32, #tpu.memory_space<vmem>>
    %dma_wait3A_371 = tpu.memref_squeeze %dma_wait3A_370 : memref<1x64xi32, #tpu.memory_space<vmem>> -> memref<64xi32, #tpu.memory_space<vmem>>
    %dma_wait3A_372 = tpu.memref_slice %arg2[%add3A_148] : memref<16384xi32, #tpu.memory_space<hbm>> -> memref<64xi32, #tpu.memory_space<hbm>>
    %dma_wait3A_373 = arith.constant 0 : i32
    %dma_wait3A_374 = tpu.memref_slice %arg9[%dma_wait3A_368, %dma_wait3A_373] : memref<8x64xi32, #tpu.memory_space<vmem>> -> memref<1x64xi32, #tpu.memory_space<vmem>>
    %dma_wait3A_375 = tpu.memref_squeeze %dma_wait3A_374 : memref<1x64xi32, #tpu.memory_space<vmem>> -> memref<64xi32, #tpu.memory_space<vmem>>
    %dma_wait3A_376 = tpu.memref_slice %arg2[%add3A_148] : memref<16384xi32, #tpu.memory_space<hbm>> -> memref<64xi32, #tpu.memory_space<hbm>>
    tpu.wait_dma2 semaphore(%arg21 : memref<!tpu.dma_semaphore, #tpu.memory_space<semaphore_mem>>) src(%dma_wait3A_376 : memref<64xi32, #tpu.memory_space<hbm>>) dst(%dma_wait3A_375 : memref<64xi32, #tpu.memory_space<vmem>>)
    %dma_wait3A_377 = arith.constant 5 : i32
    %dma_wait3A_378 = arith.constant 0 : i32
    %dma_wait3A_379 = tpu.memref_slice %arg10[%dma_wait3A_377, %dma_wait3A_378] : memref<8x64xi32, #tpu.memory_space<vmem>> -> memref<1x64xi32, #tpu.memory_space<vmem>>
    %dma_wait3A_380 = tpu.memref_squeeze %dma_wait3A_379 : memref<1x64xi32, #tpu.memory_space<vmem>> -> memref<64xi32, #tpu.memory_space<vmem>>
    %dma_wait3A_381 = tpu.memref_slice %arg3[%add3A_148] : memref<16384xi32, #tpu.memory_space<hbm>> -> memref<64xi32, #tpu.memory_space<hbm>>
    %dma_wait3A_382 = arith.constant 0 : i32
    %dma_wait3A_383 = tpu.memref_slice %arg10[%dma_wait3A_377, %dma_wait3A_382] : memref<8x64xi32, #tpu.memory_space<vmem>> -> memref<1x64xi32, #tpu.memory_space<vmem>>
    %dma_wait3A_384 = tpu.memref_squeeze %dma_wait3A_383 : memref<1x64xi32, #tpu.memory_space<vmem>> -> memref<64xi32, #tpu.memory_space<vmem>>
    %dma_wait3A_385 = tpu.memref_slice %arg3[%add3A_148] : memref<16384xi32, #tpu.memory_space<hbm>> -> memref<64xi32, #tpu.memory_space<hbm>>
    tpu.wait_dma2 semaphore(%arg21 : memref<!tpu.dma_semaphore, #tpu.memory_space<semaphore_mem>>) src(%dma_wait3A_385 : memref<64xi32, #tpu.memory_space<hbm>>) dst(%dma_wait3A_384 : memref<64xi32, #tpu.memory_space<vmem>>)
    %dma_wait3A_386 = arith.constant 5 : i32
    %dma_wait3A_387 = arith.constant 0 : i32
    %dma_wait3A_388 = tpu.memref_slice %arg11[%dma_wait3A_386, %dma_wait3A_387] : memref<8x64xi32, #tpu.memory_space<vmem>> -> memref<1x64xi32, #tpu.memory_space<vmem>>
    %dma_wait3A_389 = tpu.memref_squeeze %dma_wait3A_388 : memref<1x64xi32, #tpu.memory_space<vmem>> -> memref<64xi32, #tpu.memory_space<vmem>>
    %dma_wait3A_390 = tpu.memref_slice %arg4[%add3A_148] : memref<16384xi32, #tpu.memory_space<hbm>> -> memref<64xi32, #tpu.memory_space<hbm>>
    %dma_wait3A_391 = arith.constant 0 : i32
    %dma_wait3A_392 = tpu.memref_slice %arg11[%dma_wait3A_386, %dma_wait3A_391] : memref<8x64xi32, #tpu.memory_space<vmem>> -> memref<1x64xi32, #tpu.memory_space<vmem>>
    %dma_wait3A_393 = tpu.memref_squeeze %dma_wait3A_392 : memref<1x64xi32, #tpu.memory_space<vmem>> -> memref<64xi32, #tpu.memory_space<vmem>>
    %dma_wait3A_394 = tpu.memref_slice %arg4[%add3A_148] : memref<16384xi32, #tpu.memory_space<hbm>> -> memref<64xi32, #tpu.memory_space<hbm>>
    tpu.wait_dma2 semaphore(%arg21 : memref<!tpu.dma_semaphore, #tpu.memory_space<semaphore_mem>>) src(%dma_wait3A_394 : memref<64xi32, #tpu.memory_space<hbm>>) dst(%dma_wait3A_393 : memref<64xi32, #tpu.memory_space<vmem>>)
    %dma_wait3A_395 = arith.constant 6 : i32
    %dma_wait3A_396 = arith.constant 0 : i32
    %dma_wait3A_397 = tpu.memref_slice %arg9[%dma_wait3A_395, %dma_wait3A_396] : memref<8x64xi32, #tpu.memory_space<vmem>> -> memref<1x64xi32, #tpu.memory_space<vmem>>
    %dma_wait3A_398 = tpu.memref_squeeze %dma_wait3A_397 : memref<1x64xi32, #tpu.memory_space<vmem>> -> memref<64xi32, #tpu.memory_space<vmem>>
    %dma_wait3A_399 = tpu.memref_slice %arg2[%add3A_177] : memref<16384xi32, #tpu.memory_space<hbm>> -> memref<64xi32, #tpu.memory_space<hbm>>
    %dma_wait3A_400 = arith.constant 0 : i32
    %dma_wait3A_401 = tpu.memref_slice %arg9[%dma_wait3A_395, %dma_wait3A_400] : memref<8x64xi32, #tpu.memory_space<vmem>> -> memref<1x64xi32, #tpu.memory_space<vmem>>
    %dma_wait3A_402 = tpu.memref_squeeze %dma_wait3A_401 : memref<1x64xi32, #tpu.memory_space<vmem>> -> memref<64xi32, #tpu.memory_space<vmem>>
    %dma_wait3A_403 = tpu.memref_slice %arg2[%add3A_177] : memref<16384xi32, #tpu.memory_space<hbm>> -> memref<64xi32, #tpu.memory_space<hbm>>
    tpu.wait_dma2 semaphore(%arg21 : memref<!tpu.dma_semaphore, #tpu.memory_space<semaphore_mem>>) src(%dma_wait3A_403 : memref<64xi32, #tpu.memory_space<hbm>>) dst(%dma_wait3A_402 : memref<64xi32, #tpu.memory_space<vmem>>)
    %dma_wait3A_404 = arith.constant 6 : i32
    %dma_wait3A_405 = arith.constant 0 : i32
    %dma_wait3A_406 = tpu.memref_slice %arg10[%dma_wait3A_404, %dma_wait3A_405] : memref<8x64xi32, #tpu.memory_space<vmem>> -> memref<1x64xi32, #tpu.memory_space<vmem>>
    %dma_wait3A_407 = tpu.memref_squeeze %dma_wait3A_406 : memref<1x64xi32, #tpu.memory_space<vmem>> -> memref<64xi32, #tpu.memory_space<vmem>>
    %dma_wait3A_408 = tpu.memref_slice %arg3[%add3A_177] : memref<16384xi32, #tpu.memory_space<hbm>> -> memref<64xi32, #tpu.memory_space<hbm>>
    %dma_wait3A_409 = arith.constant 0 : i32
    %dma_wait3A_410 = tpu.memref_slice %arg10[%dma_wait3A_404, %dma_wait3A_409] : memref<8x64xi32, #tpu.memory_space<vmem>> -> memref<1x64xi32, #tpu.memory_space<vmem>>
    %dma_wait3A_411 = tpu.memref_squeeze %dma_wait3A_410 : memref<1x64xi32, #tpu.memory_space<vmem>> -> memref<64xi32, #tpu.memory_space<vmem>>
    %dma_wait3A_412 = tpu.memref_slice %arg3[%add3A_177] : memref<16384xi32, #tpu.memory_space<hbm>> -> memref<64xi32, #tpu.memory_space<hbm>>
    tpu.wait_dma2 semaphore(%arg21 : memref<!tpu.dma_semaphore, #tpu.memory_space<semaphore_mem>>) src(%dma_wait3A_412 : memref<64xi32, #tpu.memory_space<hbm>>) dst(%dma_wait3A_411 : memref<64xi32, #tpu.memory_space<vmem>>)
    %dma_wait3A_413 = arith.constant 6 : i32
    %dma_wait3A_414 = arith.constant 0 : i32
    %dma_wait3A_415 = tpu.memref_slice %arg11[%dma_wait3A_413, %dma_wait3A_414] : memref<8x64xi32, #tpu.memory_space<vmem>> -> memref<1x64xi32, #tpu.memory_space<vmem>>
    %dma_wait3A_416 = tpu.memref_squeeze %dma_wait3A_415 : memref<1x64xi32, #tpu.memory_space<vmem>> -> memref<64xi32, #tpu.memory_space<vmem>>
    %dma_wait3A_417 = tpu.memref_slice %arg4[%add3A_177] : memref<16384xi32, #tpu.memory_space<hbm>> -> memref<64xi32, #tpu.memory_space<hbm>>
    %dma_wait3A_418 = arith.constant 0 : i32
    %dma_wait3A_419 = tpu.memref_slice %arg11[%dma_wait3A_413, %dma_wait3A_418] : memref<8x64xi32, #tpu.memory_space<vmem>> -> memref<1x64xi32, #tpu.memory_space<vmem>>
    %dma_wait3A_420 = tpu.memref_squeeze %dma_wait3A_419 : memref<1x64xi32, #tpu.memory_space<vmem>> -> memref<64xi32, #tpu.memory_space<vmem>>
    %dma_wait3A_421 = tpu.memref_slice %arg4[%add3A_177] : memref<16384xi32, #tpu.memory_space<hbm>> -> memref<64xi32, #tpu.memory_space<hbm>>
    tpu.wait_dma2 semaphore(%arg21 : memref<!tpu.dma_semaphore, #tpu.memory_space<semaphore_mem>>) src(%dma_wait3A_421 : memref<64xi32, #tpu.memory_space<hbm>>) dst(%dma_wait3A_420 : memref<64xi32, #tpu.memory_space<vmem>>)
    %dma_wait3A_422 = arith.constant 7 : i32
    %dma_wait3A_423 = arith.constant 0 : i32
    %dma_wait3A_424 = tpu.memref_slice %arg9[%dma_wait3A_422, %dma_wait3A_423] : memref<8x64xi32, #tpu.memory_space<vmem>> -> memref<1x64xi32, #tpu.memory_space<vmem>>
    %dma_wait3A_425 = tpu.memref_squeeze %dma_wait3A_424 : memref<1x64xi32, #tpu.memory_space<vmem>> -> memref<64xi32, #tpu.memory_space<vmem>>
    %dma_wait3A_426 = tpu.memref_slice %arg2[%add3A_206] : memref<16384xi32, #tpu.memory_space<hbm>> -> memref<64xi32, #tpu.memory_space<hbm>>
    %dma_wait3A_427 = arith.constant 0 : i32
    %dma_wait3A_428 = tpu.memref_slice %arg9[%dma_wait3A_422, %dma_wait3A_427] : memref<8x64xi32, #tpu.memory_space<vmem>> -> memref<1x64xi32, #tpu.memory_space<vmem>>
    %dma_wait3A_429 = tpu.memref_squeeze %dma_wait3A_428 : memref<1x64xi32, #tpu.memory_space<vmem>> -> memref<64xi32, #tpu.memory_space<vmem>>
    %dma_wait3A_430 = tpu.memref_slice %arg2[%add3A_206] : memref<16384xi32, #tpu.memory_space<hbm>> -> memref<64xi32, #tpu.memory_space<hbm>>
    tpu.wait_dma2 semaphore(%arg21 : memref<!tpu.dma_semaphore, #tpu.memory_space<semaphore_mem>>) src(%dma_wait3A_430 : memref<64xi32, #tpu.memory_space<hbm>>) dst(%dma_wait3A_429 : memref<64xi32, #tpu.memory_space<vmem>>)
    %dma_wait3A_431 = arith.constant 7 : i32
    %dma_wait3A_432 = arith.constant 0 : i32
    %dma_wait3A_433 = tpu.memref_slice %arg10[%dma_wait3A_431, %dma_wait3A_432] : memref<8x64xi32, #tpu.memory_space<vmem>> -> memref<1x64xi32, #tpu.memory_space<vmem>>
    %dma_wait3A_434 = tpu.memref_squeeze %dma_wait3A_433 : memref<1x64xi32, #tpu.memory_space<vmem>> -> memref<64xi32, #tpu.memory_space<vmem>>
    %dma_wait3A_435 = tpu.memref_slice %arg3[%add3A_206] : memref<16384xi32, #tpu.memory_space<hbm>> -> memref<64xi32, #tpu.memory_space<hbm>>
    %dma_wait3A_436 = arith.constant 0 : i32
    %dma_wait3A_437 = tpu.memref_slice %arg10[%dma_wait3A_431, %dma_wait3A_436] : memref<8x64xi32, #tpu.memory_space<vmem>> -> memref<1x64xi32, #tpu.memory_space<vmem>>
    %dma_wait3A_438 = tpu.memref_squeeze %dma_wait3A_437 : memref<1x64xi32, #tpu.memory_space<vmem>> -> memref<64xi32, #tpu.memory_space<vmem>>
    %dma_wait3A_439 = tpu.memref_slice %arg3[%add3A_206] : memref<16384xi32, #tpu.memory_space<hbm>> -> memref<64xi32, #tpu.memory_space<hbm>>
    tpu.wait_dma2 semaphore(%arg21 : memref<!tpu.dma_semaphore, #tpu.memory_space<semaphore_mem>>) src(%dma_wait3A_439 : memref<64xi32, #tpu.memory_space<hbm>>) dst(%dma_wait3A_438 : memref<64xi32, #tpu.memory_space<vmem>>)
    %dma_wait3A_440 = arith.constant 7 : i32
    %dma_wait3A_441 = arith.constant 0 : i32
    %dma_wait3A_442 = tpu.memref_slice %arg11[%dma_wait3A_440, %dma_wait3A_441] : memref<8x64xi32, #tpu.memory_space<vmem>> -> memref<1x64xi32, #tpu.memory_space<vmem>>
    %dma_wait3A_443 = tpu.memref_squeeze %dma_wait3A_442 : memref<1x64xi32, #tpu.memory_space<vmem>> -> memref<64xi32, #tpu.memory_space<vmem>>
    %dma_wait3A_444 = tpu.memref_slice %arg4[%add3A_206] : memref<16384xi32, #tpu.memory_space<hbm>> -> memref<64xi32, #tpu.memory_space<hbm>>
    %dma_wait3A_445 = arith.constant 0 : i32
    %dma_wait3A_446 = tpu.memref_slice %arg11[%dma_wait3A_440, %dma_wait3A_445] : memref<8x64xi32, #tpu.memory_space<vmem>> -> memref<1x64xi32, #tpu.memory_space<vmem>>
    %dma_wait3A_447 = tpu.memref_squeeze %dma_wait3A_446 : memref<1x64xi32, #tpu.memory_space<vmem>> -> memref<64xi32, #tpu.memory_space<vmem>>
    %dma_wait3A_448 = tpu.memref_slice %arg4[%add3A_206] : memref<16384xi32, #tpu.memory_space<hbm>> -> memref<64xi32, #tpu.memory_space<hbm>>
    tpu.wait_dma2 semaphore(%arg21 : memref<!tpu.dma_semaphore, #tpu.memory_space<semaphore_mem>>) src(%dma_wait3A_448 : memref<64xi32, #tpu.memory_space<hbm>>) dst(%dma_wait3A_447 : memref<64xi32, #tpu.memory_space<vmem>>)
    %dma_start3A_449 = arith.constant 0 : i32
    %dma_start3A_450 = arith.constant 0 : i32
    %dma_start3A_451 = tpu.memref_slice %arg9[%dma_start3A_449, %dma_start3A_450] : memref<8x64xi32, #tpu.memory_space<vmem>> -> memref<1x64xi32, #tpu.memory_space<vmem>>
    %dma_start3A_452 = tpu.memref_squeeze %dma_start3A_451 : memref<1x64xi32, #tpu.memory_space<vmem>> -> memref<64xi32, #tpu.memory_space<vmem>>
    %dma_start3A_453 = arith.constant 0 : i32
    %dma_start3A_454 = arith.constant 0 : i32
    %dma_start3A_455 = tpu.memref_slice %arg5[%dma_start3A_453, %dma_start3A_454] : memref<1000000x128xf32, #tpu.memory_space<hbm>> -> memref<1000000x128xf32, #tpu.memory_space<hbm>>
    tpu.enqueue_indirect_dma source(%dma_start3A_455 : memref<1000000x128xf32, #tpu.memory_space<hbm>>) target(%arg12 : memref<64x128xf32, #tpu.memory_space<vmem>>) offsets(%dma_start3A_452 : memref<64xi32, #tpu.memory_space<vmem>>) semaphore(%arg22 : memref<!tpu.dma_semaphore, #tpu.memory_space<semaphore_mem>>)
    %dma_start3A_456 = arith.constant 0 : i32
    %dma_start3A_457 = arith.constant 0 : i32
    %dma_start3A_458 = tpu.memref_slice %arg10[%dma_start3A_456, %dma_start3A_457] : memref<8x64xi32, #tpu.memory_space<vmem>> -> memref<1x64xi32, #tpu.memory_space<vmem>>
    %dma_start3A_459 = tpu.memref_squeeze %dma_start3A_458 : memref<1x64xi32, #tpu.memory_space<vmem>> -> memref<64xi32, #tpu.memory_space<vmem>>
    %dma_start3A_460 = arith.constant 0 : i32
    %dma_start3A_461 = arith.constant 0 : i32
    %dma_start3A_462 = tpu.memref_slice %arg6[%dma_start3A_460, %dma_start3A_461] : memref<1000x128xf32, #tpu.memory_space<hbm>> -> memref<1000x128xf32, #tpu.memory_space<hbm>>
    tpu.enqueue_indirect_dma source(%dma_start3A_462 : memref<1000x128xf32, #tpu.memory_space<hbm>>) target(%arg13 : memref<64x128xf32, #tpu.memory_space<vmem>>) offsets(%dma_start3A_459 : memref<64xi32, #tpu.memory_space<vmem>>) semaphore(%arg22 : memref<!tpu.dma_semaphore, #tpu.memory_space<semaphore_mem>>)
    %dma_start3A_463 = arith.constant 0 : i32
    %dma_start3A_464 = arith.constant 0 : i32
    %dma_start3A_465 = tpu.memref_slice %arg11[%dma_start3A_463, %dma_start3A_464] : memref<8x64xi32, #tpu.memory_space<vmem>> -> memref<1x64xi32, #tpu.memory_space<vmem>>
    %dma_start3A_466 = tpu.memref_squeeze %dma_start3A_465 : memref<1x64xi32, #tpu.memory_space<vmem>> -> memref<64xi32, #tpu.memory_space<vmem>>
    %dma_start3A_467 = arith.constant 0 : i32
    %dma_start3A_468 = arith.constant 0 : i32
    %dma_start3A_469 = tpu.memref_slice %arg5[%dma_start3A_467, %dma_start3A_468] : memref<1000000x128xf32, #tpu.memory_space<hbm>> -> memref<1000000x128xf32, #tpu.memory_space<hbm>>
    tpu.enqueue_indirect_dma source(%dma_start3A_469 : memref<1000000x128xf32, #tpu.memory_space<hbm>>) target(%arg14 : memref<64x128xf32, #tpu.memory_space<vmem>>) offsets(%dma_start3A_466 : memref<64xi32, #tpu.memory_space<vmem>>) semaphore(%arg22 : memref<!tpu.dma_semaphore, #tpu.memory_space<semaphore_mem>>)
    %dma_start3A_470 = arith.constant 1 : i32
    %dma_start3A_471 = arith.constant 0 : i32
    %dma_start3A_472 = tpu.memref_slice %arg9[%dma_start3A_470, %dma_start3A_471] : memref<8x64xi32, #tpu.memory_space<vmem>> -> memref<1x64xi32, #tpu.memory_space<vmem>>
    %dma_start3A_473 = tpu.memref_squeeze %dma_start3A_472 : memref<1x64xi32, #tpu.memory_space<vmem>> -> memref<64xi32, #tpu.memory_space<vmem>>
    %dma_start3A_474 = arith.constant 0 : i32
    %dma_start3A_475 = arith.constant 0 : i32
    %dma_start3A_476 = tpu.memref_slice %arg5[%dma_start3A_474, %dma_start3A_475] : memref<1000000x128xf32, #tpu.memory_space<hbm>> -> memref<1000000x128xf32, #tpu.memory_space<hbm>>
    tpu.enqueue_indirect_dma source(%dma_start3A_476 : memref<1000000x128xf32, #tpu.memory_space<hbm>>) target(%arg15 : memref<64x128xf32, #tpu.memory_space<vmem>>) offsets(%dma_start3A_473 : memref<64xi32, #tpu.memory_space<vmem>>) semaphore(%arg23 : memref<!tpu.dma_semaphore, #tpu.memory_space<semaphore_mem>>)
    %dma_start3A_477 = arith.constant 1 : i32
    %dma_start3A_478 = arith.constant 0 : i32
    %dma_start3A_479 = tpu.memref_slice %arg10[%dma_start3A_477, %dma_start3A_478] : memref<8x64xi32, #tpu.memory_space<vmem>> -> memref<1x64xi32, #tpu.memory_space<vmem>>
    %dma_start3A_480 = tpu.memref_squeeze %dma_start3A_479 : memref<1x64xi32, #tpu.memory_space<vmem>> -> memref<64xi32, #tpu.memory_space<vmem>>
    %dma_start3A_481 = arith.constant 0 : i32
    %dma_start3A_482 = arith.constant 0 : i32
    %dma_start3A_483 = tpu.memref_slice %arg6[%dma_start3A_481, %dma_start3A_482] : memref<1000x128xf32, #tpu.memory_space<hbm>> -> memref<1000x128xf32, #tpu.memory_space<hbm>>
    tpu.enqueue_indirect_dma source(%dma_start3A_483 : memref<1000x128xf32, #tpu.memory_space<hbm>>) target(%arg16 : memref<64x128xf32, #tpu.memory_space<vmem>>) offsets(%dma_start3A_480 : memref<64xi32, #tpu.memory_space<vmem>>) semaphore(%arg23 : memref<!tpu.dma_semaphore, #tpu.memory_space<semaphore_mem>>)
    %dma_start3A_484 = arith.constant 1 : i32
    %dma_start3A_485 = arith.constant 0 : i32
    %dma_start3A_486 = tpu.memref_slice %arg11[%dma_start3A_484, %dma_start3A_485] : memref<8x64xi32, #tpu.memory_space<vmem>> -> memref<1x64xi32, #tpu.memory_space<vmem>>
    %dma_start3A_487 = tpu.memref_squeeze %dma_start3A_486 : memref<1x64xi32, #tpu.memory_space<vmem>> -> memref<64xi32, #tpu.memory_space<vmem>>
    %dma_start3A_488 = arith.constant 0 : i32
    %dma_start3A_489 = arith.constant 0 : i32
    %dma_start3A_490 = tpu.memref_slice %arg5[%dma_start3A_488, %dma_start3A_489] : memref<1000000x128xf32, #tpu.memory_space<hbm>> -> memref<1000000x128xf32, #tpu.memory_space<hbm>>
    tpu.enqueue_indirect_dma source(%dma_start3A_490 : memref<1000000x128xf32, #tpu.memory_space<hbm>>) target(%arg17 : memref<64x128xf32, #tpu.memory_space<vmem>>) offsets(%dma_start3A_487 : memref<64xi32, #tpu.memory_space<vmem>>) semaphore(%arg23 : memref<!tpu.dma_semaphore, #tpu.memory_space<semaphore_mem>>)
    %add3A_491 = arith.constant 0 : i32
    %add3A_492 = arith.addi %mul3A_2, %add3A_491 : i32
    %dma_start3A_493 = arith.constant 2 : i32
    %dma_start3A_494 = arith.constant 0 : i32
    %dma_start3A_495 = tpu.memref_slice %arg9[%dma_start3A_493, %dma_start3A_494] : memref<8x64xi32, #tpu.memory_space<vmem>> -> memref<1x64xi32, #tpu.memory_space<vmem>>
    %dma_start3A_496 = tpu.memref_squeeze %dma_start3A_495 : memref<1x64xi32, #tpu.memory_space<vmem>> -> memref<64xi32, #tpu.memory_space<vmem>>
    %dma_start3A_497 = arith.constant 0 : i32
    %dma_start3A_498 = arith.constant 0 : i32
    %dma_start3A_499 = tpu.memref_slice %arg5[%dma_start3A_497, %dma_start3A_498] : memref<1000000x128xf32, #tpu.memory_space<hbm>> -> memref<1000000x128xf32, #tpu.memory_space<hbm>>
    tpu.enqueue_indirect_dma source(%dma_start3A_499 : memref<1000000x128xf32, #tpu.memory_space<hbm>>) target(%arg18 : memref<64x128xf32, #tpu.memory_space<vmem>>) offsets(%dma_start3A_496 : memref<64xi32, #tpu.memory_space<vmem>>) semaphore(%arg24 : memref<!tpu.dma_semaphore, #tpu.memory_space<semaphore_mem>>)
    %dma_start3A_500 = arith.constant 2 : i32
    %dma_start3A_501 = arith.constant 0 : i32
    %dma_start3A_502 = tpu.memref_slice %arg10[%dma_start3A_500, %dma_start3A_501] : memref<8x64xi32, #tpu.memory_space<vmem>> -> memref<1x64xi32, #tpu.memory_space<vmem>>
    %dma_start3A_503 = tpu.memref_squeeze %dma_start3A_502 : memref<1x64xi32, #tpu.memory_space<vmem>> -> memref<64xi32, #tpu.memory_space<vmem>>
    %dma_start3A_504 = arith.constant 0 : i32
    %dma_start3A_505 = arith.constant 0 : i32
    %dma_start3A_506 = tpu.memref_slice %arg6[%dma_start3A_504, %dma_start3A_505] : memref<1000x128xf32, #tpu.memory_space<hbm>> -> memref<1000x128xf32, #tpu.memory_space<hbm>>
    tpu.enqueue_indirect_dma source(%dma_start3A_506 : memref<1000x128xf32, #tpu.memory_space<hbm>>) target(%arg19 : memref<64x128xf32, #tpu.memory_space<vmem>>) offsets(%dma_start3A_503 : memref<64xi32, #tpu.memory_space<vmem>>) semaphore(%arg24 : memref<!tpu.dma_semaphore, #tpu.memory_space<semaphore_mem>>)
    %dma_start3A_507 = arith.constant 2 : i32
    %dma_start3A_508 = arith.constant 0 : i32
    %dma_start3A_509 = tpu.memref_slice %arg11[%dma_start3A_507, %dma_start3A_508] : memref<8x64xi32, #tpu.memory_space<vmem>> -> memref<1x64xi32, #tpu.memory_space<vmem>>
    %dma_start3A_510 = tpu.memref_squeeze %dma_start3A_509 : memref<1x64xi32, #tpu.memory_space<vmem>> -> memref<64xi32, #tpu.memory_space<vmem>>
    %dma_start3A_511 = arith.constant 0 : i32
    %dma_start3A_512 = arith.constant 0 : i32
    %dma_start3A_513 = tpu.memref_slice %arg5[%dma_start3A_511, %dma_start3A_512] : memref<1000000x128xf32, #tpu.memory_space<hbm>> -> memref<1000000x128xf32, #tpu.memory_space<hbm>>
    tpu.enqueue_indirect_dma source(%dma_start3A_513 : memref<1000000x128xf32, #tpu.memory_space<hbm>>) target(%arg20 : memref<64x128xf32, #tpu.memory_space<vmem>>) offsets(%dma_start3A_510 : memref<64xi32, #tpu.memory_space<vmem>>) semaphore(%arg24 : memref<!tpu.dma_semaphore, #tpu.memory_space<semaphore_mem>>)
    %dma_wait3A_514 = arith.constant 0 : i32
    %dma_wait3A_515 = arith.constant 0 : i32
    %dma_wait3A_516 = tpu.memref_slice %arg9[%dma_wait3A_514, %dma_wait3A_515] : memref<8x64xi32, #tpu.memory_space<vmem>> -> memref<1x64xi32, #tpu.memory_space<vmem>>
    %dma_wait3A_517 = tpu.memref_squeeze %dma_wait3A_516 : memref<1x64xi32, #tpu.memory_space<vmem>> -> memref<64xi32, #tpu.memory_space<vmem>>
    %dma_wait3A_518 = arith.constant 0 : i32
    %dma_wait3A_519 = arith.constant 0 : i32
    %dma_wait3A_520 = tpu.memref_slice %arg5[%dma_wait3A_518, %dma_wait3A_519] : memref<1000000x128xf32, #tpu.memory_space<hbm>> -> memref<1000000x128xf32, #tpu.memory_space<hbm>>
    tpu.wait_indirect_dma semaphore(%arg22 : memref<!tpu.dma_semaphore, #tpu.memory_space<semaphore_mem>>) src(%dma_wait3A_520 : memref<1000000x128xf32, #tpu.memory_space<hbm>>) dst(%arg12 : memref<64x128xf32, #tpu.memory_space<vmem>>)
    %dma_wait3A_521 = arith.constant 0 : i32
    %dma_wait3A_522 = arith.constant 0 : i32
    %dma_wait3A_523 = tpu.memref_slice %arg10[%dma_wait3A_521, %dma_wait3A_522] : memref<8x64xi32, #tpu.memory_space<vmem>> -> memref<1x64xi32, #tpu.memory_space<vmem>>
    %dma_wait3A_524 = tpu.memref_squeeze %dma_wait3A_523 : memref<1x64xi32, #tpu.memory_space<vmem>> -> memref<64xi32, #tpu.memory_space<vmem>>
    %dma_wait3A_525 = arith.constant 0 : i32
    %dma_wait3A_526 = arith.constant 0 : i32
    %dma_wait3A_527 = tpu.memref_slice %arg6[%dma_wait3A_525, %dma_wait3A_526] : memref<1000x128xf32, #tpu.memory_space<hbm>> -> memref<1000x128xf32, #tpu.memory_space<hbm>>
    tpu.wait_indirect_dma semaphore(%arg22 : memref<!tpu.dma_semaphore, #tpu.memory_space<semaphore_mem>>) src(%dma_wait3A_527 : memref<1000x128xf32, #tpu.memory_space<hbm>>) dst(%arg13 : memref<64x128xf32, #tpu.memory_space<vmem>>)
    %dma_wait3A_528 = arith.constant 0 : i32
    %dma_wait3A_529 = arith.constant 0 : i32
    %dma_wait3A_530 = tpu.memref_slice %arg11[%dma_wait3A_528, %dma_wait3A_529] : memref<8x64xi32, #tpu.memory_space<vmem>> -> memref<1x64xi32, #tpu.memory_space<vmem>>
    %dma_wait3A_531 = tpu.memref_squeeze %dma_wait3A_530 : memref<1x64xi32, #tpu.memory_space<vmem>> -> memref<64xi32, #tpu.memory_space<vmem>>
    %dma_wait3A_532 = arith.constant 0 : i32
    %dma_wait3A_533 = arith.constant 0 : i32
    %dma_wait3A_534 = tpu.memref_slice %arg5[%dma_wait3A_532, %dma_wait3A_533] : memref<1000000x128xf32, #tpu.memory_space<hbm>> -> memref<1000000x128xf32, #tpu.memory_space<hbm>>
    tpu.wait_indirect_dma semaphore(%arg22 : memref<!tpu.dma_semaphore, #tpu.memory_space<semaphore_mem>>) src(%dma_wait3A_534 : memref<1000000x128xf32, #tpu.memory_space<hbm>>) dst(%arg14 : memref<64x128xf32, #tpu.memory_space<vmem>>)
    %dma_start3A_535 = arith.constant 0 : i32
    %dma_start3A_536 = tpu.memref_slice %arg8[%add3A_492, %dma_start3A_535] : memref<16384x128xf32, #tpu.memory_space<hbm>> -> memref<64x128xf32, #tpu.memory_space<hbm>>
    %dma_start3A_537 = arith.constant 0 : i32
    %dma_start3A_538 = tpu.memref_slice %arg8[%add3A_492, %dma_start3A_537] : memref<16384x128xf32, #tpu.memory_space<hbm>> -> memref<64x128xf32, #tpu.memory_space<hbm>>
    tpu.enqueue_dma source(%arg14 : memref<64x128xf32, #tpu.memory_space<vmem>>) target(%dma_start3A_538 : memref<64x128xf32, #tpu.memory_space<hbm>>) target_semaphore(%arg25 : memref<!tpu.dma_semaphore, #tpu.memory_space<semaphore_mem>>)
    %scan3A = arith.constant 0 : i32
    %scan3A_539 = arith.constant 0 : i32
    %scan3A_540 = arith.constant 64 : i32
    %scan3A_541 = arith.addi %scan3A_539, %scan3A_540 : i32
    %scan3A_542 = arith.constant 2 : i32
    scf.for %scan3A_976 = %scan3A_539 to %scan3A_541 step %scan3A_542  : i32 {
      %get3A = arith.index_cast %scan3A_976 : i32 to index
      %get3A_977 = arith.constant 0 : index
      %get3A_978 = tpu.vector_load %arg12[%get3A, %get3A_977] {strides = array<i32>} : memref<64x128xf32, #tpu.memory_space<vmem>>, vector<1x16xf32>,
      %get3A_979 = vector.shape_cast %get3A_978 : vector<1x16xf32> to vector<16xf32>
      %get3A_980 = arith.index_cast %scan3A_976 : i32 to index
      %get3A_981 = arith.constant 0 : index
      %get3A_982 = tpu.vector_load %arg13[%get3A_980, %get3A_981] {strides = array<i32>} : memref<64x128xf32, #tpu.memory_space<vmem>>, vector<1x16xf32>,
      %get3A_983 = vector.shape_cast %get3A_982 : vector<1x16xf32> to vector<16xf32>
      %mul3A_984 = arith.mulf %get3A_979, %get3A_983 : vector<16xf32>
      %swap3A = arith.index_cast %scan3A_976 : i32 to index
      %swap3A_985 = arith.constant 0 : index
      %swap3A_986 = tpu.vector_load %arg12[%swap3A, %swap3A_985] {strides = array<i32>} : memref<64x128xf32, #tpu.memory_space<vmem>>, vector<1x16xf32>,
      %swap3A_987 = vector.shape_cast %swap3A_986 : vector<1x16xf32> to vector<16xf32>
      %swap3A_988 = vector.shape_cast %mul3A_984 : vector<16xf32> to vector<1x16xf32>
      tpu.vector_store %arg12[%swap3A, %swap3A_985], %swap3A_988 {strides = array<i32>} : memref<64x128xf32, #tpu.memory_space<vmem>>, vector<1x16xf32>,
      %get3A_989 = arith.index_cast %scan3A_976 : i32 to index
      %get3A_990 = arith.constant 16 : index
      %get3A_991 = tpu.vector_load %arg12[%get3A_989, %get3A_990] {strides = array<i32>} : memref<64x128xf32, #tpu.memory_space<vmem>>, vector<1x16xf32>,
      %get3A_992 = vector.shape_cast %get3A_991 : vector<1x16xf32> to vector<16xf32>
      %get3A_993 = arith.index_cast %scan3A_976 : i32 to index
      %get3A_994 = arith.constant 16 : index
      %get3A_995 = tpu.vector_load %arg13[%get3A_993, %get3A_994] {strides = array<i32>} : memref<64x128xf32, #tpu.memory_space<vmem>>, vector<1x16xf32>,
      %get3A_996 = vector.shape_cast %get3A_995 : vector<1x16xf32> to vector<16xf32>
      %mul3A_997 = arith.mulf %get3A_992, %get3A_996 : vector<16xf32>
      %swap3A_998 = arith.index_cast %scan3A_976 : i32 to index
      %swap3A_999 = arith.constant 16 : index
      %swap3A_1000 = tpu.vector_load %arg12[%swap3A_998, %swap3A_999] {strides = array<i32>} : memref<64x128xf32, #tpu.memory_space<vmem>>, vector<1x16xf32>,
      %swap3A_1001 = vector.shape_cast %swap3A_1000 : vector<1x16xf32> to vector<16xf32>
      %swap3A_1002 = vector.shape_cast %mul3A_997 : vector<16xf32> to vector<1x16xf32>
      tpu.vector_store %arg12[%swap3A_998, %swap3A_999], %swap3A_1002 {strides = array<i32>} : memref<64x128xf32, #tpu.memory_space<vmem>>, vector<1x16xf32>,
      %get3A_1003 = arith.index_cast %scan3A_976 : i32 to index
      %get3A_1004 = arith.constant 32 : index
      %get3A_1005 = tpu.vector_load %arg12[%get3A_1003, %get3A_1004] {strides = array<i32>} : memref<64x128xf32, #tpu.memory_space<vmem>>, vector<1x16xf32>,
      %get3A_1006 = vector.shape_cast %get3A_1005 : vector<1x16xf32> to vector<16xf32>
      %get3A_1007 = arith.index_cast %scan3A_976 : i32 to index
      %get3A_1008 = arith.constant 32 : index
      %get3A_1009 = tpu.vector_load %arg13[%get3A_1007, %get3A_1008] {strides = array<i32>} : memref<64x128xf32, #tpu.memory_space<vmem>>, vector<1x16xf32>,
      %get3A_1010 = vector.shape_cast %get3A_1009 : vector<1x16xf32> to vector<16xf32>
      %mul3A_1011 = arith.mulf %get3A_1006, %get3A_1010 : vector<16xf32>
      %swap3A_1012 = arith.index_cast %scan3A_976 : i32 to index
      %swap3A_1013 = arith.constant 32 : index
      %swap3A_1014 = tpu.vector_load %arg12[%swap3A_1012, %swap3A_1013] {strides = array<i32>} : memref<64x128xf32, #tpu.memory_space<vmem>>, vector<1x16xf32>,
      %swap3A_1015 = vector.shape_cast %swap3A_1014 : vector<1x16xf32> to vector<16xf32>
      %swap3A_1016 = vector.shape_cast %mul3A_1011 : vector<16xf32> to vector<1x16xf32>
      tpu.vector_store %arg12[%swap3A_1012, %swap3A_1013], %swap3A_1016 {strides = array<i32>} : memref<64x128xf32, #tpu.memory_space<vmem>>, vector<1x16xf32>,
      %get3A_1017 = arith.index_cast %scan3A_976 : i32 to index
      %get3A_1018 = arith.constant 48 : index
      %get3A_1019 = tpu.vector_load %arg12[%get3A_1017, %get3A_1018] {strides = array<i32>} : memref<64x128xf32, #tpu.memory_space<vmem>>, vector<1x16xf32>,
      %get3A_1020 = vector.shape_cast %get3A_1019 : vector<1x16xf32> to vector<16xf32>
      %get3A_1021 = arith.index_cast %scan3A_976 : i32 to index
      %get3A_1022 = arith.constant 48 : index
      %get3A_1023 = tpu.vector_load %arg13[%get3A_1021, %get3A_1022] {strides = array<i32>} : memref<64x128xf32, #tpu.memory_space<vmem>>, vector<1x16xf32>,
      %get3A_1024 = vector.shape_cast %get3A_1023 : vector<1x16xf32> to vector<16xf32>
      %mul3A_1025 = arith.mulf %get3A_1020, %get3A_1024 : vector<16xf32>
      %swap3A_1026 = arith.index_cast %scan3A_976 : i32 to index
      %swap3A_1027 = arith.constant 48 : index
      %swap3A_1028 = tpu.vector_load %arg12[%swap3A_1026, %swap3A_1027] {strides = array<i32>} : memref<64x128xf32, #tpu.memory_space<vmem>>, vector<1x16xf32>,
      %swap3A_1029 = vector.shape_cast %swap3A_1028 : vector<1x16xf32> to vector<16xf32>
      %swap3A_1030 = vector.shape_cast %mul3A_1025 : vector<16xf32> to vector<1x16xf32>
      tpu.vector_store %arg12[%swap3A_1026, %swap3A_1027], %swap3A_1030 {strides = array<i32>} : memref<64x128xf32, #tpu.memory_space<vmem>>, vector<1x16xf32>,
      %get3A_1031 = arith.index_cast %scan3A_976 : i32 to index
      %get3A_1032 = arith.constant 64 : index
      %get3A_1033 = tpu.vector_load %arg12[%get3A_1031, %get3A_1032] {strides = array<i32>} : memref<64x128xf32, #tpu.memory_space<vmem>>, vector<1x16xf32>,
      %get3A_1034 = vector.shape_cast %get3A_1033 : vector<1x16xf32> to vector<16xf32>
      %get3A_1035 = arith.index_cast %scan3A_976 : i32 to index
      %get3A_1036 = arith.constant 64 : index
      %get3A_1037 = tpu.vector_load %arg13[%get3A_1035, %get3A_1036] {strides = array<i32>} : memref<64x128xf32, #tpu.memory_space<vmem>>, vector<1x16xf32>,
      %get3A_1038 = vector.shape_cast %get3A_1037 : vector<1x16xf32> to vector<16xf32>
      %mul3A_1039 = arith.mulf %get3A_1034, %get3A_1038 : vector<16xf32>
      %swap3A_1040 = arith.index_cast %scan3A_976 : i32 to index
      %swap3A_1041 = arith.constant 64 : index
      %swap3A_1042 = tpu.vector_load %arg12[%swap3A_1040, %swap3A_1041] {strides = array<i32>} : memref<64x128xf32, #tpu.memory_space<vmem>>, vector<1x16xf32>,
      %swap3A_1043 = vector.shape_cast %swap3A_1042 : vector<1x16xf32> to vector<16xf32>
      %swap3A_1044 = vector.shape_cast %mul3A_1039 : vector<16xf32> to vector<1x16xf32>
      tpu.vector_store %arg12[%swap3A_1040, %swap3A_1041], %swap3A_1044 {strides = array<i32>} : memref<64x128xf32, #tpu.memory_space<vmem>>, vector<1x16xf32>,
      %get3A_1045 = arith.index_cast %scan3A_976 : i32 to index
      %get3A_1046 = arith.constant 80 : index
      %get3A_1047 = tpu.vector_load %arg12[%get3A_1045, %get3A_1046] {strides = array<i32>} : memref<64x128xf32, #tpu.memory_space<vmem>>, vector<1x16xf32>,
      %get3A_1048 = vector.shape_cast %get3A_1047 : vector<1x16xf32> to vector<16xf32>
      %get3A_1049 = arith.index_cast %scan3A_976 : i32 to index
      %get3A_1050 = arith.constant 80 : index
      %get3A_1051 = tpu.vector_load %arg13[%get3A_1049, %get3A_1050] {strides = array<i32>} : memref<64x128xf32, #tpu.memory_space<vmem>>, vector<1x16xf32>,
      %get3A_1052 = vector.shape_cast %get3A_1051 : vector<1x16xf32> to vector<16xf32>
      %mul3A_1053 = arith.mulf %get3A_1048, %get3A_1052 : vector<16xf32>
      %swap3A_1054 = arith.index_cast %scan3A_976 : i32 to index
      %swap3A_1055 = arith.constant 80 : index
      %swap3A_1056 = tpu.vector_load %arg12[%swap3A_1054, %swap3A_1055] {strides = array<i32>} : memref<64x128xf32, #tpu.memory_space<vmem>>, vector<1x16xf32>,
      %swap3A_1057 = vector.shape_cast %swap3A_1056 : vector<1x16xf32> to vector<16xf32>
      %swap3A_1058 = vector.shape_cast %mul3A_1053 : vector<16xf32> to vector<1x16xf32>
      tpu.vector_store %arg12[%swap3A_1054, %swap3A_1055], %swap3A_1058 {strides = array<i32>} : memref<64x128xf32, #tpu.memory_space<vmem>>, vector<1x16xf32>,
      %get3A_1059 = arith.index_cast %scan3A_976 : i32 to index
      %get3A_1060 = arith.constant 96 : index
      %get3A_1061 = tpu.vector_load %arg12[%get3A_1059, %get3A_1060] {strides = array<i32>} : memref<64x128xf32, #tpu.memory_space<vmem>>, vector<1x16xf32>,
      %get3A_1062 = vector.shape_cast %get3A_1061 : vector<1x16xf32> to vector<16xf32>
      %get3A_1063 = arith.index_cast %scan3A_976 : i32 to index
      %get3A_1064 = arith.constant 96 : index
      %get3A_1065 = tpu.vector_load %arg13[%get3A_1063, %get3A_1064] {strides = array<i32>} : memref<64x128xf32, #tpu.memory_space<vmem>>, vector<1x16xf32>,
      %get3A_1066 = vector.shape_cast %get3A_1065 : vector<1x16xf32> to vector<16xf32>
      %mul3A_1067 = arith.mulf %get3A_1062, %get3A_1066 : vector<16xf32>
      %swap3A_1068 = arith.index_cast %scan3A_976 : i32 to index
      %swap3A_1069 = arith.constant 96 : index
      %swap3A_1070 = tpu.vector_load %arg12[%swap3A_1068, %swap3A_1069] {strides = array<i32>} : memref<64x128xf32, #tpu.memory_space<vmem>>, vector<1x16xf32>,
      %swap3A_1071 = vector.shape_cast %swap3A_1070 : vector<1x16xf32> to vector<16xf32>
      %swap3A_1072 = vector.shape_cast %mul3A_1067 : vector<16xf32> to vector<1x16xf32>
      tpu.vector_store %arg12[%swap3A_1068, %swap3A_1069], %swap3A_1072 {strides = array<i32>} : memref<64x128xf32, #tpu.memory_space<vmem>>, vector<1x16xf32>,
      %get3A_1073 = arith.index_cast %scan3A_976 : i32 to index
      %get3A_1074 = arith.constant 112 : index
      %get3A_1075 = tpu.vector_load %arg12[%get3A_1073, %get3A_1074] {strides = array<i32>} : memref<64x128xf32, #tpu.memory_space<vmem>>, vector<1x16xf32>,
      %get3A_1076 = vector.shape_cast %get3A_1075 : vector<1x16xf32> to vector<16xf32>
      %get3A_1077 = arith.index_cast %scan3A_976 : i32 to index
      %get3A_1078 = arith.constant 112 : index
      %get3A_1079 = tpu.vector_load %arg13[%get3A_1077, %get3A_1078] {strides = array<i32>} : memref<64x128xf32, #tpu.memory_space<vmem>>, vector<1x16xf32>,
      %get3A_1080 = vector.shape_cast %get3A_1079 : vector<1x16xf32> to vector<16xf32>
      %mul3A_1081 = arith.mulf %get3A_1076, %get3A_1080 : vector<16xf32>
      %swap3A_1082 = arith.index_cast %scan3A_976 : i32 to index
      %swap3A_1083 = arith.constant 112 : index
      %swap3A_1084 = tpu.vector_load %arg12[%swap3A_1082, %swap3A_1083] {strides = array<i32>} : memref<64x128xf32, #tpu.memory_space<vmem>>, vector<1x16xf32>,
      %swap3A_1085 = vector.shape_cast %swap3A_1084 : vector<1x16xf32> to vector<16xf32>
      %swap3A_1086 = vector.shape_cast %mul3A_1081 : vector<16xf32> to vector<1x16xf32>
      tpu.vector_store %arg12[%swap3A_1082, %swap3A_1083], %swap3A_1086 {strides = array<i32>} : memref<64x128xf32, #tpu.memory_space<vmem>>, vector<1x16xf32>,
      %scan3A_1087 = arith.constant 1 : i32
      %scan3A_1088 = arith.addi %scan3A_976, %scan3A_1087 : i32
      %get3A_1089 = arith.index_cast %scan3A_1088 : i32 to index
      %get3A_1090 = arith.constant 0 : index
      %get3A_1091 = tpu.vector_load %arg12[%get3A_1089, %get3A_1090] {strides = array<i32>} : memref<64x128xf32, #tpu.memory_space<vmem>>, vector<1x16xf32>,
      %get3A_1092 = vector.shape_cast %get3A_1091 : vector<1x16xf32> to vector<16xf32>
      %get3A_1093 = arith.index_cast %scan3A_1088 : i32 to index
      %get3A_1094 = arith.constant 0 : index
      %get3A_1095 = tpu.vector_load %arg13[%get3A_1093, %get3A_1094] {strides = array<i32>} : memref<64x128xf32, #tpu.memory_space<vmem>>, vector<1x16xf32>,
      %get3A_1096 = vector.shape_cast %get3A_1095 : vector<1x16xf32> to vector<16xf32>
      %mul3A_1097 = arith.mulf %get3A_1092, %get3A_1096 : vector<16xf32>
      %swap3A_1098 = arith.index_cast %scan3A_1088 : i32 to index
      %swap3A_1099 = arith.constant 0 : index
      %swap3A_1100 = tpu.vector_load %arg12[%swap3A_1098, %swap3A_1099] {strides = array<i32>} : memref<64x128xf32, #tpu.memory_space<vmem>>, vector<1x16xf32>,
      %swap3A_1101 = vector.shape_cast %swap3A_1100 : vector<1x16xf32> to vector<16xf32>
      %swap3A_1102 = vector.shape_cast %mul3A_1097 : vector<16xf32> to vector<1x16xf32>
      tpu.vector_store %arg12[%swap3A_1098, %swap3A_1099], %swap3A_1102 {strides = array<i32>} : memref<64x128xf32, #tpu.memory_space<vmem>>, vector<1x16xf32>,
      %get3A_1103 = arith.index_cast %scan3A_1088 : i32 to index
      %get3A_1104 = arith.constant 16 : index
      %get3A_1105 = tpu.vector_load %arg12[%get3A_1103, %get3A_1104] {strides = array<i32>} : memref<64x128xf32, #tpu.memory_space<vmem>>, vector<1x16xf32>,
      %get3A_1106 = vector.shape_cast %get3A_1105 : vector<1x16xf32> to vector<16xf32>
      %get3A_1107 = arith.index_cast %scan3A_1088 : i32 to index
      %get3A_1108 = arith.constant 16 : index
      %get3A_1109 = tpu.vector_load %arg13[%get3A_1107, %get3A_1108] {strides = array<i32>} : memref<64x128xf32, #tpu.memory_space<vmem>>, vector<1x16xf32>,
      %get3A_1110 = vector.shape_cast %get3A_1109 : vector<1x16xf32> to vector<16xf32>
      %mul3A_1111 = arith.mulf %get3A_1106, %get3A_1110 : vector<16xf32>
      %swap3A_1112 = arith.index_cast %scan3A_1088 : i32 to index
      %swap3A_1113 = arith.constant 16 : index
      %swap3A_1114 = tpu.vector_load %arg12[%swap3A_1112, %swap3A_1113] {strides = array<i32>} : memref<64x128xf32, #tpu.memory_space<vmem>>, vector<1x16xf32>,
      %swap3A_1115 = vector.shape_cast %swap3A_1114 : vector<1x16xf32> to vector<16xf32>
      %swap3A_1116 = vector.shape_cast %mul3A_1111 : vector<16xf32> to vector<1x16xf32>
      tpu.vector_store %arg12[%swap3A_1112, %swap3A_1113], %swap3A_1116 {strides = array<i32>} : memref<64x128xf32, #tpu.memory_space<vmem>>, vector<1x16xf32>,
      %get3A_1117 = arith.index_cast %scan3A_1088 : i32 to index
      %get3A_1118 = arith.constant 32 : index
      %get3A_1119 = tpu.vector_load %arg12[%get3A_1117, %get3A_1118] {strides = array<i32>} : memref<64x128xf32, #tpu.memory_space<vmem>>, vector<1x16xf32>,
      %get3A_1120 = vector.shape_cast %get3A_1119 : vector<1x16xf32> to vector<16xf32>
      %get3A_1121 = arith.index_cast %scan3A_1088 : i32 to index
      %get3A_1122 = arith.constant 32 : index
      %get3A_1123 = tpu.vector_load %arg13[%get3A_1121, %get3A_1122] {strides = array<i32>} : memref<64x128xf32, #tpu.memory_space<vmem>>, vector<1x16xf32>,
      %get3A_1124 = vector.shape_cast %get3A_1123 : vector<1x16xf32> to vector<16xf32>
      %mul3A_1125 = arith.mulf %get3A_1120, %get3A_1124 : vector<16xf32>
      %swap3A_1126 = arith.index_cast %scan3A_1088 : i32 to index
      %swap3A_1127 = arith.constant 32 : index
      %swap3A_1128 = tpu.vector_load %arg12[%swap3A_1126, %swap3A_1127] {strides = array<i32>} : memref<64x128xf32, #tpu.memory_space<vmem>>, vector<1x16xf32>,
      %swap3A_1129 = vector.shape_cast %swap3A_1128 : vector<1x16xf32> to vector<16xf32>
      %swap3A_1130 = vector.shape_cast %mul3A_1125 : vector<16xf32> to vector<1x16xf32>
      tpu.vector_store %arg12[%swap3A_1126, %swap3A_1127], %swap3A_1130 {strides = array<i32>} : memref<64x128xf32, #tpu.memory_space<vmem>>, vector<1x16xf32>,
      %get3A_1131 = arith.index_cast %scan3A_1088 : i32 to index
      %get3A_1132 = arith.constant 48 : index
      %get3A_1133 = tpu.vector_load %arg12[%get3A_1131, %get3A_1132] {strides = array<i32>} : memref<64x128xf32, #tpu.memory_space<vmem>>, vector<1x16xf32>,
      %get3A_1134 = vector.shape_cast %get3A_1133 : vector<1x16xf32> to vector<16xf32>
      %get3A_1135 = arith.index_cast %scan3A_1088 : i32 to index
      %get3A_1136 = arith.constant 48 : index
      %get3A_1137 = tpu.vector_load %arg13[%get3A_1135, %get3A_1136] {strides = array<i32>} : memref<64x128xf32, #tpu.memory_space<vmem>>, vector<1x16xf32>,
      %get3A_1138 = vector.shape_cast %get3A_1137 : vector<1x16xf32> to vector<16xf32>
      %mul3A_1139 = arith.mulf %get3A_1134, %get3A_1138 : vector<16xf32>
      %swap3A_1140 = arith.index_cast %scan3A_1088 : i32 to index
      %swap3A_1141 = arith.constant 48 : index
      %swap3A_1142 = tpu.vector_load %arg12[%swap3A_1140, %swap3A_1141] {strides = array<i32>} : memref<64x128xf32, #tpu.memory_space<vmem>>, vector<1x16xf32>,
      %swap3A_1143 = vector.shape_cast %swap3A_1142 : vector<1x16xf32> to vector<16xf32>
      %swap3A_1144 = vector.shape_cast %mul3A_1139 : vector<16xf32> to vector<1x16xf32>
      tpu.vector_store %arg12[%swap3A_1140, %swap3A_1141], %swap3A_1144 {strides = array<i32>} : memref<64x128xf32, #tpu.memory_space<vmem>>, vector<1x16xf32>,
      %get3A_1145 = arith.index_cast %scan3A_1088 : i32 to index
      %get3A_1146 = arith.constant 64 : index
      %get3A_1147 = tpu.vector_load %arg12[%get3A_1145, %get3A_1146] {strides = array<i32>} : memref<64x128xf32, #tpu.memory_space<vmem>>, vector<1x16xf32>,
      %get3A_1148 = vector.shape_cast %get3A_1147 : vector<1x16xf32> to vector<16xf32>
      %get3A_1149 = arith.index_cast %scan3A_1088 : i32 to index
      %get3A_1150 = arith.constant 64 : index
      %get3A_1151 = tpu.vector_load %arg13[%get3A_1149, %get3A_1150] {strides = array<i32>} : memref<64x128xf32, #tpu.memory_space<vmem>>, vector<1x16xf32>,
      %get3A_1152 = vector.shape_cast %get3A_1151 : vector<1x16xf32> to vector<16xf32>
      %mul3A_1153 = arith.mulf %get3A_1148, %get3A_1152 : vector<16xf32>
      %swap3A_1154 = arith.index_cast %scan3A_1088 : i32 to index
      %swap3A_1155 = arith.constant 64 : index
      %swap3A_1156 = tpu.vector_load %arg12[%swap3A_1154, %swap3A_1155] {strides = array<i32>} : memref<64x128xf32, #tpu.memory_space<vmem>>, vector<1x16xf32>,
      %swap3A_1157 = vector.shape_cast %swap3A_1156 : vector<1x16xf32> to vector<16xf32>
      %swap3A_1158 = vector.shape_cast %mul3A_1153 : vector<16xf32> to vector<1x16xf32>
      tpu.vector_store %arg12[%swap3A_1154, %swap3A_1155], %swap3A_1158 {strides = array<i32>} : memref<64x128xf32, #tpu.memory_space<vmem>>, vector<1x16xf32>,
      %get3A_1159 = arith.index_cast %scan3A_1088 : i32 to index
      %get3A_1160 = arith.constant 80 : index
      %get3A_1161 = tpu.vector_load %arg12[%get3A_1159, %get3A_1160] {strides = array<i32>} : memref<64x128xf32, #tpu.memory_space<vmem>>, vector<1x16xf32>,
      %get3A_1162 = vector.shape_cast %get3A_1161 : vector<1x16xf32> to vector<16xf32>
      %get3A_1163 = arith.index_cast %scan3A_1088 : i32 to index
      %get3A_1164 = arith.constant 80 : index
      %get3A_1165 = tpu.vector_load %arg13[%get3A_1163, %get3A_1164] {strides = array<i32>} : memref<64x128xf32, #tpu.memory_space<vmem>>, vector<1x16xf32>,
      %get3A_1166 = vector.shape_cast %get3A_1165 : vector<1x16xf32> to vector<16xf32>
      %mul3A_1167 = arith.mulf %get3A_1162, %get3A_1166 : vector<16xf32>
      %swap3A_1168 = arith.index_cast %scan3A_1088 : i32 to index
      %swap3A_1169 = arith.constant 80 : index
      %swap3A_1170 = tpu.vector_load %arg12[%swap3A_1168, %swap3A_1169] {strides = array<i32>} : memref<64x128xf32, #tpu.memory_space<vmem>>, vector<1x16xf32>,
      %swap3A_1171 = vector.shape_cast %swap3A_1170 : vector<1x16xf32> to vector<16xf32>
      %swap3A_1172 = vector.shape_cast %mul3A_1167 : vector<16xf32> to vector<1x16xf32>
      tpu.vector_store %arg12[%swap3A_1168, %swap3A_1169], %swap3A_1172 {strides = array<i32>} : memref<64x128xf32, #tpu.memory_space<vmem>>, vector<1x16xf32>,
      %get3A_1173 = arith.index_cast %scan3A_1088 : i32 to index
      %get3A_1174 = arith.constant 96 : index
      %get3A_1175 = tpu.vector_load %arg12[%get3A_1173, %get3A_1174] {strides = array<i32>} : memref<64x128xf32, #tpu.memory_space<vmem>>, vector<1x16xf32>,
      %get3A_1176 = vector.shape_cast %get3A_1175 : vector<1x16xf32> to vector<16xf32>
      %get3A_1177 = arith.index_cast %scan3A_1088 : i32 to index
      %get3A_1178 = arith.constant 96 : index
      %get3A_1179 = tpu.vector_load %arg13[%get3A_1177, %get3A_1178] {strides = array<i32>} : memref<64x128xf32, #tpu.memory_space<vmem>>, vector<1x16xf32>,
      %get3A_1180 = vector.shape_cast %get3A_1179 : vector<1x16xf32> to vector<16xf32>
      %mul3A_1181 = arith.mulf %get3A_1176, %get3A_1180 : vector<16xf32>
      %swap3A_1182 = arith.index_cast %scan3A_1088 : i32 to index
      %swap3A_1183 = arith.constant 96 : index
      %swap3A_1184 = tpu.vector_load %arg12[%swap3A_1182, %swap3A_1183] {strides = array<i32>} : memref<64x128xf32, #tpu.memory_space<vmem>>, vector<1x16xf32>,
      %swap3A_1185 = vector.shape_cast %swap3A_1184 : vector<1x16xf32> to vector<16xf32>
      %swap3A_1186 = vector.shape_cast %mul3A_1181 : vector<16xf32> to vector<1x16xf32>
      tpu.vector_store %arg12[%swap3A_1182, %swap3A_1183], %swap3A_1186 {strides = array<i32>} : memref<64x128xf32, #tpu.memory_space<vmem>>, vector<1x16xf32>,
      %get3A_1187 = arith.index_cast %scan3A_1088 : i32 to index
      %get3A_1188 = arith.constant 112 : index
      %get3A_1189 = tpu.vector_load %arg12[%get3A_1187, %get3A_1188] {strides = array<i32>} : memref<64x128xf32, #tpu.memory_space<vmem>>, vector<1x16xf32>,
      %get3A_1190 = vector.shape_cast %get3A_1189 : vector<1x16xf32> to vector<16xf32>
      %get3A_1191 = arith.index_cast %scan3A_1088 : i32 to index
      %get3A_1192 = arith.constant 112 : index
      %get3A_1193 = tpu.vector_load %arg13[%get3A_1191, %get3A_1192] {strides = array<i32>} : memref<64x128xf32, #tpu.memory_space<vmem>>, vector<1x16xf32>,
      %get3A_1194 = vector.shape_cast %get3A_1193 : vector<1x16xf32> to vector<16xf32>
      %mul3A_1195 = arith.mulf %get3A_1190, %get3A_1194 : vector<16xf32>
      %swap3A_1196 = arith.index_cast %scan3A_1088 : i32 to index
      %swap3A_1197 = arith.constant 112 : index
      %swap3A_1198 = tpu.vector_load %arg12[%swap3A_1196, %swap3A_1197] {strides = array<i32>} : memref<64x128xf32, #tpu.memory_space<vmem>>, vector<1x16xf32>,
      %swap3A_1199 = vector.shape_cast %swap3A_1198 : vector<1x16xf32> to vector<16xf32>
      %swap3A_1200 = vector.shape_cast %mul3A_1195 : vector<16xf32> to vector<1x16xf32>
      tpu.vector_store %arg12[%swap3A_1196, %swap3A_1197], %swap3A_1200 {strides = array<i32>} : memref<64x128xf32, #tpu.memory_space<vmem>>, vector<1x16xf32>,
    }
    %scan3A_543 = arith.constant 64 : i32
    %dma_start3A_544 = arith.constant 0 : i32
    %dma_start3A_545 = tpu.memref_slice %arg7[%add3A_492, %dma_start3A_544] : memref<16384x128xf32, #tpu.memory_space<hbm>> -> memref<64x128xf32, #tpu.memory_space<hbm>>
    %dma_start3A_546 = arith.constant 0 : i32
    %dma_start3A_547 = tpu.memref_slice %arg7[%add3A_492, %dma_start3A_546] : memref<16384x128xf32, #tpu.memory_space<hbm>> -> memref<64x128xf32, #tpu.memory_space<hbm>>
    tpu.enqueue_dma source(%arg12 : memref<64x128xf32, #tpu.memory_space<vmem>>) target(%dma_start3A_547 : memref<64x128xf32, #tpu.memory_space<hbm>>) target_semaphore(%arg25 : memref<!tpu.dma_semaphore, #tpu.memory_space<semaphore_mem>>)
    %add3A_548 = arith.constant 64 : i32
    %add3A_549 = arith.addi %mul3A_2, %add3A_548 : i32
    %dma_wait3A_550 = arith.constant 0 : i32
    %dma_wait3A_551 = tpu.memref_slice %arg8[%add3A_492, %dma_wait3A_550] : memref<16384x128xf32, #tpu.memory_space<hbm>> -> memref<64x128xf32, #tpu.memory_space<hbm>>
    %dma_wait3A_552 = arith.constant 0 : i32
    %dma_wait3A_553 = tpu.memref_slice %arg8[%add3A_492, %dma_wait3A_552] : memref<16384x128xf32, #tpu.memory_space<hbm>> -> memref<64x128xf32, #tpu.memory_space<hbm>>
    tpu.wait_dma2 semaphore(%arg25 : memref<!tpu.dma_semaphore, #tpu.memory_space<semaphore_mem>>) src(%arg14 : memref<64x128xf32, #tpu.memory_space<vmem>>) dst(%dma_wait3A_553 : memref<64x128xf32, #tpu.memory_space<hbm>>)
    %dma_wait3A_554 = arith.constant 0 : i32
    %dma_wait3A_555 = tpu.memref_slice %arg7[%add3A_492, %dma_wait3A_554] : memref<16384x128xf32, #tpu.memory_space<hbm>> -> memref<64x128xf32, #tpu.memory_space<hbm>>
    %dma_wait3A_556 = arith.constant 0 : i32
    %dma_wait3A_557 = tpu.memref_slice %arg7[%add3A_492, %dma_wait3A_556] : memref<16384x128xf32, #tpu.memory_space<hbm>> -> memref<64x128xf32, #tpu.memory_space<hbm>>
    tpu.wait_dma2 semaphore(%arg25 : memref<!tpu.dma_semaphore, #tpu.memory_space<semaphore_mem>>) src(%arg12 : memref<64x128xf32, #tpu.memory_space<vmem>>) dst(%dma_wait3A_557 : memref<64x128xf32, #tpu.memory_space<hbm>>)
    %dma_start3A_558 = arith.constant 3 : i32
    %dma_start3A_559 = arith.constant 0 : i32
    %dma_start3A_560 = tpu.memref_slice %arg9[%dma_start3A_558, %dma_start3A_559] : memref<8x64xi32, #tpu.memory_space<vmem>> -> memref<1x64xi32, #tpu.memory_space<vmem>>
    %dma_start3A_561 = tpu.memref_squeeze %dma_start3A_560 : memref<1x64xi32, #tpu.memory_space<vmem>> -> memref<64xi32, #tpu.memory_space<vmem>>
    %dma_start3A_562 = arith.constant 0 : i32
    %dma_start3A_563 = arith.constant 0 : i32
    %dma_start3A_564 = tpu.memref_slice %arg5[%dma_start3A_562, %dma_start3A_563] : memref<1000000x128xf32, #tpu.memory_space<hbm>> -> memref<1000000x128xf32, #tpu.memory_space<hbm>>
    tpu.enqueue_indirect_dma source(%dma_start3A_564 : memref<1000000x128xf32, #tpu.memory_space<hbm>>) target(%arg12 : memref<64x128xf32, #tpu.memory_space<vmem>>) offsets(%dma_start3A_561 : memref<64xi32, #tpu.memory_space<vmem>>) semaphore(%arg22 : memref<!tpu.dma_semaphore, #tpu.memory_space<semaphore_mem>>)
    %dma_start3A_565 = arith.constant 3 : i32
    %dma_start3A_566 = arith.constant 0 : i32
    %dma_start3A_567 = tpu.memref_slice %arg10[%dma_start3A_565, %dma_start3A_566] : memref<8x64xi32, #tpu.memory_space<vmem>> -> memref<1x64xi32, #tpu.memory_space<vmem>>
    %dma_start3A_568 = tpu.memref_squeeze %dma_start3A_567 : memref<1x64xi32, #tpu.memory_space<vmem>> -> memref<64xi32, #tpu.memory_space<vmem>>
    %dma_start3A_569 = arith.constant 0 : i32
    %dma_start3A_570 = arith.constant 0 : i32
    %dma_start3A_571 = tpu.memref_slice %arg6[%dma_start3A_569, %dma_start3A_570] : memref<1000x128xf32, #tpu.memory_space<hbm>> -> memref<1000x128xf32, #tpu.memory_space<hbm>>
    tpu.enqueue_indirect_dma source(%dma_start3A_571 : memref<1000x128xf32, #tpu.memory_space<hbm>>) target(%arg13 : memref<64x128xf32, #tpu.memory_space<vmem>>) offsets(%dma_start3A_568 : memref<64xi32, #tpu.memory_space<vmem>>) semaphore(%arg22 : memref<!tpu.dma_semaphore, #tpu.memory_space<semaphore_mem>>)
    %dma_start3A_572 = arith.constant 3 : i32
    %dma_start3A_573 = arith.constant 0 : i32
    %dma_start3A_574 = tpu.memref_slice %arg11[%dma_start3A_572, %dma_start3A_573] : memref<8x64xi32, #tpu.memory_space<vmem>> -> memref<1x64xi32, #tpu.memory_space<vmem>>
    %dma_start3A_575 = tpu.memref_squeeze %dma_start3A_574 : memref<1x64xi32, #tpu.memory_space<vmem>> -> memref<64xi32, #tpu.memory_space<vmem>>
    %dma_start3A_576 = arith.constant 0 : i32
    %dma_start3A_577 = arith.constant 0 : i32
    %dma_start3A_578 = tpu.memref_slice %arg5[%dma_start3A_576, %dma_start3A_577] : memref<1000000x128xf32, #tpu.memory_space<hbm>> -> memref<1000000x128xf32, #tpu.memory_space<hbm>>
    tpu.enqueue_indirect_dma source(%dma_start3A_578 : memref<1000000x128xf32, #tpu.memory_space<hbm>>) target(%arg14 : memref<64x128xf32, #tpu.memory_space<vmem>>) offsets(%dma_start3A_575 : memref<64xi32, #tpu.memory_space<vmem>>) semaphore(%arg22 : memref<!tpu.dma_semaphore, #tpu.memory_space<semaphore_mem>>)
    %dma_wait3A_579 = arith.constant 1 : i32
    %dma_wait3A_580 = arith.constant 0 : i32
    %dma_wait3A_581 = tpu.memref_slice %arg9[%dma_wait3A_579, %dma_wait3A_580] : memref<8x64xi32, #tpu.memory_space<vmem>> -> memref<1x64xi32, #tpu.memory_space<vmem>>
    %dma_wait3A_582 = tpu.memref_squeeze %dma_wait3A_581 : memref<1x64xi32, #tpu.memory_space<vmem>> -> memref<64xi32, #tpu.memory_space<vmem>>
    %dma_wait3A_583 = arith.constant 0 : i32
    %dma_wait3A_584 = arith.constant 0 : i32
    %dma_wait3A_585 = tpu.memref_slice %arg5[%dma_wait3A_583, %dma_wait3A_584] : memref<1000000x128xf32, #tpu.memory_space<hbm>> -> memref<1000000x128xf32, #tpu.memory_space<hbm>>
    tpu.wait_indirect_dma semaphore(%arg23 : memref<!tpu.dma_semaphore, #tpu.memory_space<semaphore_mem>>) src(%dma_wait3A_585 : memref<1000000x128xf32, #tpu.memory_space<hbm>>) dst(%arg15 : memref<64x128xf32, #tpu.memory_space<vmem>>)
    %dma_wait3A_586 = arith.constant 1 : i32
    %dma_wait3A_587 = arith.constant 0 : i32
    %dma_wait3A_588 = tpu.memref_slice %arg10[%dma_wait3A_586, %dma_wait3A_587] : memref<8x64xi32, #tpu.memory_space<vmem>> -> memref<1x64xi32, #tpu.memory_space<vmem>>
    %dma_wait3A_589 = tpu.memref_squeeze %dma_wait3A_588 : memref<1x64xi32, #tpu.memory_space<vmem>> -> memref<64xi32, #tpu.memory_space<vmem>>
    %dma_wait3A_590 = arith.constant 0 : i32
    %dma_wait3A_591 = arith.constant 0 : i32
    %dma_wait3A_592 = tpu.memref_slice %arg6[%dma_wait3A_590, %dma_wait3A_591] : memref<1000x128xf32, #tpu.memory_space<hbm>> -> memref<1000x128xf32, #tpu.memory_space<hbm>>
    tpu.wait_indirect_dma semaphore(%arg23 : memref<!tpu.dma_semaphore, #tpu.memory_space<semaphore_mem>>) src(%dma_wait3A_592 : memref<1000x128xf32, #tpu.memory_space<hbm>>) dst(%arg16 : memref<64x128xf32, #tpu.memory_space<vmem>>)
    %dma_wait3A_593 = arith.constant 1 : i32
    %dma_wait3A_594 = arith.constant 0 : i32
    %dma_wait3A_595 = tpu.memref_slice %arg11[%dma_wait3A_593, %dma_wait3A_594] : memref<8x64xi32, #tpu.memory_space<vmem>> -> memref<1x64xi32, #tpu.memory_space<vmem>>
    %dma_wait3A_596 = tpu.memref_squeeze %dma_wait3A_595 : memref<1x64xi32, #tpu.memory_space<vmem>> -> memref<64xi32, #tpu.memory_space<vmem>>
    %dma_wait3A_597 = arith.constant 0 : i32
    %dma_wait3A_598 = arith.constant 0 : i32
    %dma_wait3A_599 = tpu.memref_slice %arg5[%dma_wait3A_597, %dma_wait3A_598] : memref<1000000x128xf32, #tpu.memory_space<hbm>> -> memref<1000000x128xf32, #tpu.memory_space<hbm>>
    tpu.wait_indirect_dma semaphore(%arg23 : memref<!tpu.dma_semaphore, #tpu.memory_space<semaphore_mem>>) src(%dma_wait3A_599 : memref<1000000x128xf32, #tpu.memory_space<hbm>>) dst(%arg17 : memref<64x128xf32, #tpu.memory_space<vmem>>)
    %dma_start3A_600 = arith.constant 0 : i32
    %dma_start3A_601 = tpu.memref_slice %arg8[%add3A_549, %dma_start3A_600] : memref<16384x128xf32, #tpu.memory_space<hbm>> -> memref<64x128xf32, #tpu.memory_space<hbm>>
    %dma_start3A_602 = arith.constant 0 : i32
    %dma_start3A_603 = tpu.memref_slice %arg8[%add3A_549, %dma_start3A_602] : memref<16384x128xf32, #tpu.memory_space<hbm>> -> memref<64x128xf32, #tpu.memory_space<hbm>>
    tpu.enqueue_dma source(%arg17 : memref<64x128xf32, #tpu.memory_space<vmem>>) target(%dma_start3A_603 : memref<64x128xf32, #tpu.memory_space<hbm>>) target_semaphore(%arg26 : memref<!tpu.dma_semaphore, #tpu.memory_space<semaphore_mem>>)
    %scan3A_604 = arith.constant 0 : i32
    %scan3A_605 = arith.constant 0 : i32
    %scan3A_606 = arith.constant 64 : i32
    %scan3A_607 = arith.addi %scan3A_605, %scan3A_606 : i32
    %scan3A_608 = arith.constant 2 : i32
    scf.for %scan3A_976 = %scan3A_605 to %scan3A_607 step %scan3A_608  : i32 {
      %get3A = arith.index_cast %scan3A_976 : i32 to index
      %get3A_977 = arith.constant 0 : index
      %get3A_978 = tpu.vector_load %arg15[%get3A, %get3A_977] {strides = array<i32>} : memref<64x128xf32, #tpu.memory_space<vmem>>, vector<1x16xf32>,
      %get3A_979 = vector.shape_cast %get3A_978 : vector<1x16xf32> to vector<16xf32>
      %get3A_980 = arith.index_cast %scan3A_976 : i32 to index
      %get3A_981 = arith.constant 0 : index
      %get3A_982 = tpu.vector_load %arg16[%get3A_980, %get3A_981] {strides = array<i32>} : memref<64x128xf32, #tpu.memory_space<vmem>>, vector<1x16xf32>,
      %get3A_983 = vector.shape_cast %get3A_982 : vector<1x16xf32> to vector<16xf32>
      %mul3A_984 = arith.mulf %get3A_979, %get3A_983 : vector<16xf32>
      %swap3A = arith.index_cast %scan3A_976 : i32 to index
      %swap3A_985 = arith.constant 0 : index
      %swap3A_986 = tpu.vector_load %arg15[%swap3A, %swap3A_985] {strides = array<i32>} : memref<64x128xf32, #tpu.memory_space<vmem>>, vector<1x16xf32>,
      %swap3A_987 = vector.shape_cast %swap3A_986 : vector<1x16xf32> to vector<16xf32>
      %swap3A_988 = vector.shape_cast %mul3A_984 : vector<16xf32> to vector<1x16xf32>
      tpu.vector_store %arg15[%swap3A, %swap3A_985], %swap3A_988 {strides = array<i32>} : memref<64x128xf32, #tpu.memory_space<vmem>>, vector<1x16xf32>,
      %get3A_989 = arith.index_cast %scan3A_976 : i32 to index
      %get3A_990 = arith.constant 16 : index
      %get3A_991 = tpu.vector_load %arg15[%get3A_989, %get3A_990] {strides = array<i32>} : memref<64x128xf32, #tpu.memory_space<vmem>>, vector<1x16xf32>,
      %get3A_992 = vector.shape_cast %get3A_991 : vector<1x16xf32> to vector<16xf32>
      %get3A_993 = arith.index_cast %scan3A_976 : i32 to index
      %get3A_994 = arith.constant 16 : index
      %get3A_995 = tpu.vector_load %arg16[%get3A_993, %get3A_994] {strides = array<i32>} : memref<64x128xf32, #tpu.memory_space<vmem>>, vector<1x16xf32>,
      %get3A_996 = vector.shape_cast %get3A_995 : vector<1x16xf32> to vector<16xf32>
      %mul3A_997 = arith.mulf %get3A_992, %get3A_996 : vector<16xf32>
      %swap3A_998 = arith.index_cast %scan3A_976 : i32 to index
      %swap3A_999 = arith.constant 16 : index
      %swap3A_1000 = tpu.vector_load %arg15[%swap3A_998, %swap3A_999] {strides = array<i32>} : memref<64x128xf32, #tpu.memory_space<vmem>>, vector<1x16xf32>,
      %swap3A_1001 = vector.shape_cast %swap3A_1000 : vector<1x16xf32> to vector<16xf32>
      %swap3A_1002 = vector.shape_cast %mul3A_997 : vector<16xf32> to vector<1x16xf32>
      tpu.vector_store %arg15[%swap3A_998, %swap3A_999], %swap3A_1002 {strides = array<i32>} : memref<64x128xf32, #tpu.memory_space<vmem>>, vector<1x16xf32>,
      %get3A_1003 = arith.index_cast %scan3A_976 : i32 to index
      %get3A_1004 = arith.constant 32 : index
      %get3A_1005 = tpu.vector_load %arg15[%get3A_1003, %get3A_1004] {strides = array<i32>} : memref<64x128xf32, #tpu.memory_space<vmem>>, vector<1x16xf32>,
      %get3A_1006 = vector.shape_cast %get3A_1005 : vector<1x16xf32> to vector<16xf32>
      %get3A_1007 = arith.index_cast %scan3A_976 : i32 to index
      %get3A_1008 = arith.constant 32 : index
      %get3A_1009 = tpu.vector_load %arg16[%get3A_1007, %get3A_1008] {strides = array<i32>} : memref<64x128xf32, #tpu.memory_space<vmem>>, vector<1x16xf32>,
      %get3A_1010 = vector.shape_cast %get3A_1009 : vector<1x16xf32> to vector<16xf32>
      %mul3A_1011 = arith.mulf %get3A_1006, %get3A_1010 : vector<16xf32>
      %swap3A_1012 = arith.index_cast %scan3A_976 : i32 to index
      %swap3A_1013 = arith.constant 32 : index
      %swap3A_1014 = tpu.vector_load %arg15[%swap3A_1012, %swap3A_1013] {strides = array<i32>} : memref<64x128xf32, #tpu.memory_space<vmem>>, vector<1x16xf32>,
      %swap3A_1015 = vector.shape_cast %swap3A_1014 : vector<1x16xf32> to vector<16xf32>
      %swap3A_1016 = vector.shape_cast %mul3A_1011 : vector<16xf32> to vector<1x16xf32>
      tpu.vector_store %arg15[%swap3A_1012, %swap3A_1013], %swap3A_1016 {strides = array<i32>} : memref<64x128xf32, #tpu.memory_space<vmem>>, vector<1x16xf32>,
      %get3A_1017 = arith.index_cast %scan3A_976 : i32 to index
      %get3A_1018 = arith.constant 48 : index
      %get3A_1019 = tpu.vector_load %arg15[%get3A_1017, %get3A_1018] {strides = array<i32>} : memref<64x128xf32, #tpu.memory_space<vmem>>, vector<1x16xf32>,
      %get3A_1020 = vector.shape_cast %get3A_1019 : vector<1x16xf32> to vector<16xf32>
      %get3A_1021 = arith.index_cast %scan3A_976 : i32 to index
      %get3A_1022 = arith.constant 48 : index
      %get3A_1023 = tpu.vector_load %arg16[%get3A_1021, %get3A_1022] {strides = array<i32>} : memref<64x128xf32, #tpu.memory_space<vmem>>, vector<1x16xf32>,
      %get3A_1024 = vector.shape_cast %get3A_1023 : vector<1x16xf32> to vector<16xf32>
      %mul3A_1025 = arith.mulf %get3A_1020, %get3A_1024 : vector<16xf32>
      %swap3A_1026 = arith.index_cast %scan3A_976 : i32 to index
      %swap3A_1027 = arith.constant 48 : index
      %swap3A_1028 = tpu.vector_load %arg15[%swap3A_1026, %swap3A_1027] {strides = array<i32>} : memref<64x128xf32, #tpu.memory_space<vmem>>, vector<1x16xf32>,
      %swap3A_1029 = vector.shape_cast %swap3A_1028 : vector<1x16xf32> to vector<16xf32>
      %swap3A_1030 = vector.shape_cast %mul3A_1025 : vector<16xf32> to vector<1x16xf32>
      tpu.vector_store %arg15[%swap3A_1026, %swap3A_1027], %swap3A_1030 {strides = array<i32>} : memref<64x128xf32, #tpu.memory_space<vmem>>, vector<1x16xf32>,
      %get3A_1031 = arith.index_cast %scan3A_976 : i32 to index
      %get3A_1032 = arith.constant 64 : index
      %get3A_1033 = tpu.vector_load %arg15[%get3A_1031, %get3A_1032] {strides = array<i32>} : memref<64x128xf32, #tpu.memory_space<vmem>>, vector<1x16xf32>,
      %get3A_1034 = vector.shape_cast %get3A_1033 : vector<1x16xf32> to vector<16xf32>
      %get3A_1035 = arith.index_cast %scan3A_976 : i32 to index
      %get3A_1036 = arith.constant 64 : index
      %get3A_1037 = tpu.vector_load %arg16[%get3A_1035, %get3A_1036] {strides = array<i32>} : memref<64x128xf32, #tpu.memory_space<vmem>>, vector<1x16xf32>,
      %get3A_1038 = vector.shape_cast %get3A_1037 : vector<1x16xf32> to vector<16xf32>
      %mul3A_1039 = arith.mulf %get3A_1034, %get3A_1038 : vector<16xf32>
      %swap3A_1040 = arith.index_cast %scan3A_976 : i32 to index
      %swap3A_1041 = arith.constant 64 : index
      %swap3A_1042 = tpu.vector_load %arg15[%swap3A_1040, %swap3A_1041] {strides = array<i32>} : memref<64x128xf32, #tpu.memory_space<vmem>>, vector<1x16xf32>,
      %swap3A_1043 = vector.shape_cast %swap3A_1042 : vector<1x16xf32> to vector<16xf32>
      %swap3A_1044 = vector.shape_cast %mul3A_1039 : vector<16xf32> to vector<1x16xf32>
      tpu.vector_store %arg15[%swap3A_1040, %swap3A_1041], %swap3A_1044 {strides = array<i32>} : memref<64x128xf32, #tpu.memory_space<vmem>>, vector<1x16xf32>,
      %get3A_1045 = arith.index_cast %scan3A_976 : i32 to index
      %get3A_1046 = arith.constant 80 : index
      %get3A_1047 = tpu.vector_load %arg15[%get3A_1045, %get3A_1046] {strides = array<i32>} : memref<64x128xf32, #tpu.memory_space<vmem>>, vector<1x16xf32>,
      %get3A_1048 = vector.shape_cast %get3A_1047 : vector<1x16xf32> to vector<16xf32>
      %get3A_1049 = arith.index_cast %scan3A_976 : i32 to index
      %get3A_1050 = arith.constant 80 : index
      %get3A_1051 = tpu.vector_load %arg16[%get3A_1049, %get3A_1050] {strides = array<i32>} : memref<64x128xf32, #tpu.memory_space<vmem>>, vector<1x16xf32>,
      %get3A_1052 = vector.shape_cast %get3A_1051 : vector<1x16xf32> to vector<16xf32>
      %mul3A_1053 = arith.mulf %get3A_1048, %get3A_1052 : vector<16xf32>
      %swap3A_1054 = arith.index_cast %scan3A_976 : i32 to index
      %swap3A_1055 = arith.constant 80 : index
      %swap3A_1056 = tpu.vector_load %arg15[%swap3A_1054, %swap3A_1055] {strides = array<i32>} : memref<64x128xf32, #tpu.memory_space<vmem>>, vector<1x16xf32>,
      %swap3A_1057 = vector.shape_cast %swap3A_1056 : vector<1x16xf32> to vector<16xf32>
      %swap3A_1058 = vector.shape_cast %mul3A_1053 : vector<16xf32> to vector<1x16xf32>
      tpu.vector_store %arg15[%swap3A_1054, %swap3A_1055], %swap3A_1058 {strides = array<i32>} : memref<64x128xf32, #tpu.memory_space<vmem>>, vector<1x16xf32>,
      %get3A_1059 = arith.index_cast %scan3A_976 : i32 to index
      %get3A_1060 = arith.constant 96 : index
      %get3A_1061 = tpu.vector_load %arg15[%get3A_1059, %get3A_1060] {strides = array<i32>} : memref<64x128xf32, #tpu.memory_space<vmem>>, vector<1x16xf32>,
      %get3A_1062 = vector.shape_cast %get3A_1061 : vector<1x16xf32> to vector<16xf32>
      %get3A_1063 = arith.index_cast %scan3A_976 : i32 to index
      %get3A_1064 = arith.constant 96 : index
      %get3A_1065 = tpu.vector_load %arg16[%get3A_1063, %get3A_1064] {strides = array<i32>} : memref<64x128xf32, #tpu.memory_space<vmem>>, vector<1x16xf32>,
      %get3A_1066 = vector.shape_cast %get3A_1065 : vector<1x16xf32> to vector<16xf32>
      %mul3A_1067 = arith.mulf %get3A_1062, %get3A_1066 : vector<16xf32>
      %swap3A_1068 = arith.index_cast %scan3A_976 : i32 to index
      %swap3A_1069 = arith.constant 96 : index
      %swap3A_1070 = tpu.vector_load %arg15[%swap3A_1068, %swap3A_1069] {strides = array<i32>} : memref<64x128xf32, #tpu.memory_space<vmem>>, vector<1x16xf32>,
      %swap3A_1071 = vector.shape_cast %swap3A_1070 : vector<1x16xf32> to vector<16xf32>
      %swap3A_1072 = vector.shape_cast %mul3A_1067 : vector<16xf32> to vector<1x16xf32>
      tpu.vector_store %arg15[%swap3A_1068, %swap3A_1069], %swap3A_1072 {strides = array<i32>} : memref<64x128xf32, #tpu.memory_space<vmem>>, vector<1x16xf32>,
      %get3A_1073 = arith.index_cast %scan3A_976 : i32 to index
      %get3A_1074 = arith.constant 112 : index
      %get3A_1075 = tpu.vector_load %arg15[%get3A_1073, %get3A_1074] {strides = array<i32>} : memref<64x128xf32, #tpu.memory_space<vmem>>, vector<1x16xf32>,
      %get3A_1076 = vector.shape_cast %get3A_1075 : vector<1x16xf32> to vector<16xf32>
      %get3A_1077 = arith.index_cast %scan3A_976 : i32 to index
      %get3A_1078 = arith.constant 112 : index
      %get3A_1079 = tpu.vector_load %arg16[%get3A_1077, %get3A_1078] {strides = array<i32>} : memref<64x128xf32, #tpu.memory_space<vmem>>, vector<1x16xf32>,
      %get3A_1080 = vector.shape_cast %get3A_1079 : vector<1x16xf32> to vector<16xf32>
      %mul3A_1081 = arith.mulf %get3A_1076, %get3A_1080 : vector<16xf32>
      %swap3A_1082 = arith.index_cast %scan3A_976 : i32 to index
      %swap3A_1083 = arith.constant 112 : index
      %swap3A_1084 = tpu.vector_load %arg15[%swap3A_1082, %swap3A_1083] {strides = array<i32>} : memref<64x128xf32, #tpu.memory_space<vmem>>, vector<1x16xf32>,
      %swap3A_1085 = vector.shape_cast %swap3A_1084 : vector<1x16xf32> to vector<16xf32>
      %swap3A_1086 = vector.shape_cast %mul3A_1081 : vector<16xf32> to vector<1x16xf32>
      tpu.vector_store %arg15[%swap3A_1082, %swap3A_1083], %swap3A_1086 {strides = array<i32>} : memref<64x128xf32, #tpu.memory_space<vmem>>, vector<1x16xf32>,
      %scan3A_1087 = arith.constant 1 : i32
      %scan3A_1088 = arith.addi %scan3A_976, %scan3A_1087 : i32
      %get3A_1089 = arith.index_cast %scan3A_1088 : i32 to index
      %get3A_1090 = arith.constant 0 : index
      %get3A_1091 = tpu.vector_load %arg15[%get3A_1089, %get3A_1090] {strides = array<i32>} : memref<64x128xf32, #tpu.memory_space<vmem>>, vector<1x16xf32>,
      %get3A_1092 = vector.shape_cast %get3A_1091 : vector<1x16xf32> to vector<16xf32>
      %get3A_1093 = arith.index_cast %scan3A_1088 : i32 to index
      %get3A_1094 = arith.constant 0 : index
      %get3A_1095 = tpu.vector_load %arg16[%get3A_1093, %get3A_1094] {strides = array<i32>} : memref<64x128xf32, #tpu.memory_space<vmem>>, vector<1x16xf32>,
      %get3A_1096 = vector.shape_cast %get3A_1095 : vector<1x16xf32> to vector<16xf32>
      %mul3A_1097 = arith.mulf %get3A_1092, %get3A_1096 : vector<16xf32>
      %swap3A_1098 = arith.index_cast %scan3A_1088 : i32 to index
      %swap3A_1099 = arith.constant 0 : index
      %swap3A_1100 = tpu.vector_load %arg15[%swap3A_1098, %swap3A_1099] {strides = array<i32>} : memref<64x128xf32, #tpu.memory_space<vmem>>, vector<1x16xf32>,
      %swap3A_1101 = vector.shape_cast %swap3A_1100 : vector<1x16xf32> to vector<16xf32>
      %swap3A_1102 = vector.shape_cast %mul3A_1097 : vector<16xf32> to vector<1x16xf32>
      tpu.vector_store %arg15[%swap3A_1098, %swap3A_1099], %swap3A_1102 {strides = array<i32>} : memref<64x128xf32, #tpu.memory_space<vmem>>, vector<1x16xf32>,
      %get3A_1103 = arith.index_cast %scan3A_1088 : i32 to index
      %get3A_1104 = arith.constant 16 : index
      %get3A_1105 = tpu.vector_load %arg15[%get3A_1103, %get3A_1104] {strides = array<i32>} : memref<64x128xf32, #tpu.memory_space<vmem>>, vector<1x16xf32>,
      %get3A_1106 = vector.shape_cast %get3A_1105 : vector<1x16xf32> to vector<16xf32>
      %get3A_1107 = arith.index_cast %scan3A_1088 : i32 to index
      %get3A_1108 = arith.constant 16 : index
      %get3A_1109 = tpu.vector_load %arg16[%get3A_1107, %get3A_1108] {strides = array<i32>} : memref<64x128xf32, #tpu.memory_space<vmem>>, vector<1x16xf32>,
      %get3A_1110 = vector.shape_cast %get3A_1109 : vector<1x16xf32> to vector<16xf32>
      %mul3A_1111 = arith.mulf %get3A_1106, %get3A_1110 : vector<16xf32>
      %swap3A_1112 = arith.index_cast %scan3A_1088 : i32 to index
      %swap3A_1113 = arith.constant 16 : index
      %swap3A_1114 = tpu.vector_load %arg15[%swap3A_1112, %swap3A_1113] {strides = array<i32>} : memref<64x128xf32, #tpu.memory_space<vmem>>, vector<1x16xf32>,
      %swap3A_1115 = vector.shape_cast %swap3A_1114 : vector<1x16xf32> to vector<16xf32>
      %swap3A_1116 = vector.shape_cast %mul3A_1111 : vector<16xf32> to vector<1x16xf32>
      tpu.vector_store %arg15[%swap3A_1112, %swap3A_1113], %swap3A_1116 {strides = array<i32>} : memref<64x128xf32, #tpu.memory_space<vmem>>, vector<1x16xf32>,
      %get3A_1117 = arith.index_cast %scan3A_1088 : i32 to index
      %get3A_1118 = arith.constant 32 : index
      %get3A_1119 = tpu.vector_load %arg15[%get3A_1117, %get3A_1118] {strides = array<i32>} : memref<64x128xf32, #tpu.memory_space<vmem>>, vector<1x16xf32>,
      %get3A_1120 = vector.shape_cast %get3A_1119 : vector<1x16xf32> to vector<16xf32>
      %get3A_1121 = arith.index_cast %scan3A_1088 : i32 to index
      %get3A_1122 = arith.constant 32 : index
      %get3A_1123 = tpu.vector_load %arg16[%get3A_1121, %get3A_1122] {strides = array<i32>} : memref<64x128xf32, #tpu.memory_space<vmem>>, vector<1x16xf32>,
      %get3A_1124 = vector.shape_cast %get3A_1123 : vector<1x16xf32> to vector<16xf32>
      %mul3A_1125 = arith.mulf %get3A_1120, %get3A_1124 : vector<16xf32>
      %swap3A_1126 = arith.index_cast %scan3A_1088 : i32 to index
      %swap3A_1127 = arith.constant 32 : index
      %swap3A_1128 = tpu.vector_load %arg15[%swap3A_1126, %swap3A_1127] {strides = array<i32>} : memref<64x128xf32, #tpu.memory_space<vmem>>, vector<1x16xf32>,
      %swap3A_1129 = vector.shape_cast %swap3A_1128 : vector<1x16xf32> to vector<16xf32>
      %swap3A_1130 = vector.shape_cast %mul3A_1125 : vector<16xf32> to vector<1x16xf32>
      tpu.vector_store %arg15[%swap3A_1126, %swap3A_1127], %swap3A_1130 {strides = array<i32>} : memref<64x128xf32, #tpu.memory_space<vmem>>, vector<1x16xf32>,
      %get3A_1131 = arith.index_cast %scan3A_1088 : i32 to index
      %get3A_1132 = arith.constant 48 : index
      %get3A_1133 = tpu.vector_load %arg15[%get3A_1131, %get3A_1132] {strides = array<i32>} : memref<64x128xf32, #tpu.memory_space<vmem>>, vector<1x16xf32>,
      %get3A_1134 = vector.shape_cast %get3A_1133 : vector<1x16xf32> to vector<16xf32>
      %get3A_1135 = arith.index_cast %scan3A_1088 : i32 to index
      %get3A_1136 = arith.constant 48 : index
      %get3A_1137 = tpu.vector_load %arg16[%get3A_1135, %get3A_1136] {strides = array<i32>} : memref<64x128xf32, #tpu.memory_space<vmem>>, vector<1x16xf32>,
      %get3A_1138 = vector.shape_cast %get3A_1137 : vector<1x16xf32> to vector<16xf32>
      %mul3A_1139 = arith.mulf %get3A_1134, %get3A_1138 : vector<16xf32>
      %swap3A_1140 = arith.index_cast %scan3A_1088 : i32 to index
      %swap3A_1141 = arith.constant 48 : index
      %swap3A_1142 = tpu.vector_load %arg15[%swap3A_1140, %swap3A_1141] {strides = array<i32>} : memref<64x128xf32, #tpu.memory_space<vmem>>, vector<1x16xf32>,
      %swap3A_1143 = vector.shape_cast %swap3A_1142 : vector<1x16xf32> to vector<16xf32>
      %swap3A_1144 = vector.shape_cast %mul3A_1139 : vector<16xf32> to vector<1x16xf32>
      tpu.vector_store %arg15[%swap3A_1140, %swap3A_1141], %swap3A_1144 {strides = array<i32>} : memref<64x128xf32, #tpu.memory_space<vmem>>, vector<1x16xf32>,
      %get3A_1145 = arith.index_cast %scan3A_1088 : i32 to index
      %get3A_1146 = arith.constant 64 : index
      %get3A_1147 = tpu.vector_load %arg15[%get3A_1145, %get3A_1146] {strides = array<i32>} : memref<64x128xf32, #tpu.memory_space<vmem>>, vector<1x16xf32>,
      %get3A_1148 = vector.shape_cast %get3A_1147 : vector<1x16xf32> to vector<16xf32>
      %get3A_1149 = arith.index_cast %scan3A_1088 : i32 to index
      %get3A_1150 = arith.constant 64 : index
      %get3A_1151 = tpu.vector_load %arg16[%get3A_1149, %get3A_1150] {strides = array<i32>} : memref<64x128xf32, #tpu.memory_space<vmem>>, vector<1x16xf32>,
      %get3A_1152 = vector.shape_cast %get3A_1151 : vector<1x16xf32> to vector<16xf32>
      %mul3A_1153 = arith.mulf %get3A_1148, %get3A_1152 : vector<16xf32>
      %swap3A_1154 = arith.index_cast %scan3A_1088 : i32 to index
      %swap3A_1155 = arith.constant 64 : index
      %swap3A_1156 = tpu.vector_load %arg15[%swap3A_1154, %swap3A_1155] {strides = array<i32>} : memref<64x128xf32, #tpu.memory_space<vmem>>, vector<1x16xf32>,
      %swap3A_1157 = vector.shape_cast %swap3A_1156 : vector<1x16xf32> to vector<16xf32>
      %swap3A_1158 = vector.shape_cast %mul3A_1153 : vector<16xf32> to vector<1x16xf32>
      tpu.vector_store %arg15[%swap3A_1154, %swap3A_1155], %swap3A_1158 {strides = array<i32>} : memref<64x128xf32, #tpu.memory_space<vmem>>, vector<1x16xf32>,
      %get3A_1159 = arith.index_cast %scan3A_1088 : i32 to index
      %get3A_1160 = arith.constant 80 : index
      %get3A_1161 = tpu.vector_load %arg15[%get3A_1159, %get3A_1160] {strides = array<i32>} : memref<64x128xf32, #tpu.memory_space<vmem>>, vector<1x16xf32>,
      %get3A_1162 = vector.shape_cast %get3A_1161 : vector<1x16xf32> to vector<16xf32>
      %get3A_1163 = arith.index_cast %scan3A_1088 : i32 to index
      %get3A_1164 = arith.constant 80 : index
      %get3A_1165 = tpu.vector_load %arg16[%get3A_1163, %get3A_1164] {strides = array<i32>} : memref<64x128xf32, #tpu.memory_space<vmem>>, vector<1x16xf32>,
      %get3A_1166 = vector.shape_cast %get3A_1165 : vector<1x16xf32> to vector<16xf32>
      %mul3A_1167 = arith.mulf %get3A_1162, %get3A_1166 : vector<16xf32>
      %swap3A_1168 = arith.index_cast %scan3A_1088 : i32 to index
      %swap3A_1169 = arith.constant 80 : index
      %swap3A_1170 = tpu.vector_load %arg15[%swap3A_1168, %swap3A_1169] {strides = array<i32>} : memref<64x128xf32, #tpu.memory_space<vmem>>, vector<1x16xf32>,
      %swap3A_1171 = vector.shape_cast %swap3A_1170 : vector<1x16xf32> to vector<16xf32>
      %swap3A_1172 = vector.shape_cast %mul3A_1167 : vector<16xf32> to vector<1x16xf32>
      tpu.vector_store %arg15[%swap3A_1168, %swap3A_1169], %swap3A_1172 {strides = array<i32>} : memref<64x128xf32, #tpu.memory_space<vmem>>, vector<1x16xf32>,
      %get3A_1173 = arith.index_cast %scan3A_1088 : i32 to index
      %get3A_1174 = arith.constant 96 : index
      %get3A_1175 = tpu.vector_load %arg15[%get3A_1173, %get3A_1174] {strides = array<i32>} : memref<64x128xf32, #tpu.memory_space<vmem>>, vector<1x16xf32>,
      %get3A_1176 = vector.shape_cast %get3A_1175 : vector<1x16xf32> to vector<16xf32>
      %get3A_1177 = arith.index_cast %scan3A_1088 : i32 to index
      %get3A_1178 = arith.constant 96 : index
      %get3A_1179 = tpu.vector_load %arg16[%get3A_1177, %get3A_1178] {strides = array<i32>} : memref<64x128xf32, #tpu.memory_space<vmem>>, vector<1x16xf32>,
      %get3A_1180 = vector.shape_cast %get3A_1179 : vector<1x16xf32> to vector<16xf32>
      %mul3A_1181 = arith.mulf %get3A_1176, %get3A_1180 : vector<16xf32>
      %swap3A_1182 = arith.index_cast %scan3A_1088 : i32 to index
      %swap3A_1183 = arith.constant 96 : index
      %swap3A_1184 = tpu.vector_load %arg15[%swap3A_1182, %swap3A_1183] {strides = array<i32>} : memref<64x128xf32, #tpu.memory_space<vmem>>, vector<1x16xf32>,
      %swap3A_1185 = vector.shape_cast %swap3A_1184 : vector<1x16xf32> to vector<16xf32>
      %swap3A_1186 = vector.shape_cast %mul3A_1181 : vector<16xf32> to vector<1x16xf32>
      tpu.vector_store %arg15[%swap3A_1182, %swap3A_1183], %swap3A_1186 {strides = array<i32>} : memref<64x128xf32, #tpu.memory_space<vmem>>, vector<1x16xf32>,
      %get3A_1187 = arith.index_cast %scan3A_1088 : i32 to index
      %get3A_1188 = arith.constant 112 : index
      %get3A_1189 = tpu.vector_load %arg15[%get3A_1187, %get3A_1188] {strides = array<i32>} : memref<64x128xf32, #tpu.memory_space<vmem>>, vector<1x16xf32>,
      %get3A_1190 = vector.shape_cast %get3A_1189 : vector<1x16xf32> to vector<16xf32>
      %get3A_1191 = arith.index_cast %scan3A_1088 : i32 to index
      %get3A_1192 = arith.constant 112 : index
      %get3A_1193 = tpu.vector_load %arg16[%get3A_1191, %get3A_1192] {strides = array<i32>} : memref<64x128xf32, #tpu.memory_space<vmem>>, vector<1x16xf32>,
      %get3A_1194 = vector.shape_cast %get3A_1193 : vector<1x16xf32> to vector<16xf32>
      %mul3A_1195 = arith.mulf %get3A_1190, %get3A_1194 : vector<16xf32>
      %swap3A_1196 = arith.index_cast %scan3A_1088 : i32 to index
      %swap3A_1197 = arith.constant 112 : index
      %swap3A_1198 = tpu.vector_load %arg15[%swap3A_1196, %swap3A_1197] {strides = array<i32>} : memref<64x128xf32, #tpu.memory_space<vmem>>, vector<1x16xf32>,
      %swap3A_1199 = vector.shape_cast %swap3A_1198 : vector<1x16xf32> to vector<16xf32>
      %swap3A_1200 = vector.shape_cast %mul3A_1195 : vector<16xf32> to vector<1x16xf32>
      tpu.vector_store %arg15[%swap3A_1196, %swap3A_1197], %swap3A_1200 {strides = array<i32>} : memref<64x128xf32, #tpu.memory_space<vmem>>, vector<1x16xf32>,
    }
    %scan3A_609 = arith.constant 64 : i32
    %dma_start3A_610 = arith.constant 0 : i32
    %dma_start3A_611 = tpu.memref_slice %arg7[%add3A_549, %dma_start3A_610] : memref<16384x128xf32, #tpu.memory_space<hbm>> -> memref<64x128xf32, #tpu.memory_space<hbm>>
    %dma_start3A_612 = arith.constant 0 : i32
    %dma_start3A_613 = tpu.memref_slice %arg7[%add3A_549, %dma_start3A_612] : memref<16384x128xf32, #tpu.memory_space<hbm>> -> memref<64x128xf32, #tpu.memory_space<hbm>>
    tpu.enqueue_dma source(%arg15 : memref<64x128xf32, #tpu.memory_space<vmem>>) target(%dma_start3A_613 : memref<64x128xf32, #tpu.memory_space<hbm>>) target_semaphore(%arg26 : memref<!tpu.dma_semaphore, #tpu.memory_space<semaphore_mem>>)
    %add3A_614 = arith.constant 128 : i32
    %add3A_615 = arith.addi %mul3A_2, %add3A_614 : i32
    %dma_wait3A_616 = arith.constant 0 : i32
    %dma_wait3A_617 = tpu.memref_slice %arg8[%add3A_549, %dma_wait3A_616] : memref<16384x128xf32, #tpu.memory_space<hbm>> -> memref<64x128xf32, #tpu.memory_space<hbm>>
    %dma_wait3A_618 = arith.constant 0 : i32
    %dma_wait3A_619 = tpu.memref_slice %arg8[%add3A_549, %dma_wait3A_618] : memref<16384x128xf32, #tpu.memory_space<hbm>> -> memref<64x128xf32, #tpu.memory_space<hbm>>
    tpu.wait_dma2 semaphore(%arg26 : memref<!tpu.dma_semaphore, #tpu.memory_space<semaphore_mem>>) src(%arg17 : memref<64x128xf32, #tpu.memory_space<vmem>>) dst(%dma_wait3A_619 : memref<64x128xf32, #tpu.memory_space<hbm>>)
    %dma_wait3A_620 = arith.constant 0 : i32
    %dma_wait3A_621 = tpu.memref_slice %arg7[%add3A_549, %dma_wait3A_620] : memref<16384x128xf32, #tpu.memory_space<hbm>> -> memref<64x128xf32, #tpu.memory_space<hbm>>
    %dma_wait3A_622 = arith.constant 0 : i32
    %dma_wait3A_623 = tpu.memref_slice %arg7[%add3A_549, %dma_wait3A_622] : memref<16384x128xf32, #tpu.memory_space<hbm>> -> memref<64x128xf32, #tpu.memory_space<hbm>>
    tpu.wait_dma2 semaphore(%arg26 : memref<!tpu.dma_semaphore, #tpu.memory_space<semaphore_mem>>) src(%arg15 : memref<64x128xf32, #tpu.memory_space<vmem>>) dst(%dma_wait3A_623 : memref<64x128xf32, #tpu.memory_space<hbm>>)
    %dma_start3A_624 = arith.constant 4 : i32
    %dma_start3A_625 = arith.constant 0 : i32
    %dma_start3A_626 = tpu.memref_slice %arg9[%dma_start3A_624, %dma_start3A_625] : memref<8x64xi32, #tpu.memory_space<vmem>> -> memref<1x64xi32, #tpu.memory_space<vmem>>
    %dma_start3A_627 = tpu.memref_squeeze %dma_start3A_626 : memref<1x64xi32, #tpu.memory_space<vmem>> -> memref<64xi32, #tpu.memory_space<vmem>>
    %dma_start3A_628 = arith.constant 0 : i32
    %dma_start3A_629 = arith.constant 0 : i32
    %dma_start3A_630 = tpu.memref_slice %arg5[%dma_start3A_628, %dma_start3A_629] : memref<1000000x128xf32, #tpu.memory_space<hbm>> -> memref<1000000x128xf32, #tpu.memory_space<hbm>>
    tpu.enqueue_indirect_dma source(%dma_start3A_630 : memref<1000000x128xf32, #tpu.memory_space<hbm>>) target(%arg15 : memref<64x128xf32, #tpu.memory_space<vmem>>) offsets(%dma_start3A_627 : memref<64xi32, #tpu.memory_space<vmem>>) semaphore(%arg23 : memref<!tpu.dma_semaphore, #tpu.memory_space<semaphore_mem>>)
    %dma_start3A_631 = arith.constant 4 : i32
    %dma_start3A_632 = arith.constant 0 : i32
    %dma_start3A_633 = tpu.memref_slice %arg10[%dma_start3A_631, %dma_start3A_632] : memref<8x64xi32, #tpu.memory_space<vmem>> -> memref<1x64xi32, #tpu.memory_space<vmem>>
    %dma_start3A_634 = tpu.memref_squeeze %dma_start3A_633 : memref<1x64xi32, #tpu.memory_space<vmem>> -> memref<64xi32, #tpu.memory_space<vmem>>
    %dma_start3A_635 = arith.constant 0 : i32
    %dma_start3A_636 = arith.constant 0 : i32
    %dma_start3A_637 = tpu.memref_slice %arg6[%dma_start3A_635, %dma_start3A_636] : memref<1000x128xf32, #tpu.memory_space<hbm>> -> memref<1000x128xf32, #tpu.memory_space<hbm>>
    tpu.enqueue_indirect_dma source(%dma_start3A_637 : memref<1000x128xf32, #tpu.memory_space<hbm>>) target(%arg16 : memref<64x128xf32, #tpu.memory_space<vmem>>) offsets(%dma_start3A_634 : memref<64xi32, #tpu.memory_space<vmem>>) semaphore(%arg23 : memref<!tpu.dma_semaphore, #tpu.memory_space<semaphore_mem>>)
    %dma_start3A_638 = arith.constant 4 : i32
    %dma_start3A_639 = arith.constant 0 : i32
    %dma_start3A_640 = tpu.memref_slice %arg11[%dma_start3A_638, %dma_start3A_639] : memref<8x64xi32, #tpu.memory_space<vmem>> -> memref<1x64xi32, #tpu.memory_space<vmem>>
    %dma_start3A_641 = tpu.memref_squeeze %dma_start3A_640 : memref<1x64xi32, #tpu.memory_space<vmem>> -> memref<64xi32, #tpu.memory_space<vmem>>
    %dma_start3A_642 = arith.constant 0 : i32
    %dma_start3A_643 = arith.constant 0 : i32
    %dma_start3A_644 = tpu.memref_slice %arg5[%dma_start3A_642, %dma_start3A_643] : memref<1000000x128xf32, #tpu.memory_space<hbm>> -> memref<1000000x128xf32, #tpu.memory_space<hbm>>
    tpu.enqueue_indirect_dma source(%dma_start3A_644 : memref<1000000x128xf32, #tpu.memory_space<hbm>>) target(%arg17 : memref<64x128xf32, #tpu.memory_space<vmem>>) offsets(%dma_start3A_641 : memref<64xi32, #tpu.memory_space<vmem>>) semaphore(%arg23 : memref<!tpu.dma_semaphore, #tpu.memory_space<semaphore_mem>>)
    %dma_wait3A_645 = arith.constant 2 : i32
    %dma_wait3A_646 = arith.constant 0 : i32
    %dma_wait3A_647 = tpu.memref_slice %arg9[%dma_wait3A_645, %dma_wait3A_646] : memref<8x64xi32, #tpu.memory_space<vmem>> -> memref<1x64xi32, #tpu.memory_space<vmem>>
    %dma_wait3A_648 = tpu.memref_squeeze %dma_wait3A_647 : memref<1x64xi32, #tpu.memory_space<vmem>> -> memref<64xi32, #tpu.memory_space<vmem>>
    %dma_wait3A_649 = arith.constant 0 : i32
    %dma_wait3A_650 = arith.constant 0 : i32
    %dma_wait3A_651 = tpu.memref_slice %arg5[%dma_wait3A_649, %dma_wait3A_650] : memref<1000000x128xf32, #tpu.memory_space<hbm>> -> memref<1000000x128xf32, #tpu.memory_space<hbm>>
    tpu.wait_indirect_dma semaphore(%arg24 : memref<!tpu.dma_semaphore, #tpu.memory_space<semaphore_mem>>) src(%dma_wait3A_651 : memref<1000000x128xf32, #tpu.memory_space<hbm>>) dst(%arg18 : memref<64x128xf32, #tpu.memory_space<vmem>>)
    %dma_wait3A_652 = arith.constant 2 : i32
    %dma_wait3A_653 = arith.constant 0 : i32
    %dma_wait3A_654 = tpu.memref_slice %arg10[%dma_wait3A_652, %dma_wait3A_653] : memref<8x64xi32, #tpu.memory_space<vmem>> -> memref<1x64xi32, #tpu.memory_space<vmem>>
    %dma_wait3A_655 = tpu.memref_squeeze %dma_wait3A_654 : memref<1x64xi32, #tpu.memory_space<vmem>> -> memref<64xi32, #tpu.memory_space<vmem>>
    %dma_wait3A_656 = arith.constant 0 : i32
    %dma_wait3A_657 = arith.constant 0 : i32
    %dma_wait3A_658 = tpu.memref_slice %arg6[%dma_wait3A_656, %dma_wait3A_657] : memref<1000x128xf32, #tpu.memory_space<hbm>> -> memref<1000x128xf32, #tpu.memory_space<hbm>>
    tpu.wait_indirect_dma semaphore(%arg24 : memref<!tpu.dma_semaphore, #tpu.memory_space<semaphore_mem>>) src(%dma_wait3A_658 : memref<1000x128xf32, #tpu.memory_space<hbm>>) dst(%arg19 : memref<64x128xf32, #tpu.memory_space<vmem>>)
    %dma_wait3A_659 = arith.constant 2 : i32
    %dma_wait3A_660 = arith.constant 0 : i32
    %dma_wait3A_661 = tpu.memref_slice %arg11[%dma_wait3A_659, %dma_wait3A_660] : memref<8x64xi32, #tpu.memory_space<vmem>> -> memref<1x64xi32, #tpu.memory_space<vmem>>
    %dma_wait3A_662 = tpu.memref_squeeze %dma_wait3A_661 : memref<1x64xi32, #tpu.memory_space<vmem>> -> memref<64xi32, #tpu.memory_space<vmem>>
    %dma_wait3A_663 = arith.constant 0 : i32
    %dma_wait3A_664 = arith.constant 0 : i32
    %dma_wait3A_665 = tpu.memref_slice %arg5[%dma_wait3A_663, %dma_wait3A_664] : memref<1000000x128xf32, #tpu.memory_space<hbm>> -> memref<1000000x128xf32, #tpu.memory_space<hbm>>
    tpu.wait_indirect_dma semaphore(%arg24 : memref<!tpu.dma_semaphore, #tpu.memory_space<semaphore_mem>>) src(%dma_wait3A_665 : memref<1000000x128xf32, #tpu.memory_space<hbm>>) dst(%arg20 : memref<64x128xf32, #tpu.memory_space<vmem>>)
    %dma_start3A_666 = arith.constant 0 : i32
    %dma_start3A_667 = tpu.memref_slice %arg8[%add3A_615, %dma_start3A_666] : memref<16384x128xf32, #tpu.memory_space<hbm>> -> memref<64x128xf32, #tpu.memory_space<hbm>>
    %dma_start3A_668 = arith.constant 0 : i32
    %dma_start3A_669 = tpu.memref_slice %arg8[%add3A_615, %dma_start3A_668] : memref<16384x128xf32, #tpu.memory_space<hbm>> -> memref<64x128xf32, #tpu.memory_space<hbm>>
    tpu.enqueue_dma source(%arg20 : memref<64x128xf32, #tpu.memory_space<vmem>>) target(%dma_start3A_669 : memref<64x128xf32, #tpu.memory_space<hbm>>) target_semaphore(%arg27 : memref<!tpu.dma_semaphore, #tpu.memory_space<semaphore_mem>>)
    %scan3A_670 = arith.constant 0 : i32
    %scan3A_671 = arith.constant 0 : i32
    %scan3A_672 = arith.constant 64 : i32
    %scan3A_673 = arith.addi %scan3A_671, %scan3A_672 : i32
    %scan3A_674 = arith.constant 2 : i32
    scf.for %scan3A_976 = %scan3A_671 to %scan3A_673 step %scan3A_674  : i32 {
      %get3A = arith.index_cast %scan3A_976 : i32 to index
      %get3A_977 = arith.constant 0 : index
      %get3A_978 = tpu.vector_load %arg18[%get3A, %get3A_977] {strides = array<i32>} : memref<64x128xf32, #tpu.memory_space<vmem>>, vector<1x16xf32>,
      %get3A_979 = vector.shape_cast %get3A_978 : vector<1x16xf32> to vector<16xf32>
      %get3A_980 = arith.index_cast %scan3A_976 : i32 to index
      %get3A_981 = arith.constant 0 : index
      %get3A_982 = tpu.vector_load %arg19[%get3A_980, %get3A_981] {strides = array<i32>} : memref<64x128xf32, #tpu.memory_space<vmem>>, vector<1x16xf32>,
      %get3A_983 = vector.shape_cast %get3A_982 : vector<1x16xf32> to vector<16xf32>
      %mul3A_984 = arith.mulf %get3A_979, %get3A_983 : vector<16xf32>
      %swap3A = arith.index_cast %scan3A_976 : i32 to index
      %swap3A_985 = arith.constant 0 : index
      %swap3A_986 = tpu.vector_load %arg18[%swap3A, %swap3A_985] {strides = array<i32>} : memref<64x128xf32, #tpu.memory_space<vmem>>, vector<1x16xf32>,
      %swap3A_987 = vector.shape_cast %swap3A_986 : vector<1x16xf32> to vector<16xf32>
      %swap3A_988 = vector.shape_cast %mul3A_984 : vector<16xf32> to vector<1x16xf32>
      tpu.vector_store %arg18[%swap3A, %swap3A_985], %swap3A_988 {strides = array<i32>} : memref<64x128xf32, #tpu.memory_space<vmem>>, vector<1x16xf32>,
      %get3A_989 = arith.index_cast %scan3A_976 : i32 to index
      %get3A_990 = arith.constant 16 : index
      %get3A_991 = tpu.vector_load %arg18[%get3A_989, %get3A_990] {strides = array<i32>} : memref<64x128xf32, #tpu.memory_space<vmem>>, vector<1x16xf32>,
      %get3A_992 = vector.shape_cast %get3A_991 : vector<1x16xf32> to vector<16xf32>
      %get3A_993 = arith.index_cast %scan3A_976 : i32 to index
      %get3A_994 = arith.constant 16 : index
      %get3A_995 = tpu.vector_load %arg19[%get3A_993, %get3A_994] {strides = array<i32>} : memref<64x128xf32, #tpu.memory_space<vmem>>, vector<1x16xf32>,
      %get3A_996 = vector.shape_cast %get3A_995 : vector<1x16xf32> to vector<16xf32>
      %mul3A_997 = arith.mulf %get3A_992, %get3A_996 : vector<16xf32>
      %swap3A_998 = arith.index_cast %scan3A_976 : i32 to index
      %swap3A_999 = arith.constant 16 : index
      %swap3A_1000 = tpu.vector_load %arg18[%swap3A_998, %swap3A_999] {strides = array<i32>} : memref<64x128xf32, #tpu.memory_space<vmem>>, vector<1x16xf32>,
      %swap3A_1001 = vector.shape_cast %swap3A_1000 : vector<1x16xf32> to vector<16xf32>
      %swap3A_1002 = vector.shape_cast %mul3A_997 : vector<16xf32> to vector<1x16xf32>
      tpu.vector_store %arg18[%swap3A_998, %swap3A_999], %swap3A_1002 {strides = array<i32>} : memref<64x128xf32, #tpu.memory_space<vmem>>, vector<1x16xf32>,
      %get3A_1003 = arith.index_cast %scan3A_976 : i32 to index
      %get3A_1004 = arith.constant 32 : index
      %get3A_1005 = tpu.vector_load %arg18[%get3A_1003, %get3A_1004] {strides = array<i32>} : memref<64x128xf32, #tpu.memory_space<vmem>>, vector<1x16xf32>,
      %get3A_1006 = vector.shape_cast %get3A_1005 : vector<1x16xf32> to vector<16xf32>
      %get3A_1007 = arith.index_cast %scan3A_976 : i32 to index
      %get3A_1008 = arith.constant 32 : index
      %get3A_1009 = tpu.vector_load %arg19[%get3A_1007, %get3A_1008] {strides = array<i32>} : memref<64x128xf32, #tpu.memory_space<vmem>>, vector<1x16xf32>,
      %get3A_1010 = vector.shape_cast %get3A_1009 : vector<1x16xf32> to vector<16xf32>
      %mul3A_1011 = arith.mulf %get3A_1006, %get3A_1010 : vector<16xf32>
      %swap3A_1012 = arith.index_cast %scan3A_976 : i32 to index
      %swap3A_1013 = arith.constant 32 : index
      %swap3A_1014 = tpu.vector_load %arg18[%swap3A_1012, %swap3A_1013] {strides = array<i32>} : memref<64x128xf32, #tpu.memory_space<vmem>>, vector<1x16xf32>,
      %swap3A_1015 = vector.shape_cast %swap3A_1014 : vector<1x16xf32> to vector<16xf32>
      %swap3A_1016 = vector.shape_cast %mul3A_1011 : vector<16xf32> to vector<1x16xf32>
      tpu.vector_store %arg18[%swap3A_1012, %swap3A_1013], %swap3A_1016 {strides = array<i32>} : memref<64x128xf32, #tpu.memory_space<vmem>>, vector<1x16xf32>,
      %get3A_1017 = arith.index_cast %scan3A_976 : i32 to index
      %get3A_1018 = arith.constant 48 : index
      %get3A_1019 = tpu.vector_load %arg18[%get3A_1017, %get3A_1018] {strides = array<i32>} : memref<64x128xf32, #tpu.memory_space<vmem>>, vector<1x16xf32>,
      %get3A_1020 = vector.shape_cast %get3A_1019 : vector<1x16xf32> to vector<16xf32>
      %get3A_1021 = arith.index_cast %scan3A_976 : i32 to index
      %get3A_1022 = arith.constant 48 : index
      %get3A_1023 = tpu.vector_load %arg19[%get3A_1021, %get3A_1022] {strides = array<i32>} : memref<64x128xf32, #tpu.memory_space<vmem>>, vector<1x16xf32>,
      %get3A_1024 = vector.shape_cast %get3A_1023 : vector<1x16xf32> to vector<16xf32>
      %mul3A_1025 = arith.mulf %get3A_1020, %get3A_1024 : vector<16xf32>
      %swap3A_1026 = arith.index_cast %scan3A_976 : i32 to index
      %swap3A_1027 = arith.constant 48 : index
      %swap3A_1028 = tpu.vector_load %arg18[%swap3A_1026, %swap3A_1027] {strides = array<i32>} : memref<64x128xf32, #tpu.memory_space<vmem>>, vector<1x16xf32>,
      %swap3A_1029 = vector.shape_cast %swap3A_1028 : vector<1x16xf32> to vector<16xf32>
      %swap3A_1030 = vector.shape_cast %mul3A_1025 : vector<16xf32> to vector<1x16xf32>
      tpu.vector_store %arg18[%swap3A_1026, %swap3A_1027], %swap3A_1030 {strides = array<i32>} : memref<64x128xf32, #tpu.memory_space<vmem>>, vector<1x16xf32>,
      %get3A_1031 = arith.index_cast %scan3A_976 : i32 to index
      %get3A_1032 = arith.constant 64 : index
      %get3A_1033 = tpu.vector_load %arg18[%get3A_1031, %get3A_1032] {strides = array<i32>} : memref<64x128xf32, #tpu.memory_space<vmem>>, vector<1x16xf32>,
      %get3A_1034 = vector.shape_cast %get3A_1033 : vector<1x16xf32> to vector<16xf32>
      %get3A_1035 = arith.index_cast %scan3A_976 : i32 to index
      %get3A_1036 = arith.constant 64 : index
      %get3A_1037 = tpu.vector_load %arg19[%get3A_1035, %get3A_1036] {strides = array<i32>} : memref<64x128xf32, #tpu.memory_space<vmem>>, vector<1x16xf32>,
      %get3A_1038 = vector.shape_cast %get3A_1037 : vector<1x16xf32> to vector<16xf32>
      %mul3A_1039 = arith.mulf %get3A_1034, %get3A_1038 : vector<16xf32>
      %swap3A_1040 = arith.index_cast %scan3A_976 : i32 to index
      %swap3A_1041 = arith.constant 64 : index
      %swap3A_1042 = tpu.vector_load %arg18[%swap3A_1040, %swap3A_1041] {strides = array<i32>} : memref<64x128xf32, #tpu.memory_space<vmem>>, vector<1x16xf32>,
      %swap3A_1043 = vector.shape_cast %swap3A_1042 : vector<1x16xf32> to vector<16xf32>
      %swap3A_1044 = vector.shape_cast %mul3A_1039 : vector<16xf32> to vector<1x16xf32>
      tpu.vector_store %arg18[%swap3A_1040, %swap3A_1041], %swap3A_1044 {strides = array<i32>} : memref<64x128xf32, #tpu.memory_space<vmem>>, vector<1x16xf32>,
      %get3A_1045 = arith.index_cast %scan3A_976 : i32 to index
      %get3A_1046 = arith.constant 80 : index
      %get3A_1047 = tpu.vector_load %arg18[%get3A_1045, %get3A_1046] {strides = array<i32>} : memref<64x128xf32, #tpu.memory_space<vmem>>, vector<1x16xf32>,
      %get3A_1048 = vector.shape_cast %get3A_1047 : vector<1x16xf32> to vector<16xf32>
      %get3A_1049 = arith.index_cast %scan3A_976 : i32 to index
      %get3A_1050 = arith.constant 80 : index
      %get3A_1051 = tpu.vector_load %arg19[%get3A_1049, %get3A_1050] {strides = array<i32>} : memref<64x128xf32, #tpu.memory_space<vmem>>, vector<1x16xf32>,
      %get3A_1052 = vector.shape_cast %get3A_1051 : vector<1x16xf32> to vector<16xf32>
      %mul3A_1053 = arith.mulf %get3A_1048, %get3A_1052 : vector<16xf32>
      %swap3A_1054 = arith.index_cast %scan3A_976 : i32 to index
      %swap3A_1055 = arith.constant 80 : index
      %swap3A_1056 = tpu.vector_load %arg18[%swap3A_1054, %swap3A_1055] {strides = array<i32>} : memref<64x128xf32, #tpu.memory_space<vmem>>, vector<1x16xf32>,
      %swap3A_1057 = vector.shape_cast %swap3A_1056 : vector<1x16xf32> to vector<16xf32>
      %swap3A_1058 = vector.shape_cast %mul3A_1053 : vector<16xf32> to vector<1x16xf32>
      tpu.vector_store %arg18[%swap3A_1054, %swap3A_1055], %swap3A_1058 {strides = array<i32>} : memref<64x128xf32, #tpu.memory_space<vmem>>, vector<1x16xf32>,
      %get3A_1059 = arith.index_cast %scan3A_976 : i32 to index
      %get3A_1060 = arith.constant 96 : index
      %get3A_1061 = tpu.vector_load %arg18[%get3A_1059, %get3A_1060] {strides = array<i32>} : memref<64x128xf32, #tpu.memory_space<vmem>>, vector<1x16xf32>,
      %get3A_1062 = vector.shape_cast %get3A_1061 : vector<1x16xf32> to vector<16xf32>
      %get3A_1063 = arith.index_cast %scan3A_976 : i32 to index
      %get3A_1064 = arith.constant 96 : index
      %get3A_1065 = tpu.vector_load %arg19[%get3A_1063, %get3A_1064] {strides = array<i32>} : memref<64x128xf32, #tpu.memory_space<vmem>>, vector<1x16xf32>,
      %get3A_1066 = vector.shape_cast %get3A_1065 : vector<1x16xf32> to vector<16xf32>
      %mul3A_1067 = arith.mulf %get3A_1062, %get3A_1066 : vector<16xf32>
      %swap3A_1068 = arith.index_cast %scan3A_976 : i32 to index
      %swap3A_1069 = arith.constant 96 : index
      %swap3A_1070 = tpu.vector_load %arg18[%swap3A_1068, %swap3A_1069] {strides = array<i32>} : memref<64x128xf32, #tpu.memory_space<vmem>>, vector<1x16xf32>,
      %swap3A_1071 = vector.shape_cast %swap3A_1070 : vector<1x16xf32> to vector<16xf32>
      %swap3A_1072 = vector.shape_cast %mul3A_1067 : vector<16xf32> to vector<1x16xf32>
      tpu.vector_store %arg18[%swap3A_1068, %swap3A_1069], %swap3A_1072 {strides = array<i32>} : memref<64x128xf32, #tpu.memory_space<vmem>>, vector<1x16xf32>,
      %get3A_1073 = arith.index_cast %scan3A_976 : i32 to index
      %get3A_1074 = arith.constant 112 : index
      %get3A_1075 = tpu.vector_load %arg18[%get3A_1073, %get3A_1074] {strides = array<i32>} : memref<64x128xf32, #tpu.memory_space<vmem>>, vector<1x16xf32>,
      %get3A_1076 = vector.shape_cast %get3A_1075 : vector<1x16xf32> to vector<16xf32>
      %get3A_1077 = arith.index_cast %scan3A_976 : i32 to index
      %get3A_1078 = arith.constant 112 : index
      %get3A_1079 = tpu.vector_load %arg19[%get3A_1077, %get3A_1078] {strides = array<i32>} : memref<64x128xf32, #tpu.memory_space<vmem>>, vector<1x16xf32>,
      %get3A_1080 = vector.shape_cast %get3A_1079 : vector<1x16xf32> to vector<16xf32>
      %mul3A_1081 = arith.mulf %get3A_1076, %get3A_1080 : vector<16xf32>
      %swap3A_1082 = arith.index_cast %scan3A_976 : i32 to index
      %swap3A_1083 = arith.constant 112 : index
      %swap3A_1084 = tpu.vector_load %arg18[%swap3A_1082, %swap3A_1083] {strides = array<i32>} : memref<64x128xf32, #tpu.memory_space<vmem>>, vector<1x16xf32>,
      %swap3A_1085 = vector.shape_cast %swap3A_1084 : vector<1x16xf32> to vector<16xf32>
      %swap3A_1086 = vector.shape_cast %mul3A_1081 : vector<16xf32> to vector<1x16xf32>
      tpu.vector_store %arg18[%swap3A_1082, %swap3A_1083], %swap3A_1086 {strides = array<i32>} : memref<64x128xf32, #tpu.memory_space<vmem>>, vector<1x16xf32>,
      %scan3A_1087 = arith.constant 1 : i32
      %scan3A_1088 = arith.addi %scan3A_976, %scan3A_1087 : i32
      %get3A_1089 = arith.index_cast %scan3A_1088 : i32 to index
      %get3A_1090 = arith.constant 0 : index
      %get3A_1091 = tpu.vector_load %arg18[%get3A_1089, %get3A_1090] {strides = array<i32>} : memref<64x128xf32, #tpu.memory_space<vmem>>, vector<1x16xf32>,
      %get3A_1092 = vector.shape_cast %get3A_1091 : vector<1x16xf32> to vector<16xf32>
      %get3A_1093 = arith.index_cast %scan3A_1088 : i32 to index
      %get3A_1094 = arith.constant 0 : index
      %get3A_1095 = tpu.vector_load %arg19[%get3A_1093, %get3A_1094] {strides = array<i32>} : memref<64x128xf32, #tpu.memory_space<vmem>>, vector<1x16xf32>,
      %get3A_1096 = vector.shape_cast %get3A_1095 : vector<1x16xf32> to vector<16xf32>
      %mul3A_1097 = arith.mulf %get3A_1092, %get3A_1096 : vector<16xf32>
      %swap3A_1098 = arith.index_cast %scan3A_1088 : i32 to index
      %swap3A_1099 = arith.constant 0 : index
      %swap3A_1100 = tpu.vector_load %arg18[%swap3A_1098, %swap3A_1099] {strides = array<i32>} : memref<64x128xf32, #tpu.memory_space<vmem>>, vector<1x16xf32>,
      %swap3A_1101 = vector.shape_cast %swap3A_1100 : vector<1x16xf32> to vector<16xf32>
      %swap3A_1102 = vector.shape_cast %mul3A_1097 : vector<16xf32> to vector<1x16xf32>
      tpu.vector_store %arg18[%swap3A_1098, %swap3A_1099], %swap3A_1102 {strides = array<i32>} : memref<64x128xf32, #tpu.memory_space<vmem>>, vector<1x16xf32>,
      %get3A_1103 = arith.index_cast %scan3A_1088 : i32 to index
      %get3A_1104 = arith.constant 16 : index
      %get3A_1105 = tpu.vector_load %arg18[%get3A_1103, %get3A_1104] {strides = array<i32>} : memref<64x128xf32, #tpu.memory_space<vmem>>, vector<1x16xf32>,
      %get3A_1106 = vector.shape_cast %get3A_1105 : vector<1x16xf32> to vector<16xf32>
      %get3A_1107 = arith.index_cast %scan3A_1088 : i32 to index
      %get3A_1108 = arith.constant 16 : index
      %get3A_1109 = tpu.vector_load %arg19[%get3A_1107, %get3A_1108] {strides = array<i32>} : memref<64x128xf32, #tpu.memory_space<vmem>>, vector<1x16xf32>,
      %get3A_1110 = vector.shape_cast %get3A_1109 : vector<1x16xf32> to vector<16xf32>
      %mul3A_1111 = arith.mulf %get3A_1106, %get3A_1110 : vector<16xf32>
      %swap3A_1112 = arith.index_cast %scan3A_1088 : i32 to index
      %swap3A_1113 = arith.constant 16 : index
      %swap3A_1114 = tpu.vector_load %arg18[%swap3A_1112, %swap3A_1113] {strides = array<i32>} : memref<64x128xf32, #tpu.memory_space<vmem>>, vector<1x16xf32>,
      %swap3A_1115 = vector.shape_cast %swap3A_1114 : vector<1x16xf32> to vector<16xf32>
      %swap3A_1116 = vector.shape_cast %mul3A_1111 : vector<16xf32> to vector<1x16xf32>
      tpu.vector_store %arg18[%swap3A_1112, %swap3A_1113], %swap3A_1116 {strides = array<i32>} : memref<64x128xf32, #tpu.memory_space<vmem>>, vector<1x16xf32>,
      %get3A_1117 = arith.index_cast %scan3A_1088 : i32 to index
      %get3A_1118 = arith.constant 32 : index
      %get3A_1119 = tpu.vector_load %arg18[%get3A_1117, %get3A_1118] {strides = array<i32>} : memref<64x128xf32, #tpu.memory_space<vmem>>, vector<1x16xf32>,
      %get3A_1120 = vector.shape_cast %get3A_1119 : vector<1x16xf32> to vector<16xf32>
      %get3A_1121 = arith.index_cast %scan3A_1088 : i32 to index
      %get3A_1122 = arith.constant 32 : index
      %get3A_1123 = tpu.vector_load %arg19[%get3A_1121, %get3A_1122] {strides = array<i32>} : memref<64x128xf32, #tpu.memory_space<vmem>>, vector<1x16xf32>,
      %get3A_1124 = vector.shape_cast %get3A_1123 : vector<1x16xf32> to vector<16xf32>
      %mul3A_1125 = arith.mulf %get3A_1120, %get3A_1124 : vector<16xf32>
      %swap3A_1126 = arith.index_cast %scan3A_1088 : i32 to index
      %swap3A_1127 = arith.constant 32 : index
      %swap3A_1128 = tpu.vector_load %arg18[%swap3A_1126, %swap3A_1127] {strides = array<i32>} : memref<64x128xf32, #tpu.memory_space<vmem>>, vector<1x16xf32>,
      %swap3A_1129 = vector.shape_cast %swap3A_1128 : vector<1x16xf32> to vector<16xf32>
      %swap3A_1130 = vector.shape_cast %mul3A_1125 : vector<16xf32> to vector<1x16xf32>
      tpu.vector_store %arg18[%swap3A_1126, %swap3A_1127], %swap3A_1130 {strides = array<i32>} : memref<64x128xf32, #tpu.memory_space<vmem>>, vector<1x16xf32>,
      %get3A_1131 = arith.index_cast %scan3A_1088 : i32 to index
      %get3A_1132 = arith.constant 48 : index
      %get3A_1133 = tpu.vector_load %arg18[%get3A_1131, %get3A_1132] {strides = array<i32>} : memref<64x128xf32, #tpu.memory_space<vmem>>, vector<1x16xf32>,
      %get3A_1134 = vector.shape_cast %get3A_1133 : vector<1x16xf32> to vector<16xf32>
      %get3A_1135 = arith.index_cast %scan3A_1088 : i32 to index
      %get3A_1136 = arith.constant 48 : index
      %get3A_1137 = tpu.vector_load %arg19[%get3A_1135, %get3A_1136] {strides = array<i32>} : memref<64x128xf32, #tpu.memory_space<vmem>>, vector<1x16xf32>,
      %get3A_1138 = vector.shape_cast %get3A_1137 : vector<1x16xf32> to vector<16xf32>
      %mul3A_1139 = arith.mulf %get3A_1134, %get3A_1138 : vector<16xf32>
      %swap3A_1140 = arith.index_cast %scan3A_1088 : i32 to index
      %swap3A_1141 = arith.constant 48 : index
      %swap3A_1142 = tpu.vector_load %arg18[%swap3A_1140, %swap3A_1141] {strides = array<i32>} : memref<64x128xf32, #tpu.memory_space<vmem>>, vector<1x16xf32>,
      %swap3A_1143 = vector.shape_cast %swap3A_1142 : vector<1x16xf32> to vector<16xf32>
      %swap3A_1144 = vector.shape_cast %mul3A_1139 : vector<16xf32> to vector<1x16xf32>
      tpu.vector_store %arg18[%swap3A_1140, %swap3A_1141], %swap3A_1144 {strides = array<i32>} : memref<64x128xf32, #tpu.memory_space<vmem>>, vector<1x16xf32>,
      %get3A_1145 = arith.index_cast %scan3A_1088 : i32 to index
      %get3A_1146 = arith.constant 64 : index
      %get3A_1147 = tpu.vector_load %arg18[%get3A_1145, %get3A_1146] {strides = array<i32>} : memref<64x128xf32, #tpu.memory_space<vmem>>, vector<1x16xf32>,
      %get3A_1148 = vector.shape_cast %get3A_1147 : vector<1x16xf32> to vector<16xf32>
      %get3A_1149 = arith.index_cast %scan3A_1088 : i32 to index
      %get3A_1150 = arith.constant 64 : index
      %get3A_1151 = tpu.vector_load %arg19[%get3A_1149, %get3A_1150] {strides = array<i32>} : memref<64x128xf32, #tpu.memory_space<vmem>>, vector<1x16xf32>,
      %get3A_1152 = vector.shape_cast %get3A_1151 : vector<1x16xf32> to vector<16xf32>
      %mul3A_1153 = arith.mulf %get3A_1148, %get3A_1152 : vector<16xf32>
      %swap3A_1154 = arith.index_cast %scan3A_1088 : i32 to index
      %swap3A_1155 = arith.constant 64 : index
      %swap3A_1156 = tpu.vector_load %arg18[%swap3A_1154, %swap3A_1155] {strides = array<i32>} : memref<64x128xf32, #tpu.memory_space<vmem>>, vector<1x16xf32>,
      %swap3A_1157 = vector.shape_cast %swap3A_1156 : vector<1x16xf32> to vector<16xf32>
      %swap3A_1158 = vector.shape_cast %mul3A_1153 : vector<16xf32> to vector<1x16xf32>
      tpu.vector_store %arg18[%swap3A_1154, %swap3A_1155], %swap3A_1158 {strides = array<i32>} : memref<64x128xf32, #tpu.memory_space<vmem>>, vector<1x16xf32>,
      %get3A_1159 = arith.index_cast %scan3A_1088 : i32 to index
      %get3A_1160 = arith.constant 80 : index
      %get3A_1161 = tpu.vector_load %arg18[%get3A_1159, %get3A_1160] {strides = array<i32>} : memref<64x128xf32, #tpu.memory_space<vmem>>, vector<1x16xf32>,
      %get3A_1162 = vector.shape_cast %get3A_1161 : vector<1x16xf32> to vector<16xf32>
      %get3A_1163 = arith.index_cast %scan3A_1088 : i32 to index
      %get3A_1164 = arith.constant 80 : index
      %get3A_1165 = tpu.vector_load %arg19[%get3A_1163, %get3A_1164] {strides = array<i32>} : memref<64x128xf32, #tpu.memory_space<vmem>>, vector<1x16xf32>,
      %get3A_1166 = vector.shape_cast %get3A_1165 : vector<1x16xf32> to vector<16xf32>
      %mul3A_1167 = arith.mulf %get3A_1162, %get3A_1166 : vector<16xf32>
      %swap3A_1168 = arith.index_cast %scan3A_1088 : i32 to index
      %swap3A_1169 = arith.constant 80 : index
      %swap3A_1170 = tpu.vector_load %arg18[%swap3A_1168, %swap3A_1169] {strides = array<i32>} : memref<64x128xf32, #tpu.memory_space<vmem>>, vector<1x16xf32>,
      %swap3A_1171 = vector.shape_cast %swap3A_1170 : vector<1x16xf32> to vector<16xf32>
      %swap3A_1172 = vector.shape_cast %mul3A_1167 : vector<16xf32> to vector<1x16xf32>
      tpu.vector_store %arg18[%swap3A_1168, %swap3A_1169], %swap3A_1172 {strides = array<i32>} : memref<64x128xf32, #tpu.memory_space<vmem>>, vector<1x16xf32>,
      %get3A_1173 = arith.index_cast %scan3A_1088 : i32 to index
      %get3A_1174 = arith.constant 96 : index
      %get3A_1175 = tpu.vector_load %arg18[%get3A_1173, %get3A_1174] {strides = array<i32>} : memref<64x128xf32, #tpu.memory_space<vmem>>, vector<1x16xf32>,
      %get3A_1176 = vector.shape_cast %get3A_1175 : vector<1x16xf32> to vector<16xf32>
      %get3A_1177 = arith.index_cast %scan3A_1088 : i32 to index
      %get3A_1178 = arith.constant 96 : index
      %get3A_1179 = tpu.vector_load %arg19[%get3A_1177, %get3A_1178] {strides = array<i32>} : memref<64x128xf32, #tpu.memory_space<vmem>>, vector<1x16xf32>,
      %get3A_1180 = vector.shape_cast %get3A_1179 : vector<1x16xf32> to vector<16xf32>
      %mul3A_1181 = arith.mulf %get3A_1176, %get3A_1180 : vector<16xf32>
      %swap3A_1182 = arith.index_cast %scan3A_1088 : i32 to index
      %swap3A_1183 = arith.constant 96 : index
      %swap3A_1184 = tpu.vector_load %arg18[%swap3A_1182, %swap3A_1183] {strides = array<i32>} : memref<64x128xf32, #tpu.memory_space<vmem>>, vector<1x16xf32>,
      %swap3A_1185 = vector.shape_cast %swap3A_1184 : vector<1x16xf32> to vector<16xf32>
      %swap3A_1186 = vector.shape_cast %mul3A_1181 : vector<16xf32> to vector<1x16xf32>
      tpu.vector_store %arg18[%swap3A_1182, %swap3A_1183], %swap3A_1186 {strides = array<i32>} : memref<64x128xf32, #tpu.memory_space<vmem>>, vector<1x16xf32>,
      %get3A_1187 = arith.index_cast %scan3A_1088 : i32 to index
      %get3A_1188 = arith.constant 112 : index
      %get3A_1189 = tpu.vector_load %arg18[%get3A_1187, %get3A_1188] {strides = array<i32>} : memref<64x128xf32, #tpu.memory_space<vmem>>, vector<1x16xf32>,
      %get3A_1190 = vector.shape_cast %get3A_1189 : vector<1x16xf32> to vector<16xf32>
      %get3A_1191 = arith.index_cast %scan3A_1088 : i32 to index
      %get3A_1192 = arith.constant 112 : index
      %get3A_1193 = tpu.vector_load %arg19[%get3A_1191, %get3A_1192] {strides = array<i32>} : memref<64x128xf32, #tpu.memory_space<vmem>>, vector<1x16xf32>,
      %get3A_1194 = vector.shape_cast %get3A_1193 : vector<1x16xf32> to vector<16xf32>
      %mul3A_1195 = arith.mulf %get3A_1190, %get3A_1194 : vector<16xf32>
      %swap3A_1196 = arith.index_cast %scan3A_1088 : i32 to index
      %swap3A_1197 = arith.constant 112 : index
      %swap3A_1198 = tpu.vector_load %arg18[%swap3A_1196, %swap3A_1197] {strides = array<i32>} : memref<64x128xf32, #tpu.memory_space<vmem>>, vector<1x16xf32>,
      %swap3A_1199 = vector.shape_cast %swap3A_1198 : vector<1x16xf32> to vector<16xf32>
      %swap3A_1200 = vector.shape_cast %mul3A_1195 : vector<16xf32> to vector<1x16xf32>
      tpu.vector_store %arg18[%swap3A_1196, %swap3A_1197], %swap3A_1200 {strides = array<i32>} : memref<64x128xf32, #tpu.memory_space<vmem>>, vector<1x16xf32>,
    }
    %scan3A_675 = arith.constant 64 : i32
    %dma_start3A_676 = arith.constant 0 : i32
    %dma_start3A_677 = tpu.memref_slice %arg7[%add3A_615, %dma_start3A_676] : memref<16384x128xf32, #tpu.memory_space<hbm>> -> memref<64x128xf32, #tpu.memory_space<hbm>>
    %dma_start3A_678 = arith.constant 0 : i32
    %dma_start3A_679 = tpu.memref_slice %arg7[%add3A_615, %dma_start3A_678] : memref<16384x128xf32, #tpu.memory_space<hbm>> -> memref<64x128xf32, #tpu.memory_space<hbm>>
    tpu.enqueue_dma source(%arg18 : memref<64x128xf32, #tpu.memory_space<vmem>>) target(%dma_start3A_679 : memref<64x128xf32, #tpu.memory_space<hbm>>) target_semaphore(%arg27 : memref<!tpu.dma_semaphore, #tpu.memory_space<semaphore_mem>>)
    %add3A_680 = arith.constant 192 : i32
    %add3A_681 = arith.addi %mul3A_2, %add3A_680 : i32
    %dma_wait3A_682 = arith.constant 0 : i32
    %dma_wait3A_683 = tpu.memref_slice %arg8[%add3A_615, %dma_wait3A_682] : memref<16384x128xf32, #tpu.memory_space<hbm>> -> memref<64x128xf32, #tpu.memory_space<hbm>>
    %dma_wait3A_684 = arith.constant 0 : i32
    %dma_wait3A_685 = tpu.memref_slice %arg8[%add3A_615, %dma_wait3A_684] : memref<16384x128xf32, #tpu.memory_space<hbm>> -> memref<64x128xf32, #tpu.memory_space<hbm>>
    tpu.wait_dma2 semaphore(%arg27 : memref<!tpu.dma_semaphore, #tpu.memory_space<semaphore_mem>>) src(%arg20 : memref<64x128xf32, #tpu.memory_space<vmem>>) dst(%dma_wait3A_685 : memref<64x128xf32, #tpu.memory_space<hbm>>)
    %dma_wait3A_686 = arith.constant 0 : i32
    %dma_wait3A_687 = tpu.memref_slice %arg7[%add3A_615, %dma_wait3A_686] : memref<16384x128xf32, #tpu.memory_space<hbm>> -> memref<64x128xf32, #tpu.memory_space<hbm>>
    %dma_wait3A_688 = arith.constant 0 : i32
    %dma_wait3A_689 = tpu.memref_slice %arg7[%add3A_615, %dma_wait3A_688] : memref<16384x128xf32, #tpu.memory_space<hbm>> -> memref<64x128xf32, #tpu.memory_space<hbm>>
    tpu.wait_dma2 semaphore(%arg27 : memref<!tpu.dma_semaphore, #tpu.memory_space<semaphore_mem>>) src(%arg18 : memref<64x128xf32, #tpu.memory_space<vmem>>) dst(%dma_wait3A_689 : memref<64x128xf32, #tpu.memory_space<hbm>>)
    %dma_start3A_690 = arith.constant 5 : i32
    %dma_start3A_691 = arith.constant 0 : i32
    %dma_start3A_692 = tpu.memref_slice %arg9[%dma_start3A_690, %dma_start3A_691] : memref<8x64xi32, #tpu.memory_space<vmem>> -> memref<1x64xi32, #tpu.memory_space<vmem>>
    %dma_start3A_693 = tpu.memref_squeeze %dma_start3A_692 : memref<1x64xi32, #tpu.memory_space<vmem>> -> memref<64xi32, #tpu.memory_space<vmem>>
    %dma_start3A_694 = arith.constant 0 : i32
    %dma_start3A_695 = arith.constant 0 : i32
    %dma_start3A_696 = tpu.memref_slice %arg5[%dma_start3A_694, %dma_start3A_695] : memref<1000000x128xf32, #tpu.memory_space<hbm>> -> memref<1000000x128xf32, #tpu.memory_space<hbm>>
    tpu.enqueue_indirect_dma source(%dma_start3A_696 : memref<1000000x128xf32, #tpu.memory_space<hbm>>) target(%arg18 : memref<64x128xf32, #tpu.memory_space<vmem>>) offsets(%dma_start3A_693 : memref<64xi32, #tpu.memory_space<vmem>>) semaphore(%arg24 : memref<!tpu.dma_semaphore, #tpu.memory_space<semaphore_mem>>)
    %dma_start3A_697 = arith.constant 5 : i32
    %dma_start3A_698 = arith.constant 0 : i32
    %dma_start3A_699 = tpu.memref_slice %arg10[%dma_start3A_697, %dma_start3A_698] : memref<8x64xi32, #tpu.memory_space<vmem>> -> memref<1x64xi32, #tpu.memory_space<vmem>>
    %dma_start3A_700 = tpu.memref_squeeze %dma_start3A_699 : memref<1x64xi32, #tpu.memory_space<vmem>> -> memref<64xi32, #tpu.memory_space<vmem>>
    %dma_start3A_701 = arith.constant 0 : i32
    %dma_start3A_702 = arith.constant 0 : i32
    %dma_start3A_703 = tpu.memref_slice %arg6[%dma_start3A_701, %dma_start3A_702] : memref<1000x128xf32, #tpu.memory_space<hbm>> -> memref<1000x128xf32, #tpu.memory_space<hbm>>
    tpu.enqueue_indirect_dma source(%dma_start3A_703 : memref<1000x128xf32, #tpu.memory_space<hbm>>) target(%arg19 : memref<64x128xf32, #tpu.memory_space<vmem>>) offsets(%dma_start3A_700 : memref<64xi32, #tpu.memory_space<vmem>>) semaphore(%arg24 : memref<!tpu.dma_semaphore, #tpu.memory_space<semaphore_mem>>)
    %dma_start3A_704 = arith.constant 5 : i32
    %dma_start3A_705 = arith.constant 0 : i32
    %dma_start3A_706 = tpu.memref_slice %arg11[%dma_start3A_704, %dma_start3A_705] : memref<8x64xi32, #tpu.memory_space<vmem>> -> memref<1x64xi32, #tpu.memory_space<vmem>>
    %dma_start3A_707 = tpu.memref_squeeze %dma_start3A_706 : memref<1x64xi32, #tpu.memory_space<vmem>> -> memref<64xi32, #tpu.memory_space<vmem>>
    %dma_start3A_708 = arith.constant 0 : i32
    %dma_start3A_709 = arith.constant 0 : i32
    %dma_start3A_710 = tpu.memref_slice %arg5[%dma_start3A_708, %dma_start3A_709] : memref<1000000x128xf32, #tpu.memory_space<hbm>> -> memref<1000000x128xf32, #tpu.memory_space<hbm>>
    tpu.enqueue_indirect_dma source(%dma_start3A_710 : memref<1000000x128xf32, #tpu.memory_space<hbm>>) target(%arg20 : memref<64x128xf32, #tpu.memory_space<vmem>>) offsets(%dma_start3A_707 : memref<64xi32, #tpu.memory_space<vmem>>) semaphore(%arg24 : memref<!tpu.dma_semaphore, #tpu.memory_space<semaphore_mem>>)
    %dma_wait3A_711 = arith.constant 3 : i32
    %dma_wait3A_712 = arith.constant 0 : i32
    %dma_wait3A_713 = tpu.memref_slice %arg9[%dma_wait3A_711, %dma_wait3A_712] : memref<8x64xi32, #tpu.memory_space<vmem>> -> memref<1x64xi32, #tpu.memory_space<vmem>>
    %dma_wait3A_714 = tpu.memref_squeeze %dma_wait3A_713 : memref<1x64xi32, #tpu.memory_space<vmem>> -> memref<64xi32, #tpu.memory_space<vmem>>
    %dma_wait3A_715 = arith.constant 0 : i32
    %dma_wait3A_716 = arith.constant 0 : i32
    %dma_wait3A_717 = tpu.memref_slice %arg5[%dma_wait3A_715, %dma_wait3A_716] : memref<1000000x128xf32, #tpu.memory_space<hbm>> -> memref<1000000x128xf32, #tpu.memory_space<hbm>>
    tpu.wait_indirect_dma semaphore(%arg22 : memref<!tpu.dma_semaphore, #tpu.memory_space<semaphore_mem>>) src(%dma_wait3A_717 : memref<1000000x128xf32, #tpu.memory_space<hbm>>) dst(%arg12 : memref<64x128xf32, #tpu.memory_space<vmem>>)
    %dma_wait3A_718 = arith.constant 3 : i32
    %dma_wait3A_719 = arith.constant 0 : i32
    %dma_wait3A_720 = tpu.memref_slice %arg10[%dma_wait3A_718, %dma_wait3A_719] : memref<8x64xi32, #tpu.memory_space<vmem>> -> memref<1x64xi32, #tpu.memory_space<vmem>>
    %dma_wait3A_721 = tpu.memref_squeeze %dma_wait3A_720 : memref<1x64xi32, #tpu.memory_space<vmem>> -> memref<64xi32, #tpu.memory_space<vmem>>
    %dma_wait3A_722 = arith.constant 0 : i32
    %dma_wait3A_723 = arith.constant 0 : i32
    %dma_wait3A_724 = tpu.memref_slice %arg6[%dma_wait3A_722, %dma_wait3A_723] : memref<1000x128xf32, #tpu.memory_space<hbm>> -> memref<1000x128xf32, #tpu.memory_space<hbm>>
    tpu.wait_indirect_dma semaphore(%arg22 : memref<!tpu.dma_semaphore, #tpu.memory_space<semaphore_mem>>) src(%dma_wait3A_724 : memref<1000x128xf32, #tpu.memory_space<hbm>>) dst(%arg13 : memref<64x128xf32, #tpu.memory_space<vmem>>)
    %dma_wait3A_725 = arith.constant 3 : i32
    %dma_wait3A_726 = arith.constant 0 : i32
    %dma_wait3A_727 = tpu.memref_slice %arg11[%dma_wait3A_725, %dma_wait3A_726] : memref<8x64xi32, #tpu.memory_space<vmem>> -> memref<1x64xi32, #tpu.memory_space<vmem>>
    %dma_wait3A_728 = tpu.memref_squeeze %dma_wait3A_727 : memref<1x64xi32, #tpu.memory_space<vmem>> -> memref<64xi32, #tpu.memory_space<vmem>>
    %dma_wait3A_729 = arith.constant 0 : i32
    %dma_wait3A_730 = arith.constant 0 : i32
    %dma_wait3A_731 = tpu.memref_slice %arg5[%dma_wait3A_729, %dma_wait3A_730] : memref<1000000x128xf32, #tpu.memory_space<hbm>> -> memref<1000000x128xf32, #tpu.memory_space<hbm>>
    tpu.wait_indirect_dma semaphore(%arg22 : memref<!tpu.dma_semaphore, #tpu.memory_space<semaphore_mem>>) src(%dma_wait3A_731 : memref<1000000x128xf32, #tpu.memory_space<hbm>>) dst(%arg14 : memref<64x128xf32, #tpu.memory_space<vmem>>)
    %dma_start3A_732 = arith.constant 0 : i32
    %dma_start3A_733 = tpu.memref_slice %arg8[%add3A_681, %dma_start3A_732] : memref<16384x128xf32, #tpu.memory_space<hbm>> -> memref<64x128xf32, #tpu.memory_space<hbm>>
    %dma_start3A_734 = arith.constant 0 : i32
    %dma_start3A_735 = tpu.memref_slice %arg8[%add3A_681, %dma_start3A_734] : memref<16384x128xf32, #tpu.memory_space<hbm>> -> memref<64x128xf32, #tpu.memory_space<hbm>>
    tpu.enqueue_dma source(%arg14 : memref<64x128xf32, #tpu.memory_space<vmem>>) target(%dma_start3A_735 : memref<64x128xf32, #tpu.memory_space<hbm>>) target_semaphore(%arg25 : memref<!tpu.dma_semaphore, #tpu.memory_space<semaphore_mem>>)
    %scan3A_736 = arith.constant 0 : i32
    %scan3A_737 = arith.constant 0 : i32
    %scan3A_738 = arith.constant 64 : i32
    %scan3A_739 = arith.addi %scan3A_737, %scan3A_738 : i32
    %scan3A_740 = arith.constant 2 : i32
    scf.for %scan3A_976 = %scan3A_737 to %scan3A_739 step %scan3A_740  : i32 {
      %get3A = arith.index_cast %scan3A_976 : i32 to index
      %get3A_977 = arith.constant 0 : index
      %get3A_978 = tpu.vector_load %arg12[%get3A, %get3A_977] {strides = array<i32>} : memref<64x128xf32, #tpu.memory_space<vmem>>, vector<1x16xf32>,
      %get3A_979 = vector.shape_cast %get3A_978 : vector<1x16xf32> to vector<16xf32>
      %get3A_980 = arith.index_cast %scan3A_976 : i32 to index
      %get3A_981 = arith.constant 0 : index
      %get3A_982 = tpu.vector_load %arg13[%get3A_980, %get3A_981] {strides = array<i32>} : memref<64x128xf32, #tpu.memory_space<vmem>>, vector<1x16xf32>,
      %get3A_983 = vector.shape_cast %get3A_982 : vector<1x16xf32> to vector<16xf32>
      %mul3A_984 = arith.mulf %get3A_979, %get3A_983 : vector<16xf32>
      %swap3A = arith.index_cast %scan3A_976 : i32 to index
      %swap3A_985 = arith.constant 0 : index
      %swap3A_986 = tpu.vector_load %arg12[%swap3A, %swap3A_985] {strides = array<i32>} : memref<64x128xf32, #tpu.memory_space<vmem>>, vector<1x16xf32>,
      %swap3A_987 = vector.shape_cast %swap3A_986 : vector<1x16xf32> to vector<16xf32>
      %swap3A_988 = vector.shape_cast %mul3A_984 : vector<16xf32> to vector<1x16xf32>
      tpu.vector_store %arg12[%swap3A, %swap3A_985], %swap3A_988 {strides = array<i32>} : memref<64x128xf32, #tpu.memory_space<vmem>>, vector<1x16xf32>,
      %get3A_989 = arith.index_cast %scan3A_976 : i32 to index
      %get3A_990 = arith.constant 16 : index
      %get3A_991 = tpu.vector_load %arg12[%get3A_989, %get3A_990] {strides = array<i32>} : memref<64x128xf32, #tpu.memory_space<vmem>>, vector<1x16xf32>,
      %get3A_992 = vector.shape_cast %get3A_991 : vector<1x16xf32> to vector<16xf32>
      %get3A_993 = arith.index_cast %scan3A_976 : i32 to index
      %get3A_994 = arith.constant 16 : index
      %get3A_995 = tpu.vector_load %arg13[%get3A_993, %get3A_994] {strides = array<i32>} : memref<64x128xf32, #tpu.memory_space<vmem>>, vector<1x16xf32>,
      %get3A_996 = vector.shape_cast %get3A_995 : vector<1x16xf32> to vector<16xf32>
      %mul3A_997 = arith.mulf %get3A_992, %get3A_996 : vector<16xf32>
      %swap3A_998 = arith.index_cast %scan3A_976 : i32 to index
      %swap3A_999 = arith.constant 16 : index
      %swap3A_1000 = tpu.vector_load %arg12[%swap3A_998, %swap3A_999] {strides = array<i32>} : memref<64x128xf32, #tpu.memory_space<vmem>>, vector<1x16xf32>,
      %swap3A_1001 = vector.shape_cast %swap3A_1000 : vector<1x16xf32> to vector<16xf32>
      %swap3A_1002 = vector.shape_cast %mul3A_997 : vector<16xf32> to vector<1x16xf32>
      tpu.vector_store %arg12[%swap3A_998, %swap3A_999], %swap3A_1002 {strides = array<i32>} : memref<64x128xf32, #tpu.memory_space<vmem>>, vector<1x16xf32>,
      %get3A_1003 = arith.index_cast %scan3A_976 : i32 to index
      %get3A_1004 = arith.constant 32 : index
      %get3A_1005 = tpu.vector_load %arg12[%get3A_1003, %get3A_1004] {strides = array<i32>} : memref<64x128xf32, #tpu.memory_space<vmem>>, vector<1x16xf32>,
      %get3A_1006 = vector.shape_cast %get3A_1005 : vector<1x16xf32> to vector<16xf32>
      %get3A_1007 = arith.index_cast %scan3A_976 : i32 to index
      %get3A_1008 = arith.constant 32 : index
      %get3A_1009 = tpu.vector_load %arg13[%get3A_1007, %get3A_1008] {strides = array<i32>} : memref<64x128xf32, #tpu.memory_space<vmem>>, vector<1x16xf32>,
      %get3A_1010 = vector.shape_cast %get3A_1009 : vector<1x16xf32> to vector<16xf32>
      %mul3A_1011 = arith.mulf %get3A_1006, %get3A_1010 : vector<16xf32>
      %swap3A_1012 = arith.index_cast %scan3A_976 : i32 to index
      %swap3A_1013 = arith.constant 32 : index
      %swap3A_1014 = tpu.vector_load %arg12[%swap3A_1012, %swap3A_1013] {strides = array<i32>} : memref<64x128xf32, #tpu.memory_space<vmem>>, vector<1x16xf32>,
      %swap3A_1015 = vector.shape_cast %swap3A_1014 : vector<1x16xf32> to vector<16xf32>
      %swap3A_1016 = vector.shape_cast %mul3A_1011 : vector<16xf32> to vector<1x16xf32>
      tpu.vector_store %arg12[%swap3A_1012, %swap3A_1013], %swap3A_1016 {strides = array<i32>} : memref<64x128xf32, #tpu.memory_space<vmem>>, vector<1x16xf32>,
      %get3A_1017 = arith.index_cast %scan3A_976 : i32 to index
      %get3A_1018 = arith.constant 48 : index
      %get3A_1019 = tpu.vector_load %arg12[%get3A_1017, %get3A_1018] {strides = array<i32>} : memref<64x128xf32, #tpu.memory_space<vmem>>, vector<1x16xf32>,
      %get3A_1020 = vector.shape_cast %get3A_1019 : vector<1x16xf32> to vector<16xf32>
      %get3A_1021 = arith.index_cast %scan3A_976 : i32 to index
      %get3A_1022 = arith.constant 48 : index
      %get3A_1023 = tpu.vector_load %arg13[%get3A_1021, %get3A_1022] {strides = array<i32>} : memref<64x128xf32, #tpu.memory_space<vmem>>, vector<1x16xf32>,
      %get3A_1024 = vector.shape_cast %get3A_1023 : vector<1x16xf32> to vector<16xf32>
      %mul3A_1025 = arith.mulf %get3A_1020, %get3A_1024 : vector<16xf32>
      %swap3A_1026 = arith.index_cast %scan3A_976 : i32 to index
      %swap3A_1027 = arith.constant 48 : index
      %swap3A_1028 = tpu.vector_load %arg12[%swap3A_1026, %swap3A_1027] {strides = array<i32>} : memref<64x128xf32, #tpu.memory_space<vmem>>, vector<1x16xf32>,
      %swap3A_1029 = vector.shape_cast %swap3A_1028 : vector<1x16xf32> to vector<16xf32>
      %swap3A_1030 = vector.shape_cast %mul3A_1025 : vector<16xf32> to vector<1x16xf32>
      tpu.vector_store %arg12[%swap3A_1026, %swap3A_1027], %swap3A_1030 {strides = array<i32>} : memref<64x128xf32, #tpu.memory_space<vmem>>, vector<1x16xf32>,
      %get3A_1031 = arith.index_cast %scan3A_976 : i32 to index
      %get3A_1032 = arith.constant 64 : index
      %get3A_1033 = tpu.vector_load %arg12[%get3A_1031, %get3A_1032] {strides = array<i32>} : memref<64x128xf32, #tpu.memory_space<vmem>>, vector<1x16xf32>,
      %get3A_1034 = vector.shape_cast %get3A_1033 : vector<1x16xf32> to vector<16xf32>
      %get3A_1035 = arith.index_cast %scan3A_976 : i32 to index
      %get3A_1036 = arith.constant 64 : index
      %get3A_1037 = tpu.vector_load %arg13[%get3A_1035, %get3A_1036] {strides = array<i32>} : memref<64x128xf32, #tpu.memory_space<vmem>>, vector<1x16xf32>,
      %get3A_1038 = vector.shape_cast %get3A_1037 : vector<1x16xf32> to vector<16xf32>
      %mul3A_1039 = arith.mulf %get3A_1034, %get3A_1038 : vector<16xf32>
      %swap3A_1040 = arith.index_cast %scan3A_976 : i32 to index
      %swap3A_1041 = arith.constant 64 : index
      %swap3A_1042 = tpu.vector_load %arg12[%swap3A_1040, %swap3A_1041] {strides = array<i32>} : memref<64x128xf32, #tpu.memory_space<vmem>>, vector<1x16xf32>,
      %swap3A_1043 = vector.shape_cast %swap3A_1042 : vector<1x16xf32> to vector<16xf32>
      %swap3A_1044 = vector.shape_cast %mul3A_1039 : vector<16xf32> to vector<1x16xf32>
      tpu.vector_store %arg12[%swap3A_1040, %swap3A_1041], %swap3A_1044 {strides = array<i32>} : memref<64x128xf32, #tpu.memory_space<vmem>>, vector<1x16xf32>,
      %get3A_1045 = arith.index_cast %scan3A_976 : i32 to index
      %get3A_1046 = arith.constant 80 : index
      %get3A_1047 = tpu.vector_load %arg12[%get3A_1045, %get3A_1046] {strides = array<i32>} : memref<64x128xf32, #tpu.memory_space<vmem>>, vector<1x16xf32>,
      %get3A_1048 = vector.shape_cast %get3A_1047 : vector<1x16xf32> to vector<16xf32>
      %get3A_1049 = arith.index_cast %scan3A_976 : i32 to index
      %get3A_1050 = arith.constant 80 : index
      %get3A_1051 = tpu.vector_load %arg13[%get3A_1049, %get3A_1050] {strides = array<i32>} : memref<64x128xf32, #tpu.memory_space<vmem>>, vector<1x16xf32>,
      %get3A_1052 = vector.shape_cast %get3A_1051 : vector<1x16xf32> to vector<16xf32>
      %mul3A_1053 = arith.mulf %get3A_1048, %get3A_1052 : vector<16xf32>
      %swap3A_1054 = arith.index_cast %scan3A_976 : i32 to index
      %swap3A_1055 = arith.constant 80 : index
      %swap3A_1056 = tpu.vector_load %arg12[%swap3A_1054, %swap3A_1055] {strides = array<i32>} : memref<64x128xf32, #tpu.memory_space<vmem>>, vector<1x16xf32>,
      %swap3A_1057 = vector.shape_cast %swap3A_1056 : vector<1x16xf32> to vector<16xf32>
      %swap3A_1058 = vector.shape_cast %mul3A_1053 : vector<16xf32> to vector<1x16xf32>
      tpu.vector_store %arg12[%swap3A_1054, %swap3A_1055], %swap3A_1058 {strides = array<i32>} : memref<64x128xf32, #tpu.memory_space<vmem>>, vector<1x16xf32>,
      %get3A_1059 = arith.index_cast %scan3A_976 : i32 to index
      %get3A_1060 = arith.constant 96 : index
      %get3A_1061 = tpu.vector_load %arg12[%get3A_1059, %get3A_1060] {strides = array<i32>} : memref<64x128xf32, #tpu.memory_space<vmem>>, vector<1x16xf32>,
      %get3A_1062 = vector.shape_cast %get3A_1061 : vector<1x16xf32> to vector<16xf32>
      %get3A_1063 = arith.index_cast %scan3A_976 : i32 to index
      %get3A_1064 = arith.constant 96 : index
      %get3A_1065 = tpu.vector_load %arg13[%get3A_1063, %get3A_1064] {strides = array<i32>} : memref<64x128xf32, #tpu.memory_space<vmem>>, vector<1x16xf32>,
      %get3A_1066 = vector.shape_cast %get3A_1065 : vector<1x16xf32> to vector<16xf32>
      %mul3A_1067 = arith.mulf %get3A_1062, %get3A_1066 : vector<16xf32>
      %swap3A_1068 = arith.index_cast %scan3A_976 : i32 to index
      %swap3A_1069 = arith.constant 96 : index
      %swap3A_1070 = tpu.vector_load %arg12[%swap3A_1068, %swap3A_1069] {strides = array<i32>} : memref<64x128xf32, #tpu.memory_space<vmem>>, vector<1x16xf32>,
      %swap3A_1071 = vector.shape_cast %swap3A_1070 : vector<1x16xf32> to vector<16xf32>
      %swap3A_1072 = vector.shape_cast %mul3A_1067 : vector<16xf32> to vector<1x16xf32>
      tpu.vector_store %arg12[%swap3A_1068, %swap3A_1069], %swap3A_1072 {strides = array<i32>} : memref<64x128xf32, #tpu.memory_space<vmem>>, vector<1x16xf32>,
      %get3A_1073 = arith.index_cast %scan3A_976 : i32 to index
      %get3A_1074 = arith.constant 112 : index
      %get3A_1075 = tpu.vector_load %arg12[%get3A_1073, %get3A_1074] {strides = array<i32>} : memref<64x128xf32, #tpu.memory_space<vmem>>, vector<1x16xf32>,
      %get3A_1076 = vector.shape_cast %get3A_1075 : vector<1x16xf32> to vector<16xf32>
      %get3A_1077 = arith.index_cast %scan3A_976 : i32 to index
      %get3A_1078 = arith.constant 112 : index
      %get3A_1079 = tpu.vector_load %arg13[%get3A_1077, %get3A_1078] {strides = array<i32>} : memref<64x128xf32, #tpu.memory_space<vmem>>, vector<1x16xf32>,
      %get3A_1080 = vector.shape_cast %get3A_1079 : vector<1x16xf32> to vector<16xf32>
      %mul3A_1081 = arith.mulf %get3A_1076, %get3A_1080 : vector<16xf32>
      %swap3A_1082 = arith.index_cast %scan3A_976 : i32 to index
      %swap3A_1083 = arith.constant 112 : index
      %swap3A_1084 = tpu.vector_load %arg12[%swap3A_1082, %swap3A_1083] {strides = array<i32>} : memref<64x128xf32, #tpu.memory_space<vmem>>, vector<1x16xf32>,
      %swap3A_1085 = vector.shape_cast %swap3A_1084 : vector<1x16xf32> to vector<16xf32>
      %swap3A_1086 = vector.shape_cast %mul3A_1081 : vector<16xf32> to vector<1x16xf32>
      tpu.vector_store %arg12[%swap3A_1082, %swap3A_1083], %swap3A_1086 {strides = array<i32>} : memref<64x128xf32, #tpu.memory_space<vmem>>, vector<1x16xf32>,
      %scan3A_1087 = arith.constant 1 : i32
      %scan3A_1088 = arith.addi %scan3A_976, %scan3A_1087 : i32
      %get3A_1089 = arith.index_cast %scan3A_1088 : i32 to index
      %get3A_1090 = arith.constant 0 : index
      %get3A_1091 = tpu.vector_load %arg12[%get3A_1089, %get3A_1090] {strides = array<i32>} : memref<64x128xf32, #tpu.memory_space<vmem>>, vector<1x16xf32>,
      %get3A_1092 = vector.shape_cast %get3A_1091 : vector<1x16xf32> to vector<16xf32>
      %get3A_1093 = arith.index_cast %scan3A_1088 : i32 to index
      %get3A_1094 = arith.constant 0 : index
      %get3A_1095 = tpu.vector_load %arg13[%get3A_1093, %get3A_1094] {strides = array<i32>} : memref<64x128xf32, #tpu.memory_space<vmem>>, vector<1x16xf32>,
      %get3A_1096 = vector.shape_cast %get3A_1095 : vector<1x16xf32> to vector<16xf32>
      %mul3A_1097 = arith.mulf %get3A_1092, %get3A_1096 : vector<16xf32>
      %swap3A_1098 = arith.index_cast %scan3A_1088 : i32 to index
      %swap3A_1099 = arith.constant 0 : index
      %swap3A_1100 = tpu.vector_load %arg12[%swap3A_1098, %swap3A_1099] {strides = array<i32>} : memref<64x128xf32, #tpu.memory_space<vmem>>, vector<1x16xf32>,
      %swap3A_1101 = vector.shape_cast %swap3A_1100 : vector<1x16xf32> to vector<16xf32>
      %swap3A_1102 = vector.shape_cast %mul3A_1097 : vector<16xf32> to vector<1x16xf32>
      tpu.vector_store %arg12[%swap3A_1098, %swap3A_1099], %swap3A_1102 {strides = array<i32>} : memref<64x128xf32, #tpu.memory_space<vmem>>, vector<1x16xf32>,
      %get3A_1103 = arith.index_cast %scan3A_1088 : i32 to index
      %get3A_1104 = arith.constant 16 : index
      %get3A_1105 = tpu.vector_load %arg12[%get3A_1103, %get3A_1104] {strides = array<i32>} : memref<64x128xf32, #tpu.memory_space<vmem>>, vector<1x16xf32>,
      %get3A_1106 = vector.shape_cast %get3A_1105 : vector<1x16xf32> to vector<16xf32>
      %get3A_1107 = arith.index_cast %scan3A_1088 : i32 to index
      %get3A_1108 = arith.constant 16 : index
      %get3A_1109 = tpu.vector_load %arg13[%get3A_1107, %get3A_1108] {strides = array<i32>} : memref<64x128xf32, #tpu.memory_space<vmem>>, vector<1x16xf32>,
      %get3A_1110 = vector.shape_cast %get3A_1109 : vector<1x16xf32> to vector<16xf32>
      %mul3A_1111 = arith.mulf %get3A_1106, %get3A_1110 : vector<16xf32>
      %swap3A_1112 = arith.index_cast %scan3A_1088 : i32 to index
      %swap3A_1113 = arith.constant 16 : index
      %swap3A_1114 = tpu.vector_load %arg12[%swap3A_1112, %swap3A_1113] {strides = array<i32>} : memref<64x128xf32, #tpu.memory_space<vmem>>, vector<1x16xf32>,
      %swap3A_1115 = vector.shape_cast %swap3A_1114 : vector<1x16xf32> to vector<16xf32>
      %swap3A_1116 = vector.shape_cast %mul3A_1111 : vector<16xf32> to vector<1x16xf32>
      tpu.vector_store %arg12[%swap3A_1112, %swap3A_1113], %swap3A_1116 {strides = array<i32>} : memref<64x128xf32, #tpu.memory_space<vmem>>, vector<1x16xf32>,
      %get3A_1117 = arith.index_cast %scan3A_1088 : i32 to index
      %get3A_1118 = arith.constant 32 : index
      %get3A_1119 = tpu.vector_load %arg12[%get3A_1117, %get3A_1118] {strides = array<i32>} : memref<64x128xf32, #tpu.memory_space<vmem>>, vector<1x16xf32>,
      %get3A_1120 = vector.shape_cast %get3A_1119 : vector<1x16xf32> to vector<16xf32>
      %get3A_1121 = arith.index_cast %scan3A_1088 : i32 to index
      %get3A_1122 = arith.constant 32 : index
      %get3A_1123 = tpu.vector_load %arg13[%get3A_1121, %get3A_1122] {strides = array<i32>} : memref<64x128xf32, #tpu.memory_space<vmem>>, vector<1x16xf32>,
      %get3A_1124 = vector.shape_cast %get3A_1123 : vector<1x16xf32> to vector<16xf32>
      %mul3A_1125 = arith.mulf %get3A_1120, %get3A_1124 : vector<16xf32>
      %swap3A_1126 = arith.index_cast %scan3A_1088 : i32 to index
      %swap3A_1127 = arith.constant 32 : index
      %swap3A_1128 = tpu.vector_load %arg12[%swap3A_1126, %swap3A_1127] {strides = array<i32>} : memref<64x128xf32, #tpu.memory_space<vmem>>, vector<1x16xf32>,
      %swap3A_1129 = vector.shape_cast %swap3A_1128 : vector<1x16xf32> to vector<16xf32>
      %swap3A_1130 = vector.shape_cast %mul3A_1125 : vector<16xf32> to vector<1x16xf32>
      tpu.vector_store %arg12[%swap3A_1126, %swap3A_1127], %swap3A_1130 {strides = array<i32>} : memref<64x128xf32, #tpu.memory_space<vmem>>, vector<1x16xf32>,
      %get3A_1131 = arith.index_cast %scan3A_1088 : i32 to index
      %get3A_1132 = arith.constant 48 : index
      %get3A_1133 = tpu.vector_load %arg12[%get3A_1131, %get3A_1132] {strides = array<i32>} : memref<64x128xf32, #tpu.memory_space<vmem>>, vector<1x16xf32>,
      %get3A_1134 = vector.shape_cast %get3A_1133 : vector<1x16xf32> to vector<16xf32>
      %get3A_1135 = arith.index_cast %scan3A_1088 : i32 to index
      %get3A_1136 = arith.constant 48 : index
      %get3A_1137 = tpu.vector_load %arg13[%get3A_1135, %get3A_1136] {strides = array<i32>} : memref<64x128xf32, #tpu.memory_space<vmem>>, vector<1x16xf32>,
      %get3A_1138 = vector.shape_cast %get3A_1137 : vector<1x16xf32> to vector<16xf32>
      %mul3A_1139 = arith.mulf %get3A_1134, %get3A_1138 : vector<16xf32>
      %swap3A_1140 = arith.index_cast %scan3A_1088 : i32 to index
      %swap3A_1141 = arith.constant 48 : index
      %swap3A_1142 = tpu.vector_load %arg12[%swap3A_1140, %swap3A_1141] {strides = array<i32>} : memref<64x128xf32, #tpu.memory_space<vmem>>, vector<1x16xf32>,
      %swap3A_1143 = vector.shape_cast %swap3A_1142 : vector<1x16xf32> to vector<16xf32>
      %swap3A_1144 = vector.shape_cast %mul3A_1139 : vector<16xf32> to vector<1x16xf32>
      tpu.vector_store %arg12[%swap3A_1140, %swap3A_1141], %swap3A_1144 {strides = array<i32>} : memref<64x128xf32, #tpu.memory_space<vmem>>, vector<1x16xf32>,
      %get3A_1145 = arith.index_cast %scan3A_1088 : i32 to index
      %get3A_1146 = arith.constant 64 : index
      %get3A_1147 = tpu.vector_load %arg12[%get3A_1145, %get3A_1146] {strides = array<i32>} : memref<64x128xf32, #tpu.memory_space<vmem>>, vector<1x16xf32>,
      %get3A_1148 = vector.shape_cast %get3A_1147 : vector<1x16xf32> to vector<16xf32>
      %get3A_1149 = arith.index_cast %scan3A_1088 : i32 to index
      %get3A_1150 = arith.constant 64 : index
      %get3A_1151 = tpu.vector_load %arg13[%get3A_1149, %get3A_1150] {strides = array<i32>} : memref<64x128xf32, #tpu.memory_space<vmem>>, vector<1x16xf32>,
      %get3A_1152 = vector.shape_cast %get3A_1151 : vector<1x16xf32> to vector<16xf32>
      %mul3A_1153 = arith.mulf %get3A_1148, %get3A_1152 : vector<16xf32>
      %swap3A_1154 = arith.index_cast %scan3A_1088 : i32 to index
      %swap3A_1155 = arith.constant 64 : index
      %swap3A_1156 = tpu.vector_load %arg12[%swap3A_1154, %swap3A_1155] {strides = array<i32>} : memref<64x128xf32, #tpu.memory_space<vmem>>, vector<1x16xf32>,
      %swap3A_1157 = vector.shape_cast %swap3A_1156 : vector<1x16xf32> to vector<16xf32>
      %swap3A_1158 = vector.shape_cast %mul3A_1153 : vector<16xf32> to vector<1x16xf32>
      tpu.vector_store %arg12[%swap3A_1154, %swap3A_1155], %swap3A_1158 {strides = array<i32>} : memref<64x128xf32, #tpu.memory_space<vmem>>, vector<1x16xf32>,
      %get3A_1159 = arith.index_cast %scan3A_1088 : i32 to index
      %get3A_1160 = arith.constant 80 : index
      %get3A_1161 = tpu.vector_load %arg12[%get3A_1159, %get3A_1160] {strides = array<i32>} : memref<64x128xf32, #tpu.memory_space<vmem>>, vector<1x16xf32>,
      %get3A_1162 = vector.shape_cast %get3A_1161 : vector<1x16xf32> to vector<16xf32>
      %get3A_1163 = arith.index_cast %scan3A_1088 : i32 to index
      %get3A_1164 = arith.constant 80 : index
      %get3A_1165 = tpu.vector_load %arg13[%get3A_1163, %get3A_1164] {strides = array<i32>} : memref<64x128xf32, #tpu.memory_space<vmem>>, vector<1x16xf32>,
      %get3A_1166 = vector.shape_cast %get3A_1165 : vector<1x16xf32> to vector<16xf32>
      %mul3A_1167 = arith.mulf %get3A_1162, %get3A_1166 : vector<16xf32>
      %swap3A_1168 = arith.index_cast %scan3A_1088 : i32 to index
      %swap3A_1169 = arith.constant 80 : index
      %swap3A_1170 = tpu.vector_load %arg12[%swap3A_1168, %swap3A_1169] {strides = array<i32>} : memref<64x128xf32, #tpu.memory_space<vmem>>, vector<1x16xf32>,
      %swap3A_1171 = vector.shape_cast %swap3A_1170 : vector<1x16xf32> to vector<16xf32>
      %swap3A_1172 = vector.shape_cast %mul3A_1167 : vector<16xf32> to vector<1x16xf32>
      tpu.vector_store %arg12[%swap3A_1168, %swap3A_1169], %swap3A_1172 {strides = array<i32>} : memref<64x128xf32, #tpu.memory_space<vmem>>, vector<1x16xf32>,
      %get3A_1173 = arith.index_cast %scan3A_1088 : i32 to index
      %get3A_1174 = arith.constant 96 : index
      %get3A_1175 = tpu.vector_load %arg12[%get3A_1173, %get3A_1174] {strides = array<i32>} : memref<64x128xf32, #tpu.memory_space<vmem>>, vector<1x16xf32>,
      %get3A_1176 = vector.shape_cast %get3A_1175 : vector<1x16xf32> to vector<16xf32>
      %get3A_1177 = arith.index_cast %scan3A_1088 : i32 to index
      %get3A_1178 = arith.constant 96 : index
      %get3A_1179 = tpu.vector_load %arg13[%get3A_1177, %get3A_1178] {strides = array<i32>} : memref<64x128xf32, #tpu.memory_space<vmem>>, vector<1x16xf32>,
      %get3A_1180 = vector.shape_cast %get3A_1179 : vector<1x16xf32> to vector<16xf32>
      %mul3A_1181 = arith.mulf %get3A_1176, %get3A_1180 : vector<16xf32>
      %swap3A_1182 = arith.index_cast %scan3A_1088 : i32 to index
      %swap3A_1183 = arith.constant 96 : index
      %swap3A_1184 = tpu.vector_load %arg12[%swap3A_1182, %swap3A_1183] {strides = array<i32>} : memref<64x128xf32, #tpu.memory_space<vmem>>, vector<1x16xf32>,
      %swap3A_1185 = vector.shape_cast %swap3A_1184 : vector<1x16xf32> to vector<16xf32>
      %swap3A_1186 = vector.shape_cast %mul3A_1181 : vector<16xf32> to vector<1x16xf32>
      tpu.vector_store %arg12[%swap3A_1182, %swap3A_1183], %swap3A_1186 {strides = array<i32>} : memref<64x128xf32, #tpu.memory_space<vmem>>, vector<1x16xf32>,
      %get3A_1187 = arith.index_cast %scan3A_1088 : i32 to index
      %get3A_1188 = arith.constant 112 : index
      %get3A_1189 = tpu.vector_load %arg12[%get3A_1187, %get3A_1188] {strides = array<i32>} : memref<64x128xf32, #tpu.memory_space<vmem>>, vector<1x16xf32>,
      %get3A_1190 = vector.shape_cast %get3A_1189 : vector<1x16xf32> to vector<16xf32>
      %get3A_1191 = arith.index_cast %scan3A_1088 : i32 to index
      %get3A_1192 = arith.constant 112 : index
      %get3A_1193 = tpu.vector_load %arg13[%get3A_1191, %get3A_1192] {strides = array<i32>} : memref<64x128xf32, #tpu.memory_space<vmem>>, vector<1x16xf32>,
      %get3A_1194 = vector.shape_cast %get3A_1193 : vector<1x16xf32> to vector<16xf32>
      %mul3A_1195 = arith.mulf %get3A_1190, %get3A_1194 : vector<16xf32>
      %swap3A_1196 = arith.index_cast %scan3A_1088 : i32 to index
      %swap3A_1197 = arith.constant 112 : index
      %swap3A_1198 = tpu.vector_load %arg12[%swap3A_1196, %swap3A_1197] {strides = array<i32>} : memref<64x128xf32, #tpu.memory_space<vmem>>, vector<1x16xf32>,
      %swap3A_1199 = vector.shape_cast %swap3A_1198 : vector<1x16xf32> to vector<16xf32>
      %swap3A_1200 = vector.shape_cast %mul3A_1195 : vector<16xf32> to vector<1x16xf32>
      tpu.vector_store %arg12[%swap3A_1196, %swap3A_1197], %swap3A_1200 {strides = array<i32>} : memref<64x128xf32, #tpu.memory_space<vmem>>, vector<1x16xf32>,
    }
    %scan3A_741 = arith.constant 64 : i32
    %dma_start3A_742 = arith.constant 0 : i32
    %dma_start3A_743 = tpu.memref_slice %arg7[%add3A_681, %dma_start3A_742] : memref<16384x128xf32, #tpu.memory_space<hbm>> -> memref<64x128xf32, #tpu.memory_space<hbm>>
    %dma_start3A_744 = arith.constant 0 : i32
    %dma_start3A_745 = tpu.memref_slice %arg7[%add3A_681, %dma_start3A_744] : memref<16384x128xf32, #tpu.memory_space<hbm>> -> memref<64x128xf32, #tpu.memory_space<hbm>>
    tpu.enqueue_dma source(%arg12 : memref<64x128xf32, #tpu.memory_space<vmem>>) target(%dma_start3A_745 : memref<64x128xf32, #tpu.memory_space<hbm>>) target_semaphore(%arg25 : memref<!tpu.dma_semaphore, #tpu.memory_space<semaphore_mem>>)
    %add3A_746 = arith.constant 256 : i32
    %add3A_747 = arith.addi %mul3A_2, %add3A_746 : i32
    %dma_wait3A_748 = arith.constant 0 : i32
    %dma_wait3A_749 = tpu.memref_slice %arg8[%add3A_681, %dma_wait3A_748] : memref<16384x128xf32, #tpu.memory_space<hbm>> -> memref<64x128xf32, #tpu.memory_space<hbm>>
    %dma_wait3A_750 = arith.constant 0 : i32
    %dma_wait3A_751 = tpu.memref_slice %arg8[%add3A_681, %dma_wait3A_750] : memref<16384x128xf32, #tpu.memory_space<hbm>> -> memref<64x128xf32, #tpu.memory_space<hbm>>
    tpu.wait_dma2 semaphore(%arg25 : memref<!tpu.dma_semaphore, #tpu.memory_space<semaphore_mem>>) src(%arg14 : memref<64x128xf32, #tpu.memory_space<vmem>>) dst(%dma_wait3A_751 : memref<64x128xf32, #tpu.memory_space<hbm>>)
    %dma_wait3A_752 = arith.constant 0 : i32
    %dma_wait3A_753 = tpu.memref_slice %arg7[%add3A_681, %dma_wait3A_752] : memref<16384x128xf32, #tpu.memory_space<hbm>> -> memref<64x128xf32, #tpu.memory_space<hbm>>
    %dma_wait3A_754 = arith.constant 0 : i32
    %dma_wait3A_755 = tpu.memref_slice %arg7[%add3A_681, %dma_wait3A_754] : memref<16384x128xf32, #tpu.memory_space<hbm>> -> memref<64x128xf32, #tpu.memory_space<hbm>>
    tpu.wait_dma2 semaphore(%arg25 : memref<!tpu.dma_semaphore, #tpu.memory_space<semaphore_mem>>) src(%arg12 : memref<64x128xf32, #tpu.memory_space<vmem>>) dst(%dma_wait3A_755 : memref<64x128xf32, #tpu.memory_space<hbm>>)
    %dma_start3A_756 = arith.constant 6 : i32
    %dma_start3A_757 = arith.constant 0 : i32
    %dma_start3A_758 = tpu.memref_slice %arg9[%dma_start3A_756, %dma_start3A_757] : memref<8x64xi32, #tpu.memory_space<vmem>> -> memref<1x64xi32, #tpu.memory_space<vmem>>
    %dma_start3A_759 = tpu.memref_squeeze %dma_start3A_758 : memref<1x64xi32, #tpu.memory_space<vmem>> -> memref<64xi32, #tpu.memory_space<vmem>>
    %dma_start3A_760 = arith.constant 0 : i32
    %dma_start3A_761 = arith.constant 0 : i32
    %dma_start3A_762 = tpu.memref_slice %arg5[%dma_start3A_760, %dma_start3A_761] : memref<1000000x128xf32, #tpu.memory_space<hbm>> -> memref<1000000x128xf32, #tpu.memory_space<hbm>>
    tpu.enqueue_indirect_dma source(%dma_start3A_762 : memref<1000000x128xf32, #tpu.memory_space<hbm>>) target(%arg12 : memref<64x128xf32, #tpu.memory_space<vmem>>) offsets(%dma_start3A_759 : memref<64xi32, #tpu.memory_space<vmem>>) semaphore(%arg22 : memref<!tpu.dma_semaphore, #tpu.memory_space<semaphore_mem>>)
    %dma_start3A_763 = arith.constant 6 : i32
    %dma_start3A_764 = arith.constant 0 : i32
    %dma_start3A_765 = tpu.memref_slice %arg10[%dma_start3A_763, %dma_start3A_764] : memref<8x64xi32, #tpu.memory_space<vmem>> -> memref<1x64xi32, #tpu.memory_space<vmem>>
    %dma_start3A_766 = tpu.memref_squeeze %dma_start3A_765 : memref<1x64xi32, #tpu.memory_space<vmem>> -> memref<64xi32, #tpu.memory_space<vmem>>
    %dma_start3A_767 = arith.constant 0 : i32
    %dma_start3A_768 = arith.constant 0 : i32
    %dma_start3A_769 = tpu.memref_slice %arg6[%dma_start3A_767, %dma_start3A_768] : memref<1000x128xf32, #tpu.memory_space<hbm>> -> memref<1000x128xf32, #tpu.memory_space<hbm>>
    tpu.enqueue_indirect_dma source(%dma_start3A_769 : memref<1000x128xf32, #tpu.memory_space<hbm>>) target(%arg13 : memref<64x128xf32, #tpu.memory_space<vmem>>) offsets(%dma_start3A_766 : memref<64xi32, #tpu.memory_space<vmem>>) semaphore(%arg22 : memref<!tpu.dma_semaphore, #tpu.memory_space<semaphore_mem>>)
    %dma_start3A_770 = arith.constant 6 : i32
    %dma_start3A_771 = arith.constant 0 : i32
    %dma_start3A_772 = tpu.memref_slice %arg11[%dma_start3A_770, %dma_start3A_771] : memref<8x64xi32, #tpu.memory_space<vmem>> -> memref<1x64xi32, #tpu.memory_space<vmem>>
    %dma_start3A_773 = tpu.memref_squeeze %dma_start3A_772 : memref<1x64xi32, #tpu.memory_space<vmem>> -> memref<64xi32, #tpu.memory_space<vmem>>
    %dma_start3A_774 = arith.constant 0 : i32
    %dma_start3A_775 = arith.constant 0 : i32
    %dma_start3A_776 = tpu.memref_slice %arg5[%dma_start3A_774, %dma_start3A_775] : memref<1000000x128xf32, #tpu.memory_space<hbm>> -> memref<1000000x128xf32, #tpu.memory_space<hbm>>
    tpu.enqueue_indirect_dma source(%dma_start3A_776 : memref<1000000x128xf32, #tpu.memory_space<hbm>>) target(%arg14 : memref<64x128xf32, #tpu.memory_space<vmem>>) offsets(%dma_start3A_773 : memref<64xi32, #tpu.memory_space<vmem>>) semaphore(%arg22 : memref<!tpu.dma_semaphore, #tpu.memory_space<semaphore_mem>>)
    %dma_wait3A_777 = arith.constant 4 : i32
    %dma_wait3A_778 = arith.constant 0 : i32
    %dma_wait3A_779 = tpu.memref_slice %arg9[%dma_wait3A_777, %dma_wait3A_778] : memref<8x64xi32, #tpu.memory_space<vmem>> -> memref<1x64xi32, #tpu.memory_space<vmem>>
    %dma_wait3A_780 = tpu.memref_squeeze %dma_wait3A_779 : memref<1x64xi32, #tpu.memory_space<vmem>> -> memref<64xi32, #tpu.memory_space<vmem>>
    %dma_wait3A_781 = arith.constant 0 : i32
    %dma_wait3A_782 = arith.constant 0 : i32
    %dma_wait3A_783 = tpu.memref_slice %arg5[%dma_wait3A_781, %dma_wait3A_782] : memref<1000000x128xf32, #tpu.memory_space<hbm>> -> memref<1000000x128xf32, #tpu.memory_space<hbm>>
    tpu.wait_indirect_dma semaphore(%arg23 : memref<!tpu.dma_semaphore, #tpu.memory_space<semaphore_mem>>) src(%dma_wait3A_783 : memref<1000000x128xf32, #tpu.memory_space<hbm>>) dst(%arg15 : memref<64x128xf32, #tpu.memory_space<vmem>>)
    %dma_wait3A_784 = arith.constant 4 : i32
    %dma_wait3A_785 = arith.constant 0 : i32
    %dma_wait3A_786 = tpu.memref_slice %arg10[%dma_wait3A_784, %dma_wait3A_785] : memref<8x64xi32, #tpu.memory_space<vmem>> -> memref<1x64xi32, #tpu.memory_space<vmem>>
    %dma_wait3A_787 = tpu.memref_squeeze %dma_wait3A_786 : memref<1x64xi32, #tpu.memory_space<vmem>> -> memref<64xi32, #tpu.memory_space<vmem>>
    %dma_wait3A_788 = arith.constant 0 : i32
    %dma_wait3A_789 = arith.constant 0 : i32
    %dma_wait3A_790 = tpu.memref_slice %arg6[%dma_wait3A_788, %dma_wait3A_789] : memref<1000x128xf32, #tpu.memory_space<hbm>> -> memref<1000x128xf32, #tpu.memory_space<hbm>>
    tpu.wait_indirect_dma semaphore(%arg23 : memref<!tpu.dma_semaphore, #tpu.memory_space<semaphore_mem>>) src(%dma_wait3A_790 : memref<1000x128xf32, #tpu.memory_space<hbm>>) dst(%arg16 : memref<64x128xf32, #tpu.memory_space<vmem>>)
    %dma_wait3A_791 = arith.constant 4 : i32
    %dma_wait3A_792 = arith.constant 0 : i32
    %dma_wait3A_793 = tpu.memref_slice %arg11[%dma_wait3A_791, %dma_wait3A_792] : memref<8x64xi32, #tpu.memory_space<vmem>> -> memref<1x64xi32, #tpu.memory_space<vmem>>
    %dma_wait3A_794 = tpu.memref_squeeze %dma_wait3A_793 : memref<1x64xi32, #tpu.memory_space<vmem>> -> memref<64xi32, #tpu.memory_space<vmem>>
    %dma_wait3A_795 = arith.constant 0 : i32
    %dma_wait3A_796 = arith.constant 0 : i32
    %dma_wait3A_797 = tpu.memref_slice %arg5[%dma_wait3A_795, %dma_wait3A_796] : memref<1000000x128xf32, #tpu.memory_space<hbm>> -> memref<1000000x128xf32, #tpu.memory_space<hbm>>
    tpu.wait_indirect_dma semaphore(%arg23 : memref<!tpu.dma_semaphore, #tpu.memory_space<semaphore_mem>>) src(%dma_wait3A_797 : memref<1000000x128xf32, #tpu.memory_space<hbm>>) dst(%arg17 : memref<64x128xf32, #tpu.memory_space<vmem>>)
    %dma_start3A_798 = arith.constant 0 : i32
    %dma_start3A_799 = tpu.memref_slice %arg8[%add3A_747, %dma_start3A_798] : memref<16384x128xf32, #tpu.memory_space<hbm>> -> memref<64x128xf32, #tpu.memory_space<hbm>>
    %dma_start3A_800 = arith.constant 0 : i32
    %dma_start3A_801 = tpu.memref_slice %arg8[%add3A_747, %dma_start3A_800] : memref<16384x128xf32, #tpu.memory_space<hbm>> -> memref<64x128xf32, #tpu.memory_space<hbm>>
    tpu.enqueue_dma source(%arg17 : memref<64x128xf32, #tpu.memory_space<vmem>>) target(%dma_start3A_801 : memref<64x128xf32, #tpu.memory_space<hbm>>) target_semaphore(%arg26 : memref<!tpu.dma_semaphore, #tpu.memory_space<semaphore_mem>>)
    %scan3A_802 = arith.constant 0 : i32
    %scan3A_803 = arith.constant 0 : i32
    %scan3A_804 = arith.constant 64 : i32
    %scan3A_805 = arith.addi %scan3A_803, %scan3A_804 : i32
    %scan3A_806 = arith.constant 2 : i32
    scf.for %scan3A_976 = %scan3A_803 to %scan3A_805 step %scan3A_806  : i32 {
      %get3A = arith.index_cast %scan3A_976 : i32 to index
      %get3A_977 = arith.constant 0 : index
      %get3A_978 = tpu.vector_load %arg15[%get3A, %get3A_977] {strides = array<i32>} : memref<64x128xf32, #tpu.memory_space<vmem>>, vector<1x16xf32>,
      %get3A_979 = vector.shape_cast %get3A_978 : vector<1x16xf32> to vector<16xf32>
      %get3A_980 = arith.index_cast %scan3A_976 : i32 to index
      %get3A_981 = arith.constant 0 : index
      %get3A_982 = tpu.vector_load %arg16[%get3A_980, %get3A_981] {strides = array<i32>} : memref<64x128xf32, #tpu.memory_space<vmem>>, vector<1x16xf32>,
      %get3A_983 = vector.shape_cast %get3A_982 : vector<1x16xf32> to vector<16xf32>
      %mul3A_984 = arith.mulf %get3A_979, %get3A_983 : vector<16xf32>
      %swap3A = arith.index_cast %scan3A_976 : i32 to index
      %swap3A_985 = arith.constant 0 : index
      %swap3A_986 = tpu.vector_load %arg15[%swap3A, %swap3A_985] {strides = array<i32>} : memref<64x128xf32, #tpu.memory_space<vmem>>, vector<1x16xf32>,
      %swap3A_987 = vector.shape_cast %swap3A_986 : vector<1x16xf32> to vector<16xf32>
      %swap3A_988 = vector.shape_cast %mul3A_984 : vector<16xf32> to vector<1x16xf32>
      tpu.vector_store %arg15[%swap3A, %swap3A_985], %swap3A_988 {strides = array<i32>} : memref<64x128xf32, #tpu.memory_space<vmem>>, vector<1x16xf32>,
      %get3A_989 = arith.index_cast %scan3A_976 : i32 to index
      %get3A_990 = arith.constant 16 : index
      %get3A_991 = tpu.vector_load %arg15[%get3A_989, %get3A_990] {strides = array<i32>} : memref<64x128xf32, #tpu.memory_space<vmem>>, vector<1x16xf32>,
      %get3A_992 = vector.shape_cast %get3A_991 : vector<1x16xf32> to vector<16xf32>
      %get3A_993 = arith.index_cast %scan3A_976 : i32 to index
      %get3A_994 = arith.constant 16 : index
      %get3A_995 = tpu.vector_load %arg16[%get3A_993, %get3A_994] {strides = array<i32>} : memref<64x128xf32, #tpu.memory_space<vmem>>, vector<1x16xf32>,
      %get3A_996 = vector.shape_cast %get3A_995 : vector<1x16xf32> to vector<16xf32>
      %mul3A_997 = arith.mulf %get3A_992, %get3A_996 : vector<16xf32>
      %swap3A_998 = arith.index_cast %scan3A_976 : i32 to index
      %swap3A_999 = arith.constant 16 : index
      %swap3A_1000 = tpu.vector_load %arg15[%swap3A_998, %swap3A_999] {strides = array<i32>} : memref<64x128xf32, #tpu.memory_space<vmem>>, vector<1x16xf32>,
      %swap3A_1001 = vector.shape_cast %swap3A_1000 : vector<1x16xf32> to vector<16xf32>
      %swap3A_1002 = vector.shape_cast %mul3A_997 : vector<16xf32> to vector<1x16xf32>
      tpu.vector_store %arg15[%swap3A_998, %swap3A_999], %swap3A_1002 {strides = array<i32>} : memref<64x128xf32, #tpu.memory_space<vmem>>, vector<1x16xf32>,
      %get3A_1003 = arith.index_cast %scan3A_976 : i32 to index
      %get3A_1004 = arith.constant 32 : index
      %get3A_1005 = tpu.vector_load %arg15[%get3A_1003, %get3A_1004] {strides = array<i32>} : memref<64x128xf32, #tpu.memory_space<vmem>>, vector<1x16xf32>,
      %get3A_1006 = vector.shape_cast %get3A_1005 : vector<1x16xf32> to vector<16xf32>
      %get3A_1007 = arith.index_cast %scan3A_976 : i32 to index
      %get3A_1008 = arith.constant 32 : index
      %get3A_1009 = tpu.vector_load %arg16[%get3A_1007, %get3A_1008] {strides = array<i32>} : memref<64x128xf32, #tpu.memory_space<vmem>>, vector<1x16xf32>,
      %get3A_1010 = vector.shape_cast %get3A_1009 : vector<1x16xf32> to vector<16xf32>
      %mul3A_1011 = arith.mulf %get3A_1006, %get3A_1010 : vector<16xf32>
      %swap3A_1012 = arith.index_cast %scan3A_976 : i32 to index
      %swap3A_1013 = arith.constant 32 : index
      %swap3A_1014 = tpu.vector_load %arg15[%swap3A_1012, %swap3A_1013] {strides = array<i32>} : memref<64x128xf32, #tpu.memory_space<vmem>>, vector<1x16xf32>,
      %swap3A_1015 = vector.shape_cast %swap3A_1014 : vector<1x16xf32> to vector<16xf32>
      %swap3A_1016 = vector.shape_cast %mul3A_1011 : vector<16xf32> to vector<1x16xf32>
      tpu.vector_store %arg15[%swap3A_1012, %swap3A_1013], %swap3A_1016 {strides = array<i32>} : memref<64x128xf32, #tpu.memory_space<vmem>>, vector<1x16xf32>,
      %get3A_1017 = arith.index_cast %scan3A_976 : i32 to index
      %get3A_1018 = arith.constant 48 : index
      %get3A_1019 = tpu.vector_load %arg15[%get3A_1017, %get3A_1018] {strides = array<i32>} : memref<64x128xf32, #tpu.memory_space<vmem>>, vector<1x16xf32>,
      %get3A_1020 = vector.shape_cast %get3A_1019 : vector<1x16xf32> to vector<16xf32>
      %get3A_1021 = arith.index_cast %scan3A_976 : i32 to index
      %get3A_1022 = arith.constant 48 : index
      %get3A_1023 = tpu.vector_load %arg16[%get3A_1021, %get3A_1022] {strides = array<i32>} : memref<64x128xf32, #tpu.memory_space<vmem>>, vector<1x16xf32>,
      %get3A_1024 = vector.shape_cast %get3A_1023 : vector<1x16xf32> to vector<16xf32>
      %mul3A_1025 = arith.mulf %get3A_1020, %get3A_1024 : vector<16xf32>
      %swap3A_1026 = arith.index_cast %scan3A_976 : i32 to index
      %swap3A_1027 = arith.constant 48 : index
      %swap3A_1028 = tpu.vector_load %arg15[%swap3A_1026, %swap3A_1027] {strides = array<i32>} : memref<64x128xf32, #tpu.memory_space<vmem>>, vector<1x16xf32>,
      %swap3A_1029 = vector.shape_cast %swap3A_1028 : vector<1x16xf32> to vector<16xf32>
      %swap3A_1030 = vector.shape_cast %mul3A_1025 : vector<16xf32> to vector<1x16xf32>
      tpu.vector_store %arg15[%swap3A_1026, %swap3A_1027], %swap3A_1030 {strides = array<i32>} : memref<64x128xf32, #tpu.memory_space<vmem>>, vector<1x16xf32>,
      %get3A_1031 = arith.index_cast %scan3A_976 : i32 to index
      %get3A_1032 = arith.constant 64 : index
      %get3A_1033 = tpu.vector_load %arg15[%get3A_1031, %get3A_1032] {strides = array<i32>} : memref<64x128xf32, #tpu.memory_space<vmem>>, vector<1x16xf32>,
      %get3A_1034 = vector.shape_cast %get3A_1033 : vector<1x16xf32> to vector<16xf32>
      %get3A_1035 = arith.index_cast %scan3A_976 : i32 to index
      %get3A_1036 = arith.constant 64 : index
      %get3A_1037 = tpu.vector_load %arg16[%get3A_1035, %get3A_1036] {strides = array<i32>} : memref<64x128xf32, #tpu.memory_space<vmem>>, vector<1x16xf32>,
      %get3A_1038 = vector.shape_cast %get3A_1037 : vector<1x16xf32> to vector<16xf32>
      %mul3A_1039 = arith.mulf %get3A_1034, %get3A_1038 : vector<16xf32>
      %swap3A_1040 = arith.index_cast %scan3A_976 : i32 to index
      %swap3A_1041 = arith.constant 64 : index
      %swap3A_1042 = tpu.vector_load %arg15[%swap3A_1040, %swap3A_1041] {strides = array<i32>} : memref<64x128xf32, #tpu.memory_space<vmem>>, vector<1x16xf32>,
      %swap3A_1043 = vector.shape_cast %swap3A_1042 : vector<1x16xf32> to vector<16xf32>
      %swap3A_1044 = vector.shape_cast %mul3A_1039 : vector<16xf32> to vector<1x16xf32>
      tpu.vector_store %arg15[%swap3A_1040, %swap3A_1041], %swap3A_1044 {strides = array<i32>} : memref<64x128xf32, #tpu.memory_space<vmem>>, vector<1x16xf32>,
      %get3A_1045 = arith.index_cast %scan3A_976 : i32 to index
      %get3A_1046 = arith.constant 80 : index
      %get3A_1047 = tpu.vector_load %arg15[%get3A_1045, %get3A_1046] {strides = array<i32>} : memref<64x128xf32, #tpu.memory_space<vmem>>, vector<1x16xf32>,
      %get3A_1048 = vector.shape_cast %get3A_1047 : vector<1x16xf32> to vector<16xf32>
      %get3A_1049 = arith.index_cast %scan3A_976 : i32 to index
      %get3A_1050 = arith.constant 80 : index
      %get3A_1051 = tpu.vector_load %arg16[%get3A_1049, %get3A_1050] {strides = array<i32>} : memref<64x128xf32, #tpu.memory_space<vmem>>, vector<1x16xf32>,
      %get3A_1052 = vector.shape_cast %get3A_1051 : vector<1x16xf32> to vector<16xf32>
      %mul3A_1053 = arith.mulf %get3A_1048, %get3A_1052 : vector<16xf32>
      %swap3A_1054 = arith.index_cast %scan3A_976 : i32 to index
      %swap3A_1055 = arith.constant 80 : index
      %swap3A_1056 = tpu.vector_load %arg15[%swap3A_1054, %swap3A_1055] {strides = array<i32>} : memref<64x128xf32, #tpu.memory_space<vmem>>, vector<1x16xf32>,
      %swap3A_1057 = vector.shape_cast %swap3A_1056 : vector<1x16xf32> to vector<16xf32>
      %swap3A_1058 = vector.shape_cast %mul3A_1053 : vector<16xf32> to vector<1x16xf32>
      tpu.vector_store %arg15[%swap3A_1054, %swap3A_1055], %swap3A_1058 {strides = array<i32>} : memref<64x128xf32, #tpu.memory_space<vmem>>, vector<1x16xf32>,
      %get3A_1059 = arith.index_cast %scan3A_976 : i32 to index
      %get3A_1060 = arith.constant 96 : index
      %get3A_1061 = tpu.vector_load %arg15[%get3A_1059, %get3A_1060] {strides = array<i32>} : memref<64x128xf32, #tpu.memory_space<vmem>>, vector<1x16xf32>,
      %get3A_1062 = vector.shape_cast %get3A_1061 : vector<1x16xf32> to vector<16xf32>
      %get3A_1063 = arith.index_cast %scan3A_976 : i32 to index
      %get3A_1064 = arith.constant 96 : index
      %get3A_1065 = tpu.vector_load %arg16[%get3A_1063, %get3A_1064] {strides = array<i32>} : memref<64x128xf32, #tpu.memory_space<vmem>>, vector<1x16xf32>,
      %get3A_1066 = vector.shape_cast %get3A_1065 : vector<1x16xf32> to vector<16xf32>
      %mul3A_1067 = arith.mulf %get3A_1062, %get3A_1066 : vector<16xf32>
      %swap3A_1068 = arith.index_cast %scan3A_976 : i32 to index
      %swap3A_1069 = arith.constant 96 : index
      %swap3A_1070 = tpu.vector_load %arg15[%swap3A_1068, %swap3A_1069] {strides = array<i32>} : memref<64x128xf32, #tpu.memory_space<vmem>>, vector<1x16xf32>,
      %swap3A_1071 = vector.shape_cast %swap3A_1070 : vector<1x16xf32> to vector<16xf32>
      %swap3A_1072 = vector.shape_cast %mul3A_1067 : vector<16xf32> to vector<1x16xf32>
      tpu.vector_store %arg15[%swap3A_1068, %swap3A_1069], %swap3A_1072 {strides = array<i32>} : memref<64x128xf32, #tpu.memory_space<vmem>>, vector<1x16xf32>,
      %get3A_1073 = arith.index_cast %scan3A_976 : i32 to index
      %get3A_1074 = arith.constant 112 : index
      %get3A_1075 = tpu.vector_load %arg15[%get3A_1073, %get3A_1074] {strides = array<i32>} : memref<64x128xf32, #tpu.memory_space<vmem>>, vector<1x16xf32>,
      %get3A_1076 = vector.shape_cast %get3A_1075 : vector<1x16xf32> to vector<16xf32>
      %get3A_1077 = arith.index_cast %scan3A_976 : i32 to index
      %get3A_1078 = arith.constant 112 : index
      %get3A_1079 = tpu.vector_load %arg16[%get3A_1077, %get3A_1078] {strides = array<i32>} : memref<64x128xf32, #tpu.memory_space<vmem>>, vector<1x16xf32>,
      %get3A_1080 = vector.shape_cast %get3A_1079 : vector<1x16xf32> to vector<16xf32>
      %mul3A_1081 = arith.mulf %get3A_1076, %get3A_1080 : vector<16xf32>
      %swap3A_1082 = arith.index_cast %scan3A_976 : i32 to index
      %swap3A_1083 = arith.constant 112 : index
      %swap3A_1084 = tpu.vector_load %arg15[%swap3A_1082, %swap3A_1083] {strides = array<i32>} : memref<64x128xf32, #tpu.memory_space<vmem>>, vector<1x16xf32>,
      %swap3A_1085 = vector.shape_cast %swap3A_1084 : vector<1x16xf32> to vector<16xf32>
      %swap3A_1086 = vector.shape_cast %mul3A_1081 : vector<16xf32> to vector<1x16xf32>
      tpu.vector_store %arg15[%swap3A_1082, %swap3A_1083], %swap3A_1086 {strides = array<i32>} : memref<64x128xf32, #tpu.memory_space<vmem>>, vector<1x16xf32>,
      %scan3A_1087 = arith.constant 1 : i32
      %scan3A_1088 = arith.addi %scan3A_976, %scan3A_1087 : i32
      %get3A_1089 = arith.index_cast %scan3A_1088 : i32 to index
      %get3A_1090 = arith.constant 0 : index
      %get3A_1091 = tpu.vector_load %arg15[%get3A_1089, %get3A_1090] {strides = array<i32>} : memref<64x128xf32, #tpu.memory_space<vmem>>, vector<1x16xf32>,
      %get3A_1092 = vector.shape_cast %get3A_1091 : vector<1x16xf32> to vector<16xf32>
      %get3A_1093 = arith.index_cast %scan3A_1088 : i32 to index
      %get3A_1094 = arith.constant 0 : index
      %get3A_1095 = tpu.vector_load %arg16[%get3A_1093, %get3A_1094] {strides = array<i32>} : memref<64x128xf32, #tpu.memory_space<vmem>>, vector<1x16xf32>,
      %get3A_1096 = vector.shape_cast %get3A_1095 : vector<1x16xf32> to vector<16xf32>
      %mul3A_1097 = arith.mulf %get3A_1092, %get3A_1096 : vector<16xf32>
      %swap3A_1098 = arith.index_cast %scan3A_1088 : i32 to index
      %swap3A_1099 = arith.constant 0 : index
      %swap3A_1100 = tpu.vector_load %arg15[%swap3A_1098, %swap3A_1099] {strides = array<i32>} : memref<64x128xf32, #tpu.memory_space<vmem>>, vector<1x16xf32>,
      %swap3A_1101 = vector.shape_cast %swap3A_1100 : vector<1x16xf32> to vector<16xf32>
      %swap3A_1102 = vector.shape_cast %mul3A_1097 : vector<16xf32> to vector<1x16xf32>
      tpu.vector_store %arg15[%swap3A_1098, %swap3A_1099], %swap3A_1102 {strides = array<i32>} : memref<64x128xf32, #tpu.memory_space<vmem>>, vector<1x16xf32>,
      %get3A_1103 = arith.index_cast %scan3A_1088 : i32 to index
      %get3A_1104 = arith.constant 16 : index
      %get3A_1105 = tpu.vector_load %arg15[%get3A_1103, %get3A_1104] {strides = array<i32>} : memref<64x128xf32, #tpu.memory_space<vmem>>, vector<1x16xf32>,
      %get3A_1106 = vector.shape_cast %get3A_1105 : vector<1x16xf32> to vector<16xf32>
      %get3A_1107 = arith.index_cast %scan3A_1088 : i32 to index
      %get3A_1108 = arith.constant 16 : index
      %get3A_1109 = tpu.vector_load %arg16[%get3A_1107, %get3A_1108] {strides = array<i32>} : memref<64x128xf32, #tpu.memory_space<vmem>>, vector<1x16xf32>,
      %get3A_1110 = vector.shape_cast %get3A_1109 : vector<1x16xf32> to vector<16xf32>
      %mul3A_1111 = arith.mulf %get3A_1106, %get3A_1110 : vector<16xf32>
      %swap3A_1112 = arith.index_cast %scan3A_1088 : i32 to index
      %swap3A_1113 = arith.constant 16 : index
      %swap3A_1114 = tpu.vector_load %arg15[%swap3A_1112, %swap3A_1113] {strides = array<i32>} : memref<64x128xf32, #tpu.memory_space<vmem>>, vector<1x16xf32>,
      %swap3A_1115 = vector.shape_cast %swap3A_1114 : vector<1x16xf32> to vector<16xf32>
      %swap3A_1116 = vector.shape_cast %mul3A_1111 : vector<16xf32> to vector<1x16xf32>
      tpu.vector_store %arg15[%swap3A_1112, %swap3A_1113], %swap3A_1116 {strides = array<i32>} : memref<64x128xf32, #tpu.memory_space<vmem>>, vector<1x16xf32>,
      %get3A_1117 = arith.index_cast %scan3A_1088 : i32 to index
      %get3A_1118 = arith.constant 32 : index
      %get3A_1119 = tpu.vector_load %arg15[%get3A_1117, %get3A_1118] {strides = array<i32>} : memref<64x128xf32, #tpu.memory_space<vmem>>, vector<1x16xf32>,
      %get3A_1120 = vector.shape_cast %get3A_1119 : vector<1x16xf32> to vector<16xf32>
      %get3A_1121 = arith.index_cast %scan3A_1088 : i32 to index
      %get3A_1122 = arith.constant 32 : index
      %get3A_1123 = tpu.vector_load %arg16[%get3A_1121, %get3A_1122] {strides = array<i32>} : memref<64x128xf32, #tpu.memory_space<vmem>>, vector<1x16xf32>,
      %get3A_1124 = vector.shape_cast %get3A_1123 : vector<1x16xf32> to vector<16xf32>
      %mul3A_1125 = arith.mulf %get3A_1120, %get3A_1124 : vector<16xf32>
      %swap3A_1126 = arith.index_cast %scan3A_1088 : i32 to index
      %swap3A_1127 = arith.constant 32 : index
      %swap3A_1128 = tpu.vector_load %arg15[%swap3A_1126, %swap3A_1127] {strides = array<i32>} : memref<64x128xf32, #tpu.memory_space<vmem>>, vector<1x16xf32>,
      %swap3A_1129 = vector.shape_cast %swap3A_1128 : vector<1x16xf32> to vector<16xf32>
      %swap3A_1130 = vector.shape_cast %mul3A_1125 : vector<16xf32> to vector<1x16xf32>
      tpu.vector_store %arg15[%swap3A_1126, %swap3A_1127], %swap3A_1130 {strides = array<i32>} : memref<64x128xf32, #tpu.memory_space<vmem>>, vector<1x16xf32>,
      %get3A_1131 = arith.index_cast %scan3A_1088 : i32 to index
      %get3A_1132 = arith.constant 48 : index
      %get3A_1133 = tpu.vector_load %arg15[%get3A_1131, %get3A_1132] {strides = array<i32>} : memref<64x128xf32, #tpu.memory_space<vmem>>, vector<1x16xf32>,
      %get3A_1134 = vector.shape_cast %get3A_1133 : vector<1x16xf32> to vector<16xf32>
      %get3A_1135 = arith.index_cast %scan3A_1088 : i32 to index
      %get3A_1136 = arith.constant 48 : index
      %get3A_1137 = tpu.vector_load %arg16[%get3A_1135, %get3A_1136] {strides = array<i32>} : memref<64x128xf32, #tpu.memory_space<vmem>>, vector<1x16xf32>,
      %get3A_1138 = vector.shape_cast %get3A_1137 : vector<1x16xf32> to vector<16xf32>
      %mul3A_1139 = arith.mulf %get3A_1134, %get3A_1138 : vector<16xf32>
      %swap3A_1140 = arith.index_cast %scan3A_1088 : i32 to index
      %swap3A_1141 = arith.constant 48 : index
      %swap3A_1142 = tpu.vector_load %arg15[%swap3A_1140, %swap3A_1141] {strides = array<i32>} : memref<64x128xf32, #tpu.memory_space<vmem>>, vector<1x16xf32>,
      %swap3A_1143 = vector.shape_cast %swap3A_1142 : vector<1x16xf32> to vector<16xf32>
      %swap3A_1144 = vector.shape_cast %mul3A_1139 : vector<16xf32> to vector<1x16xf32>
      tpu.vector_store %arg15[%swap3A_1140, %swap3A_1141], %swap3A_1144 {strides = array<i32>} : memref<64x128xf32, #tpu.memory_space<vmem>>, vector<1x16xf32>,
      %get3A_1145 = arith.index_cast %scan3A_1088 : i32 to index
      %get3A_1146 = arith.constant 64 : index
      %get3A_1147 = tpu.vector_load %arg15[%get3A_1145, %get3A_1146] {strides = array<i32>} : memref<64x128xf32, #tpu.memory_space<vmem>>, vector<1x16xf32>,
      %get3A_1148 = vector.shape_cast %get3A_1147 : vector<1x16xf32> to vector<16xf32>
      %get3A_1149 = arith.index_cast %scan3A_1088 : i32 to index
      %get3A_1150 = arith.constant 64 : index
      %get3A_1151 = tpu.vector_load %arg16[%get3A_1149, %get3A_1150] {strides = array<i32>} : memref<64x128xf32, #tpu.memory_space<vmem>>, vector<1x16xf32>,
      %get3A_1152 = vector.shape_cast %get3A_1151 : vector<1x16xf32> to vector<16xf32>
      %mul3A_1153 = arith.mulf %get3A_1148, %get3A_1152 : vector<16xf32>
      %swap3A_1154 = arith.index_cast %scan3A_1088 : i32 to index
      %swap3A_1155 = arith.constant 64 : index
      %swap3A_1156 = tpu.vector_load %arg15[%swap3A_1154, %swap3A_1155] {strides = array<i32>} : memref<64x128xf32, #tpu.memory_space<vmem>>, vector<1x16xf32>,
      %swap3A_1157 = vector.shape_cast %swap3A_1156 : vector<1x16xf32> to vector<16xf32>
      %swap3A_1158 = vector.shape_cast %mul3A_1153 : vector<16xf32> to vector<1x16xf32>
      tpu.vector_store %arg15[%swap3A_1154, %swap3A_1155], %swap3A_1158 {strides = array<i32>} : memref<64x128xf32, #tpu.memory_space<vmem>>, vector<1x16xf32>,
      %get3A_1159 = arith.index_cast %scan3A_1088 : i32 to index
      %get3A_1160 = arith.constant 80 : index
      %get3A_1161 = tpu.vector_load %arg15[%get3A_1159, %get3A_1160] {strides = array<i32>} : memref<64x128xf32, #tpu.memory_space<vmem>>, vector<1x16xf32>,
      %get3A_1162 = vector.shape_cast %get3A_1161 : vector<1x16xf32> to vector<16xf32>
      %get3A_1163 = arith.index_cast %scan3A_1088 : i32 to index
      %get3A_1164 = arith.constant 80 : index
      %get3A_1165 = tpu.vector_load %arg16[%get3A_1163, %get3A_1164] {strides = array<i32>} : memref<64x128xf32, #tpu.memory_space<vmem>>, vector<1x16xf32>,
      %get3A_1166 = vector.shape_cast %get3A_1165 : vector<1x16xf32> to vector<16xf32>
      %mul3A_1167 = arith.mulf %get3A_1162, %get3A_1166 : vector<16xf32>
      %swap3A_1168 = arith.index_cast %scan3A_1088 : i32 to index
      %swap3A_1169 = arith.constant 80 : index
      %swap3A_1170 = tpu.vector_load %arg15[%swap3A_1168, %swap3A_1169] {strides = array<i32>} : memref<64x128xf32, #tpu.memory_space<vmem>>, vector<1x16xf32>,
      %swap3A_1171 = vector.shape_cast %swap3A_1170 : vector<1x16xf32> to vector<16xf32>
      %swap3A_1172 = vector.shape_cast %mul3A_1167 : vector<16xf32> to vector<1x16xf32>
      tpu.vector_store %arg15[%swap3A_1168, %swap3A_1169], %swap3A_1172 {strides = array<i32>} : memref<64x128xf32, #tpu.memory_space<vmem>>, vector<1x16xf32>,
      %get3A_1173 = arith.index_cast %scan3A_1088 : i32 to index
      %get3A_1174 = arith.constant 96 : index
      %get3A_1175 = tpu.vector_load %arg15[%get3A_1173, %get3A_1174] {strides = array<i32>} : memref<64x128xf32, #tpu.memory_space<vmem>>, vector<1x16xf32>,
      %get3A_1176 = vector.shape_cast %get3A_1175 : vector<1x16xf32> to vector<16xf32>
      %get3A_1177 = arith.index_cast %scan3A_1088 : i32 to index
      %get3A_1178 = arith.constant 96 : index
      %get3A_1179 = tpu.vector_load %arg16[%get3A_1177, %get3A_1178] {strides = array<i32>} : memref<64x128xf32, #tpu.memory_space<vmem>>, vector<1x16xf32>,
      %get3A_1180 = vector.shape_cast %get3A_1179 : vector<1x16xf32> to vector<16xf32>
      %mul3A_1181 = arith.mulf %get3A_1176, %get3A_1180 : vector<16xf32>
      %swap3A_1182 = arith.index_cast %scan3A_1088 : i32 to index
      %swap3A_1183 = arith.constant 96 : index
      %swap3A_1184 = tpu.vector_load %arg15[%swap3A_1182, %swap3A_1183] {strides = array<i32>} : memref<64x128xf32, #tpu.memory_space<vmem>>, vector<1x16xf32>,
      %swap3A_1185 = vector.shape_cast %swap3A_1184 : vector<1x16xf32> to vector<16xf32>
      %swap3A_1186 = vector.shape_cast %mul3A_1181 : vector<16xf32> to vector<1x16xf32>
      tpu.vector_store %arg15[%swap3A_1182, %swap3A_1183], %swap3A_1186 {strides = array<i32>} : memref<64x128xf32, #tpu.memory_space<vmem>>, vector<1x16xf32>,
      %get3A_1187 = arith.index_cast %scan3A_1088 : i32 to index
      %get3A_1188 = arith.constant 112 : index
      %get3A_1189 = tpu.vector_load %arg15[%get3A_1187, %get3A_1188] {strides = array<i32>} : memref<64x128xf32, #tpu.memory_space<vmem>>, vector<1x16xf32>,
      %get3A_1190 = vector.shape_cast %get3A_1189 : vector<1x16xf32> to vector<16xf32>
      %get3A_1191 = arith.index_cast %scan3A_1088 : i32 to index
      %get3A_1192 = arith.constant 112 : index
      %get3A_1193 = tpu.vector_load %arg16[%get3A_1191, %get3A_1192] {strides = array<i32>} : memref<64x128xf32, #tpu.memory_space<vmem>>, vector<1x16xf32>,
      %get3A_1194 = vector.shape_cast %get3A_1193 : vector<1x16xf32> to vector<16xf32>
      %mul3A_1195 = arith.mulf %get3A_1190, %get3A_1194 : vector<16xf32>
      %swap3A_1196 = arith.index_cast %scan3A_1088 : i32 to index
      %swap3A_1197 = arith.constant 112 : index
      %swap3A_1198 = tpu.vector_load %arg15[%swap3A_1196, %swap3A_1197] {strides = array<i32>} : memref<64x128xf32, #tpu.memory_space<vmem>>, vector<1x16xf32>,
      %swap3A_1199 = vector.shape_cast %swap3A_1198 : vector<1x16xf32> to vector<16xf32>
      %swap3A_1200 = vector.shape_cast %mul3A_1195 : vector<16xf32> to vector<1x16xf32>
      tpu.vector_store %arg15[%swap3A_1196, %swap3A_1197], %swap3A_1200 {strides = array<i32>} : memref<64x128xf32, #tpu.memory_space<vmem>>, vector<1x16xf32>,
    }
    %scan3A_807 = arith.constant 64 : i32
    %dma_start3A_808 = arith.constant 0 : i32
    %dma_start3A_809 = tpu.memref_slice %arg7[%add3A_747, %dma_start3A_808] : memref<16384x128xf32, #tpu.memory_space<hbm>> -> memref<64x128xf32, #tpu.memory_space<hbm>>
    %dma_start3A_810 = arith.constant 0 : i32
    %dma_start3A_811 = tpu.memref_slice %arg7[%add3A_747, %dma_start3A_810] : memref<16384x128xf32, #tpu.memory_space<hbm>> -> memref<64x128xf32, #tpu.memory_space<hbm>>
    tpu.enqueue_dma source(%arg15 : memref<64x128xf32, #tpu.memory_space<vmem>>) target(%dma_start3A_811 : memref<64x128xf32, #tpu.memory_space<hbm>>) target_semaphore(%arg26 : memref<!tpu.dma_semaphore, #tpu.memory_space<semaphore_mem>>)
    %add3A_812 = arith.constant 320 : i32
    %add3A_813 = arith.addi %mul3A_2, %add3A_812 : i32
    %dma_wait3A_814 = arith.constant 0 : i32
    %dma_wait3A_815 = tpu.memref_slice %arg8[%add3A_747, %dma_wait3A_814] : memref<16384x128xf32, #tpu.memory_space<hbm>> -> memref<64x128xf32, #tpu.memory_space<hbm>>
    %dma_wait3A_816 = arith.constant 0 : i32
    %dma_wait3A_817 = tpu.memref_slice %arg8[%add3A_747, %dma_wait3A_816] : memref<16384x128xf32, #tpu.memory_space<hbm>> -> memref<64x128xf32, #tpu.memory_space<hbm>>
    tpu.wait_dma2 semaphore(%arg26 : memref<!tpu.dma_semaphore, #tpu.memory_space<semaphore_mem>>) src(%arg17 : memref<64x128xf32, #tpu.memory_space<vmem>>) dst(%dma_wait3A_817 : memref<64x128xf32, #tpu.memory_space<hbm>>)
    %dma_wait3A_818 = arith.constant 0 : i32
    %dma_wait3A_819 = tpu.memref_slice %arg7[%add3A_747, %dma_wait3A_818] : memref<16384x128xf32, #tpu.memory_space<hbm>> -> memref<64x128xf32, #tpu.memory_space<hbm>>
    %dma_wait3A_820 = arith.constant 0 : i32
    %dma_wait3A_821 = tpu.memref_slice %arg7[%add3A_747, %dma_wait3A_820] : memref<16384x128xf32, #tpu.memory_space<hbm>> -> memref<64x128xf32, #tpu.memory_space<hbm>>
    tpu.wait_dma2 semaphore(%arg26 : memref<!tpu.dma_semaphore, #tpu.memory_space<semaphore_mem>>) src(%arg15 : memref<64x128xf32, #tpu.memory_space<vmem>>) dst(%dma_wait3A_821 : memref<64x128xf32, #tpu.memory_space<hbm>>)
    %dma_start3A_822 = arith.constant 7 : i32
    %dma_start3A_823 = arith.constant 0 : i32
    %dma_start3A_824 = tpu.memref_slice %arg9[%dma_start3A_822, %dma_start3A_823] : memref<8x64xi32, #tpu.memory_space<vmem>> -> memref<1x64xi32, #tpu.memory_space<vmem>>
    %dma_start3A_825 = tpu.memref_squeeze %dma_start3A_824 : memref<1x64xi32, #tpu.memory_space<vmem>> -> memref<64xi32, #tpu.memory_space<vmem>>
    %dma_start3A_826 = arith.constant 0 : i32
    %dma_start3A_827 = arith.constant 0 : i32
    %dma_start3A_828 = tpu.memref_slice %arg5[%dma_start3A_826, %dma_start3A_827] : memref<1000000x128xf32, #tpu.memory_space<hbm>> -> memref<1000000x128xf32, #tpu.memory_space<hbm>>
    tpu.enqueue_indirect_dma source(%dma_start3A_828 : memref<1000000x128xf32, #tpu.memory_space<hbm>>) target(%arg15 : memref<64x128xf32, #tpu.memory_space<vmem>>) offsets(%dma_start3A_825 : memref<64xi32, #tpu.memory_space<vmem>>) semaphore(%arg23 : memref<!tpu.dma_semaphore, #tpu.memory_space<semaphore_mem>>)
    %dma_start3A_829 = arith.constant 7 : i32
    %dma_start3A_830 = arith.constant 0 : i32
    %dma_start3A_831 = tpu.memref_slice %arg10[%dma_start3A_829, %dma_start3A_830] : memref<8x64xi32, #tpu.memory_space<vmem>> -> memref<1x64xi32, #tpu.memory_space<vmem>>
    %dma_start3A_832 = tpu.memref_squeeze %dma_start3A_831 : memref<1x64xi32, #tpu.memory_space<vmem>> -> memref<64xi32, #tpu.memory_space<vmem>>
    %dma_start3A_833 = arith.constant 0 : i32
    %dma_start3A_834 = arith.constant 0 : i32
    %dma_start3A_835 = tpu.memref_slice %arg6[%dma_start3A_833, %dma_start3A_834] : memref<1000x128xf32, #tpu.memory_space<hbm>> -> memref<1000x128xf32, #tpu.memory_space<hbm>>
    tpu.enqueue_indirect_dma source(%dma_start3A_835 : memref<1000x128xf32, #tpu.memory_space<hbm>>) target(%arg16 : memref<64x128xf32, #tpu.memory_space<vmem>>) offsets(%dma_start3A_832 : memref<64xi32, #tpu.memory_space<vmem>>) semaphore(%arg23 : memref<!tpu.dma_semaphore, #tpu.memory_space<semaphore_mem>>)
    %dma_start3A_836 = arith.constant 7 : i32
    %dma_start3A_837 = arith.constant 0 : i32
    %dma_start3A_838 = tpu.memref_slice %arg11[%dma_start3A_836, %dma_start3A_837] : memref<8x64xi32, #tpu.memory_space<vmem>> -> memref<1x64xi32, #tpu.memory_space<vmem>>
    %dma_start3A_839 = tpu.memref_squeeze %dma_start3A_838 : memref<1x64xi32, #tpu.memory_space<vmem>> -> memref<64xi32, #tpu.memory_space<vmem>>
    %dma_start3A_840 = arith.constant 0 : i32
    %dma_start3A_841 = arith.constant 0 : i32
    %dma_start3A_842 = tpu.memref_slice %arg5[%dma_start3A_840, %dma_start3A_841] : memref<1000000x128xf32, #tpu.memory_space<hbm>> -> memref<1000000x128xf32, #tpu.memory_space<hbm>>
    tpu.enqueue_indirect_dma source(%dma_start3A_842 : memref<1000000x128xf32, #tpu.memory_space<hbm>>) target(%arg17 : memref<64x128xf32, #tpu.memory_space<vmem>>) offsets(%dma_start3A_839 : memref<64xi32, #tpu.memory_space<vmem>>) semaphore(%arg23 : memref<!tpu.dma_semaphore, #tpu.memory_space<semaphore_mem>>)
    %dma_wait3A_843 = arith.constant 5 : i32
    %dma_wait3A_844 = arith.constant 0 : i32
    %dma_wait3A_845 = tpu.memref_slice %arg9[%dma_wait3A_843, %dma_wait3A_844] : memref<8x64xi32, #tpu.memory_space<vmem>> -> memref<1x64xi32, #tpu.memory_space<vmem>>
    %dma_wait3A_846 = tpu.memref_squeeze %dma_wait3A_845 : memref<1x64xi32, #tpu.memory_space<vmem>> -> memref<64xi32, #tpu.memory_space<vmem>>
    %dma_wait3A_847 = arith.constant 0 : i32
    %dma_wait3A_848 = arith.constant 0 : i32
    %dma_wait3A_849 = tpu.memref_slice %arg5[%dma_wait3A_847, %dma_wait3A_848] : memref<1000000x128xf32, #tpu.memory_space<hbm>> -> memref<1000000x128xf32, #tpu.memory_space<hbm>>
    tpu.wait_indirect_dma semaphore(%arg24 : memref<!tpu.dma_semaphore, #tpu.memory_space<semaphore_mem>>) src(%dma_wait3A_849 : memref<1000000x128xf32, #tpu.memory_space<hbm>>) dst(%arg18 : memref<64x128xf32, #tpu.memory_space<vmem>>)
    %dma_wait3A_850 = arith.constant 5 : i32
    %dma_wait3A_851 = arith.constant 0 : i32
    %dma_wait3A_852 = tpu.memref_slice %arg10[%dma_wait3A_850, %dma_wait3A_851] : memref<8x64xi32, #tpu.memory_space<vmem>> -> memref<1x64xi32, #tpu.memory_space<vmem>>
    %dma_wait3A_853 = tpu.memref_squeeze %dma_wait3A_852 : memref<1x64xi32, #tpu.memory_space<vmem>> -> memref<64xi32, #tpu.memory_space<vmem>>
    %dma_wait3A_854 = arith.constant 0 : i32
    %dma_wait3A_855 = arith.constant 0 : i32
    %dma_wait3A_856 = tpu.memref_slice %arg6[%dma_wait3A_854, %dma_wait3A_855] : memref<1000x128xf32, #tpu.memory_space<hbm>> -> memref<1000x128xf32, #tpu.memory_space<hbm>>
    tpu.wait_indirect_dma semaphore(%arg24 : memref<!tpu.dma_semaphore, #tpu.memory_space<semaphore_mem>>) src(%dma_wait3A_856 : memref<1000x128xf32, #tpu.memory_space<hbm>>) dst(%arg19 : memref<64x128xf32, #tpu.memory_space<vmem>>)
    %dma_wait3A_857 = arith.constant 5 : i32
    %dma_wait3A_858 = arith.constant 0 : i32
    %dma_wait3A_859 = tpu.memref_slice %arg11[%dma_wait3A_857, %dma_wait3A_858] : memref<8x64xi32, #tpu.memory_space<vmem>> -> memref<1x64xi32, #tpu.memory_space<vmem>>
    %dma_wait3A_860 = tpu.memref_squeeze %dma_wait3A_859 : memref<1x64xi32, #tpu.memory_space<vmem>> -> memref<64xi32, #tpu.memory_space<vmem>>
    %dma_wait3A_861 = arith.constant 0 : i32
    %dma_wait3A_862 = arith.constant 0 : i32
    %dma_wait3A_863 = tpu.memref_slice %arg5[%dma_wait3A_861, %dma_wait3A_862] : memref<1000000x128xf32, #tpu.memory_space<hbm>> -> memref<1000000x128xf32, #tpu.memory_space<hbm>>
    tpu.wait_indirect_dma semaphore(%arg24 : memref<!tpu.dma_semaphore, #tpu.memory_space<semaphore_mem>>) src(%dma_wait3A_863 : memref<1000000x128xf32, #tpu.memory_space<hbm>>) dst(%arg20 : memref<64x128xf32, #tpu.memory_space<vmem>>)
    %dma_start3A_864 = arith.constant 0 : i32
    %dma_start3A_865 = tpu.memref_slice %arg8[%add3A_813, %dma_start3A_864] : memref<16384x128xf32, #tpu.memory_space<hbm>> -> memref<64x128xf32, #tpu.memory_space<hbm>>
    %dma_start3A_866 = arith.constant 0 : i32
    %dma_start3A_867 = tpu.memref_slice %arg8[%add3A_813, %dma_start3A_866] : memref<16384x128xf32, #tpu.memory_space<hbm>> -> memref<64x128xf32, #tpu.memory_space<hbm>>
    tpu.enqueue_dma source(%arg20 : memref<64x128xf32, #tpu.memory_space<vmem>>) target(%dma_start3A_867 : memref<64x128xf32, #tpu.memory_space<hbm>>) target_semaphore(%arg27 : memref<!tpu.dma_semaphore, #tpu.memory_space<semaphore_mem>>)
    %scan3A_868 = arith.constant 0 : i32
    %scan3A_869 = arith.constant 0 : i32
    %scan3A_870 = arith.constant 64 : i32
    %scan3A_871 = arith.addi %scan3A_869, %scan3A_870 : i32
    %scan3A_872 = arith.constant 2 : i32
    scf.for %scan3A_976 = %scan3A_869 to %scan3A_871 step %scan3A_872  : i32 {
      %get3A = arith.index_cast %scan3A_976 : i32 to index
      %get3A_977 = arith.constant 0 : index
      %get3A_978 = tpu.vector_load %arg18[%get3A, %get3A_977] {strides = array<i32>} : memref<64x128xf32, #tpu.memory_space<vmem>>, vector<1x16xf32>,
      %get3A_979 = vector.shape_cast %get3A_978 : vector<1x16xf32> to vector<16xf32>
      %get3A_980 = arith.index_cast %scan3A_976 : i32 to index
      %get3A_981 = arith.constant 0 : index
      %get3A_982 = tpu.vector_load %arg19[%get3A_980, %get3A_981] {strides = array<i32>} : memref<64x128xf32, #tpu.memory_space<vmem>>, vector<1x16xf32>,
      %get3A_983 = vector.shape_cast %get3A_982 : vector<1x16xf32> to vector<16xf32>
      %mul3A_984 = arith.mulf %get3A_979, %get3A_983 : vector<16xf32>
      %swap3A = arith.index_cast %scan3A_976 : i32 to index
      %swap3A_985 = arith.constant 0 : index
      %swap3A_986 = tpu.vector_load %arg18[%swap3A, %swap3A_985] {strides = array<i32>} : memref<64x128xf32, #tpu.memory_space<vmem>>, vector<1x16xf32>,
      %swap3A_987 = vector.shape_cast %swap3A_986 : vector<1x16xf32> to vector<16xf32>
      %swap3A_988 = vector.shape_cast %mul3A_984 : vector<16xf32> to vector<1x16xf32>
      tpu.vector_store %arg18[%swap3A, %swap3A_985], %swap3A_988 {strides = array<i32>} : memref<64x128xf32, #tpu.memory_space<vmem>>, vector<1x16xf32>,
      %get3A_989 = arith.index_cast %scan3A_976 : i32 to index
      %get3A_990 = arith.constant 16 : index
      %get3A_991 = tpu.vector_load %arg18[%get3A_989, %get3A_990] {strides = array<i32>} : memref<64x128xf32, #tpu.memory_space<vmem>>, vector<1x16xf32>,
      %get3A_992 = vector.shape_cast %get3A_991 : vector<1x16xf32> to vector<16xf32>
      %get3A_993 = arith.index_cast %scan3A_976 : i32 to index
      %get3A_994 = arith.constant 16 : index
      %get3A_995 = tpu.vector_load %arg19[%get3A_993, %get3A_994] {strides = array<i32>} : memref<64x128xf32, #tpu.memory_space<vmem>>, vector<1x16xf32>,
      %get3A_996 = vector.shape_cast %get3A_995 : vector<1x16xf32> to vector<16xf32>
      %mul3A_997 = arith.mulf %get3A_992, %get3A_996 : vector<16xf32>
      %swap3A_998 = arith.index_cast %scan3A_976 : i32 to index
      %swap3A_999 = arith.constant 16 : index
      %swap3A_1000 = tpu.vector_load %arg18[%swap3A_998, %swap3A_999] {strides = array<i32>} : memref<64x128xf32, #tpu.memory_space<vmem>>, vector<1x16xf32>,
      %swap3A_1001 = vector.shape_cast %swap3A_1000 : vector<1x16xf32> to vector<16xf32>
      %swap3A_1002 = vector.shape_cast %mul3A_997 : vector<16xf32> to vector<1x16xf32>
      tpu.vector_store %arg18[%swap3A_998, %swap3A_999], %swap3A_1002 {strides = array<i32>} : memref<64x128xf32, #tpu.memory_space<vmem>>, vector<1x16xf32>,
      %get3A_1003 = arith.index_cast %scan3A_976 : i32 to index
      %get3A_1004 = arith.constant 32 : index
      %get3A_1005 = tpu.vector_load %arg18[%get3A_1003, %get3A_1004] {strides = array<i32>} : memref<64x128xf32, #tpu.memory_space<vmem>>, vector<1x16xf32>,
      %get3A_1006 = vector.shape_cast %get3A_1005 : vector<1x16xf32> to vector<16xf32>
      %get3A_1007 = arith.index_cast %scan3A_976 : i32 to index
      %get3A_1008 = arith.constant 32 : index
      %get3A_1009 = tpu.vector_load %arg19[%get3A_1007, %get3A_1008] {strides = array<i32>} : memref<64x128xf32, #tpu.memory_space<vmem>>, vector<1x16xf32>,
      %get3A_1010 = vector.shape_cast %get3A_1009 : vector<1x16xf32> to vector<16xf32>
      %mul3A_1011 = arith.mulf %get3A_1006, %get3A_1010 : vector<16xf32>
      %swap3A_1012 = arith.index_cast %scan3A_976 : i32 to index
      %swap3A_1013 = arith.constant 32 : index
      %swap3A_1014 = tpu.vector_load %arg18[%swap3A_1012, %swap3A_1013] {strides = array<i32>} : memref<64x128xf32, #tpu.memory_space<vmem>>, vector<1x16xf32>,
      %swap3A_1015 = vector.shape_cast %swap3A_1014 : vector<1x16xf32> to vector<16xf32>
      %swap3A_1016 = vector.shape_cast %mul3A_1011 : vector<16xf32> to vector<1x16xf32>
      tpu.vector_store %arg18[%swap3A_1012, %swap3A_1013], %swap3A_1016 {strides = array<i32>} : memref<64x128xf32, #tpu.memory_space<vmem>>, vector<1x16xf32>,
      %get3A_1017 = arith.index_cast %scan3A_976 : i32 to index
      %get3A_1018 = arith.constant 48 : index
      %get3A_1019 = tpu.vector_load %arg18[%get3A_1017, %get3A_1018] {strides = array<i32>} : memref<64x128xf32, #tpu.memory_space<vmem>>, vector<1x16xf32>,
      %get3A_1020 = vector.shape_cast %get3A_1019 : vector<1x16xf32> to vector<16xf32>
      %get3A_1021 = arith.index_cast %scan3A_976 : i32 to index
      %get3A_1022 = arith.constant 48 : index
      %get3A_1023 = tpu.vector_load %arg19[%get3A_1021, %get3A_1022] {strides = array<i32>} : memref<64x128xf32, #tpu.memory_space<vmem>>, vector<1x16xf32>,
      %get3A_1024 = vector.shape_cast %get3A_1023 : vector<1x16xf32> to vector<16xf32>
      %mul3A_1025 = arith.mulf %get3A_1020, %get3A_1024 : vector<16xf32>
      %swap3A_1026 = arith.index_cast %scan3A_976 : i32 to index
      %swap3A_1027 = arith.constant 48 : index
      %swap3A_1028 = tpu.vector_load %arg18[%swap3A_1026, %swap3A_1027] {strides = array<i32>} : memref<64x128xf32, #tpu.memory_space<vmem>>, vector<1x16xf32>,
      %swap3A_1029 = vector.shape_cast %swap3A_1028 : vector<1x16xf32> to vector<16xf32>
      %swap3A_1030 = vector.shape_cast %mul3A_1025 : vector<16xf32> to vector<1x16xf32>
      tpu.vector_store %arg18[%swap3A_1026, %swap3A_1027], %swap3A_1030 {strides = array<i32>} : memref<64x128xf32, #tpu.memory_space<vmem>>, vector<1x16xf32>,
      %get3A_1031 = arith.index_cast %scan3A_976 : i32 to index
      %get3A_1032 = arith.constant 64 : index
      %get3A_1033 = tpu.vector_load %arg18[%get3A_1031, %get3A_1032] {strides = array<i32>} : memref<64x128xf32, #tpu.memory_space<vmem>>, vector<1x16xf32>,
      %get3A_1034 = vector.shape_cast %get3A_1033 : vector<1x16xf32> to vector<16xf32>
      %get3A_1035 = arith.index_cast %scan3A_976 : i32 to index
      %get3A_1036 = arith.constant 64 : index
      %get3A_1037 = tpu.vector_load %arg19[%get3A_1035, %get3A_1036] {strides = array<i32>} : memref<64x128xf32, #tpu.memory_space<vmem>>, vector<1x16xf32>,
      %get3A_1038 = vector.shape_cast %get3A_1037 : vector<1x16xf32> to vector<16xf32>
      %mul3A_1039 = arith.mulf %get3A_1034, %get3A_1038 : vector<16xf32>
      %swap3A_1040 = arith.index_cast %scan3A_976 : i32 to index
      %swap3A_1041 = arith.constant 64 : index
      %swap3A_1042 = tpu.vector_load %arg18[%swap3A_1040, %swap3A_1041] {strides = array<i32>} : memref<64x128xf32, #tpu.memory_space<vmem>>, vector<1x16xf32>,
      %swap3A_1043 = vector.shape_cast %swap3A_1042 : vector<1x16xf32> to vector<16xf32>
      %swap3A_1044 = vector.shape_cast %mul3A_1039 : vector<16xf32> to vector<1x16xf32>
      tpu.vector_store %arg18[%swap3A_1040, %swap3A_1041], %swap3A_1044 {strides = array<i32>} : memref<64x128xf32, #tpu.memory_space<vmem>>, vector<1x16xf32>,
      %get3A_1045 = arith.index_cast %scan3A_976 : i32 to index
      %get3A_1046 = arith.constant 80 : index
      %get3A_1047 = tpu.vector_load %arg18[%get3A_1045, %get3A_1046] {strides = array<i32>} : memref<64x128xf32, #tpu.memory_space<vmem>>, vector<1x16xf32>,
      %get3A_1048 = vector.shape_cast %get3A_1047 : vector<1x16xf32> to vector<16xf32>
      %get3A_1049 = arith.index_cast %scan3A_976 : i32 to index
      %get3A_1050 = arith.constant 80 : index
      %get3A_1051 = tpu.vector_load %arg19[%get3A_1049, %get3A_1050] {strides = array<i32>} : memref<64x128xf32, #tpu.memory_space<vmem>>, vector<1x16xf32>,
      %get3A_1052 = vector.shape_cast %get3A_1051 : vector<1x16xf32> to vector<16xf32>
      %mul3A_1053 = arith.mulf %get3A_1048, %get3A_1052 : vector<16xf32>
      %swap3A_1054 = arith.index_cast %scan3A_976 : i32 to index
      %swap3A_1055 = arith.constant 80 : index
      %swap3A_1056 = tpu.vector_load %arg18[%swap3A_1054, %swap3A_1055] {strides = array<i32>} : memref<64x128xf32, #tpu.memory_space<vmem>>, vector<1x16xf32>,
      %swap3A_1057 = vector.shape_cast %swap3A_1056 : vector<1x16xf32> to vector<16xf32>
      %swap3A_1058 = vector.shape_cast %mul3A_1053 : vector<16xf32> to vector<1x16xf32>
      tpu.vector_store %arg18[%swap3A_1054, %swap3A_1055], %swap3A_1058 {strides = array<i32>} : memref<64x128xf32, #tpu.memory_space<vmem>>, vector<1x16xf32>,
      %get3A_1059 = arith.index_cast %scan3A_976 : i32 to index
      %get3A_1060 = arith.constant 96 : index
      %get3A_1061 = tpu.vector_load %arg18[%get3A_1059, %get3A_1060] {strides = array<i32>} : memref<64x128xf32, #tpu.memory_space<vmem>>, vector<1x16xf32>,
      %get3A_1062 = vector.shape_cast %get3A_1061 : vector<1x16xf32> to vector<16xf32>
      %get3A_1063 = arith.index_cast %scan3A_976 : i32 to index
      %get3A_1064 = arith.constant 96 : index
      %get3A_1065 = tpu.vector_load %arg19[%get3A_1063, %get3A_1064] {strides = array<i32>} : memref<64x128xf32, #tpu.memory_space<vmem>>, vector<1x16xf32>,
      %get3A_1066 = vector.shape_cast %get3A_1065 : vector<1x16xf32> to vector<16xf32>
      %mul3A_1067 = arith.mulf %get3A_1062, %get3A_1066 : vector<16xf32>
      %swap3A_1068 = arith.index_cast %scan3A_976 : i32 to index
      %swap3A_1069 = arith.constant 96 : index
      %swap3A_1070 = tpu.vector_load %arg18[%swap3A_1068, %swap3A_1069] {strides = array<i32>} : memref<64x128xf32, #tpu.memory_space<vmem>>, vector<1x16xf32>,
      %swap3A_1071 = vector.shape_cast %swap3A_1070 : vector<1x16xf32> to vector<16xf32>
      %swap3A_1072 = vector.shape_cast %mul3A_1067 : vector<16xf32> to vector<1x16xf32>
      tpu.vector_store %arg18[%swap3A_1068, %swap3A_1069], %swap3A_1072 {strides = array<i32>} : memref<64x128xf32, #tpu.memory_space<vmem>>, vector<1x16xf32>,
      %get3A_1073 = arith.index_cast %scan3A_976 : i32 to index
      %get3A_1074 = arith.constant 112 : index
      %get3A_1075 = tpu.vector_load %arg18[%get3A_1073, %get3A_1074] {strides = array<i32>} : memref<64x128xf32, #tpu.memory_space<vmem>>, vector<1x16xf32>,
      %get3A_1076 = vector.shape_cast %get3A_1075 : vector<1x16xf32> to vector<16xf32>
      %get3A_1077 = arith.index_cast %scan3A_976 : i32 to index
      %get3A_1078 = arith.constant 112 : index
      %get3A_1079 = tpu.vector_load %arg19[%get3A_1077, %get3A_1078] {strides = array<i32>} : memref<64x128xf32, #tpu.memory_space<vmem>>, vector<1x16xf32>,
      %get3A_1080 = vector.shape_cast %get3A_1079 : vector<1x16xf32> to vector<16xf32>
      %mul3A_1081 = arith.mulf %get3A_1076, %get3A_1080 : vector<16xf32>
      %swap3A_1082 = arith.index_cast %scan3A_976 : i32 to index
      %swap3A_1083 = arith.constant 112 : index
      %swap3A_1084 = tpu.vector_load %arg18[%swap3A_1082, %swap3A_1083] {strides = array<i32>} : memref<64x128xf32, #tpu.memory_space<vmem>>, vector<1x16xf32>,
      %swap3A_1085 = vector.shape_cast %swap3A_1084 : vector<1x16xf32> to vector<16xf32>
      %swap3A_1086 = vector.shape_cast %mul3A_1081 : vector<16xf32> to vector<1x16xf32>
      tpu.vector_store %arg18[%swap3A_1082, %swap3A_1083], %swap3A_1086 {strides = array<i32>} : memref<64x128xf32, #tpu.memory_space<vmem>>, vector<1x16xf32>,
      %scan3A_1087 = arith.constant 1 : i32
      %scan3A_1088 = arith.addi %scan3A_976, %scan3A_1087 : i32
      %get3A_1089 = arith.index_cast %scan3A_1088 : i32 to index
      %get3A_1090 = arith.constant 0 : index
      %get3A_1091 = tpu.vector_load %arg18[%get3A_1089, %get3A_1090] {strides = array<i32>} : memref<64x128xf32, #tpu.memory_space<vmem>>, vector<1x16xf32>,
      %get3A_1092 = vector.shape_cast %get3A_1091 : vector<1x16xf32> to vector<16xf32>
      %get3A_1093 = arith.index_cast %scan3A_1088 : i32 to index
      %get3A_1094 = arith.constant 0 : index
      %get3A_1095 = tpu.vector_load %arg19[%get3A_1093, %get3A_1094] {strides = array<i32>} : memref<64x128xf32, #tpu.memory_space<vmem>>, vector<1x16xf32>,
      %get3A_1096 = vector.shape_cast %get3A_1095 : vector<1x16xf32> to vector<16xf32>
      %mul3A_1097 = arith.mulf %get3A_1092, %get3A_1096 : vector<16xf32>
      %swap3A_1098 = arith.index_cast %scan3A_1088 : i32 to index
      %swap3A_1099 = arith.constant 0 : index
      %swap3A_1100 = tpu.vector_load %arg18[%swap3A_1098, %swap3A_1099] {strides = array<i32>} : memref<64x128xf32, #tpu.memory_space<vmem>>, vector<1x16xf32>,
      %swap3A_1101 = vector.shape_cast %swap3A_1100 : vector<1x16xf32> to vector<16xf32>
      %swap3A_1102 = vector.shape_cast %mul3A_1097 : vector<16xf32> to vector<1x16xf32>
      tpu.vector_store %arg18[%swap3A_1098, %swap3A_1099], %swap3A_1102 {strides = array<i32>} : memref<64x128xf32, #tpu.memory_space<vmem>>, vector<1x16xf32>,
      %get3A_1103 = arith.index_cast %scan3A_1088 : i32 to index
      %get3A_1104 = arith.constant 16 : index
      %get3A_1105 = tpu.vector_load %arg18[%get3A_1103, %get3A_1104] {strides = array<i32>} : memref<64x128xf32, #tpu.memory_space<vmem>>, vector<1x16xf32>,
      %get3A_1106 = vector.shape_cast %get3A_1105 : vector<1x16xf32> to vector<16xf32>
      %get3A_1107 = arith.index_cast %scan3A_1088 : i32 to index
      %get3A_1108 = arith.constant 16 : index
      %get3A_1109 = tpu.vector_load %arg19[%get3A_1107, %get3A_1108] {strides = array<i32>} : memref<64x128xf32, #tpu.memory_space<vmem>>, vector<1x16xf32>,
      %get3A_1110 = vector.shape_cast %get3A_1109 : vector<1x16xf32> to vector<16xf32>
      %mul3A_1111 = arith.mulf %get3A_1106, %get3A_1110 : vector<16xf32>
      %swap3A_1112 = arith.index_cast %scan3A_1088 : i32 to index
      %swap3A_1113 = arith.constant 16 : index
      %swap3A_1114 = tpu.vector_load %arg18[%swap3A_1112, %swap3A_1113] {strides = array<i32>} : memref<64x128xf32, #tpu.memory_space<vmem>>, vector<1x16xf32>,
      %swap3A_1115 = vector.shape_cast %swap3A_1114 : vector<1x16xf32> to vector<16xf32>
      %swap3A_1116 = vector.shape_cast %mul3A_1111 : vector<16xf32> to vector<1x16xf32>
      tpu.vector_store %arg18[%swap3A_1112, %swap3A_1113], %swap3A_1116 {strides = array<i32>} : memref<64x128xf32, #tpu.memory_space<vmem>>, vector<1x16xf32>,
      %get3A_1117 = arith.index_cast %scan3A_1088 : i32 to index
      %get3A_1118 = arith.constant 32 : index
      %get3A_1119 = tpu.vector_load %arg18[%get3A_1117, %get3A_1118] {strides = array<i32>} : memref<64x128xf32, #tpu.memory_space<vmem>>, vector<1x16xf32>,
      %get3A_1120 = vector.shape_cast %get3A_1119 : vector<1x16xf32> to vector<16xf32>
      %get3A_1121 = arith.index_cast %scan3A_1088 : i32 to index
      %get3A_1122 = arith.constant 32 : index
      %get3A_1123 = tpu.vector_load %arg19[%get3A_1121, %get3A_1122] {strides = array<i32>} : memref<64x128xf32, #tpu.memory_space<vmem>>, vector<1x16xf32>,
      %get3A_1124 = vector.shape_cast %get3A_1123 : vector<1x16xf32> to vector<16xf32>
      %mul3A_1125 = arith.mulf %get3A_1120, %get3A_1124 : vector<16xf32>
      %swap3A_1126 = arith.index_cast %scan3A_1088 : i32 to index
      %swap3A_1127 = arith.constant 32 : index
      %swap3A_1128 = tpu.vector_load %arg18[%swap3A_1126, %swap3A_1127] {strides = array<i32>} : memref<64x128xf32, #tpu.memory_space<vmem>>, vector<1x16xf32>,
      %swap3A_1129 = vector.shape_cast %swap3A_1128 : vector<1x16xf32> to vector<16xf32>
      %swap3A_1130 = vector.shape_cast %mul3A_1125 : vector<16xf32> to vector<1x16xf32>
      tpu.vector_store %arg18[%swap3A_1126, %swap3A_1127], %swap3A_1130 {strides = array<i32>} : memref<64x128xf32, #tpu.memory_space<vmem>>, vector<1x16xf32>,
      %get3A_1131 = arith.index_cast %scan3A_1088 : i32 to index
      %get3A_1132 = arith.constant 48 : index
      %get3A_1133 = tpu.vector_load %arg18[%get3A_1131, %get3A_1132] {strides = array<i32>} : memref<64x128xf32, #tpu.memory_space<vmem>>, vector<1x16xf32>,
      %get3A_1134 = vector.shape_cast %get3A_1133 : vector<1x16xf32> to vector<16xf32>
      %get3A_1135 = arith.index_cast %scan3A_1088 : i32 to index
      %get3A_1136 = arith.constant 48 : index
      %get3A_1137 = tpu.vector_load %arg19[%get3A_1135, %get3A_1136] {strides = array<i32>} : memref<64x128xf32, #tpu.memory_space<vmem>>, vector<1x16xf32>,
      %get3A_1138 = vector.shape_cast %get3A_1137 : vector<1x16xf32> to vector<16xf32>
      %mul3A_1139 = arith.mulf %get3A_1134, %get3A_1138 : vector<16xf32>
      %swap3A_1140 = arith.index_cast %scan3A_1088 : i32 to index
      %swap3A_1141 = arith.constant 48 : index
      %swap3A_1142 = tpu.vector_load %arg18[%swap3A_1140, %swap3A_1141] {strides = array<i32>} : memref<64x128xf32, #tpu.memory_space<vmem>>, vector<1x16xf32>,
      %swap3A_1143 = vector.shape_cast %swap3A_1142 : vector<1x16xf32> to vector<16xf32>
      %swap3A_1144 = vector.shape_cast %mul3A_1139 : vector<16xf32> to vector<1x16xf32>
      tpu.vector_store %arg18[%swap3A_1140, %swap3A_1141], %swap3A_1144 {strides = array<i32>} : memref<64x128xf32, #tpu.memory_space<vmem>>, vector<1x16xf32>,
      %get3A_1145 = arith.index_cast %scan3A_1088 : i32 to index
      %get3A_1146 = arith.constant 64 : index
      %get3A_1147 = tpu.vector_load %arg18[%get3A_1145, %get3A_1146] {strides = array<i32>} : memref<64x128xf32, #tpu.memory_space<vmem>>, vector<1x16xf32>,
      %get3A_1148 = vector.shape_cast %get3A_1147 : vector<1x16xf32> to vector<16xf32>
      %get3A_1149 = arith.index_cast %scan3A_1088 : i32 to index
      %get3A_1150 = arith.constant 64 : index
      %get3A_1151 = tpu.vector_load %arg19[%get3A_1149, %get3A_1150] {strides = array<i32>} : memref<64x128xf32, #tpu.memory_space<vmem>>, vector<1x16xf32>,
      %get3A_1152 = vector.shape_cast %get3A_1151 : vector<1x16xf32> to vector<16xf32>
      %mul3A_1153 = arith.mulf %get3A_1148, %get3A_1152 : vector<16xf32>
      %swap3A_1154 = arith.index_cast %scan3A_1088 : i32 to index
      %swap3A_1155 = arith.constant 64 : index
      %swap3A_1156 = tpu.vector_load %arg18[%swap3A_1154, %swap3A_1155] {strides = array<i32>} : memref<64x128xf32, #tpu.memory_space<vmem>>, vector<1x16xf32>,
      %swap3A_1157 = vector.shape_cast %swap3A_1156 : vector<1x16xf32> to vector<16xf32>
      %swap3A_1158 = vector.shape_cast %mul3A_1153 : vector<16xf32> to vector<1x16xf32>
      tpu.vector_store %arg18[%swap3A_1154, %swap3A_1155], %swap3A_1158 {strides = array<i32>} : memref<64x128xf32, #tpu.memory_space<vmem>>, vector<1x16xf32>,
      %get3A_1159 = arith.index_cast %scan3A_1088 : i32 to index
      %get3A_1160 = arith.constant 80 : index
      %get3A_1161 = tpu.vector_load %arg18[%get3A_1159, %get3A_1160] {strides = array<i32>} : memref<64x128xf32, #tpu.memory_space<vmem>>, vector<1x16xf32>,
      %get3A_1162 = vector.shape_cast %get3A_1161 : vector<1x16xf32> to vector<16xf32>
      %get3A_1163 = arith.index_cast %scan3A_1088 : i32 to index
      %get3A_1164 = arith.constant 80 : index
      %get3A_1165 = tpu.vector_load %arg19[%get3A_1163, %get3A_1164] {strides = array<i32>} : memref<64x128xf32, #tpu.memory_space<vmem>>, vector<1x16xf32>,
      %get3A_1166 = vector.shape_cast %get3A_1165 : vector<1x16xf32> to vector<16xf32>
      %mul3A_1167 = arith.mulf %get3A_1162, %get3A_1166 : vector<16xf32>
      %swap3A_1168 = arith.index_cast %scan3A_1088 : i32 to index
      %swap3A_1169 = arith.constant 80 : index
      %swap3A_1170 = tpu.vector_load %arg18[%swap3A_1168, %swap3A_1169] {strides = array<i32>} : memref<64x128xf32, #tpu.memory_space<vmem>>, vector<1x16xf32>,
      %swap3A_1171 = vector.shape_cast %swap3A_1170 : vector<1x16xf32> to vector<16xf32>
      %swap3A_1172 = vector.shape_cast %mul3A_1167 : vector<16xf32> to vector<1x16xf32>
      tpu.vector_store %arg18[%swap3A_1168, %swap3A_1169], %swap3A_1172 {strides = array<i32>} : memref<64x128xf32, #tpu.memory_space<vmem>>, vector<1x16xf32>,
      %get3A_1173 = arith.index_cast %scan3A_1088 : i32 to index
      %get3A_1174 = arith.constant 96 : index
      %get3A_1175 = tpu.vector_load %arg18[%get3A_1173, %get3A_1174] {strides = array<i32>} : memref<64x128xf32, #tpu.memory_space<vmem>>, vector<1x16xf32>,
      %get3A_1176 = vector.shape_cast %get3A_1175 : vector<1x16xf32> to vector<16xf32>
      %get3A_1177 = arith.index_cast %scan3A_1088 : i32 to index
      %get3A_1178 = arith.constant 96 : index
      %get3A_1179 = tpu.vector_load %arg19[%get3A_1177, %get3A_1178] {strides = array<i32>} : memref<64x128xf32, #tpu.memory_space<vmem>>, vector<1x16xf32>,
      %get3A_1180 = vector.shape_cast %get3A_1179 : vector<1x16xf32> to vector<16xf32>
      %mul3A_1181 = arith.mulf %get3A_1176, %get3A_1180 : vector<16xf32>
      %swap3A_1182 = arith.index_cast %scan3A_1088 : i32 to index
      %swap3A_1183 = arith.constant 96 : index
      %swap3A_1184 = tpu.vector_load %arg18[%swap3A_1182, %swap3A_1183] {strides = array<i32>} : memref<64x128xf32, #tpu.memory_space<vmem>>, vector<1x16xf32>,
      %swap3A_1185 = vector.shape_cast %swap3A_1184 : vector<1x16xf32> to vector<16xf32>
      %swap3A_1186 = vector.shape_cast %mul3A_1181 : vector<16xf32> to vector<1x16xf32>
      tpu.vector_store %arg18[%swap3A_1182, %swap3A_1183], %swap3A_1186 {strides = array<i32>} : memref<64x128xf32, #tpu.memory_space<vmem>>, vector<1x16xf32>,
      %get3A_1187 = arith.index_cast %scan3A_1088 : i32 to index
      %get3A_1188 = arith.constant 112 : index
      %get3A_1189 = tpu.vector_load %arg18[%get3A_1187, %get3A_1188] {strides = array<i32>} : memref<64x128xf32, #tpu.memory_space<vmem>>, vector<1x16xf32>,
      %get3A_1190 = vector.shape_cast %get3A_1189 : vector<1x16xf32> to vector<16xf32>
      %get3A_1191 = arith.index_cast %scan3A_1088 : i32 to index
      %get3A_1192 = arith.constant 112 : index
      %get3A_1193 = tpu.vector_load %arg19[%get3A_1191, %get3A_1192] {strides = array<i32>} : memref<64x128xf32, #tpu.memory_space<vmem>>, vector<1x16xf32>,
      %get3A_1194 = vector.shape_cast %get3A_1193 : vector<1x16xf32> to vector<16xf32>
      %mul3A_1195 = arith.mulf %get3A_1190, %get3A_1194 : vector<16xf32>
      %swap3A_1196 = arith.index_cast %scan3A_1088 : i32 to index
      %swap3A_1197 = arith.constant 112 : index
      %swap3A_1198 = tpu.vector_load %arg18[%swap3A_1196, %swap3A_1197] {strides = array<i32>} : memref<64x128xf32, #tpu.memory_space<vmem>>, vector<1x16xf32>,
      %swap3A_1199 = vector.shape_cast %swap3A_1198 : vector<1x16xf32> to vector<16xf32>
      %swap3A_1200 = vector.shape_cast %mul3A_1195 : vector<16xf32> to vector<1x16xf32>
      tpu.vector_store %arg18[%swap3A_1196, %swap3A_1197], %swap3A_1200 {strides = array<i32>} : memref<64x128xf32, #tpu.memory_space<vmem>>, vector<1x16xf32>,
    }
    %scan3A_873 = arith.constant 64 : i32
    %dma_start3A_874 = arith.constant 0 : i32
    %dma_start3A_875 = tpu.memref_slice %arg7[%add3A_813, %dma_start3A_874] : memref<16384x128xf32, #tpu.memory_space<hbm>> -> memref<64x128xf32, #tpu.memory_space<hbm>>
    %dma_start3A_876 = arith.constant 0 : i32
    %dma_start3A_877 = tpu.memref_slice %arg7[%add3A_813, %dma_start3A_876] : memref<16384x128xf32, #tpu.memory_space<hbm>> -> memref<64x128xf32, #tpu.memory_space<hbm>>
    tpu.enqueue_dma source(%arg18 : memref<64x128xf32, #tpu.memory_space<vmem>>) target(%dma_start3A_877 : memref<64x128xf32, #tpu.memory_space<hbm>>) target_semaphore(%arg27 : memref<!tpu.dma_semaphore, #tpu.memory_space<semaphore_mem>>)
    %add3A_878 = arith.constant 384 : i32
    %add3A_879 = arith.addi %mul3A_2, %add3A_878 : i32
    %dma_wait3A_880 = arith.constant 6 : i32
    %dma_wait3A_881 = arith.constant 0 : i32
    %dma_wait3A_882 = tpu.memref_slice %arg9[%dma_wait3A_880, %dma_wait3A_881] : memref<8x64xi32, #tpu.memory_space<vmem>> -> memref<1x64xi32, #tpu.memory_space<vmem>>
    %dma_wait3A_883 = tpu.memref_squeeze %dma_wait3A_882 : memref<1x64xi32, #tpu.memory_space<vmem>> -> memref<64xi32, #tpu.memory_space<vmem>>
    %dma_wait3A_884 = arith.constant 0 : i32
    %dma_wait3A_885 = arith.constant 0 : i32
    %dma_wait3A_886 = tpu.memref_slice %arg5[%dma_wait3A_884, %dma_wait3A_885] : memref<1000000x128xf32, #tpu.memory_space<hbm>> -> memref<1000000x128xf32, #tpu.memory_space<hbm>>
    tpu.wait_indirect_dma semaphore(%arg22 : memref<!tpu.dma_semaphore, #tpu.memory_space<semaphore_mem>>) src(%dma_wait3A_886 : memref<1000000x128xf32, #tpu.memory_space<hbm>>) dst(%arg12 : memref<64x128xf32, #tpu.memory_space<vmem>>)
    %dma_wait3A_887 = arith.constant 6 : i32
    %dma_wait3A_888 = arith.constant 0 : i32
    %dma_wait3A_889 = tpu.memref_slice %arg10[%dma_wait3A_887, %dma_wait3A_888] : memref<8x64xi32, #tpu.memory_space<vmem>> -> memref<1x64xi32, #tpu.memory_space<vmem>>
    %dma_wait3A_890 = tpu.memref_squeeze %dma_wait3A_889 : memref<1x64xi32, #tpu.memory_space<vmem>> -> memref<64xi32, #tpu.memory_space<vmem>>
    %dma_wait3A_891 = arith.constant 0 : i32
    %dma_wait3A_892 = arith.constant 0 : i32
    %dma_wait3A_893 = tpu.memref_slice %arg6[%dma_wait3A_891, %dma_wait3A_892] : memref<1000x128xf32, #tpu.memory_space<hbm>> -> memref<1000x128xf32, #tpu.memory_space<hbm>>
    tpu.wait_indirect_dma semaphore(%arg22 : memref<!tpu.dma_semaphore, #tpu.memory_space<semaphore_mem>>) src(%dma_wait3A_893 : memref<1000x128xf32, #tpu.memory_space<hbm>>) dst(%arg13 : memref<64x128xf32, #tpu.memory_space<vmem>>)
    %dma_wait3A_894 = arith.constant 6 : i32
    %dma_wait3A_895 = arith.constant 0 : i32
    %dma_wait3A_896 = tpu.memref_slice %arg11[%dma_wait3A_894, %dma_wait3A_895] : memref<8x64xi32, #tpu.memory_space<vmem>> -> memref<1x64xi32, #tpu.memory_space<vmem>>
    %dma_wait3A_897 = tpu.memref_squeeze %dma_wait3A_896 : memref<1x64xi32, #tpu.memory_space<vmem>> -> memref<64xi32, #tpu.memory_space<vmem>>
    %dma_wait3A_898 = arith.constant 0 : i32
    %dma_wait3A_899 = arith.constant 0 : i32
    %dma_wait3A_900 = tpu.memref_slice %arg5[%dma_wait3A_898, %dma_wait3A_899] : memref<1000000x128xf32, #tpu.memory_space<hbm>> -> memref<1000000x128xf32, #tpu.memory_space<hbm>>
    tpu.wait_indirect_dma semaphore(%arg22 : memref<!tpu.dma_semaphore, #tpu.memory_space<semaphore_mem>>) src(%dma_wait3A_900 : memref<1000000x128xf32, #tpu.memory_space<hbm>>) dst(%arg14 : memref<64x128xf32, #tpu.memory_space<vmem>>)
    %dma_start3A_901 = arith.constant 0 : i32
    %dma_start3A_902 = tpu.memref_slice %arg8[%add3A_879, %dma_start3A_901] : memref<16384x128xf32, #tpu.memory_space<hbm>> -> memref<64x128xf32, #tpu.memory_space<hbm>>
    %dma_start3A_903 = arith.constant 0 : i32
    %dma_start3A_904 = tpu.memref_slice %arg8[%add3A_879, %dma_start3A_903] : memref<16384x128xf32, #tpu.memory_space<hbm>> -> memref<64x128xf32, #tpu.memory_space<hbm>>
    tpu.enqueue_dma source(%arg14 : memref<64x128xf32, #tpu.memory_space<vmem>>) target(%dma_start3A_904 : memref<64x128xf32, #tpu.memory_space<hbm>>) target_semaphore(%arg25 : memref<!tpu.dma_semaphore, #tpu.memory_space<semaphore_mem>>)
    %scan3A_905 = arith.constant 0 : i32
    %scan3A_906 = arith.constant 0 : i32
    %scan3A_907 = arith.constant 64 : i32
    %scan3A_908 = arith.addi %scan3A_906, %scan3A_907 : i32
    %scan3A_909 = arith.constant 2 : i32
    scf.for %scan3A_976 = %scan3A_906 to %scan3A_908 step %scan3A_909  : i32 {
      %get3A = arith.index_cast %scan3A_976 : i32 to index
      %get3A_977 = arith.constant 0 : index
      %get3A_978 = tpu.vector_load %arg12[%get3A, %get3A_977] {strides = array<i32>} : memref<64x128xf32, #tpu.memory_space<vmem>>, vector<1x16xf32>,
      %get3A_979 = vector.shape_cast %get3A_978 : vector<1x16xf32> to vector<16xf32>
      %get3A_980 = arith.index_cast %scan3A_976 : i32 to index
      %get3A_981 = arith.constant 0 : index
      %get3A_982 = tpu.vector_load %arg13[%get3A_980, %get3A_981] {strides = array<i32>} : memref<64x128xf32, #tpu.memory_space<vmem>>, vector<1x16xf32>,
      %get3A_983 = vector.shape_cast %get3A_982 : vector<1x16xf32> to vector<16xf32>
      %mul3A_984 = arith.mulf %get3A_979, %get3A_983 : vector<16xf32>
      %swap3A = arith.index_cast %scan3A_976 : i32 to index
      %swap3A_985 = arith.constant 0 : index
      %swap3A_986 = tpu.vector_load %arg12[%swap3A, %swap3A_985] {strides = array<i32>} : memref<64x128xf32, #tpu.memory_space<vmem>>, vector<1x16xf32>,
      %swap3A_987 = vector.shape_cast %swap3A_986 : vector<1x16xf32> to vector<16xf32>
      %swap3A_988 = vector.shape_cast %mul3A_984 : vector<16xf32> to vector<1x16xf32>
      tpu.vector_store %arg12[%swap3A, %swap3A_985], %swap3A_988 {strides = array<i32>} : memref<64x128xf32, #tpu.memory_space<vmem>>, vector<1x16xf32>,
      %get3A_989 = arith.index_cast %scan3A_976 : i32 to index
      %get3A_990 = arith.constant 16 : index
      %get3A_991 = tpu.vector_load %arg12[%get3A_989, %get3A_990] {strides = array<i32>} : memref<64x128xf32, #tpu.memory_space<vmem>>, vector<1x16xf32>,
      %get3A_992 = vector.shape_cast %get3A_991 : vector<1x16xf32> to vector<16xf32>
      %get3A_993 = arith.index_cast %scan3A_976 : i32 to index
      %get3A_994 = arith.constant 16 : index
      %get3A_995 = tpu.vector_load %arg13[%get3A_993, %get3A_994] {strides = array<i32>} : memref<64x128xf32, #tpu.memory_space<vmem>>, vector<1x16xf32>,
      %get3A_996 = vector.shape_cast %get3A_995 : vector<1x16xf32> to vector<16xf32>
      %mul3A_997 = arith.mulf %get3A_992, %get3A_996 : vector<16xf32>
      %swap3A_998 = arith.index_cast %scan3A_976 : i32 to index
      %swap3A_999 = arith.constant 16 : index
      %swap3A_1000 = tpu.vector_load %arg12[%swap3A_998, %swap3A_999] {strides = array<i32>} : memref<64x128xf32, #tpu.memory_space<vmem>>, vector<1x16xf32>,
      %swap3A_1001 = vector.shape_cast %swap3A_1000 : vector<1x16xf32> to vector<16xf32>
      %swap3A_1002 = vector.shape_cast %mul3A_997 : vector<16xf32> to vector<1x16xf32>
      tpu.vector_store %arg12[%swap3A_998, %swap3A_999], %swap3A_1002 {strides = array<i32>} : memref<64x128xf32, #tpu.memory_space<vmem>>, vector<1x16xf32>,
      %get3A_1003 = arith.index_cast %scan3A_976 : i32 to index
      %get3A_1004 = arith.constant 32 : index
      %get3A_1005 = tpu.vector_load %arg12[%get3A_1003, %get3A_1004] {strides = array<i32>} : memref<64x128xf32, #tpu.memory_space<vmem>>, vector<1x16xf32>,
      %get3A_1006 = vector.shape_cast %get3A_1005 : vector<1x16xf32> to vector<16xf32>
      %get3A_1007 = arith.index_cast %scan3A_976 : i32 to index
      %get3A_1008 = arith.constant 32 : index
      %get3A_1009 = tpu.vector_load %arg13[%get3A_1007, %get3A_1008] {strides = array<i32>} : memref<64x128xf32, #tpu.memory_space<vmem>>, vector<1x16xf32>,
      %get3A_1010 = vector.shape_cast %get3A_1009 : vector<1x16xf32> to vector<16xf32>
      %mul3A_1011 = arith.mulf %get3A_1006, %get3A_1010 : vector<16xf32>
      %swap3A_1012 = arith.index_cast %scan3A_976 : i32 to index
      %swap3A_1013 = arith.constant 32 : index
      %swap3A_1014 = tpu.vector_load %arg12[%swap3A_1012, %swap3A_1013] {strides = array<i32>} : memref<64x128xf32, #tpu.memory_space<vmem>>, vector<1x16xf32>,
      %swap3A_1015 = vector.shape_cast %swap3A_1014 : vector<1x16xf32> to vector<16xf32>
      %swap3A_1016 = vector.shape_cast %mul3A_1011 : vector<16xf32> to vector<1x16xf32>
      tpu.vector_store %arg12[%swap3A_1012, %swap3A_1013], %swap3A_1016 {strides = array<i32>} : memref<64x128xf32, #tpu.memory_space<vmem>>, vector<1x16xf32>,
      %get3A_1017 = arith.index_cast %scan3A_976 : i32 to index
      %get3A_1018 = arith.constant 48 : index
      %get3A_1019 = tpu.vector_load %arg12[%get3A_1017, %get3A_1018] {strides = array<i32>} : memref<64x128xf32, #tpu.memory_space<vmem>>, vector<1x16xf32>,
      %get3A_1020 = vector.shape_cast %get3A_1019 : vector<1x16xf32> to vector<16xf32>
      %get3A_1021 = arith.index_cast %scan3A_976 : i32 to index
      %get3A_1022 = arith.constant 48 : index
      %get3A_1023 = tpu.vector_load %arg13[%get3A_1021, %get3A_1022] {strides = array<i32>} : memref<64x128xf32, #tpu.memory_space<vmem>>, vector<1x16xf32>,
      %get3A_1024 = vector.shape_cast %get3A_1023 : vector<1x16xf32> to vector<16xf32>
      %mul3A_1025 = arith.mulf %get3A_1020, %get3A_1024 : vector<16xf32>
      %swap3A_1026 = arith.index_cast %scan3A_976 : i32 to index
      %swap3A_1027 = arith.constant 48 : index
      %swap3A_1028 = tpu.vector_load %arg12[%swap3A_1026, %swap3A_1027] {strides = array<i32>} : memref<64x128xf32, #tpu.memory_space<vmem>>, vector<1x16xf32>,
      %swap3A_1029 = vector.shape_cast %swap3A_1028 : vector<1x16xf32> to vector<16xf32>
      %swap3A_1030 = vector.shape_cast %mul3A_1025 : vector<16xf32> to vector<1x16xf32>
      tpu.vector_store %arg12[%swap3A_1026, %swap3A_1027], %swap3A_1030 {strides = array<i32>} : memref<64x128xf32, #tpu.memory_space<vmem>>, vector<1x16xf32>,
      %get3A_1031 = arith.index_cast %scan3A_976 : i32 to index
      %get3A_1032 = arith.constant 64 : index
      %get3A_1033 = tpu.vector_load %arg12[%get3A_1031, %get3A_1032] {strides = array<i32>} : memref<64x128xf32, #tpu.memory_space<vmem>>, vector<1x16xf32>,
      %get3A_1034 = vector.shape_cast %get3A_1033 : vector<1x16xf32> to vector<16xf32>
      %get3A_1035 = arith.index_cast %scan3A_976 : i32 to index
      %get3A_1036 = arith.constant 64 : index
      %get3A_1037 = tpu.vector_load %arg13[%get3A_1035, %get3A_1036] {strides = array<i32>} : memref<64x128xf32, #tpu.memory_space<vmem>>, vector<1x16xf32>,
      %get3A_1038 = vector.shape_cast %get3A_1037 : vector<1x16xf32> to vector<16xf32>
      %mul3A_1039 = arith.mulf %get3A_1034, %get3A_1038 : vector<16xf32>
      %swap3A_1040 = arith.index_cast %scan3A_976 : i32 to index
      %swap3A_1041 = arith.constant 64 : index
      %swap3A_1042 = tpu.vector_load %arg12[%swap3A_1040, %swap3A_1041] {strides = array<i32>} : memref<64x128xf32, #tpu.memory_space<vmem>>, vector<1x16xf32>,
      %swap3A_1043 = vector.shape_cast %swap3A_1042 : vector<1x16xf32> to vector<16xf32>
      %swap3A_1044 = vector.shape_cast %mul3A_1039 : vector<16xf32> to vector<1x16xf32>
      tpu.vector_store %arg12[%swap3A_1040, %swap3A_1041], %swap3A_1044 {strides = array<i32>} : memref<64x128xf32, #tpu.memory_space<vmem>>, vector<1x16xf32>,
      %get3A_1045 = arith.index_cast %scan3A_976 : i32 to index
      %get3A_1046 = arith.constant 80 : index
      %get3A_1047 = tpu.vector_load %arg12[%get3A_1045, %get3A_1046] {strides = array<i32>} : memref<64x128xf32, #tpu.memory_space<vmem>>, vector<1x16xf32>,
      %get3A_1048 = vector.shape_cast %get3A_1047 : vector<1x16xf32> to vector<16xf32>
      %get3A_1049 = arith.index_cast %scan3A_976 : i32 to index
      %get3A_1050 = arith.constant 80 : index
      %get3A_1051 = tpu.vector_load %arg13[%get3A_1049, %get3A_1050] {strides = array<i32>} : memref<64x128xf32, #tpu.memory_space<vmem>>, vector<1x16xf32>,
      %get3A_1052 = vector.shape_cast %get3A_1051 : vector<1x16xf32> to vector<16xf32>
      %mul3A_1053 = arith.mulf %get3A_1048, %get3A_1052 : vector<16xf32>
      %swap3A_1054 = arith.index_cast %scan3A_976 : i32 to index
      %swap3A_1055 = arith.constant 80 : index
      %swap3A_1056 = tpu.vector_load %arg12[%swap3A_1054, %swap3A_1055] {strides = array<i32>} : memref<64x128xf32, #tpu.memory_space<vmem>>, vector<1x16xf32>,
      %swap3A_1057 = vector.shape_cast %swap3A_1056 : vector<1x16xf32> to vector<16xf32>
      %swap3A_1058 = vector.shape_cast %mul3A_1053 : vector<16xf32> to vector<1x16xf32>
      tpu.vector_store %arg12[%swap3A_1054, %swap3A_1055], %swap3A_1058 {strides = array<i32>} : memref<64x128xf32, #tpu.memory_space<vmem>>, vector<1x16xf32>,
      %get3A_1059 = arith.index_cast %scan3A_976 : i32 to index
      %get3A_1060 = arith.constant 96 : index
      %get3A_1061 = tpu.vector_load %arg12[%get3A_1059, %get3A_1060] {strides = array<i32>} : memref<64x128xf32, #tpu.memory_space<vmem>>, vector<1x16xf32>,
      %get3A_1062 = vector.shape_cast %get3A_1061 : vector<1x16xf32> to vector<16xf32>
      %get3A_1063 = arith.index_cast %scan3A_976 : i32 to index
      %get3A_1064 = arith.constant 96 : index
      %get3A_1065 = tpu.vector_load %arg13[%get3A_1063, %get3A_1064] {strides = array<i32>} : memref<64x128xf32, #tpu.memory_space<vmem>>, vector<1x16xf32>,
      %get3A_1066 = vector.shape_cast %get3A_1065 : vector<1x16xf32> to vector<16xf32>
      %mul3A_1067 = arith.mulf %get3A_1062, %get3A_1066 : vector<16xf32>
      %swap3A_1068 = arith.index_cast %scan3A_976 : i32 to index
      %swap3A_1069 = arith.constant 96 : index
      %swap3A_1070 = tpu.vector_load %arg12[%swap3A_1068, %swap3A_1069] {strides = array<i32>} : memref<64x128xf32, #tpu.memory_space<vmem>>, vector<1x16xf32>,
      %swap3A_1071 = vector.shape_cast %swap3A_1070 : vector<1x16xf32> to vector<16xf32>
      %swap3A_1072 = vector.shape_cast %mul3A_1067 : vector<16xf32> to vector<1x16xf32>
      tpu.vector_store %arg12[%swap3A_1068, %swap3A_1069], %swap3A_1072 {strides = array<i32>} : memref<64x128xf32, #tpu.memory_space<vmem>>, vector<1x16xf32>,
      %get3A_1073 = arith.index_cast %scan3A_976 : i32 to index
      %get3A_1074 = arith.constant 112 : index
      %get3A_1075 = tpu.vector_load %arg12[%get3A_1073, %get3A_1074] {strides = array<i32>} : memref<64x128xf32, #tpu.memory_space<vmem>>, vector<1x16xf32>,
      %get3A_1076 = vector.shape_cast %get3A_1075 : vector<1x16xf32> to vector<16xf32>
      %get3A_1077 = arith.index_cast %scan3A_976 : i32 to index
      %get3A_1078 = arith.constant 112 : index
      %get3A_1079 = tpu.vector_load %arg13[%get3A_1077, %get3A_1078] {strides = array<i32>} : memref<64x128xf32, #tpu.memory_space<vmem>>, vector<1x16xf32>,
      %get3A_1080 = vector.shape_cast %get3A_1079 : vector<1x16xf32> to vector<16xf32>
      %mul3A_1081 = arith.mulf %get3A_1076, %get3A_1080 : vector<16xf32>
      %swap3A_1082 = arith.index_cast %scan3A_976 : i32 to index
      %swap3A_1083 = arith.constant 112 : index
      %swap3A_1084 = tpu.vector_load %arg12[%swap3A_1082, %swap3A_1083] {strides = array<i32>} : memref<64x128xf32, #tpu.memory_space<vmem>>, vector<1x16xf32>,
      %swap3A_1085 = vector.shape_cast %swap3A_1084 : vector<1x16xf32> to vector<16xf32>
      %swap3A_1086 = vector.shape_cast %mul3A_1081 : vector<16xf32> to vector<1x16xf32>
      tpu.vector_store %arg12[%swap3A_1082, %swap3A_1083], %swap3A_1086 {strides = array<i32>} : memref<64x128xf32, #tpu.memory_space<vmem>>, vector<1x16xf32>,
      %scan3A_1087 = arith.constant 1 : i32
      %scan3A_1088 = arith.addi %scan3A_976, %scan3A_1087 : i32
      %get3A_1089 = arith.index_cast %scan3A_1088 : i32 to index
      %get3A_1090 = arith.constant 0 : index
      %get3A_1091 = tpu.vector_load %arg12[%get3A_1089, %get3A_1090] {strides = array<i32>} : memref<64x128xf32, #tpu.memory_space<vmem>>, vector<1x16xf32>,
      %get3A_1092 = vector.shape_cast %get3A_1091 : vector<1x16xf32> to vector<16xf32>
      %get3A_1093 = arith.index_cast %scan3A_1088 : i32 to index
      %get3A_1094 = arith.constant 0 : index
      %get3A_1095 = tpu.vector_load %arg13[%get3A_1093, %get3A_1094] {strides = array<i32>} : memref<64x128xf32, #tpu.memory_space<vmem>>, vector<1x16xf32>,
      %get3A_1096 = vector.shape_cast %get3A_1095 : vector<1x16xf32> to vector<16xf32>
      %mul3A_1097 = arith.mulf %get3A_1092, %get3A_1096 : vector<16xf32>
      %swap3A_1098 = arith.index_cast %scan3A_1088 : i32 to index
      %swap3A_1099 = arith.constant 0 : index
      %swap3A_1100 = tpu.vector_load %arg12[%swap3A_1098, %swap3A_1099] {strides = array<i32>} : memref<64x128xf32, #tpu.memory_space<vmem>>, vector<1x16xf32>,
      %swap3A_1101 = vector.shape_cast %swap3A_1100 : vector<1x16xf32> to vector<16xf32>
      %swap3A_1102 = vector.shape_cast %mul3A_1097 : vector<16xf32> to vector<1x16xf32>
      tpu.vector_store %arg12[%swap3A_1098, %swap3A_1099], %swap3A_1102 {strides = array<i32>} : memref<64x128xf32, #tpu.memory_space<vmem>>, vector<1x16xf32>,
      %get3A_1103 = arith.index_cast %scan3A_1088 : i32 to index
      %get3A_1104 = arith.constant 16 : index
      %get3A_1105 = tpu.vector_load %arg12[%get3A_1103, %get3A_1104] {strides = array<i32>} : memref<64x128xf32, #tpu.memory_space<vmem>>, vector<1x16xf32>,
      %get3A_1106 = vector.shape_cast %get3A_1105 : vector<1x16xf32> to vector<16xf32>
      %get3A_1107 = arith.index_cast %scan3A_1088 : i32 to index
      %get3A_1108 = arith.constant 16 : index
      %get3A_1109 = tpu.vector_load %arg13[%get3A_1107, %get3A_1108] {strides = array<i32>} : memref<64x128xf32, #tpu.memory_space<vmem>>, vector<1x16xf32>,
      %get3A_1110 = vector.shape_cast %get3A_1109 : vector<1x16xf32> to vector<16xf32>
      %mul3A_1111 = arith.mulf %get3A_1106, %get3A_1110 : vector<16xf32>
      %swap3A_1112 = arith.index_cast %scan3A_1088 : i32 to index
      %swap3A_1113 = arith.constant 16 : index
      %swap3A_1114 = tpu.vector_load %arg12[%swap3A_1112, %swap3A_1113] {strides = array<i32>} : memref<64x128xf32, #tpu.memory_space<vmem>>, vector<1x16xf32>,
      %swap3A_1115 = vector.shape_cast %swap3A_1114 : vector<1x16xf32> to vector<16xf32>
      %swap3A_1116 = vector.shape_cast %mul3A_1111 : vector<16xf32> to vector<1x16xf32>
      tpu.vector_store %arg12[%swap3A_1112, %swap3A_1113], %swap3A_1116 {strides = array<i32>} : memref<64x128xf32, #tpu.memory_space<vmem>>, vector<1x16xf32>,
      %get3A_1117 = arith.index_cast %scan3A_1088 : i32 to index
      %get3A_1118 = arith.constant 32 : index
      %get3A_1119 = tpu.vector_load %arg12[%get3A_1117, %get3A_1118] {strides = array<i32>} : memref<64x128xf32, #tpu.memory_space<vmem>>, vector<1x16xf32>,
      %get3A_1120 = vector.shape_cast %get3A_1119 : vector<1x16xf32> to vector<16xf32>
      %get3A_1121 = arith.index_cast %scan3A_1088 : i32 to index
      %get3A_1122 = arith.constant 32 : index
      %get3A_1123 = tpu.vector_load %arg13[%get3A_1121, %get3A_1122] {strides = array<i32>} : memref<64x128xf32, #tpu.memory_space<vmem>>, vector<1x16xf32>,
      %get3A_1124 = vector.shape_cast %get3A_1123 : vector<1x16xf32> to vector<16xf32>
      %mul3A_1125 = arith.mulf %get3A_1120, %get3A_1124 : vector<16xf32>
      %swap3A_1126 = arith.index_cast %scan3A_1088 : i32 to index
      %swap3A_1127 = arith.constant 32 : index
      %swap3A_1128 = tpu.vector_load %arg12[%swap3A_1126, %swap3A_1127] {strides = array<i32>} : memref<64x128xf32, #tpu.memory_space<vmem>>, vector<1x16xf32>,
      %swap3A_1129 = vector.shape_cast %swap3A_1128 : vector<1x16xf32> to vector<16xf32>
      %swap3A_1130 = vector.shape_cast %mul3A_1125 : vector<16xf32> to vector<1x16xf32>
      tpu.vector_store %arg12[%swap3A_1126, %swap3A_1127], %swap3A_1130 {strides = array<i32>} : memref<64x128xf32, #tpu.memory_space<vmem>>, vector<1x16xf32>,
      %get3A_1131 = arith.index_cast %scan3A_1088 : i32 to index
      %get3A_1132 = arith.constant 48 : index
      %get3A_1133 = tpu.vector_load %arg12[%get3A_1131, %get3A_1132] {strides = array<i32>} : memref<64x128xf32, #tpu.memory_space<vmem>>, vector<1x16xf32>,
      %get3A_1134 = vector.shape_cast %get3A_1133 : vector<1x16xf32> to vector<16xf32>
      %get3A_1135 = arith.index_cast %scan3A_1088 : i32 to index
      %get3A_1136 = arith.constant 48 : index
      %get3A_1137 = tpu.vector_load %arg13[%get3A_1135, %get3A_1136] {strides = array<i32>} : memref<64x128xf32, #tpu.memory_space<vmem>>, vector<1x16xf32>,
      %get3A_1138 = vector.shape_cast %get3A_1137 : vector<1x16xf32> to vector<16xf32>
      %mul3A_1139 = arith.mulf %get3A_1134, %get3A_1138 : vector<16xf32>
      %swap3A_1140 = arith.index_cast %scan3A_1088 : i32 to index
      %swap3A_1141 = arith.constant 48 : index
      %swap3A_1142 = tpu.vector_load %arg12[%swap3A_1140, %swap3A_1141] {strides = array<i32>} : memref<64x128xf32, #tpu.memory_space<vmem>>, vector<1x16xf32>,
      %swap3A_1143 = vector.shape_cast %swap3A_1142 : vector<1x16xf32> to vector<16xf32>
      %swap3A_1144 = vector.shape_cast %mul3A_1139 : vector<16xf32> to vector<1x16xf32>
      tpu.vector_store %arg12[%swap3A_1140, %swap3A_1141], %swap3A_1144 {strides = array<i32>} : memref<64x128xf32, #tpu.memory_space<vmem>>, vector<1x16xf32>,
      %get3A_1145 = arith.index_cast %scan3A_1088 : i32 to index
      %get3A_1146 = arith.constant 64 : index
      %get3A_1147 = tpu.vector_load %arg12[%get3A_1145, %get3A_1146] {strides = array<i32>} : memref<64x128xf32, #tpu.memory_space<vmem>>, vector<1x16xf32>,
      %get3A_1148 = vector.shape_cast %get3A_1147 : vector<1x16xf32> to vector<16xf32>
      %get3A_1149 = arith.index_cast %scan3A_1088 : i32 to index
      %get3A_1150 = arith.constant 64 : index
      %get3A_1151 = tpu.vector_load %arg13[%get3A_1149, %get3A_1150] {strides = array<i32>} : memref<64x128xf32, #tpu.memory_space<vmem>>, vector<1x16xf32>,
      %get3A_1152 = vector.shape_cast %get3A_1151 : vector<1x16xf32> to vector<16xf32>
      %mul3A_1153 = arith.mulf %get3A_1148, %get3A_1152 : vector<16xf32>
      %swap3A_1154 = arith.index_cast %scan3A_1088 : i32 to index
      %swap3A_1155 = arith.constant 64 : index
      %swap3A_1156 = tpu.vector_load %arg12[%swap3A_1154, %swap3A_1155] {strides = array<i32>} : memref<64x128xf32, #tpu.memory_space<vmem>>, vector<1x16xf32>,
      %swap3A_1157 = vector.shape_cast %swap3A_1156 : vector<1x16xf32> to vector<16xf32>
      %swap3A_1158 = vector.shape_cast %mul3A_1153 : vector<16xf32> to vector<1x16xf32>
      tpu.vector_store %arg12[%swap3A_1154, %swap3A_1155], %swap3A_1158 {strides = array<i32>} : memref<64x128xf32, #tpu.memory_space<vmem>>, vector<1x16xf32>,
      %get3A_1159 = arith.index_cast %scan3A_1088 : i32 to index
      %get3A_1160 = arith.constant 80 : index
      %get3A_1161 = tpu.vector_load %arg12[%get3A_1159, %get3A_1160] {strides = array<i32>} : memref<64x128xf32, #tpu.memory_space<vmem>>, vector<1x16xf32>,
      %get3A_1162 = vector.shape_cast %get3A_1161 : vector<1x16xf32> to vector<16xf32>
      %get3A_1163 = arith.index_cast %scan3A_1088 : i32 to index
      %get3A_1164 = arith.constant 80 : index
      %get3A_1165 = tpu.vector_load %arg13[%get3A_1163, %get3A_1164] {strides = array<i32>} : memref<64x128xf32, #tpu.memory_space<vmem>>, vector<1x16xf32>,
      %get3A_1166 = vector.shape_cast %get3A_1165 : vector<1x16xf32> to vector<16xf32>
      %mul3A_1167 = arith.mulf %get3A_1162, %get3A_1166 : vector<16xf32>
      %swap3A_1168 = arith.index_cast %scan3A_1088 : i32 to index
      %swap3A_1169 = arith.constant 80 : index
      %swap3A_1170 = tpu.vector_load %arg12[%swap3A_1168, %swap3A_1169] {strides = array<i32>} : memref<64x128xf32, #tpu.memory_space<vmem>>, vector<1x16xf32>,
      %swap3A_1171 = vector.shape_cast %swap3A_1170 : vector<1x16xf32> to vector<16xf32>
      %swap3A_1172 = vector.shape_cast %mul3A_1167 : vector<16xf32> to vector<1x16xf32>
      tpu.vector_store %arg12[%swap3A_1168, %swap3A_1169], %swap3A_1172 {strides = array<i32>} : memref<64x128xf32, #tpu.memory_space<vmem>>, vector<1x16xf32>,
      %get3A_1173 = arith.index_cast %scan3A_1088 : i32 to index
      %get3A_1174 = arith.constant 96 : index
      %get3A_1175 = tpu.vector_load %arg12[%get3A_1173, %get3A_1174] {strides = array<i32>} : memref<64x128xf32, #tpu.memory_space<vmem>>, vector<1x16xf32>,
      %get3A_1176 = vector.shape_cast %get3A_1175 : vector<1x16xf32> to vector<16xf32>
      %get3A_1177 = arith.index_cast %scan3A_1088 : i32 to index
      %get3A_1178 = arith.constant 96 : index
      %get3A_1179 = tpu.vector_load %arg13[%get3A_1177, %get3A_1178] {strides = array<i32>} : memref<64x128xf32, #tpu.memory_space<vmem>>, vector<1x16xf32>,
      %get3A_1180 = vector.shape_cast %get3A_1179 : vector<1x16xf32> to vector<16xf32>
      %mul3A_1181 = arith.mulf %get3A_1176, %get3A_1180 : vector<16xf32>
      %swap3A_1182 = arith.index_cast %scan3A_1088 : i32 to index
      %swap3A_1183 = arith.constant 96 : index
      %swap3A_1184 = tpu.vector_load %arg12[%swap3A_1182, %swap3A_1183] {strides = array<i32>} : memref<64x128xf32, #tpu.memory_space<vmem>>, vector<1x16xf32>,
      %swap3A_1185 = vector.shape_cast %swap3A_1184 : vector<1x16xf32> to vector<16xf32>
      %swap3A_1186 = vector.shape_cast %mul3A_1181 : vector<16xf32> to vector<1x16xf32>
      tpu.vector_store %arg12[%swap3A_1182, %swap3A_1183], %swap3A_1186 {strides = array<i32>} : memref<64x128xf32, #tpu.memory_space<vmem>>, vector<1x16xf32>,
      %get3A_1187 = arith.index_cast %scan3A_1088 : i32 to index
      %get3A_1188 = arith.constant 112 : index
      %get3A_1189 = tpu.vector_load %arg12[%get3A_1187, %get3A_1188] {strides = array<i32>} : memref<64x128xf32, #tpu.memory_space<vmem>>, vector<1x16xf32>,
      %get3A_1190 = vector.shape_cast %get3A_1189 : vector<1x16xf32> to vector<16xf32>
      %get3A_1191 = arith.index_cast %scan3A_1088 : i32 to index
      %get3A_1192 = arith.constant 112 : index
      %get3A_1193 = tpu.vector_load %arg13[%get3A_1191, %get3A_1192] {strides = array<i32>} : memref<64x128xf32, #tpu.memory_space<vmem>>, vector<1x16xf32>,
      %get3A_1194 = vector.shape_cast %get3A_1193 : vector<1x16xf32> to vector<16xf32>
      %mul3A_1195 = arith.mulf %get3A_1190, %get3A_1194 : vector<16xf32>
      %swap3A_1196 = arith.index_cast %scan3A_1088 : i32 to index
      %swap3A_1197 = arith.constant 112 : index
      %swap3A_1198 = tpu.vector_load %arg12[%swap3A_1196, %swap3A_1197] {strides = array<i32>} : memref<64x128xf32, #tpu.memory_space<vmem>>, vector<1x16xf32>,
      %swap3A_1199 = vector.shape_cast %swap3A_1198 : vector<1x16xf32> to vector<16xf32>
      %swap3A_1200 = vector.shape_cast %mul3A_1195 : vector<16xf32> to vector<1x16xf32>
      tpu.vector_store %arg12[%swap3A_1196, %swap3A_1197], %swap3A_1200 {strides = array<i32>} : memref<64x128xf32, #tpu.memory_space<vmem>>, vector<1x16xf32>,
    }
    %scan3A_910 = arith.constant 64 : i32
    %dma_start3A_911 = arith.constant 0 : i32
    %dma_start3A_912 = tpu.memref_slice %arg7[%add3A_879, %dma_start3A_911] : memref<16384x128xf32, #tpu.memory_space<hbm>> -> memref<64x128xf32, #tpu.memory_space<hbm>>
    %dma_start3A_913 = arith.constant 0 : i32
    %dma_start3A_914 = tpu.memref_slice %arg7[%add3A_879, %dma_start3A_913] : memref<16384x128xf32, #tpu.memory_space<hbm>> -> memref<64x128xf32, #tpu.memory_space<hbm>>
    tpu.enqueue_dma source(%arg12 : memref<64x128xf32, #tpu.memory_space<vmem>>) target(%dma_start3A_914 : memref<64x128xf32, #tpu.memory_space<hbm>>) target_semaphore(%arg25 : memref<!tpu.dma_semaphore, #tpu.memory_space<semaphore_mem>>)
    %add3A_915 = arith.constant 448 : i32
    %add3A_916 = arith.addi %mul3A_2, %add3A_915 : i32
    %dma_wait3A_917 = arith.constant 7 : i32
    %dma_wait3A_918 = arith.constant 0 : i32
    %dma_wait3A_919 = tpu.memref_slice %arg9[%dma_wait3A_917, %dma_wait3A_918] : memref<8x64xi32, #tpu.memory_space<vmem>> -> memref<1x64xi32, #tpu.memory_space<vmem>>
    %dma_wait3A_920 = tpu.memref_squeeze %dma_wait3A_919 : memref<1x64xi32, #tpu.memory_space<vmem>> -> memref<64xi32, #tpu.memory_space<vmem>>
    %dma_wait3A_921 = arith.constant 0 : i32
    %dma_wait3A_922 = arith.constant 0 : i32
    %dma_wait3A_923 = tpu.memref_slice %arg5[%dma_wait3A_921, %dma_wait3A_922] : memref<1000000x128xf32, #tpu.memory_space<hbm>> -> memref<1000000x128xf32, #tpu.memory_space<hbm>>
    tpu.wait_indirect_dma semaphore(%arg23 : memref<!tpu.dma_semaphore, #tpu.memory_space<semaphore_mem>>) src(%dma_wait3A_923 : memref<1000000x128xf32, #tpu.memory_space<hbm>>) dst(%arg15 : memref<64x128xf32, #tpu.memory_space<vmem>>)
    %dma_wait3A_924 = arith.constant 7 : i32
    %dma_wait3A_925 = arith.constant 0 : i32
    %dma_wait3A_926 = tpu.memref_slice %arg10[%dma_wait3A_924, %dma_wait3A_925] : memref<8x64xi32, #tpu.memory_space<vmem>> -> memref<1x64xi32, #tpu.memory_space<vmem>>
    %dma_wait3A_927 = tpu.memref_squeeze %dma_wait3A_926 : memref<1x64xi32, #tpu.memory_space<vmem>> -> memref<64xi32, #tpu.memory_space<vmem>>
    %dma_wait3A_928 = arith.constant 0 : i32
    %dma_wait3A_929 = arith.constant 0 : i32
    %dma_wait3A_930 = tpu.memref_slice %arg6[%dma_wait3A_928, %dma_wait3A_929] : memref<1000x128xf32, #tpu.memory_space<hbm>> -> memref<1000x128xf32, #tpu.memory_space<hbm>>
    tpu.wait_indirect_dma semaphore(%arg23 : memref<!tpu.dma_semaphore, #tpu.memory_space<semaphore_mem>>) src(%dma_wait3A_930 : memref<1000x128xf32, #tpu.memory_space<hbm>>) dst(%arg16 : memref<64x128xf32, #tpu.memory_space<vmem>>)
    %dma_wait3A_931 = arith.constant 7 : i32
    %dma_wait3A_932 = arith.constant 0 : i32
    %dma_wait3A_933 = tpu.memref_slice %arg11[%dma_wait3A_931, %dma_wait3A_932] : memref<8x64xi32, #tpu.memory_space<vmem>> -> memref<1x64xi32, #tpu.memory_space<vmem>>
    %dma_wait3A_934 = tpu.memref_squeeze %dma_wait3A_933 : memref<1x64xi32, #tpu.memory_space<vmem>> -> memref<64xi32, #tpu.memory_space<vmem>>
    %dma_wait3A_935 = arith.constant 0 : i32
    %dma_wait3A_936 = arith.constant 0 : i32
    %dma_wait3A_937 = tpu.memref_slice %arg5[%dma_wait3A_935, %dma_wait3A_936] : memref<1000000x128xf32, #tpu.memory_space<hbm>> -> memref<1000000x128xf32, #tpu.memory_space<hbm>>
    tpu.wait_indirect_dma semaphore(%arg23 : memref<!tpu.dma_semaphore, #tpu.memory_space<semaphore_mem>>) src(%dma_wait3A_937 : memref<1000000x128xf32, #tpu.memory_space<hbm>>) dst(%arg17 : memref<64x128xf32, #tpu.memory_space<vmem>>)
    %dma_start3A_938 = arith.constant 0 : i32
    %dma_start3A_939 = tpu.memref_slice %arg8[%add3A_916, %dma_start3A_938] : memref<16384x128xf32, #tpu.memory_space<hbm>> -> memref<64x128xf32, #tpu.memory_space<hbm>>
    %dma_start3A_940 = arith.constant 0 : i32
    %dma_start3A_941 = tpu.memref_slice %arg8[%add3A_916, %dma_start3A_940] : memref<16384x128xf32, #tpu.memory_space<hbm>> -> memref<64x128xf32, #tpu.memory_space<hbm>>
    tpu.enqueue_dma source(%arg17 : memref<64x128xf32, #tpu.memory_space<vmem>>) target(%dma_start3A_941 : memref<64x128xf32, #tpu.memory_space<hbm>>) target_semaphore(%arg26 : memref<!tpu.dma_semaphore, #tpu.memory_space<semaphore_mem>>)
    %scan3A_942 = arith.constant 0 : i32
    %scan3A_943 = arith.constant 0 : i32
    %scan3A_944 = arith.constant 64 : i32
    %scan3A_945 = arith.addi %scan3A_943, %scan3A_944 : i32
    %scan3A_946 = arith.constant 2 : i32
    scf.for %scan3A_976 = %scan3A_943 to %scan3A_945 step %scan3A_946  : i32 {
      %get3A = arith.index_cast %scan3A_976 : i32 to index
      %get3A_977 = arith.constant 0 : index
      %get3A_978 = tpu.vector_load %arg15[%get3A, %get3A_977] {strides = array<i32>} : memref<64x128xf32, #tpu.memory_space<vmem>>, vector<1x16xf32>,
      %get3A_979 = vector.shape_cast %get3A_978 : vector<1x16xf32> to vector<16xf32>
      %get3A_980 = arith.index_cast %scan3A_976 : i32 to index
      %get3A_981 = arith.constant 0 : index
      %get3A_982 = tpu.vector_load %arg16[%get3A_980, %get3A_981] {strides = array<i32>} : memref<64x128xf32, #tpu.memory_space<vmem>>, vector<1x16xf32>,
      %get3A_983 = vector.shape_cast %get3A_982 : vector<1x16xf32> to vector<16xf32>
      %mul3A_984 = arith.mulf %get3A_979, %get3A_983 : vector<16xf32>
      %swap3A = arith.index_cast %scan3A_976 : i32 to index
      %swap3A_985 = arith.constant 0 : index
      %swap3A_986 = tpu.vector_load %arg15[%swap3A, %swap3A_985] {strides = array<i32>} : memref<64x128xf32, #tpu.memory_space<vmem>>, vector<1x16xf32>,
      %swap3A_987 = vector.shape_cast %swap3A_986 : vector<1x16xf32> to vector<16xf32>
      %swap3A_988 = vector.shape_cast %mul3A_984 : vector<16xf32> to vector<1x16xf32>
      tpu.vector_store %arg15[%swap3A, %swap3A_985], %swap3A_988 {strides = array<i32>} : memref<64x128xf32, #tpu.memory_space<vmem>>, vector<1x16xf32>,
      %get3A_989 = arith.index_cast %scan3A_976 : i32 to index
      %get3A_990 = arith.constant 16 : index
      %get3A_991 = tpu.vector_load %arg15[%get3A_989, %get3A_990] {strides = array<i32>} : memref<64x128xf32, #tpu.memory_space<vmem>>, vector<1x16xf32>,
      %get3A_992 = vector.shape_cast %get3A_991 : vector<1x16xf32> to vector<16xf32>
      %get3A_993 = arith.index_cast %scan3A_976 : i32 to index
      %get3A_994 = arith.constant 16 : index
      %get3A_995 = tpu.vector_load %arg16[%get3A_993, %get3A_994] {strides = array<i32>} : memref<64x128xf32, #tpu.memory_space<vmem>>, vector<1x16xf32>,
      %get3A_996 = vector.shape_cast %get3A_995 : vector<1x16xf32> to vector<16xf32>
      %mul3A_997 = arith.mulf %get3A_992, %get3A_996 : vector<16xf32>
      %swap3A_998 = arith.index_cast %scan3A_976 : i32 to index
      %swap3A_999 = arith.constant 16 : index
      %swap3A_1000 = tpu.vector_load %arg15[%swap3A_998, %swap3A_999] {strides = array<i32>} : memref<64x128xf32, #tpu.memory_space<vmem>>, vector<1x16xf32>,
      %swap3A_1001 = vector.shape_cast %swap3A_1000 : vector<1x16xf32> to vector<16xf32>
      %swap3A_1002 = vector.shape_cast %mul3A_997 : vector<16xf32> to vector<1x16xf32>
      tpu.vector_store %arg15[%swap3A_998, %swap3A_999], %swap3A_1002 {strides = array<i32>} : memref<64x128xf32, #tpu.memory_space<vmem>>, vector<1x16xf32>,
      %get3A_1003 = arith.index_cast %scan3A_976 : i32 to index
      %get3A_1004 = arith.constant 32 : index
      %get3A_1005 = tpu.vector_load %arg15[%get3A_1003, %get3A_1004] {strides = array<i32>} : memref<64x128xf32, #tpu.memory_space<vmem>>, vector<1x16xf32>,
      %get3A_1006 = vector.shape_cast %get3A_1005 : vector<1x16xf32> to vector<16xf32>
      %get3A_1007 = arith.index_cast %scan3A_976 : i32 to index
      %get3A_1008 = arith.constant 32 : index
      %get3A_1009 = tpu.vector_load %arg16[%get3A_1007, %get3A_1008] {strides = array<i32>} : memref<64x128xf32, #tpu.memory_space<vmem>>, vector<1x16xf32>,
      %get3A_1010 = vector.shape_cast %get3A_1009 : vector<1x16xf32> to vector<16xf32>
      %mul3A_1011 = arith.mulf %get3A_1006, %get3A_1010 : vector<16xf32>
      %swap3A_1012 = arith.index_cast %scan3A_976 : i32 to index
      %swap3A_1013 = arith.constant 32 : index
      %swap3A_1014 = tpu.vector_load %arg15[%swap3A_1012, %swap3A_1013] {strides = array<i32>} : memref<64x128xf32, #tpu.memory_space<vmem>>, vector<1x16xf32>,
      %swap3A_1015 = vector.shape_cast %swap3A_1014 : vector<1x16xf32> to vector<16xf32>
      %swap3A_1016 = vector.shape_cast %mul3A_1011 : vector<16xf32> to vector<1x16xf32>
      tpu.vector_store %arg15[%swap3A_1012, %swap3A_1013], %swap3A_1016 {strides = array<i32>} : memref<64x128xf32, #tpu.memory_space<vmem>>, vector<1x16xf32>,
      %get3A_1017 = arith.index_cast %scan3A_976 : i32 to index
      %get3A_1018 = arith.constant 48 : index
      %get3A_1019 = tpu.vector_load %arg15[%get3A_1017, %get3A_1018] {strides = array<i32>} : memref<64x128xf32, #tpu.memory_space<vmem>>, vector<1x16xf32>,
      %get3A_1020 = vector.shape_cast %get3A_1019 : vector<1x16xf32> to vector<16xf32>
      %get3A_1021 = arith.index_cast %scan3A_976 : i32 to index
      %get3A_1022 = arith.constant 48 : index
      %get3A_1023 = tpu.vector_load %arg16[%get3A_1021, %get3A_1022] {strides = array<i32>} : memref<64x128xf32, #tpu.memory_space<vmem>>, vector<1x16xf32>,
      %get3A_1024 = vector.shape_cast %get3A_1023 : vector<1x16xf32> to vector<16xf32>
      %mul3A_1025 = arith.mulf %get3A_1020, %get3A_1024 : vector<16xf32>
      %swap3A_1026 = arith.index_cast %scan3A_976 : i32 to index
      %swap3A_1027 = arith.constant 48 : index
      %swap3A_1028 = tpu.vector_load %arg15[%swap3A_1026, %swap3A_1027] {strides = array<i32>} : memref<64x128xf32, #tpu.memory_space<vmem>>, vector<1x16xf32>,
      %swap3A_1029 = vector.shape_cast %swap3A_1028 : vector<1x16xf32> to vector<16xf32>
      %swap3A_1030 = vector.shape_cast %mul3A_1025 : vector<16xf32> to vector<1x16xf32>
      tpu.vector_store %arg15[%swap3A_1026, %swap3A_1027], %swap3A_1030 {strides = array<i32>} : memref<64x128xf32, #tpu.memory_space<vmem>>, vector<1x16xf32>,
      %get3A_1031 = arith.index_cast %scan3A_976 : i32 to index
      %get3A_1032 = arith.constant 64 : index
      %get3A_1033 = tpu.vector_load %arg15[%get3A_1031, %get3A_1032] {strides = array<i32>} : memref<64x128xf32, #tpu.memory_space<vmem>>, vector<1x16xf32>,
      %get3A_1034 = vector.shape_cast %get3A_1033 : vector<1x16xf32> to vector<16xf32>
      %get3A_1035 = arith.index_cast %scan3A_976 : i32 to index
      %get3A_1036 = arith.constant 64 : index
      %get3A_1037 = tpu.vector_load %arg16[%get3A_1035, %get3A_1036] {strides = array<i32>} : memref<64x128xf32, #tpu.memory_space<vmem>>, vector<1x16xf32>,
      %get3A_1038 = vector.shape_cast %get3A_1037 : vector<1x16xf32> to vector<16xf32>
      %mul3A_1039 = arith.mulf %get3A_1034, %get3A_1038 : vector<16xf32>
      %swap3A_1040 = arith.index_cast %scan3A_976 : i32 to index
      %swap3A_1041 = arith.constant 64 : index
      %swap3A_1042 = tpu.vector_load %arg15[%swap3A_1040, %swap3A_1041] {strides = array<i32>} : memref<64x128xf32, #tpu.memory_space<vmem>>, vector<1x16xf32>,
      %swap3A_1043 = vector.shape_cast %swap3A_1042 : vector<1x16xf32> to vector<16xf32>
      %swap3A_1044 = vector.shape_cast %mul3A_1039 : vector<16xf32> to vector<1x16xf32>
      tpu.vector_store %arg15[%swap3A_1040, %swap3A_1041], %swap3A_1044 {strides = array<i32>} : memref<64x128xf32, #tpu.memory_space<vmem>>, vector<1x16xf32>,
      %get3A_1045 = arith.index_cast %scan3A_976 : i32 to index
      %get3A_1046 = arith.constant 80 : index
      %get3A_1047 = tpu.vector_load %arg15[%get3A_1045, %get3A_1046] {strides = array<i32>} : memref<64x128xf32, #tpu.memory_space<vmem>>, vector<1x16xf32>,
      %get3A_1048 = vector.shape_cast %get3A_1047 : vector<1x16xf32> to vector<16xf32>
      %get3A_1049 = arith.index_cast %scan3A_976 : i32 to index
      %get3A_1050 = arith.constant 80 : index
      %get3A_1051 = tpu.vector_load %arg16[%get3A_1049, %get3A_1050] {strides = array<i32>} : memref<64x128xf32, #tpu.memory_space<vmem>>, vector<1x16xf32>,
      %get3A_1052 = vector.shape_cast %get3A_1051 : vector<1x16xf32> to vector<16xf32>
      %mul3A_1053 = arith.mulf %get3A_1048, %get3A_1052 : vector<16xf32>
      %swap3A_1054 = arith.index_cast %scan3A_976 : i32 to index
      %swap3A_1055 = arith.constant 80 : index
      %swap3A_1056 = tpu.vector_load %arg15[%swap3A_1054, %swap3A_1055] {strides = array<i32>} : memref<64x128xf32, #tpu.memory_space<vmem>>, vector<1x16xf32>,
      %swap3A_1057 = vector.shape_cast %swap3A_1056 : vector<1x16xf32> to vector<16xf32>
      %swap3A_1058 = vector.shape_cast %mul3A_1053 : vector<16xf32> to vector<1x16xf32>
      tpu.vector_store %arg15[%swap3A_1054, %swap3A_1055], %swap3A_1058 {strides = array<i32>} : memref<64x128xf32, #tpu.memory_space<vmem>>, vector<1x16xf32>,
      %get3A_1059 = arith.index_cast %scan3A_976 : i32 to index
      %get3A_1060 = arith.constant 96 : index
      %get3A_1061 = tpu.vector_load %arg15[%get3A_1059, %get3A_1060] {strides = array<i32>} : memref<64x128xf32, #tpu.memory_space<vmem>>, vector<1x16xf32>,
      %get3A_1062 = vector.shape_cast %get3A_1061 : vector<1x16xf32> to vector<16xf32>
      %get3A_1063 = arith.index_cast %scan3A_976 : i32 to index
      %get3A_1064 = arith.constant 96 : index
      %get3A_1065 = tpu.vector_load %arg16[%get3A_1063, %get3A_1064] {strides = array<i32>} : memref<64x128xf32, #tpu.memory_space<vmem>>, vector<1x16xf32>,
      %get3A_1066 = vector.shape_cast %get3A_1065 : vector<1x16xf32> to vector<16xf32>
      %mul3A_1067 = arith.mulf %get3A_1062, %get3A_1066 : vector<16xf32>
      %swap3A_1068 = arith.index_cast %scan3A_976 : i32 to index
      %swap3A_1069 = arith.constant 96 : index
      %swap3A_1070 = tpu.vector_load %arg15[%swap3A_1068, %swap3A_1069] {strides = array<i32>} : memref<64x128xf32, #tpu.memory_space<vmem>>, vector<1x16xf32>,
      %swap3A_1071 = vector.shape_cast %swap3A_1070 : vector<1x16xf32> to vector<16xf32>
      %swap3A_1072 = vector.shape_cast %mul3A_1067 : vector<16xf32> to vector<1x16xf32>
      tpu.vector_store %arg15[%swap3A_1068, %swap3A_1069], %swap3A_1072 {strides = array<i32>} : memref<64x128xf32, #tpu.memory_space<vmem>>, vector<1x16xf32>,
      %get3A_1073 = arith.index_cast %scan3A_976 : i32 to index
      %get3A_1074 = arith.constant 112 : index
      %get3A_1075 = tpu.vector_load %arg15[%get3A_1073, %get3A_1074] {strides = array<i32>} : memref<64x128xf32, #tpu.memory_space<vmem>>, vector<1x16xf32>,
      %get3A_1076 = vector.shape_cast %get3A_1075 : vector<1x16xf32> to vector<16xf32>
      %get3A_1077 = arith.index_cast %scan3A_976 : i32 to index
      %get3A_1078 = arith.constant 112 : index
      %get3A_1079 = tpu.vector_load %arg16[%get3A_1077, %get3A_1078] {strides = array<i32>} : memref<64x128xf32, #tpu.memory_space<vmem>>, vector<1x16xf32>,
      %get3A_1080 = vector.shape_cast %get3A_1079 : vector<1x16xf32> to vector<16xf32>
      %mul3A_1081 = arith.mulf %get3A_1076, %get3A_1080 : vector<16xf32>
      %swap3A_1082 = arith.index_cast %scan3A_976 : i32 to index
      %swap3A_1083 = arith.constant 112 : index
      %swap3A_1084 = tpu.vector_load %arg15[%swap3A_1082, %swap3A_1083] {strides = array<i32>} : memref<64x128xf32, #tpu.memory_space<vmem>>, vector<1x16xf32>,
      %swap3A_1085 = vector.shape_cast %swap3A_1084 : vector<1x16xf32> to vector<16xf32>
      %swap3A_1086 = vector.shape_cast %mul3A_1081 : vector<16xf32> to vector<1x16xf32>
      tpu.vector_store %arg15[%swap3A_1082, %swap3A_1083], %swap3A_1086 {strides = array<i32>} : memref<64x128xf32, #tpu.memory_space<vmem>>, vector<1x16xf32>,
      %scan3A_1087 = arith.constant 1 : i32
      %scan3A_1088 = arith.addi %scan3A_976, %scan3A_1087 : i32
      %get3A_1089 = arith.index_cast %scan3A_1088 : i32 to index
      %get3A_1090 = arith.constant 0 : index
      %get3A_1091 = tpu.vector_load %arg15[%get3A_1089, %get3A_1090] {strides = array<i32>} : memref<64x128xf32, #tpu.memory_space<vmem>>, vector<1x16xf32>,
      %get3A_1092 = vector.shape_cast %get3A_1091 : vector<1x16xf32> to vector<16xf32>
      %get3A_1093 = arith.index_cast %scan3A_1088 : i32 to index
      %get3A_1094 = arith.constant 0 : index
      %get3A_1095 = tpu.vector_load %arg16[%get3A_1093, %get3A_1094] {strides = array<i32>} : memref<64x128xf32, #tpu.memory_space<vmem>>, vector<1x16xf32>,
      %get3A_1096 = vector.shape_cast %get3A_1095 : vector<1x16xf32> to vector<16xf32>
      %mul3A_1097 = arith.mulf %get3A_1092, %get3A_1096 : vector<16xf32>
      %swap3A_1098 = arith.index_cast %scan3A_1088 : i32 to index
      %swap3A_1099 = arith.constant 0 : index
      %swap3A_1100 = tpu.vector_load %arg15[%swap3A_1098, %swap3A_1099] {strides = array<i32>} : memref<64x128xf32, #tpu.memory_space<vmem>>, vector<1x16xf32>,
      %swap3A_1101 = vector.shape_cast %swap3A_1100 : vector<1x16xf32> to vector<16xf32>
      %swap3A_1102 = vector.shape_cast %mul3A_1097 : vector<16xf32> to vector<1x16xf32>
      tpu.vector_store %arg15[%swap3A_1098, %swap3A_1099], %swap3A_1102 {strides = array<i32>} : memref<64x128xf32, #tpu.memory_space<vmem>>, vector<1x16xf32>,
      %get3A_1103 = arith.index_cast %scan3A_1088 : i32 to index
      %get3A_1104 = arith.constant 16 : index
      %get3A_1105 = tpu.vector_load %arg15[%get3A_1103, %get3A_1104] {strides = array<i32>} : memref<64x128xf32, #tpu.memory_space<vmem>>, vector<1x16xf32>,
      %get3A_1106 = vector.shape_cast %get3A_1105 : vector<1x16xf32> to vector<16xf32>
      %get3A_1107 = arith.index_cast %scan3A_1088 : i32 to index
      %get3A_1108 = arith.constant 16 : index
      %get3A_1109 = tpu.vector_load %arg16[%get3A_1107, %get3A_1108] {strides = array<i32>} : memref<64x128xf32, #tpu.memory_space<vmem>>, vector<1x16xf32>,
      %get3A_1110 = vector.shape_cast %get3A_1109 : vector<1x16xf32> to vector<16xf32>
      %mul3A_1111 = arith.mulf %get3A_1106, %get3A_1110 : vector<16xf32>
      %swap3A_1112 = arith.index_cast %scan3A_1088 : i32 to index
      %swap3A_1113 = arith.constant 16 : index
      %swap3A_1114 = tpu.vector_load %arg15[%swap3A_1112, %swap3A_1113] {strides = array<i32>} : memref<64x128xf32, #tpu.memory_space<vmem>>, vector<1x16xf32>,
      %swap3A_1115 = vector.shape_cast %swap3A_1114 : vector<1x16xf32> to vector<16xf32>
      %swap3A_1116 = vector.shape_cast %mul3A_1111 : vector<16xf32> to vector<1x16xf32>
      tpu.vector_store %arg15[%swap3A_1112, %swap3A_1113], %swap3A_1116 {strides = array<i32>} : memref<64x128xf32, #tpu.memory_space<vmem>>, vector<1x16xf32>,
      %get3A_1117 = arith.index_cast %scan3A_1088 : i32 to index
      %get3A_1118 = arith.constant 32 : index
      %get3A_1119 = tpu.vector_load %arg15[%get3A_1117, %get3A_1118] {strides = array<i32>} : memref<64x128xf32, #tpu.memory_space<vmem>>, vector<1x16xf32>,
      %get3A_1120 = vector.shape_cast %get3A_1119 : vector<1x16xf32> to vector<16xf32>
      %get3A_1121 = arith.index_cast %scan3A_1088 : i32 to index
      %get3A_1122 = arith.constant 32 : index
      %get3A_1123 = tpu.vector_load %arg16[%get3A_1121, %get3A_1122] {strides = array<i32>} : memref<64x128xf32, #tpu.memory_space<vmem>>, vector<1x16xf32>,
      %get3A_1124 = vector.shape_cast %get3A_1123 : vector<1x16xf32> to vector<16xf32>
      %mul3A_1125 = arith.mulf %get3A_1120, %get3A_1124 : vector<16xf32>
      %swap3A_1126 = arith.index_cast %scan3A_1088 : i32 to index
      %swap3A_1127 = arith.constant 32 : index
      %swap3A_1128 = tpu.vector_load %arg15[%swap3A_1126, %swap3A_1127] {strides = array<i32>} : memref<64x128xf32, #tpu.memory_space<vmem>>, vector<1x16xf32>,
      %swap3A_1129 = vector.shape_cast %swap3A_1128 : vector<1x16xf32> to vector<16xf32>
      %swap3A_1130 = vector.shape_cast %mul3A_1125 : vector<16xf32> to vector<1x16xf32>
      tpu.vector_store %arg15[%swap3A_1126, %swap3A_1127], %swap3A_1130 {strides = array<i32>} : memref<64x128xf32, #tpu.memory_space<vmem>>, vector<1x16xf32>,
      %get3A_1131 = arith.index_cast %scan3A_1088 : i32 to index
      %get3A_1132 = arith.constant 48 : index
      %get3A_1133 = tpu.vector_load %arg15[%get3A_1131, %get3A_1132] {strides = array<i32>} : memref<64x128xf32, #tpu.memory_space<vmem>>, vector<1x16xf32>,
      %get3A_1134 = vector.shape_cast %get3A_1133 : vector<1x16xf32> to vector<16xf32>
      %get3A_1135 = arith.index_cast %scan3A_1088 : i32 to index
      %get3A_1136 = arith.constant 48 : index
      %get3A_1137 = tpu.vector_load %arg16[%get3A_1135, %get3A_1136] {strides = array<i32>} : memref<64x128xf32, #tpu.memory_space<vmem>>, vector<1x16xf32>,
      %get3A_1138 = vector.shape_cast %get3A_1137 : vector<1x16xf32> to vector<16xf32>
      %mul3A_1139 = arith.mulf %get3A_1134, %get3A_1138 : vector<16xf32>
      %swap3A_1140 = arith.index_cast %scan3A_1088 : i32 to index
      %swap3A_1141 = arith.constant 48 : index
      %swap3A_1142 = tpu.vector_load %arg15[%swap3A_1140, %swap3A_1141] {strides = array<i32>} : memref<64x128xf32, #tpu.memory_space<vmem>>, vector<1x16xf32>,
      %swap3A_1143 = vector.shape_cast %swap3A_1142 : vector<1x16xf32> to vector<16xf32>
      %swap3A_1144 = vector.shape_cast %mul3A_1139 : vector<16xf32> to vector<1x16xf32>
      tpu.vector_store %arg15[%swap3A_1140, %swap3A_1141], %swap3A_1144 {strides = array<i32>} : memref<64x128xf32, #tpu.memory_space<vmem>>, vector<1x16xf32>,
      %get3A_1145 = arith.index_cast %scan3A_1088 : i32 to index
      %get3A_1146 = arith.constant 64 : index
      %get3A_1147 = tpu.vector_load %arg15[%get3A_1145, %get3A_1146] {strides = array<i32>} : memref<64x128xf32, #tpu.memory_space<vmem>>, vector<1x16xf32>,
      %get3A_1148 = vector.shape_cast %get3A_1147 : vector<1x16xf32> to vector<16xf32>
      %get3A_1149 = arith.index_cast %scan3A_1088 : i32 to index
      %get3A_1150 = arith.constant 64 : index
      %get3A_1151 = tpu.vector_load %arg16[%get3A_1149, %get3A_1150] {strides = array<i32>} : memref<64x128xf32, #tpu.memory_space<vmem>>, vector<1x16xf32>,
      %get3A_1152 = vector.shape_cast %get3A_1151 : vector<1x16xf32> to vector<16xf32>
      %mul3A_1153 = arith.mulf %get3A_1148, %get3A_1152 : vector<16xf32>
      %swap3A_1154 = arith.index_cast %scan3A_1088 : i32 to index
      %swap3A_1155 = arith.constant 64 : index
      %swap3A_1156 = tpu.vector_load %arg15[%swap3A_1154, %swap3A_1155] {strides = array<i32>} : memref<64x128xf32, #tpu.memory_space<vmem>>, vector<1x16xf32>,
      %swap3A_1157 = vector.shape_cast %swap3A_1156 : vector<1x16xf32> to vector<16xf32>
      %swap3A_1158 = vector.shape_cast %mul3A_1153 : vector<16xf32> to vector<1x16xf32>
      tpu.vector_store %arg15[%swap3A_1154, %swap3A_1155], %swap3A_1158 {strides = array<i32>} : memref<64x128xf32, #tpu.memory_space<vmem>>, vector<1x16xf32>,
      %get3A_1159 = arith.index_cast %scan3A_1088 : i32 to index
      %get3A_1160 = arith.constant 80 : index
      %get3A_1161 = tpu.vector_load %arg15[%get3A_1159, %get3A_1160] {strides = array<i32>} : memref<64x128xf32, #tpu.memory_space<vmem>>, vector<1x16xf32>,
      %get3A_1162 = vector.shape_cast %get3A_1161 : vector<1x16xf32> to vector<16xf32>
      %get3A_1163 = arith.index_cast %scan3A_1088 : i32 to index
      %get3A_1164 = arith.constant 80 : index
      %get3A_1165 = tpu.vector_load %arg16[%get3A_1163, %get3A_1164] {strides = array<i32>} : memref<64x128xf32, #tpu.memory_space<vmem>>, vector<1x16xf32>,
      %get3A_1166 = vector.shape_cast %get3A_1165 : vector<1x16xf32> to vector<16xf32>
      %mul3A_1167 = arith.mulf %get3A_1162, %get3A_1166 : vector<16xf32>
      %swap3A_1168 = arith.index_cast %scan3A_1088 : i32 to index
      %swap3A_1169 = arith.constant 80 : index
      %swap3A_1170 = tpu.vector_load %arg15[%swap3A_1168, %swap3A_1169] {strides = array<i32>} : memref<64x128xf32, #tpu.memory_space<vmem>>, vector<1x16xf32>,
      %swap3A_1171 = vector.shape_cast %swap3A_1170 : vector<1x16xf32> to vector<16xf32>
      %swap3A_1172 = vector.shape_cast %mul3A_1167 : vector<16xf32> to vector<1x16xf32>
      tpu.vector_store %arg15[%swap3A_1168, %swap3A_1169], %swap3A_1172 {strides = array<i32>} : memref<64x128xf32, #tpu.memory_space<vmem>>, vector<1x16xf32>,
      %get3A_1173 = arith.index_cast %scan3A_1088 : i32 to index
      %get3A_1174 = arith.constant 96 : index
      %get3A_1175 = tpu.vector_load %arg15[%get3A_1173, %get3A_1174] {strides = array<i32>} : memref<64x128xf32, #tpu.memory_space<vmem>>, vector<1x16xf32>,
      %get3A_1176 = vector.shape_cast %get3A_1175 : vector<1x16xf32> to vector<16xf32>
      %get3A_1177 = arith.index_cast %scan3A_1088 : i32 to index
      %get3A_1178 = arith.constant 96 : index
      %get3A_1179 = tpu.vector_load %arg16[%get3A_1177, %get3A_1178] {strides = array<i32>} : memref<64x128xf32, #tpu.memory_space<vmem>>, vector<1x16xf32>,
      %get3A_1180 = vector.shape_cast %get3A_1179 : vector<1x16xf32> to vector<16xf32>
      %mul3A_1181 = arith.mulf %get3A_1176, %get3A_1180 : vector<16xf32>
      %swap3A_1182 = arith.index_cast %scan3A_1088 : i32 to index
      %swap3A_1183 = arith.constant 96 : index
      %swap3A_1184 = tpu.vector_load %arg15[%swap3A_1182, %swap3A_1183] {strides = array<i32>} : memref<64x128xf32, #tpu.memory_space<vmem>>, vector<1x16xf32>,
      %swap3A_1185 = vector.shape_cast %swap3A_1184 : vector<1x16xf32> to vector<16xf32>
      %swap3A_1186 = vector.shape_cast %mul3A_1181 : vector<16xf32> to vector<1x16xf32>
      tpu.vector_store %arg15[%swap3A_1182, %swap3A_1183], %swap3A_1186 {strides = array<i32>} : memref<64x128xf32, #tpu.memory_space<vmem>>, vector<1x16xf32>,
      %get3A_1187 = arith.index_cast %scan3A_1088 : i32 to index
      %get3A_1188 = arith.constant 112 : index
      %get3A_1189 = tpu.vector_load %arg15[%get3A_1187, %get3A_1188] {strides = array<i32>} : memref<64x128xf32, #tpu.memory_space<vmem>>, vector<1x16xf32>,
      %get3A_1190 = vector.shape_cast %get3A_1189 : vector<1x16xf32> to vector<16xf32>
      %get3A_1191 = arith.index_cast %scan3A_1088 : i32 to index
      %get3A_1192 = arith.constant 112 : index
      %get3A_1193 = tpu.vector_load %arg16[%get3A_1191, %get3A_1192] {strides = array<i32>} : memref<64x128xf32, #tpu.memory_space<vmem>>, vector<1x16xf32>,
      %get3A_1194 = vector.shape_cast %get3A_1193 : vector<1x16xf32> to vector<16xf32>
      %mul3A_1195 = arith.mulf %get3A_1190, %get3A_1194 : vector<16xf32>
      %swap3A_1196 = arith.index_cast %scan3A_1088 : i32 to index
      %swap3A_1197 = arith.constant 112 : index
      %swap3A_1198 = tpu.vector_load %arg15[%swap3A_1196, %swap3A_1197] {strides = array<i32>} : memref<64x128xf32, #tpu.memory_space<vmem>>, vector<1x16xf32>,
      %swap3A_1199 = vector.shape_cast %swap3A_1198 : vector<1x16xf32> to vector<16xf32>
      %swap3A_1200 = vector.shape_cast %mul3A_1195 : vector<16xf32> to vector<1x16xf32>
      tpu.vector_store %arg15[%swap3A_1196, %swap3A_1197], %swap3A_1200 {strides = array<i32>} : memref<64x128xf32, #tpu.memory_space<vmem>>, vector<1x16xf32>,
    }
    %scan3A_947 = arith.constant 64 : i32
    %dma_start3A_948 = arith.constant 0 : i32
    %dma_start3A_949 = tpu.memref_slice %arg7[%add3A_916, %dma_start3A_948] : memref<16384x128xf32, #tpu.memory_space<hbm>> -> memref<64x128xf32, #tpu.memory_space<hbm>>
    %dma_start3A_950 = arith.constant 0 : i32
    %dma_start3A_951 = tpu.memref_slice %arg7[%add3A_916, %dma_start3A_950] : memref<16384x128xf32, #tpu.memory_space<hbm>> -> memref<64x128xf32, #tpu.memory_space<hbm>>
    tpu.enqueue_dma source(%arg15 : memref<64x128xf32, #tpu.memory_space<vmem>>) target(%dma_start3A_951 : memref<64x128xf32, #tpu.memory_space<hbm>>) target_semaphore(%arg26 : memref<!tpu.dma_semaphore, #tpu.memory_space<semaphore_mem>>)
    %dma_wait3A_952 = arith.constant 0 : i32
    %dma_wait3A_953 = tpu.memref_slice %arg8[%add3A_813, %dma_wait3A_952] : memref<16384x128xf32, #tpu.memory_space<hbm>> -> memref<64x128xf32, #tpu.memory_space<hbm>>
    %dma_wait3A_954 = arith.constant 0 : i32
    %dma_wait3A_955 = tpu.memref_slice %arg8[%add3A_813, %dma_wait3A_954] : memref<16384x128xf32, #tpu.memory_space<hbm>> -> memref<64x128xf32, #tpu.memory_space<hbm>>
    tpu.wait_dma2 semaphore(%arg27 : memref<!tpu.dma_semaphore, #tpu.memory_space<semaphore_mem>>) src(%arg20 : memref<64x128xf32, #tpu.memory_space<vmem>>) dst(%dma_wait3A_955 : memref<64x128xf32, #tpu.memory_space<hbm>>)
    %dma_wait3A_956 = arith.constant 0 : i32
    %dma_wait3A_957 = tpu.memref_slice %arg7[%add3A_813, %dma_wait3A_956] : memref<16384x128xf32, #tpu.memory_space<hbm>> -> memref<64x128xf32, #tpu.memory_space<hbm>>
    %dma_wait3A_958 = arith.constant 0 : i32
    %dma_wait3A_959 = tpu.memref_slice %arg7[%add3A_813, %dma_wait3A_958] : memref<16384x128xf32, #tpu.memory_space<hbm>> -> memref<64x128xf32, #tpu.memory_space<hbm>>
    tpu.wait_dma2 semaphore(%arg27 : memref<!tpu.dma_semaphore, #tpu.memory_space<semaphore_mem>>) src(%arg18 : memref<64x128xf32, #tpu.memory_space<vmem>>) dst(%dma_wait3A_959 : memref<64x128xf32, #tpu.memory_space<hbm>>)
    %dma_wait3A_960 = arith.constant 0 : i32
    %dma_wait3A_961 = tpu.memref_slice %arg8[%add3A_879, %dma_wait3A_960] : memref<16384x128xf32, #tpu.memory_space<hbm>> -> memref<64x128xf32, #tpu.memory_space<hbm>>
    %dma_wait3A_962 = arith.constant 0 : i32
    %dma_wait3A_963 = tpu.memref_slice %arg8[%add3A_879, %dma_wait3A_962] : memref<16384x128xf32, #tpu.memory_space<hbm>> -> memref<64x128xf32, #tpu.memory_space<hbm>>
    tpu.wait_dma2 semaphore(%arg25 : memref<!tpu.dma_semaphore, #tpu.memory_space<semaphore_mem>>) src(%arg14 : memref<64x128xf32, #tpu.memory_space<vmem>>) dst(%dma_wait3A_963 : memref<64x128xf32, #tpu.memory_space<hbm>>)
    %dma_wait3A_964 = arith.constant 0 : i32
    %dma_wait3A_965 = tpu.memref_slice %arg7[%add3A_879, %dma_wait3A_964] : memref<16384x128xf32, #tpu.memory_space<hbm>> -> memref<64x128xf32, #tpu.memory_space<hbm>>
    %dma_wait3A_966 = arith.constant 0 : i32
    %dma_wait3A_967 = tpu.memref_slice %arg7[%add3A_879, %dma_wait3A_966] : memref<16384x128xf32, #tpu.memory_space<hbm>> -> memref<64x128xf32, #tpu.memory_space<hbm>>
    tpu.wait_dma2 semaphore(%arg25 : memref<!tpu.dma_semaphore, #tpu.memory_space<semaphore_mem>>) src(%arg12 : memref<64x128xf32, #tpu.memory_space<vmem>>) dst(%dma_wait3A_967 : memref<64x128xf32, #tpu.memory_space<hbm>>)
    %dma_wait3A_968 = arith.constant 0 : i32
    %dma_wait3A_969 = tpu.memref_slice %arg8[%add3A_916, %dma_wait3A_968] : memref<16384x128xf32, #tpu.memory_space<hbm>> -> memref<64x128xf32, #tpu.memory_space<hbm>>
    %dma_wait3A_970 = arith.constant 0 : i32
    %dma_wait3A_971 = tpu.memref_slice %arg8[%add3A_916, %dma_wait3A_970] : memref<16384x128xf32, #tpu.memory_space<hbm>> -> memref<64x128xf32, #tpu.memory_space<hbm>>
    tpu.wait_dma2 semaphore(%arg26 : memref<!tpu.dma_semaphore, #tpu.memory_space<semaphore_mem>>) src(%arg17 : memref<64x128xf32, #tpu.memory_space<vmem>>) dst(%dma_wait3A_971 : memref<64x128xf32, #tpu.memory_space<hbm>>)
    %dma_wait3A_972 = arith.constant 0 : i32
    %dma_wait3A_973 = tpu.memref_slice %arg7[%add3A_916, %dma_wait3A_972] : memref<16384x128xf32, #tpu.memory_space<hbm>> -> memref<64x128xf32, #tpu.memory_space<hbm>>
    %dma_wait3A_974 = arith.constant 0 : i32
    %dma_wait3A_975 = tpu.memref_slice %arg7[%add3A_916, %dma_wait3A_974] : memref<16384x128xf32, #tpu.memory_space<hbm>> -> memref<64x128xf32, #tpu.memory_space<hbm>>
    tpu.wait_dma2 semaphore(%arg26 : memref<!tpu.dma_semaphore, #tpu.memory_space<semaphore_mem>>) src(%arg15 : memref<64x128xf32, #tpu.memory_space<vmem>>) dst(%dma_wait3A_975 : memref<64x128xf32, #tpu.memory_space<hbm>>)
    return
  }
}

module attributes {stable_mosaic.version = 14 : i64} {
  func.func @_score_body(%arg0: i32, %arg1: memref<4096x128xf32, #tpu.memory_space<vmem>>, %arg2: memref<4096x128xf32, #tpu.memory_space<vmem>>, %arg3: memref<128x128xf32, #tpu.memory_space<vmem>>, %arg4: memref<128x128xf32, #tpu.memory_space<vmem>>, %arg5: memref<128xf32, #tpu.memory_space<vmem>>, %arg6: memref<128x8xf32, #tpu.memory_space<vmem>>, %arg7: memref<4096x8xf32, #tpu.memory_space<vmem>>) attributes {dimension_semantics = [#tpu.dimension_semantics<arbitrary>], iteration_bounds = array<i64: 4>, scalar_prefetch = 0 : i64, scratch_operands = 0 : i64, tpu.core_type = #tpu.core_type<tc>, window_params = [{transform_indices = @transform_0, window_bounds = array<i64: 4096, 128>}, {transform_indices = @transform_1, window_bounds = array<i64: 4096, 128>}, {pipeline_mode = #tpu.pipeline_mode<synchronous>, transform_indices = @transform_2, window_bounds = array<i64: 128, 128>}, {pipeline_mode = #tpu.pipeline_mode<synchronous>, transform_indices = @transform_3, window_bounds = array<i64: 128, 128>}, {pipeline_mode = #tpu.pipeline_mode<synchronous>, transform_indices = @transform_4, window_bounds = array<i64: 128>}, {pipeline_mode = #tpu.pipeline_mode<synchronous>, transform_indices = @transform_5, window_bounds = array<i64: 128, 8>}, {transform_indices = @transform_6, window_bounds = array<i64: 4096, 8>}]} {
    %get3A = arith.constant 0 : index
    %get3A_0 = arith.constant 0 : index
    %get3A_1 = vector.load %arg1[%get3A, %get3A_0] : memref<4096x128xf32, #tpu.memory_space<vmem>>, vector<4096x128xf32>
    %get3A_2 = arith.constant 0 : index
    %get3A_3 = arith.constant 0 : index
    %get3A_4 = vector.load %arg2[%get3A_2, %get3A_3] : memref<4096x128xf32, #tpu.memory_space<vmem>>, vector<4096x128xf32>
    %get3A_5 = arith.constant 0 : index
    %get3A_6 = arith.constant 0 : index
    %get3A_7 = vector.load %arg3[%get3A_5, %get3A_6] : memref<128x128xf32, #tpu.memory_space<vmem>>, vector<128x128xf32>
    %dot_general3A = arith.constant dense<0.000000e+00> : vector<4096x128xf32>
    %dot_general3A_8 = tpu.matmul %get3A_1, %get3A_7, %dot_general3A {dimension_numbers = #tpu.dot_dimension_numbers<[1], [0], [0], [1], [0, 0, 1, 1], [], []>, transpose_lhs_hint = false} : vector<4096x128xf32>, vector<128x128xf32>, vector<4096x128xf32> -> vector<4096x128xf32>
    %get3A_9 = arith.constant 0 : index
    %get3A_10 = arith.constant 0 : index
    %get3A_11 = vector.load %arg4[%get3A_9, %get3A_10] : memref<128x128xf32, #tpu.memory_space<vmem>>, vector<128x128xf32>
    %dot_general3A_12 = arith.constant dense<0.000000e+00> : vector<4096x128xf32>
    %dot_general3A_13 = tpu.matmul %get3A_4, %get3A_11, %dot_general3A_12 {dimension_numbers = #tpu.dot_dimension_numbers<[1], [0], [0], [1], [0, 0, 1, 1], [], []>, transpose_lhs_hint = false} : vector<4096x128xf32>, vector<128x128xf32>, vector<4096x128xf32> -> vector<4096x128xf32>
    %add3A = arith.addf %dot_general3A_8, %dot_general3A_13 : vector<4096x128xf32>
    %get3A_14 = arith.constant 0 : index
    %get3A_15 = vector.load %arg5[%get3A_14] : memref<128xf32, #tpu.memory_space<vmem>>, vector<128xf32>
    %broadcast_in_dim3A = vector.shape_cast %get3A_15 : vector<128xf32> to vector<1x128xf32>
    %add3A_16 = vector.broadcast %broadcast_in_dim3A : vector<1x128xf32> to vector<4096x128xf32>
    %add3A_17 = arith.addf %add3A, %add3A_16 : vector<4096x128xf32>
    %mul3A = arith.mulf %add3A_17, %get3A_4 : vector<4096x128xf32>
    %get3A_18 = arith.constant 0 : index
    %get3A_19 = arith.constant 0 : index
    %get3A_20 = vector.load %arg6[%get3A_18, %get3A_19] : memref<128x8xf32, #tpu.memory_space<vmem>>, vector<128x8xf32>
    %dot_general3A_21 = arith.constant dense<0.000000e+00> : vector<4096x8xf32>
    %dot_general3A_22 = tpu.matmul %mul3A, %get3A_20, %dot_general3A_21 {dimension_numbers = #tpu.dot_dimension_numbers<[1], [0], [0], [1], [0, 0, 1, 1], [], []>, transpose_lhs_hint = false} : vector<4096x128xf32>, vector<128x8xf32>, vector<4096x8xf32> -> vector<4096x8xf32>
    %swap3A = arith.constant 0 : index
    %swap3A_23 = arith.constant 0 : index
    %swap3A_24 = vector.load %arg7[%swap3A, %swap3A_23] : memref<4096x8xf32, #tpu.memory_space<vmem>>, vector<4096x8xf32>
    tpu.vector_store %arg7[%swap3A, %swap3A_23], %dot_general3A_22 {strides = array<i32>} : memref<4096x8xf32, #tpu.memory_space<vmem>>, vector<4096x8xf32>,
    return
  }
  func.func @transform_0(%arg0: i32) -> (i32, i32) {
    %c0_i32 = arith.constant 0 : i32
    %c0_i32_0 = arith.constant 0 : i32
    return %arg0, %c0_i32 : i32, i32
  }
  func.func @transform_1(%arg0: i32) -> (i32, i32) {
    %c0_i32 = arith.constant 0 : i32
    %c0_i32_0 = arith.constant 0 : i32
    return %arg0, %c0_i32 : i32, i32
  }
  func.func @transform_2(%arg0: i32) -> (i32, i32) {
    %c0_i32 = arith.constant 0 : i32
    %c0_i32_0 = arith.constant 0 : i32
    %c0_i32_1 = arith.constant 0 : i32
    return %c0_i32, %c0_i32_0 : i32, i32
  }
  func.func @transform_3(%arg0: i32) -> (i32, i32) {
    %c0_i32 = arith.constant 0 : i32
    %c0_i32_0 = arith.constant 0 : i32
    %c0_i32_1 = arith.constant 0 : i32
    return %c0_i32, %c0_i32_0 : i32, i32
  }
  func.func @transform_4(%arg0: i32) -> i32 {
    %c0_i32 = arith.constant 0 : i32
    %c0_i32_0 = arith.constant 0 : i32
    return %c0_i32 : i32
  }
  func.func @transform_5(%arg0: i32) -> (i32, i32) {
    %c0_i32 = arith.constant 0 : i32
    %c0_i32_0 = arith.constant 0 : i32
    %c0_i32_1 = arith.constant 0 : i32
    return %c0_i32, %c0_i32_0 : i32, i32
  }
  func.func @transform_6(%arg0: i32) -> (i32, i32) {
    %c0_i32 = arith.constant 0 : i32
    %c0_i32_0 = arith.constant 0 : i32
    return %arg0, %c0_i32 : i32, i32
  }
}

</mosaic_0001>

<sc_bundles>
// kernel: kernel.4.cloned.1.call-start
scs
__scs_entry_jumppad:
0x0: {  	(pc) =	sbr.rel $0x88, $3  }
0x1: {  	(tag) =	ssettag $0x0;
	lr =	simm.s32 $0x1  }
0x2: {  	[smem:$0x3F9A] =	sst lr;
	_ =	strace $0xD0000000  }
0x3: {  	_ = 	snop  }
0x4: {  	_ = 	snop  }
0x5: {  	_ = 	snop  }
0x6: {  	_ = 	snop  }
0x7: {  	_ = 	snop  }
__scs_overlays_trampoline_lowered:
0x8: {  	[smem:$0x3FA9] =	sst s0  }
0x9: {  	[smem:$0x3FAA] =	sst s1  }
0xa: {  	[smem:$0x3FAB] =	sst s2  }
0xb: {  	[smem:$0x3FAC] =	sst s3  }
0xc: {  	[smem:$0x3FAD] =	sst s4  }
0xd: {  	[smem:$0x3FAE] =	sst s5  }
0xe: {  	[smem:$0x3FAF] =	sst s6  }
0xf: {  	[smem:$0x3FB0] =	sst s7  }
0x10: {  	[smem:$0x3FB1] =	sst s8  }
0x11: {  	[smem:$0x3FB2] =	sst s9;
	s0 =	simm.s32 @!p0 $0x0  }
0x12: {  	s1 =	sld [smem:$0x3F98];
	s0 =	simm.s32 @p0 $0x1  }
0x13: {  	[smem:$0x3FB3] =	sst s0;
	s0 =	simm.s32 @!p1 $0x0  }
0x14: {  	s2 =	sld [smem:$0x3F97];
	s0 =	simm.s32 @p1 $0x1  }
0x15: {  	[smem:$0x3FB4] =	sst s0;
	s0 =	simm.s32 @!p2 $0x0  }
0x16: {  	s3 =	sld [smem:$0x3FDB];
	s0 =	simm.s32 @p2 $0x1  }
0x17: {  	s4 =	simm.s32 $0x1BF5;
	[smem:$0x3FB6] =	sst s0  }
0x18: {  	s0 =	sld [smem:$0x3F99];
	_ =	swait.ge [sflag:s4], $0x0  }
0x19: {  	s7 =	sld [smem:$0x3F9A]  }
0x1a: {  	s8 =	sadd.s32 $0xFFFFE003, lr  }
0x1b: {  	s9 =	sadd.s32 $0xFFFFFEF7, lr;
	s5 =	simm.s32 $0xFFFFFFFF;
	p2 =	slt.u32 s8, $0xFFFFF086  }
0x1c: {  	p1 =	slt.u32 s9, $0xF7A;
	s5 =	simm.s32 @!p2 $0x0  }
0x1d: {  	s5 =	simm.s32 @p1 $0x1;
	p0 =	seq.s32 s7, s2  }
0x1e: {  	s7 =	smul.u32 @!p0 $0xF7A, s2;
	p2 =	seq.s32 @!p0 s5, $0x0  }
0x1f: {  	s9 =	smul.u32 $0xF7A, s1;
	s8 =	simm.s32 @!p0 $0x1BF5;
	p2 =	por !p2, p0  }
0x20: {  	[sflag:s8] =	ssyncset.s32 @!p0 $0xFFFFF086;
	s6 =	sadd.s32 @!p0 s3, s7;
	s7 =	simm.s32 @!p0 $0x108  }
0x21: {  	s3 =	sadd.s32 s3, s9;
	s6 =	sadd.s32 @!p0 $0x88, s6;
	s7 =	simm.s32 @p2 $0x1082  }
0x22: {  	[simem:s7], [sflag:s8] =	dma.local @!p0 [hbm:s6], $0xF7A  }
0x23: {  	s9 =	sor.u32 $0xD0000000, s2;
	s6 =	simm.s32 $0x108;
	_ =	swait.ge @!p0 [sflag:s8], $0x0  }
0x24: {  	s3 =	sadd.s32 $0x88, s3;
	s6 =	simm.s32 @!p1 $0x1082;
	[sflag:s4] =	ssyncset.s32 $0xFFFFF086  }
0x25: {  	[simem:s6], [sflag:s4] =	dma.local [hbm:s3], $0xF7A  }
0x26: {  	[smem:$0x3F9A] =	sst s1;
	(tag) =	ssettag s2;
	_ =	strace s9  }
0x27: {  	s1 =	sld [smem:$0x3FAA]  }
0x28: {  	s2 =	sld [smem:$0x3FAB]  }
0x29: {  	s4 =	sld [smem:$0x3FAD]  }
0x2a: {  	p0 =	seq.s32 s5, $0x0;
	s5 =	sld [smem:$0x3FAE]  }
0x2b: {  	s6 =	sld [smem:$0x3FAF]  }
0x2c: {  	s7 =	sld [smem:$0x3FB0]  }
0x2d: {  	s3 =	simm.s32 $0x108;
	s8 =	sld [smem:$0x3FB1]  }
0x2e: {  	s3 =	simm.s32 @!p0 $0x1082;
	s9 =	sld [smem:$0x3FB2]  }
0x2f: {  	lr =	sadd.s32 s0, s3;
	s0 =	sld [smem:$0x3FA9]  }
0x30: {  	s3 =	sld [smem:$0x3FAC]  }
0x31: {  	[smem:$0x3FB5] =	sst s10  }
0x32: {  	s10 =	sld [smem:$0x3FB3];
	_ =	sdelay $0x3  }
0x33: {  	p0 =	seq.s32 s10, $0x1;
	s10 =	sld [smem:$0x3FB5];
	_ =	sdelay $0x3  }
0x34: {  	[smem:$0x3FB5] =	sst s10  }
0x35: {  	s10 =	sld [smem:$0x3FB4];
	_ =	sdelay $0x3  }
0x36: {  	p1 =	seq.s32 s10, $0x1;
	s10 =	sld [smem:$0x3FB5];
	_ =	sdelay $0x3  }
0x37: {  	[smem:$0x3FB5] =	sst s10  }
0x38: {  	s10 =	sld [smem:$0x3FB6]  }
0x39: {  	_ = 	snop;
	(pc) =	sbr.ind lr, $3  }
0x3a: {  	_ = 	snop  }
0x3b: {  	_ = 	snop  }
0x3c: {  	p2 =	seq.s32 s10, $0x1;
	s10 =	sld [smem:$0x3FB5]  }
0x3d: {  	_ =	shalt  }
0x3e: {  	_ =	shalt  }
0x3f: {  	_ =	shalt  }
0x40: {  	_ =	shalt  }
0x41: {  	_ =	shalt  }
0x42: {  	_ =	shalt  }
0x43: {  	_ =	shalt  }
0x44: {  	_ =	shalt  }
0x45: {  	_ =	shalt  }
0x46: {  	_ =	shalt  }
0x47: {  	_ =	shalt  }
0x48: {  	_ =	shalt  }
0x49: {  	_ =	shalt  }
0x4a: {  	_ =	shalt  }
0x4b: {  	_ =	shalt  }
0x4c: {  	_ =	shalt  }
0x4d: {  	_ =	shalt  }
0x4e: {  	_ =	shalt  }
0x4f: {  	_ =	shalt  }
0x50: {  	_ =	shalt  }
0x51: {  	_ =	shalt  }
0x52: {  	_ =	shalt  }
0x53: {  	_ =	shalt  }
0x54: {  	_ =	shalt  }
0x55: {  	_ =	shalt  }
0x56: {  	_ =	shalt  }
0x57: {  	_ =	shalt  }
0x58: {  	_ =	shalt  }
0x59: {  	_ =	shalt  }
0x5a: {  	_ =	shalt  }
0x5b: {  	_ =	shalt  }
0x5c: {  	_ =	shalt  }
0x5d: {  	_ =	shalt  }
0x5e: {  	_ =	shalt  }
0x5f: {  	_ =	shalt  }
0x60: {  	_ =	shalt  }
0x61: {  	_ =	shalt  }
0x62: {  	_ =	shalt  }
0x63: {  	_ =	shalt  }
0x64: {  	_ =	shalt  }
0x65: {  	_ =	shalt  }
0x66: {  	_ =	shalt  }
0x67: {  	_ =	shalt  }
0x68: {  	_ =	shalt  }
0x69: {  	_ =	shalt  }
0x6a: {  	_ =	shalt  }
0x6b: {  	_ =	shalt  }
0x6c: {  	_ =	shalt  }
0x6d: {  	_ =	shalt  }
0x6e: {  	_ =	shalt  }
0x6f: {  	_ =	shalt  }
0x70: {  	_ =	shalt  }
0x71: {  	_ =	shalt  }
0x72: {  	_ =	shalt  }
0x73: {  	_ =	shalt  }
0x74: {  	_ =	shalt  }
0x75: {  	_ =	shalt  }
0x76: {  	_ =	shalt  }
0x77: {  	_ =	shalt  }
0x78: {  	_ =	shalt  }
0x79: {  	_ =	shalt  }
0x7a: {  	_ =	shalt  }
0x7b: {  	_ =	shalt  }
0x7c: {  	_ =	shalt  }
0x7d: {  	_ =	shalt  }
0x7e: {  	_ =	shalt  }
0x7f: {  	_ =	shalt  }
0x80: {  	_ =	shalt  }
0x81: {  	_ =	shalt  }
0x82: {  	_ =	shalt  }
0x83: {  	_ =	shalt  }
0x84: {  	_ =	shalt  }
0x85: {  	_ =	shalt  }
0x86: {  	_ =	shalt  }
0x87: {  	_ =	shalt  }
.Lfunc_end0:
.L_simem_size_0:
called_computation_lowered:
.L_overlay_start_0:
0x88: {  	s2 =	sld [smem:$0x3FD9]  }
0x89: {  	s3 =	sld [smem:$0x3FFE];
	_ =	sdelay $0x1  }
0x8a: {  	s1 =	srdreg.scid  }
0x8b: {  	s0 =	sand.u32 $0x1, s1  }
0x8c: {  	s17 =	sshll.u32 s0, $0xA;
	s2 =	sadd.s32 s3, s2  }
0x8d: {  	s2 =	sadd.s32 s2, s17  }
0x8e: {  	[smem:$0x3FC1] =	sst s2  }
0x8f: {  	_ = 	snop  }
0x90: {  	s2 =	sld [smem:$0x3FC9]  }
0x91: {  	s18 =	sld [smem:$0x3FC8]  }
0x92: {  	s4 =	sld [smem:$0x3FC7]  }
0x93: {  	s5 =	sld [smem:$0x3FC6]  }
0x94: {  	s6 =	sld [smem:$0x3FC5];
	(tm) =	ssettm $0x1  }
0x95: {  	s7 =	sld [smem:$0x3FFB];
	_ =	sdelay $0x3  }
0x96: {  	_ =	strace s7  }
0x97: {  	s7 =	sld [smem:$0x3FFC];
	_ =	sdelay $0x3  }
0x98: {  	_ =	strace s7  }
0x99: {  	s7 =	sld [smem:$0x3FFD];
	_ =	sdelay $0x3  }
0x9a: {  	_ =	strace s7  }
0x9b: {  	_ =	strace $0x8FFFFFFF  }
0x9c: {  	s19 =	sld [smem:$0x3FDB];
	_ =	sdelay $0x1  }
0x9d: {  	s8 =	simm.s32 $_scs_section_size  }
0x9e: {  	s9 =	simm.s32 $_size__tile_overlayer_lowered;
	s10 =	simm.s32 $_tile_overlayer_lowered  }
0x9f: {  	s22 =	simm.s32 $0x1BFF;
	s21 =	sshll.u32 s10, $0x1;
	s7 =	sadd.s32 s8, s19  }
0xa0: {  	s11 =	simm.s32 $0x0;
	s20 =	sshll.u32 s9, $0x1;
	s9 =	sadd.s32 s21, s7  }
0xa1: {  	[timem:s11], [sflag:s22] =	dma.local [hbm:s9], s20  }
0xa2: {  	_ =	swait.ge [sflag:s22], s20  }
0xa3: {  	s8 =	ssub.s32 $0x0, s20;
	[sflag:s22] =	ssyncset.done $0x0  }
0xa4: {  	[sflag:s22] =	ssyncadd.s32 s8;
	_ =	sdelay $0x1  }
0xa5: {  	s23 =	simm.s32 $0x1B8B  }
0xa6: {  	_ =	swait.ge [sflag:s23], $0x1  }
0xa7: {  	[sflag:s23] =	ssyncset.done $0x0  }
0xa8: {  	s25 =	simm.s32 $0x1B8E;
	s24 =	sld [smem:$0x3FFE];
	[sflag:s23] =	ssyncadd.s32 $0xFFFFFFFF  }
0xa9: {  	s26 =	simm.s32 $execute0_lowered;
	[smem:$0x3FD2] =	sst s25  }
0xaa: {  	s9 =	sshll.u32 s26, $0x1;
	_ =	strace $0x80000046;
	[dreg:$0x1] =	wrdreg $0xFFFFFFFF  }
0xab: {  	s28 =	simm.s32 $_size_execute0_lowered;
	s7 =	sadd.s32 s7, s9;
	[dreg:$0x0] =	wrdreg $0x0  }
0xac: {  	s9 =	sshll.u32 s28, $0x1;
	[dreg:$0x2] =	wrdreg s7  }
0xad: {  	[dreg:$0x3] =	wrdreg s9  }
0xae: {  	[dreg:$0x4] =	wrdreg $0xC0  }
0xaf: {  	_ =	task [dreg:s11], $0x5FFFF  }
0xb0: {  	[dreg:$0x1] =	wrdreg $0xFFFFFFFF  }
0xb1: {  	[dreg:$0x0] =	wrdreg $0x60  }
0xb2: {  	[dreg:$0x2] =	wrdreg s2  }
0xb3: {  	[dreg:$0x3] =	wrdreg s18  }
0xb4: {  	[dreg:$0x4] =	wrdreg s4  }
0xb5: {  	[dreg:$0x5] =	wrdreg s5  }
0xb6: {  	[dreg:$0x6] =	wrdreg s6  }
0xb7: {  	[dreg:$0x7] =	wrdreg s24  }
0xb8: {  	[dreg:$0x8] =	wrdreg $0x9  }
0xb9: {  	_ =	task.clear_ibuf [dreg:s11], $0x9FFFF;
	_ =	strace $0x90000046  }
0xba: {  	s29 =	simm.s32 $0x9;
	_ =	strace $0x80000048  }
0xbb: {  	_ =	swait.ge [sflag:s29], $0x1  }
0xbc: {  	[sflag:s29] =	ssyncadd.s32 $0xFFFFFFFF  }
0xbd: {  	_ =	strace $0x90000048  }
0xbe: {  	_ =	sfence  }
0xbf: {  	s30 =	sld [smem:$0x0];
	_ =	sdelay $0x2  }
0xc0: {  	s31 =	sshll.u32 s1, $0xD;
	s1 =	sshrl.u32 s1, $0x2  }
0xc1: {  	s3 =	sand.u32 $0x4000, s31;
	s1 =	sadd.s32 s1, s30  }
0xc2: {  	s0 =	sor.u32 s3, s0;
	s1 =	sshll.u32 s1, $0x11  }
0xc3: {  	s0 =	sor.u32 s1, s0  }
0xc4: {  	s0 =	sadd.s32 $0x8F2B, s0  }
0xc5: {  	[sflag:s0] =	ssyncadd.remote.s32 $0x1  }
0xc6: {  	_ =	sfence.sel $0xFFFF  }
0xc7: {  	[dreg:$0x0] =	wrdreg $0xFFFFFFFF;
	(pc) =	sbr.abs _section_cstart, $3  }
0xc8: {  	[dreg:$0x1] =	wrdreg $0xFFFFFFFF  }
0xc9: {  	_ =	task.clear_ibuf [dreg:s11], $0x2FFFF;
	_ =	strace $0x9FFFFFFF  }
0xca: {  	(tm) =	ssettm $0x7FFFFFFF  }
0xcb: {  	_ =	shalt  }
tec
execute0_lowered:
.L_overlay_start_1:
0x0: {  	(tag) =	ssettag $0x1  }
0x1: {  	s2 =	rddreg [dreg:$0x0];
	s0 =	srdreg.scid  }
0x2: {  	s3 =	rddreg [dreg:$0x1];
	s1 =	stileid.u32;
	s0 =	sand.u32 $0x1, s0  }
0x3: {  	s6 =	sshll.u32 s1, $0xA;
	s5 =	ssub.s32 $0x2, s0;
	s0 =	sshll.u32 s0, $0x9  }
0x4: {  	s4 =	rddreg [dreg:$0x2];
	s6 =	sor.u32 s0, s6  }
0x5: {  	s1 =	simm.s32 $0x0;
	s7 =	sshrl.u32 s5, $0x1;
	s11 =	sshrl.u32 s6, $0x3  }
0x6: {  	[smem:$0x7FF] =	sst s1;
	s0 =	ssub.s32 s5, s7;
	s12 =	sadd.s32 s2, s11  }
0x7: {  	s7 =	sor.u32 $0x40, s6;
	s13 =	sadd.s32 s3, s11;
	[dreg:$0x7] =	wrdreg s12  }
0x8: {  	s5 =	sadd.s32 s4, s11;
	s14 =	sshrl.u32 s7, $0x3;
	[dreg:$0x8] =	wrdreg s13  }
0x9: {  	[dreg:$0x9] =	wrdreg s5;
	s9 =	sadd.s32 s2, s14  }
0xa: {  	s8 =	sor.u32 $0x80, s6;
	s15 =	sadd.s32 s3, s14;
	[dreg:$0xa] =	wrdreg s9  }
0xb: {  	s16 =	sshrl.u32 s8, $0x3;
	s5 =	sadd.s32 s4, s14;
	[dreg:$0xb] =	wrdreg s15  }
0xc: {  	s21 =	sor.u32 $0x100, s6;
	s17 =	sadd.s32 s2, s16;
	[dreg:$0xc] =	wrdreg s5  }
0xd: {  	s22 =	sshrl.u32 s21, $0x3;
	s10 =	sadd.s32 s3, s16;
	[dreg:$0xd] =	wrdreg s17  }
0xe: {  	s26 =	sor.u32 $0x180, s6;
	s12 =	sadd.s32 s2, s22;
	[dreg:$0xe] =	wrdreg s10  }
0xf: {  	s29 =	sshrl.u32 s26, $0x3;
	s23 =	sadd.s32 s3, s22;
	[dreg:$0x13] =	wrdreg s12  }
0x10: {  	s11 =	sor.u32 $0x140, s6;
	s30 =	sadd.s32 s2, s29;
	[dreg:$0x14] =	wrdreg s23  }
0x11: {  	s24 =	sshrl.u32 s11, $0x3;
	s9 =	sadd.s32 s4, s16;
	[dreg:$0x19] =	wrdreg s30  }
0x12: {  	s25 =	sadd.s32 s2, s24;
	[dreg:$0xf] =	wrdreg s9  }
0x13: {  	s13 =	sadd.s32 s3, s24;
	[dreg:$0x16] =	wrdreg s25  }
0x14: {  	s12 =	sadd.s32 s4, s24;
	[dreg:$0x17] =	wrdreg s13  }
0x15: {  	s15 =	sadd.s32 s3, s29;
	[dreg:$0x18] =	wrdreg s12  }
0x16: {  	s5 =	sor.u32 $0xC0, s6;
	[dreg:$0x1a] =	wrdreg s15  }
0x17: {  	s18 =	sshrl.u32 s5, $0x3;
	s13 =	sadd.s32 s4, s29;
	s12 =	rddreg [dreg:$0x5]  }
0x18: {  	s19 =	sadd.s32 s2, s18;
	[dreg:$0x1b] =	wrdreg s13  }
0x19: {  	s14 =	sor.u32 $0x1C0, s6;
	s20 =	sadd.s32 s3, s18;
	[dreg:$0x10] =	wrdreg s19  }
0x1a: {  	s31 =	sshrl.u32 s14, $0x3;
	s9 =	sadd.s32 s4, s18;
	[dreg:$0x11] =	wrdreg s20  }
0x1b: {  	s2 =	sadd.s32 s2, s31;
	[dreg:$0x12] =	wrdreg s9  }
0x1c: {  	s24 =	sshll.u32 s26, $0x4;
	s3 =	sadd.s32 s3, s31;
	[dreg:$0x1c] =	wrdreg s2  }
0x1d: {  	s30 =	sshll.u32 s14, $0x4;
	s9 =	sadd.s32 s4, s22;
	[dreg:$0x1d] =	wrdreg s3  }
0x1e: {  	s13 =	sadd.s32 $0xC00, s12;
	s4 =	sadd.s32 s4, s31;
	[dreg:$0x15] =	wrdreg s9  }
0x1f: {  	s15 =	sshll.u32 s6, $0x4;
	s29 =	sadd.s32 s13, s24;
	[dreg:$0x1e] =	wrdreg s4  }
0x20: {  	s2 =	sadd.s32 $0x40C00, s12;
	s31 =	sadd.s32 s13, s30;
	[smem:$0x7FA] =	sst s29  }
0x21: {  	s6 =	sadd.s32 s2, s15;
	[smem:$0x7FC] =	sst s31  }
0x22: {  	s16 =	sshll.u32 s7, $0x4;
	s4 =	sadd.s32 s13, s15;
	[dreg:$0x1f] =	wrdreg s6  }
0x23: {  	s18 =	sshll.u32 s8, $0x4;
	s17 =	sadd.s32 s2, s16;
	[smem:$0x7EE] =	sst s4  }
0x24: {  	s20 =	sshll.u32 s5, $0x4;
	s19 =	sadd.s32 s2, s18;
	[smem:$0x7EF] =	sst s17  }
0x25: {  	s21 =	sshll.u32 s21, $0x4;
	s5 =	sadd.s32 s2, s20;
	[smem:$0x7F1] =	sst s19  }
0x26: {  	s22 =	sadd.s32 s2, s21;
	[smem:$0x7F3] =	sst s5  }
0x27: {  	s23 =	sshll.u32 s11, $0x4;
	[smem:$0x7F5] =	sst s22  }
0x28: {  	s25 =	sadd.s32 s2, s23;
	s6 =	rddreg [dreg:$0x3]  }
0x29: {  	s28 =	simm.s32 $0x1;
	s26 =	sadd.s32 s2, s24;
	[smem:$0x7F7] =	sst s25  }
0x2a: {  	s0 =	smax.u32 s0, $0x1;
	s2 =	sadd.s32 s2, s30;
	[smem:$0x7F9] =	sst s26  }
0x2b: {  	s3 =	simm.s32 $0x4;
	s4 =	sadd.s32 s13, s16;
	[smem:$0x7FB] =	sst s2  }
0x2c: {  	s15 =	simm.s32 $0x2;
	[smem:$0x7F0] =	sst s4;
	s4 =	sadd.s32 s13, s18  }
0x2d: {  	s9 =	simm.s32 $0x10C00;
	s16 =	simm.s32 $0x5;
	[smem:$0x7F2] =	sst s4  }
0x2e: {  	s2 =	simm.s32 $0x3;
	s4 =	sadd.s32 s13, s20;
	s20 =	rddreg [dreg:$0x4]  }
0x2f: {  	s17 =	simm.s32 $0x7;
	[smem:$0x7F4] =	sst s4;
	s4 =	sadd.s32 s13, s21  }
0x30: {  	s26 =	simm.s32 $0x0;
	[smem:$0x7F6] =	sst s4;
	s4 =	sadd.s32 s13, s23  }
0x31: {  	s25 =	simm.s32 $0x500;
	s18 =	simm.s32 $0x40;
	[smem:$0x7F8] =	sst s4  }
0x32: {  	s21 =	simm.s32 $0x6;
	_ =	strace $0x80000047;
	[smem:$0x7FD] =	sst s0  }
.LBB2_1:
0x33: {  	s4 =	rddreg [dreg:$0x7]  }
0x34: {  	[tilespmem:s1], [sflag:$0x1] =	stream.linear.gather [hbm4b:s4+s1], $0x40, $0x38;
	[tilespmem:$0x12C00] =	vst v63  }
0x35: {  	s12 =	rddreg [dreg:$0x8];
	s5 =	simm.s32 $0x400  }
0x36: {  	[tilespmem:s5], [sflag:$0x1] =	stream.linear.gather [hbm4b:s12+s1], $0x40, $0x38;
	[tilespmem:$0x12C00] =	vst v63  }
0x37: {  	s13 =	rddreg [dreg:$0x9];
	s7 =	simm.s32 $0x800  }
0x38: {  	[tilespmem:s7], [sflag:$0x1] =	stream.linear.gather [hbm4b:s13+s1], $0x40, $0x38;
	[tilespmem:$0x12C00] =	vst v63  }
0x39: {  	s14 =	rddreg [dreg:$0xa];
	s22 =	simm.s32 $0x80  }
0x3a: {  	[tilespmem:s22], [sflag:$0x1] =	stream.linear.gather [hbm4b:s14+s1], $0x40, $0x38;
	[tilespmem:$0x12C00] =	vst v63  }
0x3b: {  	s19 =	rddreg [dreg:$0xb];
	s8 =	simm.s32 $0x480  }
0x3c: {  	[tilespmem:s8], [sflag:$0x1] =	stream.linear.gather [hbm4b:s19+s1], $0x40, $0x38;
	[tilespmem:$0x12C00] =	vst v63  }
0x3d: {  	s24 =	rddreg [dreg:$0xc];
	s10 =	simm.s32 $0x880  }
0x3e: {  	[tilespmem:s10], [sflag:$0x1] =	stream.linear.gather [hbm4b:s24+s1], $0x40, $0x38;
	[tilespmem:$0x12C00] =	vst v63  }
0x3f: {  	s0 =	rddreg [dreg:$0xd];
	s11 =	simm.s32 $0x100  }
0x40: {  	[tilespmem:s11], [sflag:$0x1] =	stream.linear.gather [hbm4b:s0+s1], $0x40, $0x38;
	[tilespmem:$0x12C00] =	vst v63  }
0x41: {  	s12 =	rddreg [dreg:$0xe]  }
0x42: {  	[tilespmem:s25], [sflag:$0x1] =	stream.linear.gather [hbm4b:s12+s1], $0x40, $0x38;
	[tilespmem:$0x12C00] =	vst v63  }
0x43: {  	s13 =	rddreg [dreg:$0xf];
	s12 =	simm.s32 $0x900  }
0x44: {  	[tilespmem:s12], [sflag:$0x1] =	stream.linear.gather [hbm4b:s13+s1], $0x40, $0x38;
	[tilespmem:$0x12C00] =	vst v63  }
0x45: {  	s14 =	rddreg [dreg:$0x10];
	s13 =	simm.s32 $0x180  }
0x46: {  	[tilespmem:s13], [sflag:$0x1] =	stream.linear.gather [hbm4b:s14+s1], $0x40, $0x38;
	[tilespmem:$0x12C00] =	vst v63  }
0x47: {  	s24 =	rddreg [dreg:$0x11];
	s13 =	simm.s32 $0x580  }
0x48: {  	[tilespmem:s13], [sflag:$0x1] =	stream.linear.gather [hbm4b:s24+s1], $0x40, $0x38;
	[tilespmem:$0x12C00] =	vst v63  }
0x49: {  	s0 =	rddreg [dreg:$0x12];
	s14 =	simm.s32 $0x980  }
0x4a: {  	[tilespmem:s14], [sflag:$0x1] =	stream.linear.gather [hbm4b:s0+s1], $0x40, $0x38;
	[tilespmem:$0x12C00] =	vst v63  }
0x4b: {  	s24 =	rddreg [dreg:$0x13];
	s14 =	simm.s32 $0x200  }
0x4c: {  	[tilespmem:s14], [sflag:$0x1] =	stream.linear.gather [hbm4b:s24+s1], $0x40, $0x38;
	[tilespmem:$0x12C00] =	vst v63  }
0x4d: {  	s29 =	simm.s32 $0x600;
	s0 =	rddreg [dreg:$0x14]  }
0x4e: {  	[tilespmem:s29], [sflag:$0x1] =	stream.linear.gather [hbm4b:s0+s1], $0x40, $0x38;
	[tilespmem:$0x12C00] =	vst v63  }
0x4f: {  	s24 =	rddreg [dreg:$0x15];
	s29 =	simm.s32 $0xA00  }
0x50: {  	[tilespmem:s29], [sflag:$0x1] =	stream.linear.gather [hbm4b:s24+s1], $0x40, $0x38;
	[tilespmem:$0x12C00] =	vst v63  }
0x51: {  	s0 =	rddreg [dreg:$0x16];
	s24 =	simm.s32 $0x280  }
0x52: {  	[tilespmem:s24], [sflag:$0x1] =	stream.linear.gather [hbm4b:s0+s1], $0x40, $0x38;
	[tilespmem:$0x12C00] =	vst v63  }
0x53: {  	s24 =	simm.s32 $0x680;
	s0 =	rddreg [dreg:$0x17]  }
0x54: {  	[tilespmem:s24], [sflag:$0x1] =	stream.linear.gather [hbm4b:s0+s1], $0x40, $0x38;
	[tilespmem:$0x12C00] =	vst v63  }
0x55: {  	s31 =	simm.s32 $0xA80;
	s0 =	rddreg [dreg:$0x18]  }
0x56: {  	[tilespmem:s31], [sflag:$0x1] =	stream.linear.gather [hbm4b:s0+s1], $0x40, $0x38;
	[tilespmem:$0x12C00] =	vst v63  }
0x57: {  	s4 =	rddreg [dreg:$0x19];
	s0 =	simm.s32 $0x300  }
0x58: {  	[tilespmem:s0], [sflag:$0x1] =	stream.linear.gather [hbm4b:s4+s1], $0x40, $0x38;
	[tilespmem:$0x12C00] =	vst v63  }
0x59: {  	s4 =	rddreg [dreg:$0x1a];
	s0 =	simm.s32 $0x700  }
0x5a: {  	[tilespmem:s0], [sflag:$0x1] =	stream.linear.gather [hbm4b:s4+s1], $0x40, $0x38;
	[tilespmem:$0x12C00] =	vst v63  }
0x5b: {  	s0 =	simm.s32 $0xB00;
	s4 =	rddreg [dreg:$0x1b]  }
0x5c: {  	[tilespmem:s0], [sflag:$0x1] =	stream.linear.gather [hbm4b:s4+s1], $0x40, $0x38;
	[tilespmem:$0x12C00] =	vst v63  }
0x5d: {  	s31 =	simm.s32 $0x380;
	s4 =	rddreg [dreg:$0x1c]  }
0x5e: {  	[tilespmem:s31], [sflag:$0x1] =	stream.linear.gather [hbm4b:s4+s1], $0x40, $0x38;
	[tilespmem:$0x12C00] =	vst v63  }
0x5f: {  	s31 =	simm.s32 $0x780;
	s4 =	rddreg [dreg:$0x1d]  }
0x60: {  	[tilespmem:s31], [sflag:$0x1] =	stream.linear.gather [hbm4b:s4+s1], $0x40, $0x38;
	[tilespmem:$0x12C00] =	vst v63  }
0x61: {  	s4 =	rddreg [dreg:$0x1e];
	s31 =	simm.s32 $0xB80  }
0x62: {  	[tilespmem:s31], [sflag:$0x1] =	stream.linear.gather [hbm4b:s4+s1], $0x40, $0x38;
	[tilespmem:$0x12C00] =	vst v63  }
0x63: {  	_ =	swait.ge [sflag:s28], $0x40  }
0x64: {  	[sflag:s28] =	ssyncset.done $0x0  }
0x65: {  	[sflag:s28] =	ssyncadd.s32 $0xFFFFFFC0  }
0x66: {  	_ =	swait.ge [sflag:s28], $0x40  }
0x67: {  	[sflag:s28] =	ssyncset.done $0x0  }
0x68: {  	[sflag:s28] =	ssyncadd.s32 $0xFFFFFFC0  }
0x69: {  	_ =	swait.ge [sflag:s28], $0x40  }
0x6a: {  	[sflag:s28] =	ssyncset.done $0x0  }
0x6b: {  	[sflag:s28] =	ssyncadd.s32 $0xFFFFFFC0  }
0x6c: {  	_ =	swait.ge [sflag:s28], $0x40  }
0x6d: {  	[sflag:s28] =	ssyncset.done $0x0  }
0x6e: {  	[sflag:s28] =	ssyncadd.s32 $0xFFFFFFC0  }
0x6f: {  	_ =	swait.ge [sflag:s28], $0x40  }
0x70: {  	[sflag:s28] =	ssyncset.done $0x0  }
0x71: {  	[sflag:s28] =	ssyncadd.s32 $0xFFFFFFC0  }
0x72: {  	_ =	swait.ge [sflag:s28], $0x40  }
0x73: {  	[sflag:s28] =	ssyncset.done $0x0  }
0x74: {  	[sflag:s28] =	ssyncadd.s32 $0xFFFFFFC0  }
0x75: {  	_ =	swait.ge [sflag:s28], $0x40  }
0x76: {  	[sflag:s28] =	ssyncset.done $0x0  }
0x77: {  	[sflag:s28] =	ssyncadd.s32 $0xFFFFFFC0  }
0x78: {  	_ =	swait.ge [sflag:s28], $0x40  }
0x79: {  	[sflag:s28] =	ssyncset.done $0x0  }
0x7a: {  	[sflag:s28] =	ssyncadd.s32 $0xFFFFFFC0  }
0x7b: {  	_ =	swait.ge [sflag:s28], $0x40  }
0x7c: {  	[sflag:s28] =	ssyncset.done $0x0  }
0x7d: {  	[sflag:s28] =	ssyncadd.s32 $0xFFFFFFC0  }
0x7e: {  	_ =	swait.ge [sflag:s28], $0x40  }
0x7f: {  	[sflag:s28] =	ssyncset.done $0x0  }
0x80: {  	[sflag:s28] =	ssyncadd.s32 $0xFFFFFFC0  }
0x81: {  	_ =	swait.ge [sflag:s28], $0x40  }
0x82: {  	[sflag:s28] =	ssyncset.done $0x0  }
0x83: {  	[sflag:s28] =	ssyncadd.s32 $0xFFFFFFC0  }
0x84: {  	_ =	swait.ge [sflag:s28], $0x40  }
0x85: {  	[sflag:s28] =	ssyncset.done $0x0  }
0x86: {  	[sflag:s28] =	ssyncadd.s32 $0xFFFFFFC0  }
0x87: {  	_ =	swait.ge [sflag:s28], $0x40  }
0x88: {  	[sflag:s28] =	ssyncset.done $0x0  }
0x89: {  	[sflag:s28] =	ssyncadd.s32 $0xFFFFFFC0  }
0x8a: {  	_ =	swait.ge [sflag:s28], $0x40  }
0x8b: {  	[sflag:s28] =	ssyncset.done $0x0  }
0x8c: {  	[sflag:s28] =	ssyncadd.s32 $0xFFFFFFC0  }
0x8d: {  	_ =	swait.ge [sflag:s28], $0x40  }
0x8e: {  	[sflag:s28] =	ssyncset.done $0x0  }
0x8f: {  	[sflag:s28] =	ssyncadd.s32 $0xFFFFFFC0  }
0x90: {  	_ =	swait.ge [sflag:s28], $0x40  }
0x91: {  	[sflag:s28] =	ssyncset.done $0x0  }
0x92: {  	[sflag:s28] =	ssyncadd.s32 $0xFFFFFFC0  }
0x93: {  	_ =	swait.ge [sflag:s28], $0x40  }
0x94: {  	[sflag:s28] =	ssyncset.done $0x0  }
0x95: {  	[sflag:s28] =	ssyncadd.s32 $0xFFFFFFC0  }
0x96: {  	_ =	swait.ge [sflag:s28], $0x40  }
0x97: {  	[sflag:s28] =	ssyncset.done $0x0  }
0x98: {  	[sflag:s28] =	ssyncadd.s32 $0xFFFFFFC0  }
0x99: {  	_ =	swait.ge [sflag:s28], $0x40  }
0x9a: {  	[sflag:s28] =	ssyncset.done $0x0  }
0x9b: {  	[sflag:s28] =	ssyncadd.s32 $0xFFFFFFC0  }
0x9c: {  	_ =	swait.ge [sflag:s28], $0x40  }
0x9d: {  	[sflag:s28] =	ssyncset.done $0x0  }
0x9e: {  	[sflag:s28] =	ssyncadd.s32 $0xFFFFFFC0  }
0x9f: {  	_ =	swait.ge [sflag:s28], $0x40  }
0xa0: {  	[sflag:s28] =	ssyncset.done $0x0  }
0xa1: {  	[sflag:s28] =	ssyncadd.s32 $0xFFFFFFC0  }
0xa2: {  	_ =	swait.ge [sflag:s28], $0x40  }
0xa3: {  	[sflag:s28] =	ssyncset.done $0x0  }
0xa4: {  	[sflag:s28] =	ssyncadd.s32 $0xFFFFFFC0  }
0xa5: {  	_ =	swait.ge [sflag:s28], $0x40  }
0xa6: {  	[sflag:s28] =	ssyncset.done $0x0  }
0xa7: {  	[sflag:s28] =	ssyncadd.s32 $0xFFFFFFC0  }
0xa8: {  	_ =	swait.ge [sflag:s28], $0x40  }
0xa9: {  	[sflag:s28] =	ssyncset.done $0x0  }
0xaa: {  	s4 =	simm.s32 $0xC00;
	[sflag:s28] =	ssyncadd.s32 $0xFFFFFFC0  }
0xab: {  	[tilespmem:s4], [sflag:$0x2] =	stream.indirect.gather [hbm4b:s6+s18], $0x80, s1, s18, $0xb8;
	[tilespmem:$0x12C00] =	vst v63  }
0xac: {  	s31 =	simm.s32 $0x2C00  }
0xad: {  	[tilespmem:s31], [sflag:$0x2] =	stream.indirect.gather [hbm4b:s20+s18], $0x80, s5, s18, $0xb8;
	[tilespmem:$0x12C00] =	vst v63  }
0xae: {  	s30 =	simm.s32 $0x4C00  }
0xaf: {  	[tilespmem:s30], [sflag:$0x2] =	stream.indirect.gather [hbm4b:s6+s18], $0x80, s7, s18, $0xb8;
	[tilespmem:$0x12C00] =	vst v63  }
0xb0: {  	s30 =	simm.s32 $0x6C00  }
0xb1: {  	[tilespmem:s30], [sflag:$0x3] =	stream.indirect.gather [hbm4b:s6+s18], $0x80, s22, s18, $0xb8;
	[tilespmem:$0x12C00] =	vst v63  }
0xb2: {  	s23 =	simm.s32 $0x8C00  }
0xb3: {  	[tilespmem:s23], [sflag:$0x3] =	stream.indirect.gather [hbm4b:s20+s18], $0x80, s8, s18, $0xb8;
	[tilespmem:$0x12C00] =	vst v63  }
0xb4: {  	s23 =	simm.s32 $0xAC00  }
0xb5: {  	[tilespmem:s23], [sflag:$0x3] =	stream.indirect.gather [hbm4b:s6+s18], $0x80, s10, s18, $0xb8;
	[tilespmem:$0x12C00] =	vst v63  }
0xb6: {  	s19 =	simm.s32 $0xCC00  }
0xb7: {  	[tilespmem:s19], [sflag:$0x4] =	stream.indirect.gather [hbm4b:s6+s18], $0x80, s11, s18, $0xb8;
	[tilespmem:$0x12C00] =	vst v63  }
0xb8: {  	s19 =	simm.s32 $0xEC00  }
0xb9: {  	[tilespmem:s19], [sflag:$0x4] =	stream.indirect.gather [hbm4b:s20+s18], $0x80, s25, s18, $0xb8;
	[tilespmem:$0x12C00] =	vst v63  }
0xba: {  	_ = 	snop  }
0xbb: {  	[tilespmem:s9], [sflag:$0x4] =	stream.indirect.gather [hbm4b:s6+s18], $0x80, s12, s18, $0xb8;
	[tilespmem:$0x12C00] =	vst v63  }
0xbc: {  	_ =	swait.ge [sflag:s15], $0x2000  }
0xbd: {  	[sflag:s15] =	ssyncset.done $0x0  }
0xbe: {  	[sflag:s15] =	ssyncadd.s32 $0xFFFFE000  }
0xbf: {  	_ =	swait.ge [sflag:s15], $0x2000  }
0xc0: {  	[sflag:s15] =	ssyncset.done $0x0  }
0xc1: {  	[sflag:s15] =	ssyncadd.s32 $0xFFFFE000  }
0xc2: {  	_ =	swait.ge [sflag:s15], $0x2000  }
0xc3: {  	s4 =	simm.s32 $0xC80;
	[sflag:s15] =	ssyncset.done $0x0  }
0xc4: {  	s10 =	simm.s32 $0x4C00;
	s22 =	rddreg [dreg:$0x1f];
	[sflag:s15] =	ssyncadd.s32 $0xFFFFE000  }
0xc5: {  	[hbm4b:s22+s1] =	stream.linear.scatter [tilespmem:s10], [sflag:$0x5], $0x2000, $0x38;
	[tilespmem:$0x12C00] =	vst v63  }
0xc6: {  	s22 =	simm.s32 $0x2C80;
	v0 =	vld [tilespmem:s4+$0xFFFFFF80]  }
0xc7: {  	v1 =	vld [tilespmem:s22+$0xFFFFFF80];
	_ =	sdelay $0x4  }
0xc8: {  	v0 =	vmul.f32 v1, v0;
	_ =	sdelay $0x1  }
0xc9: {  	[tilespmem:s4+$0xFFFFFF80] =	vst v0;
	v0 =	vld [tilespmem:s4+$0xFFFFFF90]  }
0xca: {  	v1 =	vld [tilespmem:s22+$0xFFFFFF90];
	_ =	sdelay $0x4  }
0xcb: {  	v0 =	vmul.f32 v1, v0;
	_ =	sdelay $0x1  }
0xcc: {  	[tilespmem:s4+$0xFFFFFF90] =	vst v0;
	v0 =	vld [tilespmem:s4+$0xFFFFFFA0]  }
0xcd: {  	v1 =	vld [tilespmem:s22+$0xFFFFFFA0];
	_ =	sdelay $0x4  }
0xce: {  	v0 =	vmul.f32 v1, v0;
	_ =	sdelay $0x1  }
0xcf: {  	[tilespmem:s4+$0xFFFFFFA0] =	vst v0;
	v0 =	vld [tilespmem:s4+$0xFFFFFFB0]  }
0xd0: {  	v1 =	vld [tilespmem:s22+$0xFFFFFFB0];
	_ =	sdelay $0x4  }
0xd1: {  	v0 =	vmul.f32 v1, v0;
	_ =	sdelay $0x1  }
0xd2: {  	[tilespmem:s4+$0xFFFFFFB0] =	vst v0;
	v0 =	vld [tilespmem:s4+$0xFFFFFFC0]  }
0xd3: {  	v1 =	vld [tilespmem:s22+$0xFFFFFFC0];
	_ =	sdelay $0x4  }
0xd4: {  	v0 =	vmul.f32 v1, v0;
	_ =	sdelay $0x1  }
0xd5: {  	[tilespmem:s4+$0xFFFFFFC0] =	vst v0;
	v0 =	vld [tilespmem:s4+$0xFFFFFFD0]  }
0xd6: {  	v1 =	vld [tilespmem:s22+$0xFFFFFFD0];
	_ =	sdelay $0x4  }
0xd7: {  	v0 =	vmul.f32 v1, v0;
	_ =	sdelay $0x1  }
0xd8: {  	[tilespmem:s4+$0xFFFFFFD0] =	vst v0;
	v0 =	vld [tilespmem:s4+$0xFFFFFFE0]  }
0xd9: {  	v1 =	vld [tilespmem:s22+$0xFFFFFFE0];
	_ =	sdelay $0x4  }
0xda: {  	v0 =	vmul.f32 v1, v0;
	_ =	sdelay $0x1  }
0xdb: {  	[tilespmem:s4+$0xFFFFFFE0] =	vst v0;
	v0 =	vld [tilespmem:s4+$0xFFFFFFF0]  }
0xdc: {  	v1 =	vld [tilespmem:s22+$0xFFFFFFF0];
	_ =	sdelay $0x4  }
0xdd: {  	v0 =	vmul.f32 v1, v0;
	_ =	sdelay $0x1  }
0xde: {  	[tilespmem:s4+$0xFFFFFFF0] =	vst v0;
	v0 =	vld [tilespmem:s4+$0x0]  }
0xdf: {  	v1 =	vld [tilespmem:s22+$0x0];
	_ =	sdelay $0x4  }
0xe0: {  	v0 =	vmul.f32 v1, v0;
	_ =	sdelay $0x1  }
0xe1: {  	[tilespmem:s4+$0x0] =	vst v0;
	v0 =	vld [tilespmem:s4+$0x10]  }
0xe2: {  	v1 =	vld [tilespmem:s22+$0x10];
	_ =	sdelay $0x4  }
0xe3: {  	v0 =	vmul.f32 v1, v0;
	_ =	sdelay $0x1  }
0xe4: {  	[tilespmem:s4+$0x10] =	vst v0;
	v0 =	vld [tilespmem:s4+$0x20]  }
0xe5: {  	v1 =	vld [tilespmem:s22+$0x20];
	_ =	sdelay $0x4  }
0xe6: {  	v0 =	vmul.f32 v1, v0;
	_ =	sdelay $0x1  }
0xe7: {  	[tilespmem:s4+$0x20] =	vst v0;
	v0 =	vld [tilespmem:s4+$0x30]  }
0xe8: {  	v1 =	vld [tilespmem:s22+$0x30];
	_ =	sdelay $0x4  }
0xe9: {  	v0 =	vmul.f32 v1, v0;
	_ =	sdelay $0x1  }
0xea: {  	[tilespmem:s4+$0x30] =	vst v0;
	v0 =	vld [tilespmem:s4+$0x40]  }
0xeb: {  	v1 =	vld [tilespmem:s22+$0x40];
	_ =	sdelay $0x4  }
0xec: {  	v0 =	vmul.f32 v1, v0;
	_ =	sdelay $0x1  }
0xed: {  	[tilespmem:s4+$0x40] =	vst v0;
	v0 =	vld [tilespmem:s4+$0x50]  }
0xee: {  	v1 =	vld [tilespmem:s22+$0x50];
	_ =	sdelay $0x4  }
0xef: {  	v0 =	vmul.f32 v1, v0;
	_ =	sdelay $0x1  }
0xf0: {  	[tilespmem:s4+$0x50] =	vst v0;
	v0 =	vld [tilespmem:s4+$0x60]  }
0xf1: {  	v1 =	vld [tilespmem:s22+$0x60];
	_ =	sdelay $0x4  }
0xf2: {  	v0 =	vmul.f32 v1, v0;
	_ =	sdelay $0x1  }
0xf3: {  	[tilespmem:s4+$0x60] =	vst v0;
	v0 =	vld [tilespmem:s4+$0x70]  }
0xf4: {  	v1 =	vld [tilespmem:s22+$0x70];
	_ =	sdelay $0x4  }
0xf5: {  	s5 =	simm.s32 $0x0;
	s7 =	simm.s32 $0xD80;
	v0 =	vmul.f32 v1, v0  }
0xf6: {  	s8 =	simm.s32 $0x8C00;
	s11 =	simm.s32 $0xCC00;
	s12 =	simm.s32 $0x10C00  }
.LBB2_2:
0xf7: {  	v1 =	vld [tilespmem:s7+$0xFFFFFF80];
	[tilespmem:s4+$0x70] =	vst v0;
	s22 =	sadd.s32 $0x100, s22;
	s4 =	smov.u32 s7  }
0xf8: {  	s5 =	sadd.s32 $0x2, s5;
	v0 =	vld [tilespmem:s22+$0xFFFFFF80]  }
0xf9: {  	p0 =	slt.u32 s5, $0x3E;
	_ =	sdelay $0x3  }
0xfa: {  	v0 =	vmul.f32 v0, v1;
	_ =	sdelay $0x1  }
0xfb: {  	[tilespmem:s7+$0xFFFFFF80] =	vst v0;
	v0 =	vld [tilespmem:s7+$0xFFFFFF90]  }
0xfc: {  	v1 =	vld [tilespmem:s22+$0xFFFFFF90];
	_ =	sdelay $0x4  }
0xfd: {  	v0 =	vmul.f32 v1, v0;
	_ =	sdelay $0x1  }
0xfe: {  	[tilespmem:s7+$0xFFFFFF90] =	vst v0;
	v0 =	vld [tilespmem:s7+$0xFFFFFFA0]  }
0xff: {  	v1 =	vld [tilespmem:s22+$0xFFFFFFA0];
	_ =	sdelay $0x4  }
0x100: {  	v0 =	vmul.f32 v1, v0;
	_ =	sdelay $0x1  }
0x101: {  	[tilespmem:s7+$0xFFFFFFA0] =	vst v0;
	v0 =	vld [tilespmem:s7+$0xFFFFFFB0]  }
0x102: {  	v1 =	vld [tilespmem:s22+$0xFFFFFFB0];
	_ =	sdelay $0x4  }
0x103: {  	v0 =	vmul.f32 v1, v0;
	_ =	sdelay $0x1  }
0x104: {  	[tilespmem:s7+$0xFFFFFFB0] =	vst v0;
	v0 =	vld [tilespmem:s7+$0xFFFFFFC0]  }
0x105: {  	v1 =	vld [tilespmem:s22+$0xFFFFFFC0];
	_ =	sdelay $0x4  }
0x106: {  	v0 =	vmul.f32 v1, v0;
	_ =	sdelay $0x1  }
0x107: {  	[tilespmem:s7+$0xFFFFFFC0] =	vst v0;
	v0 =	vld [tilespmem:s7+$0xFFFFFFD0]  }
0x108: {  	v1 =	vld [tilespmem:s22+$0xFFFFFFD0];
	_ =	sdelay $0x4  }
0x109: {  	v0 =	vmul.f32 v1, v0;
	_ =	sdelay $0x1  }
0x10a: {  	[tilespmem:s7+$0xFFFFFFD0] =	vst v0;
	v0 =	vld [tilespmem:s7+$0xFFFFFFE0]  }
0x10b: {  	v1 =	vld [tilespmem:s22+$0xFFFFFFE0];
	_ =	sdelay $0x4  }
0x10c: {  	v0 =	vmul.f32 v1, v0;
	_ =	sdelay $0x1  }
0x10d: {  	[tilespmem:s7+$0xFFFFFFE0] =	vst v0;
	v0 =	vld [tilespmem:s7+$0xFFFFFFF0]  }
0x10e: {  	v1 =	vld [tilespmem:s22+$0xFFFFFFF0];
	_ =	sdelay $0x4  }
0x10f: {  	v0 =	vmul.f32 v1, v0;
	_ =	sdelay $0x1  }
0x110: {  	[tilespmem:s7+$0xFFFFFFF0] =	vst v0;
	v0 =	vld [tilespmem:s7+$0x0]  }
0x111: {  	v1 =	vld [tilespmem:s22+$0x0];
	_ =	sdelay $0x4  }
0x112: {  	v0 =	vmul.f32 v1, v0;
	_ =	sdelay $0x1  }
0x113: {  	[tilespmem:s7+$0x0] =	vst v0;
	v0 =	vld [tilespmem:s7+$0x10]  }
0x114: {  	v1 =	vld [tilespmem:s22+$0x10];
	_ =	sdelay $0x4  }
0x115: {  	v0 =	vmul.f32 v1, v0;
	_ =	sdelay $0x1  }
0x116: {  	[tilespmem:s7+$0x10] =	vst v0;
	v0 =	vld [tilespmem:s7+$0x20]  }
0x117: {  	v1 =	vld [tilespmem:s22+$0x20];
	_ =	sdelay $0x4  }
0x118: {  	v0 =	vmul.f32 v1, v0;
	_ =	sdelay $0x1  }
0x119: {  	[tilespmem:s7+$0x20] =	vst v0;
	v0 =	vld [tilespmem:s7+$0x30]  }
0x11a: {  	v1 =	vld [tilespmem:s22+$0x30];
	_ =	sdelay $0x4  }
0x11b: {  	v0 =	vmul.f32 v1, v0;
	_ =	sdelay $0x1  }
0x11c: {  	[tilespmem:s7+$0x30] =	vst v0;
	v0 =	vld [tilespmem:s7+$0x40]  }
0x11d: {  	v1 =	vld [tilespmem:s22+$0x40];
	_ =	sdelay $0x4  }
0x11e: {  	v0 =	vmul.f32 v1, v0;
	_ =	sdelay $0x1  }
0x11f: {  	[tilespmem:s7+$0x40] =	vst v0;
	v0 =	vld [tilespmem:s7+$0x50]  }
0x120: {  	v1 =	vld [tilespmem:s22+$0x50];
	_ =	sdelay $0x4  }
0x121: {  	v0 =	vmul.f32 v1, v0;
	_ =	sdelay $0x1  }
0x122: {  	[tilespmem:s7+$0x50] =	vst v0;
	v0 =	vld [tilespmem:s7+$0x60]  }
0x123: {  	v1 =	vld [tilespmem:s22+$0x60];
	_ =	sdelay $0x4  }
0x124: {  	v0 =	vmul.f32 v1, v0;
	_ =	sdelay $0x1  }
0x125: {  	[tilespmem:s7+$0x60] =	vst v0;
	v0 =	vld [tilespmem:s7+$0x70]  }
0x126: {  	v1 =	vld [tilespmem:s22+$0x70];
	_ =	sdelay $0x1  }
.Ltmp0:
0x127: {  	(pc) =	sbr.rel @p0 .LBB2_2-.Ltmp0, $3  }
0x128: {  	_ =	sdelay $0x1  }
0x129: {  	v0 =	vmul.f32 v1, v0  }
0x12a: {  	s7 =	sadd.s32 $0x100, s7  }
0x12b: {  	s22 =	sld [smem:$0x7EE];
	_ =	sdelay $0x1  }
0x12c: {  	[tilespmem:s4+$0x70] =	vst v0;
	s5 =	simm.s32 $0xC00  }
0x12d: {  	[hbm4b:s22+s1] =	stream.linear.scatter [tilespmem:s5], [sflag:$0x5], $0x2000, $0x38;
	[tilespmem:$0x12C00] =	vst v63  }
0x12e: {  	_ =	swait.ge [sflag:s16], $0x2000  }
0x12f: {  	[sflag:s16] =	ssyncset.done $0x0  }
0x130: {  	[sflag:s16] =	ssyncadd.s32 $0xFFFFE000  }
0x131: {  	_ =	swait.ge [sflag:s16], $0x2000  }
0x132: {  	[sflag:s16] =	ssyncset.done $0x0  }
0x133: {  	s7 =	simm.s32 $0x180;
	[sflag:s16] =	ssyncadd.s32 $0xFFFFE000  }
0x134: {  	[tilespmem:s5], [sflag:$0x2] =	stream.indirect.gather [hbm4b:s6+s18], $0x80, s7, s18, $0xb8;
	[tilespmem:$0x12C00] =	vst v63  }
0x135: {  	_ = 	snop  }
0x136: {  	[tilespmem:s31], [sflag:$0x2] =	stream.indirect.gather [hbm4b:s20+s18], $0x80, s13, s18, $0xb8;
	[tilespmem:$0x12C00] =	vst v63  }
0x137: {  	s13 =	simm.s32 $0x980  }
0x138: {  	[tilespmem:s10], [sflag:$0x2] =	stream.indirect.gather [hbm4b:s6+s18], $0x80, s13, s18, $0xb8;
	[tilespmem:$0x12C00] =	vst v63  }
0x139: {  	_ =	swait.ge [sflag:s2], $0x2000  }
0x13a: {  	[sflag:s2] =	ssyncset.done $0x0  }
0x13b: {  	[sflag:s2] =	ssyncadd.s32 $0xFFFFE000  }
0x13c: {  	_ =	swait.ge [sflag:s2], $0x2000  }
0x13d: {  	[sflag:s2] =	ssyncset.done $0x0  }
0x13e: {  	[sflag:s2] =	ssyncadd.s32 $0xFFFFE000  }
0x13f: {  	_ =	swait.ge [sflag:s2], $0x2000  }
0x140: {  	s22 =	sld [smem:$0x7EF]  }
0x141: {  	[sflag:s2] =	ssyncset.done $0x0  }
0x142: {  	s4 =	simm.s32 $0x6C80;
	[sflag:s2] =	ssyncadd.s32 $0xFFFFE000  }
0x143: {  	[hbm4b:s22+s1] =	stream.linear.scatter [tilespmem:s23], [sflag:$0x6], $0x2000, $0x38;
	[tilespmem:$0x12C00] =	vst v63  }
0x144: {  	s22 =	simm.s32 $0x8C80;
	v0 =	vld [tilespmem:s4+$0xFFFFFF80]  }
0x145: {  	v1 =	vld [tilespmem:s22+$0xFFFFFF80];
	_ =	sdelay $0x4  }
0x146: {  	v0 =	vmul.f32 v1, v0;
	_ =	sdelay $0x1  }
0x147: {  	[tilespmem:s4+$0xFFFFFF80] =	vst v0;
	v0 =	vld [tilespmem:s4+$0xFFFFFF90]  }
0x148: {  	v1 =	vld [tilespmem:s22+$0xFFFFFF90];
	_ =	sdelay $0x4  }
0x149: {  	v0 =	vmul.f32 v1, v0;
	_ =	sdelay $0x1  }
0x14a: {  	[tilespmem:s4+$0xFFFFFF90] =	vst v0;
	v0 =	vld [tilespmem:s4+$0xFFFFFFA0]  }
0x14b: {  	v1 =	vld [tilespmem:s22+$0xFFFFFFA0];
	_ =	sdelay $0x4  }
0x14c: {  	v0 =	vmul.f32 v1, v0;
	_ =	sdelay $0x1  }
0x14d: {  	[tilespmem:s4+$0xFFFFFFA0] =	vst v0;
	v0 =	vld [tilespmem:s4+$0xFFFFFFB0]  }
0x14e: {  	v1 =	vld [tilespmem:s22+$0xFFFFFFB0];
	_ =	sdelay $0x4  }
0x14f: {  	v0 =	vmul.f32 v1, v0;
	_ =	sdelay $0x1  }
0x150: {  	[tilespmem:s4+$0xFFFFFFB0] =	vst v0;
	v0 =	vld [tilespmem:s4+$0xFFFFFFC0]  }
0x151: {  	v1 =	vld [tilespmem:s22+$0xFFFFFFC0];
	_ =	sdelay $0x4  }
0x152: {  	v0 =	vmul.f32 v1, v0;
	_ =	sdelay $0x1  }
0x153: {  	[tilespmem:s4+$0xFFFFFFC0] =	vst v0;
	v0 =	vld [tilespmem:s4+$0xFFFFFFD0]  }
0x154: {  	v1 =	vld [tilespmem:s22+$0xFFFFFFD0];
	_ =	sdelay $0x4  }
0x155: {  	v0 =	vmul.f32 v1, v0;
	_ =	sdelay $0x1  }
0x156: {  	[tilespmem:s4+$0xFFFFFFD0] =	vst v0;
	v0 =	vld [tilespmem:s4+$0xFFFFFFE0]  }
0x157: {  	v1 =	vld [tilespmem:s22+$0xFFFFFFE0];
	_ =	sdelay $0x4  }
0x158: {  	v0 =	vmul.f32 v1, v0;
	_ =	sdelay $0x1  }
0x159: {  	[tilespmem:s4+$0xFFFFFFE0] =	vst v0;
	v0 =	vld [tilespmem:s4+$0xFFFFFFF0]  }
0x15a: {  	v1 =	vld [tilespmem:s22+$0xFFFFFFF0];
	_ =	sdelay $0x4  }
0x15b: {  	v0 =	vmul.f32 v1, v0;
	_ =	sdelay $0x1  }
0x15c: {  	[tilespmem:s4+$0xFFFFFFF0] =	vst v0;
	v0 =	vld [tilespmem:s4+$0x0]  }
0x15d: {  	v1 =	vld [tilespmem:s22+$0x0];
	_ =	sdelay $0x4  }
0x15e: {  	v0 =	vmul.f32 v1, v0;
	_ =	sdelay $0x1  }
0x15f: {  	[tilespmem:s4+$0x0] =	vst v0;
	v0 =	vld [tilespmem:s4+$0x10]  }
0x160: {  	v1 =	vld [tilespmem:s22+$0x10];
	_ =	sdelay $0x4  }
0x161: {  	v0 =	vmul.f32 v1, v0;
	_ =	sdelay $0x1  }
0x162: {  	[tilespmem:s4+$0x10] =	vst v0;
	v0 =	vld [tilespmem:s4+$0x20]  }
0x163: {  	v1 =	vld [tilespmem:s22+$0x20];
	_ =	sdelay $0x4  }
0x164: {  	v0 =	vmul.f32 v1, v0;
	_ =	sdelay $0x1  }
0x165: {  	[tilespmem:s4+$0x20] =	vst v0;
	v0 =	vld [tilespmem:s4+$0x30]  }
0x166: {  	v1 =	vld [tilespmem:s22+$0x30];
	_ =	sdelay $0x4  }
0x167: {  	v0 =	vmul.f32 v1, v0;
	_ =	sdelay $0x1  }
0x168: {  	[tilespmem:s4+$0x30] =	vst v0;
	v0 =	vld [tilespmem:s4+$0x40]  }
0x169: {  	v1 =	vld [tilespmem:s22+$0x40];
	_ =	sdelay $0x4  }
0x16a: {  	v0 =	vmul.f32 v1, v0;
	_ =	sdelay $0x1  }
0x16b: {  	[tilespmem:s4+$0x40] =	vst v0;
	v0 =	vld [tilespmem:s4+$0x50]  }
0x16c: {  	v1 =	vld [tilespmem:s22+$0x50];
	_ =	sdelay $0x4  }
0x16d: {  	v0 =	vmul.f32 v1, v0;
	_ =	sdelay $0x1  }
0x16e: {  	[tilespmem:s4+$0x50] =	vst v0;
	v0 =	vld [tilespmem:s4+$0x60]  }
0x16f: {  	v1 =	vld [tilespmem:s22+$0x60];
	_ =	sdelay $0x4  }
0x170: {  	v0 =	vmul.f32 v1, v0;
	_ =	sdelay $0x1  }
0x171: {  	[tilespmem:s4+$0x60] =	vst v0;
	v0 =	vld [tilespmem:s4+$0x70]  }
0x172: {  	v1 =	vld [tilespmem:s22+$0x70];
	_ =	sdelay $0x4  }
0x173: {  	v0 =	vmul.f32 v1, v0  }
0x174: {  	s5 =	simm.s32 $0x0;
	s7 =	simm.s32 $0x6D80  }
.LBB2_4:
0x175: {  	v1 =	vld [tilespmem:s7+$0xFFFFFF80];
	[tilespmem:s4+$0x70] =	vst v0;
	s22 =	sadd.s32 $0x100, s22;
	s4 =	smov.u32 s7  }
0x176: {  	s5 =	sadd.s32 $0x2, s5;
	v0 =	vld [tilespmem:s22+$0xFFFFFF80]  }
0x177: {  	p0 =	slt.u32 s5, $0x3E;
	_ =	sdelay $0x3  }
0x178: {  	v0 =	vmul.f32 v0, v1;
	_ =	sdelay $0x1  }
0x179: {  	[tilespmem:s7+$0xFFFFFF80] =	vst v0;
	v0 =	vld [tilespmem:s7+$0xFFFFFF90]  }
0x17a: {  	v1 =	vld [tilespmem:s22+$0xFFFFFF90];
	_ =	sdelay $0x4  }
0x17b: {  	v0 =	vmul.f32 v1, v0;
	_ =	sdelay $0x1  }
0x17c: {  	[tilespmem:s7+$0xFFFFFF90] =	vst v0;
	v0 =	vld [tilespmem:s7+$0xFFFFFFA0]  }
0x17d: {  	v1 =	vld [tilespmem:s22+$0xFFFFFFA0];
	_ =	sdelay $0x4  }
0x17e: {  	v0 =	vmul.f32 v1, v0;
	_ =	sdelay $0x1  }
0x17f: {  	[tilespmem:s7+$0xFFFFFFA0] =	vst v0;
	v0 =	vld [tilespmem:s7+$0xFFFFFFB0]  }
0x180: {  	v1 =	vld [tilespmem:s22+$0xFFFFFFB0];
	_ =	sdelay $0x4  }
0x181: {  	v0 =	vmul.f32 v1, v0;
	_ =	sdelay $0x1  }
0x182: {  	[tilespmem:s7+$0xFFFFFFB0] =	vst v0;
	v0 =	vld [tilespmem:s7+$0xFFFFFFC0]  }
0x183: {  	v1 =	vld [tilespmem:s22+$0xFFFFFFC0];
	_ =	sdelay $0x4  }
0x184: {  	v0 =	vmul.f32 v1, v0;
	_ =	sdelay $0x1  }
0x185: {  	[tilespmem:s7+$0xFFFFFFC0] =	vst v0;
	v0 =	vld [tilespmem:s7+$0xFFFFFFD0]  }
0x186: {  	v1 =	vld [tilespmem:s22+$0xFFFFFFD0];
	_ =	sdelay $0x4  }
0x187: {  	v0 =	vmul.f32 v1, v0;
	_ =	sdelay $0x1  }
0x188: {  	[tilespmem:s7+$0xFFFFFFD0] =	vst v0;
	v0 =	vld [tilespmem:s7+$0xFFFFFFE0]  }
0x189: {  	v1 =	vld [tilespmem:s22+$0xFFFFFFE0];
	_ =	sdelay $0x4  }
0x18a: {  	v0 =	vmul.f32 v1, v0;
	_ =	sdelay $0x1  }
0x18b: {  	[tilespmem:s7+$0xFFFFFFE0] =	vst v0;
	v0 =	vld [tilespmem:s7+$0xFFFFFFF0]  }
0x18c: {  	v1 =	vld [tilespmem:s22+$0xFFFFFFF0];
	_ =	sdelay $0x4  }
0x18d: {  	v0 =	vmul.f32 v1, v0;
	_ =	sdelay $0x1  }
0x18e: {  	[tilespmem:s7+$0xFFFFFFF0] =	vst v0;
	v0 =	vld [tilespmem:s7+$0x0]  }
0x18f: {  	v1 =	vld [tilespmem:s22+$0x0];
	_ =	sdelay $0x4  }
0x190: {  	v0 =	vmul.f32 v1, v0;
	_ =	sdelay $0x1  }
0x191: {  	[tilespmem:s7+$0x0] =	vst v0;
	v0 =	vld [tilespmem:s7+$0x10]  }
0x192: {  	v1 =	vld [tilespmem:s22+$0x10];
	_ =	sdelay $0x4  }
0x193: {  	v0 =	vmul.f32 v1, v0;
	_ =	sdelay $0x1  }
0x194: {  	[tilespmem:s7+$0x10] =	vst v0;
	v0 =	vld [tilespmem:s7+$0x20]  }
0x195: {  	v1 =	vld [tilespmem:s22+$0x20];
	_ =	sdelay $0x4  }
0x196: {  	v0 =	vmul.f32 v1, v0;
	_ =	sdelay $0x1  }
0x197: {  	[tilespmem:s7+$0x20] =	vst v0;
	v0 =	vld [tilespmem:s7+$0x30]  }
0x198: {  	v1 =	vld [tilespmem:s22+$0x30];
	_ =	sdelay $0x4  }
0x199: {  	v0 =	vmul.f32 v1, v0;
	_ =	sdelay $0x1  }
0x19a: {  	[tilespmem:s7+$0x30] =	vst v0;
	v0 =	vld [tilespmem:s7+$0x40]  }
0x19b: {  	v1 =	vld [tilespmem:s22+$0x40];
	_ =	sdelay $0x4  }
0x19c: {  	v0 =	vmul.f32 v1, v0;
	_ =	sdelay $0x1  }
0x19d: {  	[tilespmem:s7+$0x40] =	vst v0;
	v0 =	vld [tilespmem:s7+$0x50]  }
0x19e: {  	v1 =	vld [tilespmem:s22+$0x50];
	_ =	sdelay $0x4  }
0x19f: {  	v0 =	vmul.f32 v1, v0;
	_ =	sdelay $0x1  }
0x1a0: {  	[tilespmem:s7+$0x50] =	vst v0;
	v0 =	vld [tilespmem:s7+$0x60]  }
0x1a1: {  	v1 =	vld [tilespmem:s22+$0x60];
	_ =	sdelay $0x4  }
0x1a2: {  	v0 =	vmul.f32 v1, v0;
	_ =	sdelay $0x1  }
0x1a3: {  	[tilespmem:s7+$0x60] =	vst v0;
	v0 =	vld [tilespmem:s7+$0x70]  }
0x1a4: {  	v1 =	vld [tilespmem:s22+$0x70];
	_ =	sdelay $0x1  }
.Ltmp1:
0x1a5: {  	(pc) =	sbr.rel @p0 .LBB2_4-.Ltmp1, $3  }
0x1a6: {  	_ =	sdelay $0x1  }
0x1a7: {  	v0 =	vmul.f32 v1, v0  }
0x1a8: {  	s7 =	sadd.s32 $0x100, s7  }
0x1a9: {  	s13 =	sld [smem:$0x7F0];
	_ =	sdelay $0x1  }
0x1aa: {  	[tilespmem:s4+$0x70] =	vst v0  }
0x1ab: {  	[hbm4b:s13+s1] =	stream.linear.scatter [tilespmem:s30], [sflag:$0x6], $0x2000, $0x38;
	[tilespmem:$0x12C00] =	vst v63  }
0x1ac: {  	_ =	swait.ge [sflag:s21], $0x2000  }
0x1ad: {  	[sflag:s21] =	ssyncset.done $0x0  }
0x1ae: {  	[sflag:s21] =	ssyncadd.s32 $0xFFFFE000  }
0x1af: {  	_ =	swait.ge [sflag:s21], $0x2000  }
0x1b0: {  	[sflag:s21] =	ssyncset.done $0x0  }
0x1b1: {  	[sflag:s21] =	ssyncadd.s32 $0xFFFFE000  }
0x1b2: {  	[tilespmem:s30], [sflag:$0x3] =	stream.indirect.gather [hbm4b:s6+s18], $0x80, s14, s18, $0xb8;
	[tilespmem:$0x12C00] =	vst v63  }
0x1b3: {  	s22 =	simm.s32 $0x600  }
0x1b4: {  	[tilespmem:s8], [sflag:$0x3] =	stream.indirect.gather [hbm4b:s20+s18], $0x80, s22, s18, $0xb8;
	[tilespmem:$0x12C00] =	vst v63  }
0x1b5: {  	_ = 	snop  }
0x1b6: {  	[tilespmem:s23], [sflag:$0x3] =	stream.indirect.gather [hbm4b:s6+s18], $0x80, s29, s18, $0xb8;
	[tilespmem:$0x12C00] =	vst v63  }
0x1b7: {  	_ =	swait.ge [sflag:s3], $0x2000  }
0x1b8: {  	[sflag:s3] =	ssyncset.done $0x0  }
0x1b9: {  	[sflag:s3] =	ssyncadd.s32 $0xFFFFE000  }
0x1ba: {  	_ =	swait.ge [sflag:s3], $0x2000  }
0x1bb: {  	[sflag:s3] =	ssyncset.done $0x0  }
0x1bc: {  	[sflag:s3] =	ssyncadd.s32 $0xFFFFE000  }
0x1bd: {  	_ =	swait.ge [sflag:s3], $0x2000  }
0x1be: {  	s29 =	sld [smem:$0x7F1]  }
0x1bf: {  	[sflag:s3] =	ssyncset.done $0x0  }
0x1c0: {  	s4 =	simm.s32 $0xCC80;
	[sflag:s3] =	ssyncadd.s32 $0xFFFFE000  }
0x1c1: {  	[hbm4b:s29+s1] =	stream.linear.scatter [tilespmem:s12], [sflag:$0x7], $0x2000, $0x38;
	[tilespmem:$0x12C00] =	vst v63  }
0x1c2: {  	s22 =	simm.s32 $0xEC80;
	v0 =	vld [tilespmem:s4+$0xFFFFFF80]  }
0x1c3: {  	v1 =	vld [tilespmem:s22+$0xFFFFFF80];
	_ =	sdelay $0x4  }
0x1c4: {  	v0 =	vmul.f32 v1, v0;
	_ =	sdelay $0x1  }
0x1c5: {  	[tilespmem:s4+$0xFFFFFF80] =	vst v0;
	v0 =	vld [tilespmem:s4+$0xFFFFFF90]  }
0x1c6: {  	v1 =	vld [tilespmem:s22+$0xFFFFFF90];
	_ =	sdelay $0x4  }
0x1c7: {  	v0 =	vmul.f32 v1, v0;
	_ =	sdelay $0x1  }
0x1c8: {  	[tilespmem:s4+$0xFFFFFF90] =	vst v0;
	v0 =	vld [tilespmem:s4+$0xFFFFFFA0]  }
0x1c9: {  	v1 =	vld [tilespmem:s22+$0xFFFFFFA0];
	_ =	sdelay $0x4  }
0x1ca: {  	v0 =	vmul.f32 v1, v0;
	_ =	sdelay $0x1  }
0x1cb: {  	[tilespmem:s4+$0xFFFFFFA0] =	vst v0;
	v0 =	vld [tilespmem:s4+$0xFFFFFFB0]  }
0x1cc: {  	v1 =	vld [tilespmem:s22+$0xFFFFFFB0];
	_ =	sdelay $0x4  }
0x1cd: {  	v0 =	vmul.f32 v1, v0;
	_ =	sdelay $0x1  }
0x1ce: {  	[tilespmem:s4+$0xFFFFFFB0] =	vst v0;
	v0 =	vld [tilespmem:s4+$0xFFFFFFC0]  }
0x1cf: {  	v1 =	vld [tilespmem:s22+$0xFFFFFFC0];
	_ =	sdelay $0x4  }
0x1d0: {  	v0 =	vmul.f32 v1, v0;
	_ =	sdelay $0x1  }
0x1d1: {  	[tilespmem:s4+$0xFFFFFFC0] =	vst v0;
	v0 =	vld [tilespmem:s4+$0xFFFFFFD0]  }
0x1d2: {  	v1 =	vld [tilespmem:s22+$0xFFFFFFD0];
	_ =	sdelay $0x4  }
0x1d3: {  	v0 =	vmul.f32 v1, v0;
	_ =	sdelay $0x1  }
0x1d4: {  	[tilespmem:s4+$0xFFFFFFD0] =	vst v0;
	v0 =	vld [tilespmem:s4+$0xFFFFFFE0]  }
0x1d5: {  	v1 =	vld [tilespmem:s22+$0xFFFFFFE0];
	_ =	sdelay $0x4  }
0x1d6: {  	v0 =	vmul.f32 v1, v0;
	_ =	sdelay $0x1  }
0x1d7: {  	[tilespmem:s4+$0xFFFFFFE0] =	vst v0;
	v0 =	vld [tilespmem:s4+$0xFFFFFFF0]  }
0x1d8: {  	v1 =	vld [tilespmem:s22+$0xFFFFFFF0];
	_ =	sdelay $0x4  }
0x1d9: {  	v0 =	vmul.f32 v1, v0;
	_ =	sdelay $0x1  }
0x1da: {  	[tilespmem:s4+$0xFFFFFFF0] =	vst v0;
	v0 =	vld [tilespmem:s4+$0x0]  }
0x1db: {  	v1 =	vld [tilespmem:s22+$0x0];
	_ =	sdelay $0x4  }
0x1dc: {  	v0 =	vmul.f32 v1, v0;
	_ =	sdelay $0x1  }
0x1dd: {  	[tilespmem:s4+$0x0] =	vst v0;
	v0 =	vld [tilespmem:s4+$0x10]  }
0x1de: {  	v1 =	vld [tilespmem:s22+$0x10];
	_ =	sdelay $0x4  }
0x1df: {  	v0 =	vmul.f32 v1, v0;
	_ =	sdelay $0x1  }
0x1e0: {  	[tilespmem:s4+$0x10] =	vst v0;
	v0 =	vld [tilespmem:s4+$0x20]  }
0x1e1: {  	v1 =	vld [tilespmem:s22+$0x20];
	_ =	sdelay $0x4  }
0x1e2: {  	v0 =	vmul.f32 v1, v0;
	_ =	sdelay $0x1  }
0x1e3: {  	[tilespmem:s4+$0x20] =	vst v0;
	v0 =	vld [tilespmem:s4+$0x30]  }
0x1e4: {  	v1 =	vld [tilespmem:s22+$0x30];
	_ =	sdelay $0x4  }
0x1e5: {  	v0 =	vmul.f32 v1, v0;
	_ =	sdelay $0x1  }
0x1e6: {  	[tilespmem:s4+$0x30] =	vst v0;
	v0 =	vld [tilespmem:s4+$0x40]  }
0x1e7: {  	v1 =	vld [tilespmem:s22+$0x40];
	_ =	sdelay $0x4  }
0x1e8: {  	v0 =	vmul.f32 v1, v0;
	_ =	sdelay $0x1  }
0x1e9: {  	[tilespmem:s4+$0x40] =	vst v0;
	v0 =	vld [tilespmem:s4+$0x50]  }
0x1ea: {  	v1 =	vld [tilespmem:s22+$0x50];
	_ =	sdelay $0x4  }
0x1eb: {  	v0 =	vmul.f32 v1, v0;
	_ =	sdelay $0x1  }
0x1ec: {  	[tilespmem:s4+$0x50] =	vst v0;
	v0 =	vld [tilespmem:s4+$0x60]  }
0x1ed: {  	v1 =	vld [tilespmem:s22+$0x60];
	_ =	sdelay $0x4  }
0x1ee: {  	v0 =	vmul.f32 v1, v0;
	_ =	sdelay $0x1  }
0x1ef: {  	[tilespmem:s4+$0x60] =	vst v0;
	v0 =	vld [tilespmem:s4+$0x70]  }
0x1f0: {  	v1 =	vld [tilespmem:s22+$0x70];
	_ =	sdelay $0x4  }
0x1f1: {  	v0 =	vmul.f32 v1, v0  }
0x1f2: {  	s5 =	simm.s32 $0x0;
	s7 =	simm.s32 $0xCD80  }
.LBB2_6:
0x1f3: {  	v1 =	vld [tilespmem:s7+$0xFFFFFF80];
	[tilespmem:s4+$0x70] =	vst v0;
	s22 =	sadd.s32 $0x100, s22;
	s4 =	smov.u32 s7  }
0x1f4: {  	s5 =	sadd.s32 $0x2, s5;
	v0 =	vld [tilespmem:s22+$0xFFFFFF80]  }
0x1f5: {  	p0 =	slt.u32 s5, $0x3E;
	_ =	sdelay $0x3  }
0x1f6: {  	v0 =	vmul.f32 v0, v1;
	_ =	sdelay $0x1  }
0x1f7: {  	[tilespmem:s7+$0xFFFFFF80] =	vst v0;
	v0 =	vld [tilespmem:s7+$0xFFFFFF90]  }
0x1f8: {  	v1 =	vld [tilespmem:s22+$0xFFFFFF90];
	_ =	sdelay $0x4  }
0x1f9: {  	v0 =	vmul.f32 v1, v0;
	_ =	sdelay $0x1  }
0x1fa: {  	[tilespmem:s7+$0xFFFFFF90] =	vst v0;
	v0 =	vld [tilespmem:s7+$0xFFFFFFA0]  }
0x1fb: {  	v1 =	vld [tilespmem:s22+$0xFFFFFFA0];
	_ =	sdelay $0x4  }
0x1fc: {  	v0 =	vmul.f32 v1, v0;
	_ =	sdelay $0x1  }
0x1fd: {  	[tilespmem:s7+$0xFFFFFFA0] =	vst v0;
	v0 =	vld [tilespmem:s7+$0xFFFFFFB0]  }
0x1fe: {  	v1 =	vld [tilespmem:s22+$0xFFFFFFB0];
	_ =	sdelay $0x4  }
0x1ff: {  	v0 =	vmul.f32 v1, v0;
	_ =	sdelay $0x1  }
0x200: {  	[tilespmem:s7+$0xFFFFFFB0] =	vst v0;
	v0 =	vld [tilespmem:s7+$0xFFFFFFC0]  }
0x201: {  	v1 =	vld [tilespmem:s22+$0xFFFFFFC0];
	_ =	sdelay $0x4  }
0x202: {  	v0 =	vmul.f32 v1, v0;
	_ =	sdelay $0x1  }
0x203: {  	[tilespmem:s7+$0xFFFFFFC0] =	vst v0;
	v0 =	vld [tilespmem:s7+$0xFFFFFFD0]  }
0x204: {  	v1 =	vld [tilespmem:s22+$0xFFFFFFD0];
	_ =	sdelay $0x4  }
0x205: {  	v0 =	vmul.f32 v1, v0;
	_ =	sdelay $0x1  }
0x206: {  	[tilespmem:s7+$0xFFFFFFD0] =	vst v0;
	v0 =	vld [tilespmem:s7+$0xFFFFFFE0]  }
0x207: {  	v1 =	vld [tilespmem:s22+$0xFFFFFFE0];
	_ =	sdelay $0x4  }
0x208: {  	v0 =	vmul.f32 v1, v0;
	_ =	sdelay $0x1  }
0x209: {  	[tilespmem:s7+$0xFFFFFFE0] =	vst v0;
	v0 =	vld [tilespmem:s7+$0xFFFFFFF0]  }
0x20a: {  	v1 =	vld [tilespmem:s22+$0xFFFFFFF0];
	_ =	sdelay $0x4  }
0x20b: {  	v0 =	vmul.f32 v1, v0;
	_ =	sdelay $0x1  }
0x20c: {  	[tilespmem:s7+$0xFFFFFFF0] =	vst v0;
	v0 =	vld [tilespmem:s7+$0x0]  }
0x20d: {  	v1 =	vld [tilespmem:s22+$0x0];
	_ =	sdelay $0x4  }
0x20e: {  	v0 =	vmul.f32 v1, v0;
	_ =	sdelay $0x1  }
0x20f: {  	[tilespmem:s7+$0x0] =	vst v0;
	v0 =	vld [tilespmem:s7+$0x10]  }
0x210: {  	v1 =	vld [tilespmem:s22+$0x10];
	_ =	sdelay $0x4  }
0x211: {  	v0 =	vmul.f32 v1, v0;
	_ =	sdelay $0x1  }
0x212: {  	[tilespmem:s7+$0x10] =	vst v0;
	v0 =	vld [tilespmem:s7+$0x20]  }
0x213: {  	v1 =	vld [tilespmem:s22+$0x20];
	_ =	sdelay $0x4  }
0x214: {  	v0 =	vmul.f32 v1, v0;
	_ =	sdelay $0x1  }
0x215: {  	[tilespmem:s7+$0x20] =	vst v0;
	v0 =	vld [tilespmem:s7+$0x30]  }
0x216: {  	v1 =	vld [tilespmem:s22+$0x30];
	_ =	sdelay $0x4  }
0x217: {  	v0 =	vmul.f32 v1, v0;
	_ =	sdelay $0x1  }
0x218: {  	[tilespmem:s7+$0x30] =	vst v0;
	v0 =	vld [tilespmem:s7+$0x40]  }
0x219: {  	v1 =	vld [tilespmem:s22+$0x40];
	_ =	sdelay $0x4  }
0x21a: {  	v0 =	vmul.f32 v1, v0;
	_ =	sdelay $0x1  }
0x21b: {  	[tilespmem:s7+$0x40] =	vst v0;
	v0 =	vld [tilespmem:s7+$0x50]  }
0x21c: {  	v1 =	vld [tilespmem:s22+$0x50];
	_ =	sdelay $0x4  }
0x21d: {  	v0 =	vmul.f32 v1, v0;
	_ =	sdelay $0x1  }
0x21e: {  	[tilespmem:s7+$0x50] =	vst v0;
	v0 =	vld [tilespmem:s7+$0x60]  }
0x21f: {  	v1 =	vld [tilespmem:s22+$0x60];
	_ =	sdelay $0x4  }
0x220: {  	v0 =	vmul.f32 v1, v0;
	_ =	sdelay $0x1  }
0x221: {  	[tilespmem:s7+$0x60] =	vst v0;
	v0 =	vld [tilespmem:s7+$0x70]  }
0x222: {  	v1 =	vld [tilespmem:s22+$0x70];
	_ =	sdelay $0x1  }
.Ltmp2:
0x223: {  	(pc) =	sbr.rel @p0 .LBB2_6-.Ltmp2, $3  }
0x224: {  	_ =	sdelay $0x1  }
0x225: {  	v0 =	vmul.f32 v1, v0  }
0x226: {  	s7 =	sadd.s32 $0x100, s7  }
0x227: {  	s14 =	sld [smem:$0x7F2];
	_ =	sdelay $0x1  }
0x228: {  	[tilespmem:s4+$0x70] =	vst v0  }
0x229: {  	[hbm4b:s14+s1] =	stream.linear.scatter [tilespmem:s11], [sflag:$0x7], $0x2000, $0x38;
	[tilespmem:$0x12C00] =	vst v63  }
0x22a: {  	_ =	swait.ge [sflag:s17], $0x2000  }
0x22b: {  	[sflag:s17] =	ssyncset.done $0x0  }
0x22c: {  	[sflag:s17] =	ssyncadd.s32 $0xFFFFE000  }
0x22d: {  	_ =	swait.ge [sflag:s17], $0x2000  }
0x22e: {  	[sflag:s17] =	ssyncset.done $0x0  }
0x22f: {  	s22 =	simm.s32 $0x280;
	[sflag:s17] =	ssyncadd.s32 $0xFFFFE000  }
0x230: {  	[tilespmem:s11], [sflag:$0x4] =	stream.indirect.gather [hbm4b:s6+s18], $0x80, s22, s18, $0xb8;
	[tilespmem:$0x12C00] =	vst v63  }
0x231: {  	_ = 	snop  }
0x232: {  	[tilespmem:s19], [sflag:$0x4] =	stream.indirect.gather [hbm4b:s20+s18], $0x80, s24, s18, $0xb8;
	[tilespmem:$0x12C00] =	vst v63  }
0x233: {  	s24 =	simm.s32 $0xA80  }
0x234: {  	[tilespmem:s12], [sflag:$0x4] =	stream.indirect.gather [hbm4b:s6+s18], $0x80, s24, s18, $0xb8;
	[tilespmem:$0x12C00] =	vst v63  }
0x235: {  	_ =	swait.ge [sflag:s15], $0x2000  }
0x236: {  	[sflag:s15] =	ssyncset.done $0x0  }
0x237: {  	[sflag:s15] =	ssyncadd.s32 $0xFFFFE000  }
0x238: {  	_ =	swait.ge [sflag:s15], $0x2000  }
0x239: {  	[sflag:s15] =	ssyncset.done $0x0  }
0x23a: {  	[sflag:s15] =	ssyncadd.s32 $0xFFFFE000  }
0x23b: {  	_ =	swait.ge [sflag:s15], $0x2000  }
0x23c: {  	s29 =	sld [smem:$0x7F3]  }
0x23d: {  	[sflag:s15] =	ssyncset.done $0x0  }
0x23e: {  	s4 =	simm.s32 $0xC80;
	[sflag:s15] =	ssyncadd.s32 $0xFFFFE000  }
0x23f: {  	[hbm4b:s29+s1] =	stream.linear.scatter [tilespmem:s10], [sflag:$0x5], $0x2000, $0x38;
	[tilespmem:$0x12C00] =	vst v63  }
0x240: {  	s22 =	simm.s32 $0x2C80;
	v0 =	vld [tilespmem:s4+$0xFFFFFF80]  }
0x241: {  	v1 =	vld [tilespmem:s22+$0xFFFFFF80];
	_ =	sdelay $0x4  }
0x242: {  	v0 =	vmul.f32 v1, v0;
	_ =	sdelay $0x1  }
0x243: {  	[tilespmem:s4+$0xFFFFFF80] =	vst v0;
	v0 =	vld [tilespmem:s4+$0xFFFFFF90]  }
0x244: {  	v1 =	vld [tilespmem:s22+$0xFFFFFF90];
	_ =	sdelay $0x4  }
0x245: {  	v0 =	vmul.f32 v1, v0;
	_ =	sdelay $0x1  }
0x246: {  	[tilespmem:s4+$0xFFFFFF90] =	vst v0;
	v0 =	vld [tilespmem:s4+$0xFFFFFFA0]  }
0x247: {  	v1 =	vld [tilespmem:s22+$0xFFFFFFA0];
	_ =	sdelay $0x4  }
0x248: {  	v0 =	vmul.f32 v1, v0;
	_ =	sdelay $0x1  }
0x249: {  	[tilespmem:s4+$0xFFFFFFA0] =	vst v0;
	v0 =	vld [tilespmem:s4+$0xFFFFFFB0]  }
0x24a: {  	v1 =	vld [tilespmem:s22+$0xFFFFFFB0];
	_ =	sdelay $0x4  }
0x24b: {  	v0 =	vmul.f32 v1, v0;
	_ =	sdelay $0x1  }
0x24c: {  	[tilespmem:s4+$0xFFFFFFB0] =	vst v0;
	v0 =	vld [tilespmem:s4+$0xFFFFFFC0]  }
0x24d: {  	v1 =	vld [tilespmem:s22+$0xFFFFFFC0];
	_ =	sdelay $0x4  }
0x24e: {  	v0 =	vmul.f32 v1, v0;
	_ =	sdelay $0x1  }
0x24f: {  	[tilespmem:s4+$0xFFFFFFC0] =	vst v0;
	v0 =	vld [tilespmem:s4+$0xFFFFFFD0]  }
0x250: {  	v1 =	vld [tilespmem:s22+$0xFFFFFFD0];
	_ =	sdelay $0x4  }
0x251: {  	v0 =	vmul.f32 v1, v0;
	_ =	sdelay $0x1  }
0x252: {  	[tilespmem:s4+$0xFFFFFFD0] =	vst v0;
	v0 =	vld [tilespmem:s4+$0xFFFFFFE0]  }
0x253: {  	v1 =	vld [tilespmem:s22+$0xFFFFFFE0];
	_ =	sdelay $0x4  }
0x254: {  	v0 =	vmul.f32 v1, v0;
	_ =	sdelay $0x1  }
0x255: {  	[tilespmem:s4+$0xFFFFFFE0] =	vst v0;
	v0 =	vld [tilespmem:s4+$0xFFFFFFF0]  }
0x256: {  	v1 =	vld [tilespmem:s22+$0xFFFFFFF0];
	_ =	sdelay $0x4  }
0x257: {  	v0 =	vmul.f32 v1, v0;
	_ =	sdelay $0x1  }
0x258: {  	[tilespmem:s4+$0xFFFFFFF0] =	vst v0;
	v0 =	vld [tilespmem:s4+$0x0]  }
0x259: {  	v1 =	vld [tilespmem:s22+$0x0];
	_ =	sdelay $0x4  }
0x25a: {  	v0 =	vmul.f32 v1, v0;
	_ =	sdelay $0x1  }
0x25b: {  	[tilespmem:s4+$0x0] =	vst v0;
	v0 =	vld [tilespmem:s4+$0x10]  }
0x25c: {  	v1 =	vld [tilespmem:s22+$0x10];
	_ =	sdelay $0x4  }
0x25d: {  	v0 =	vmul.f32 v1, v0;
	_ =	sdelay $0x1  }
0x25e: {  	[tilespmem:s4+$0x10] =	vst v0;
	v0 =	vld [tilespmem:s4+$0x20]  }
0x25f: {  	v1 =	vld [tilespmem:s22+$0x20];
	_ =	sdelay $0x4  }
0x260: {  	v0 =	vmul.f32 v1, v0;
	_ =	sdelay $0x1  }
0x261: {  	[tilespmem:s4+$0x20] =	vst v0;
	v0 =	vld [tilespmem:s4+$0x30]  }
0x262: {  	v1 =	vld [tilespmem:s22+$0x30];
	_ =	sdelay $0x4  }
0x263: {  	v0 =	vmul.f32 v1, v0;
	_ =	sdelay $0x1  }
0x264: {  	[tilespmem:s4+$0x30] =	vst v0;
	v0 =	vld [tilespmem:s4+$0x40]  }
0x265: {  	v1 =	vld [tilespmem:s22+$0x40];
	_ =	sdelay $0x4  }
0x266: {  	v0 =	vmul.f32 v1, v0;
	_ =	sdelay $0x1  }
0x267: {  	[tilespmem:s4+$0x40] =	vst v0;
	v0 =	vld [tilespmem:s4+$0x50]  }
0x268: {  	v1 =	vld [tilespmem:s22+$0x50];
	_ =	sdelay $0x4  }
0x269: {  	v0 =	vmul.f32 v1, v0;
	_ =	sdelay $0x1  }
0x26a: {  	[tilespmem:s4+$0x50] =	vst v0;
	v0 =	vld [tilespmem:s4+$0x60]  }
0x26b: {  	v1 =	vld [tilespmem:s22+$0x60];
	_ =	sdelay $0x4  }
0x26c: {  	v0 =	vmul.f32 v1, v0;
	_ =	sdelay $0x1  }
0x26d: {  	[tilespmem:s4+$0x60] =	vst v0;
	v0 =	vld [tilespmem:s4+$0x70]  }
0x26e: {  	v1 =	vld [tilespmem:s22+$0x70];
	_ =	sdelay $0x4  }
0x26f: {  	v0 =	vmul.f32 v1, v0  }
0x270: {  	s5 =	simm.s32 $0x0;
	s7 =	simm.s32 $0xD80  }
.LBB2_8:
0x271: {  	v1 =	vld [tilespmem:s7+$0xFFFFFF80];
	[tilespmem:s4+$0x70] =	vst v0;
	s22 =	sadd.s32 $0x100, s22;
	s4 =	smov.u32 s7  }
0x272: {  	s5 =	sadd.s32 $0x2, s5;
	v0 =	vld [tilespmem:s22+$0xFFFFFF80]  }
0x273: {  	p0 =	slt.u32 s5, $0x3E;
	_ =	sdelay $0x3  }
0x274: {  	v0 =	vmul.f32 v0, v1;
	_ =	sdelay $0x1  }
0x275: {  	[tilespmem:s7+$0xFFFFFF80] =	vst v0;
	v0 =	vld [tilespmem:s7+$0xFFFFFF90]  }
0x276: {  	v1 =	vld [tilespmem:s22+$0xFFFFFF90];
	_ =	sdelay $0x4  }
0x277: {  	v0 =	vmul.f32 v1, v0;
	_ =	sdelay $0x1  }
0x278: {  	[tilespmem:s7+$0xFFFFFF90] =	vst v0;
	v0 =	vld [tilespmem:s7+$0xFFFFFFA0]  }
0x279: {  	v1 =	vld [tilespmem:s22+$0xFFFFFFA0];
	_ =	sdelay $0x4  }
0x27a: {  	v0 =	vmul.f32 v1, v0;
	_ =	sdelay $0x1  }
0x27b: {  	[tilespmem:s7+$0xFFFFFFA0] =	vst v0;
	v0 =	vld [tilespmem:s7+$0xFFFFFFB0]  }
0x27c: {  	v1 =	vld [tilespmem:s22+$0xFFFFFFB0];
	_ =	sdelay $0x4  }
0x27d: {  	v0 =	vmul.f32 v1, v0;
	_ =	sdelay $0x1  }
0x27e: {  	[tilespmem:s7+$0xFFFFFFB0] =	vst v0;
	v0 =	vld [tilespmem:s7+$0xFFFFFFC0]  }
0x27f: {  	v1 =	vld [tilespmem:s22+$0xFFFFFFC0];
	_ =	sdelay $0x4  }
0x280: {  	v0 =	vmul.f32 v1, v0;
	_ =	sdelay $0x1  }
0x281: {  	[tilespmem:s7+$0xFFFFFFC0] =	vst v0;
	v0 =	vld [tilespmem:s7+$0xFFFFFFD0]  }
0x282: {  	v1 =	vld [tilespmem:s22+$0xFFFFFFD0];
	_ =	sdelay $0x4  }
0x283: {  	v0 =	vmul.f32 v1, v0;
	_ =	sdelay $0x1  }
0x284: {  	[tilespmem:s7+$0xFFFFFFD0] =	vst v0;
	v0 =	vld [tilespmem:s7+$0xFFFFFFE0]  }
0x285: {  	v1 =	vld [tilespmem:s22+$0xFFFFFFE0];
	_ =	sdelay $0x4  }
0x286: {  	v0 =	vmul.f32 v1, v0;
	_ =	sdelay $0x1  }
0x287: {  	[tilespmem:s7+$0xFFFFFFE0] =	vst v0;
	v0 =	vld [tilespmem:s7+$0xFFFFFFF0]  }
0x288: {  	v1 =	vld [tilespmem:s22+$0xFFFFFFF0];
	_ =	sdelay $0x4  }
0x289: {  	v0 =	vmul.f32 v1, v0;
	_ =	sdelay $0x1  }
0x28a: {  	[tilespmem:s7+$0xFFFFFFF0] =	vst v0;
	v0 =	vld [tilespmem:s7+$0x0]  }
0x28b: {  	v1 =	vld [tilespmem:s22+$0x0];
	_ =	sdelay $0x4  }
0x28c: {  	v0 =	vmul.f32 v1, v0;
	_ =	sdelay $0x1  }
0x28d: {  	[tilespmem:s7+$0x0] =	vst v0;
	v0 =	vld [tilespmem:s7+$0x10]  }
0x28e: {  	v1 =	vld [tilespmem:s22+$0x10];
	_ =	sdelay $0x4  }
0x28f: {  	v0 =	vmul.f32 v1, v0;
	_ =	sdelay $0x1  }
0x290: {  	[tilespmem:s7+$0x10] =	vst v0;
	v0 =	vld [tilespmem:s7+$0x20]  }
0x291: {  	v1 =	vld [tilespmem:s22+$0x20];
	_ =	sdelay $0x4  }
0x292: {  	v0 =	vmul.f32 v1, v0;
	_ =	sdelay $0x1  }
0x293: {  	[tilespmem:s7+$0x20] =	vst v0;
	v0 =	vld [tilespmem:s7+$0x30]  }
0x294: {  	v1 =	vld [tilespmem:s22+$0x30];
	_ =	sdelay $0x4  }
0x295: {  	v0 =	vmul.f32 v1, v0;
	_ =	sdelay $0x1  }
0x296: {  	[tilespmem:s7+$0x30] =	vst v0;
	v0 =	vld [tilespmem:s7+$0x40]  }
0x297: {  	v1 =	vld [tilespmem:s22+$0x40];
	_ =	sdelay $0x4  }
0x298: {  	v0 =	vmul.f32 v1, v0;
	_ =	sdelay $0x1  }
0x299: {  	[tilespmem:s7+$0x40] =	vst v0;
	v0 =	vld [tilespmem:s7+$0x50]  }
0x29a: {  	v1 =	vld [tilespmem:s22+$0x50];
	_ =	sdelay $0x4  }
0x29b: {  	v0 =	vmul.f32 v1, v0;
	_ =	sdelay $0x1  }
0x29c: {  	[tilespmem:s7+$0x50] =	vst v0;
	v0 =	vld [tilespmem:s7+$0x60]  }
0x29d: {  	v1 =	vld [tilespmem:s22+$0x60];
	_ =	sdelay $0x4  }
0x29e: {  	v0 =	vmul.f32 v1, v0;
	_ =	sdelay $0x1  }
0x29f: {  	[tilespmem:s7+$0x60] =	vst v0;
	v0 =	vld [tilespmem:s7+$0x70]  }
0x2a0: {  	v1 =	vld [tilespmem:s22+$0x70];
	_ =	sdelay $0x1  }
.Ltmp3:
0x2a1: {  	(pc) =	sbr.rel @p0 .LBB2_8-.Ltmp3, $3  }
0x2a2: {  	_ =	sdelay $0x1  }
0x2a3: {  	v0 =	vmul.f32 v1, v0  }
0x2a4: {  	s7 =	sadd.s32 $0x100, s7  }
0x2a5: {  	s22 =	sld [smem:$0x7F4];
	_ =	sdelay $0x1  }
0x2a6: {  	[tilespmem:s4+$0x70] =	vst v0;
	s5 =	simm.s32 $0xC00  }
0x2a7: {  	[hbm4b:s22+s1] =	stream.linear.scatter [tilespmem:s5], [sflag:$0x5], $0x2000, $0x38;
	[tilespmem:$0x12C00] =	vst v63  }
0x2a8: {  	_ =	swait.ge [sflag:s16], $0x2000  }
0x2a9: {  	[sflag:s16] =	ssyncset.done $0x0  }
0x2aa: {  	[sflag:s16] =	ssyncadd.s32 $0xFFFFE000  }
0x2ab: {  	_ =	swait.ge [sflag:s16], $0x2000  }
0x2ac: {  	[sflag:s16] =	ssyncset.done $0x0  }
0x2ad: {  	s24 =	simm.s32 $0x300;
	[sflag:s16] =	ssyncadd.s32 $0xFFFFE000  }
0x2ae: {  	[tilespmem:s5], [sflag:$0x2] =	stream.indirect.gather [hbm4b:s6+s18], $0x80, s24, s18, $0xb8;
	[tilespmem:$0x12C00] =	vst v63  }
0x2af: {  	s29 =	simm.s32 $0x700  }
0x2b0: {  	[tilespmem:s31], [sflag:$0x2] =	stream.indirect.gather [hbm4b:s20+s18], $0x80, s29, s18, $0xb8;
	[tilespmem:$0x12C00] =	vst v63  }
0x2b1: {  	_ = 	snop  }
0x2b2: {  	[tilespmem:s10], [sflag:$0x2] =	stream.indirect.gather [hbm4b:s6+s18], $0x80, s0, s18, $0xb8;
	[tilespmem:$0x12C00] =	vst v63  }
0x2b3: {  	_ =	swait.ge [sflag:s2], $0x2000  }
0x2b4: {  	[sflag:s2] =	ssyncset.done $0x0  }
0x2b5: {  	[sflag:s2] =	ssyncadd.s32 $0xFFFFE000  }
0x2b6: {  	_ =	swait.ge [sflag:s2], $0x2000  }
0x2b7: {  	[sflag:s2] =	ssyncset.done $0x0  }
0x2b8: {  	[sflag:s2] =	ssyncadd.s32 $0xFFFFE000  }
0x2b9: {  	_ =	swait.ge [sflag:s2], $0x2000  }
0x2ba: {  	s31 =	sld [smem:$0x7F5]  }
0x2bb: {  	[sflag:s2] =	ssyncset.done $0x0  }
0x2bc: {  	s4 =	simm.s32 $0x6C80;
	[sflag:s2] =	ssyncadd.s32 $0xFFFFE000  }
0x2bd: {  	[hbm4b:s31+s1] =	stream.linear.scatter [tilespmem:s23], [sflag:$0x6], $0x2000, $0x38;
	[tilespmem:$0x12C00] =	vst v63  }
0x2be: {  	s22 =	simm.s32 $0x8C80;
	v0 =	vld [tilespmem:s4+$0xFFFFFF80]  }
0x2bf: {  	v1 =	vld [tilespmem:s22+$0xFFFFFF80];
	_ =	sdelay $0x4  }
0x2c0: {  	v0 =	vmul.f32 v1, v0;
	_ =	sdelay $0x1  }
0x2c1: {  	[tilespmem:s4+$0xFFFFFF80] =	vst v0;
	v0 =	vld [tilespmem:s4+$0xFFFFFF90]  }
0x2c2: {  	v1 =	vld [tilespmem:s22+$0xFFFFFF90];
	_ =	sdelay $0x4  }
0x2c3: {  	v0 =	vmul.f32 v1, v0;
	_ =	sdelay $0x1  }
0x2c4: {  	[tilespmem:s4+$0xFFFFFF90] =	vst v0;
	v0 =	vld [tilespmem:s4+$0xFFFFFFA0]  }
0x2c5: {  	v1 =	vld [tilespmem:s22+$0xFFFFFFA0];
	_ =	sdelay $0x4  }
0x2c6: {  	v0 =	vmul.f32 v1, v0;
	_ =	sdelay $0x1  }
0x2c7: {  	[tilespmem:s4+$0xFFFFFFA0] =	vst v0;
	v0 =	vld [tilespmem:s4+$0xFFFFFFB0]  }
0x2c8: {  	v1 =	vld [tilespmem:s22+$0xFFFFFFB0];
	_ =	sdelay $0x4  }
0x2c9: {  	v0 =	vmul.f32 v1, v0;
	_ =	sdelay $0x1  }
0x2ca: {  	[tilespmem:s4+$0xFFFFFFB0] =	vst v0;
	v0 =	vld [tilespmem:s4+$0xFFFFFFC0]  }
0x2cb: {  	v1 =	vld [tilespmem:s22+$0xFFFFFFC0];
	_ =	sdelay $0x4  }
0x2cc: {  	v0 =	vmul.f32 v1, v0;
	_ =	sdelay $0x1  }
0x2cd: {  	[tilespmem:s4+$0xFFFFFFC0] =	vst v0;
	v0 =	vld [tilespmem:s4+$0xFFFFFFD0]  }
0x2ce: {  	v1 =	vld [tilespmem:s22+$0xFFFFFFD0];
	_ =	sdelay $0x4  }
0x2cf: {  	v0 =	vmul.f32 v1, v0;
	_ =	sdelay $0x1  }
0x2d0: {  	[tilespmem:s4+$0xFFFFFFD0] =	vst v0;
	v0 =	vld [tilespmem:s4+$0xFFFFFFE0]  }
0x2d1: {  	v1 =	vld [tilespmem:s22+$0xFFFFFFE0];
	_ =	sdelay $0x4  }
0x2d2: {  	v0 =	vmul.f32 v1, v0;
	_ =	sdelay $0x1  }
0x2d3: {  	[tilespmem:s4+$0xFFFFFFE0] =	vst v0;
	v0 =	vld [tilespmem:s4+$0xFFFFFFF0]  }
0x2d4: {  	v1 =	vld [tilespmem:s22+$0xFFFFFFF0];
	_ =	sdelay $0x4  }
0x2d5: {  	v0 =	vmul.f32 v1, v0;
	_ =	sdelay $0x1  }
0x2d6: {  	[tilespmem:s4+$0xFFFFFFF0] =	vst v0;
	v0 =	vld [tilespmem:s4+$0x0]  }
0x2d7: {  	v1 =	vld [tilespmem:s22+$0x0];
	_ =	sdelay $0x4  }
0x2d8: {  	v0 =	vmul.f32 v1, v0;
	_ =	sdelay $0x1  }
0x2d9: {  	[tilespmem:s4+$0x0] =	vst v0;
	v0 =	vld [tilespmem:s4+$0x10]  }
0x2da: {  	v1 =	vld [tilespmem:s22+$0x10];
	_ =	sdelay $0x4  }
0x2db: {  	v0 =	vmul.f32 v1, v0;
	_ =	sdelay $0x1  }
0x2dc: {  	[tilespmem:s4+$0x10] =	vst v0;
	v0 =	vld [tilespmem:s4+$0x20]  }
0x2dd: {  	v1 =	vld [tilespmem:s22+$0x20];
	_ =	sdelay $0x4  }
0x2de: {  	v0 =	vmul.f32 v1, v0;
	_ =	sdelay $0x1  }
0x2df: {  	[tilespmem:s4+$0x20] =	vst v0;
	v0 =	vld [tilespmem:s4+$0x30]  }
0x2e0: {  	v1 =	vld [tilespmem:s22+$0x30];
	_ =	sdelay $0x4  }
0x2e1: {  	v0 =	vmul.f32 v1, v0;
	_ =	sdelay $0x1  }
0x2e2: {  	[tilespmem:s4+$0x30] =	vst v0;
	v0 =	vld [tilespmem:s4+$0x40]  }
0x2e3: {  	v1 =	vld [tilespmem:s22+$0x40];
	_ =	sdelay $0x4  }
0x2e4: {  	v0 =	vmul.f32 v1, v0;
	_ =	sdelay $0x1  }
0x2e5: {  	[tilespmem:s4+$0x40] =	vst v0;
	v0 =	vld [tilespmem:s4+$0x50]  }
0x2e6: {  	v1 =	vld [tilespmem:s22+$0x50];
	_ =	sdelay $0x4  }
0x2e7: {  	v0 =	vmul.f32 v1, v0;
	_ =	sdelay $0x1  }
0x2e8: {  	[tilespmem:s4+$0x50] =	vst v0;
	v0 =	vld [tilespmem:s4+$0x60]  }
0x2e9: {  	v1 =	vld [tilespmem:s22+$0x60];
	_ =	sdelay $0x4  }
0x2ea: {  	v0 =	vmul.f32 v1, v0;
	_ =	sdelay $0x1  }
0x2eb: {  	[tilespmem:s4+$0x60] =	vst v0;
	v0 =	vld [tilespmem:s4+$0x70]  }
0x2ec: {  	v1 =	vld [tilespmem:s22+$0x70];
	_ =	sdelay $0x4  }
0x2ed: {  	v0 =	vmul.f32 v1, v0  }
0x2ee: {  	s7 =	simm.s32 $0x6D80;
	s5 =	simm.s32 $0x0  }
.LBB2_10:
0x2ef: {  	v1 =	vld [tilespmem:s7+$0xFFFFFF80];
	[tilespmem:s4+$0x70] =	vst v0;
	s22 =	sadd.s32 $0x100, s22;
	s4 =	smov.u32 s7  }
0x2f0: {  	s5 =	sadd.s32 $0x2, s5;
	v0 =	vld [tilespmem:s22+$0xFFFFFF80]  }
0x2f1: {  	p0 =	slt.u32 s5, $0x3E;
	_ =	sdelay $0x3  }
0x2f2: {  	v0 =	vmul.f32 v0, v1;
	_ =	sdelay $0x1  }
0x2f3: {  	[tilespmem:s7+$0xFFFFFF80] =	vst v0;
	v0 =	vld [tilespmem:s7+$0xFFFFFF90]  }
0x2f4: {  	v1 =	vld [tilespmem:s22+$0xFFFFFF90];
	_ =	sdelay $0x4  }
0x2f5: {  	v0 =	vmul.f32 v1, v0;
	_ =	sdelay $0x1  }
0x2f6: {  	[tilespmem:s7+$0xFFFFFF90] =	vst v0;
	v0 =	vld [tilespmem:s7+$0xFFFFFFA0]  }
0x2f7: {  	v1 =	vld [tilespmem:s22+$0xFFFFFFA0];
	_ =	sdelay $0x4  }
0x2f8: {  	v0 =	vmul.f32 v1, v0;
	_ =	sdelay $0x1  }
0x2f9: {  	[tilespmem:s7+$0xFFFFFFA0] =	vst v0;
	v0 =	vld [tilespmem:s7+$0xFFFFFFB0]  }
0x2fa: {  	v1 =	vld [tilespmem:s22+$0xFFFFFFB0];
	_ =	sdelay $0x4  }
0x2fb: {  	v0 =	vmul.f32 v1, v0;
	_ =	sdelay $0x1  }
0x2fc: {  	[tilespmem:s7+$0xFFFFFFB0] =	vst v0;
	v0 =	vld [tilespmem:s7+$0xFFFFFFC0]  }
0x2fd: {  	v1 =	vld [tilespmem:s22+$0xFFFFFFC0];
	_ =	sdelay $0x4  }
0x2fe: {  	v0 =	vmul.f32 v1, v0;
	_ =	sdelay $0x1  }
0x2ff: {  	[tilespmem:s7+$0xFFFFFFC0] =	vst v0;
	v0 =	vld [tilespmem:s7+$0xFFFFFFD0]  }
0x300: {  	v1 =	vld [tilespmem:s22+$0xFFFFFFD0];
	_ =	sdelay $0x4  }
0x301: {  	v0 =	vmul.f32 v1, v0;
	_ =	sdelay $0x1  }
0x302: {  	[tilespmem:s7+$0xFFFFFFD0] =	vst v0;
	v0 =	vld [tilespmem:s7+$0xFFFFFFE0]  }
0x303: {  	v1 =	vld [tilespmem:s22+$0xFFFFFFE0];
	_ =	sdelay $0x4  }
0x304: {  	v0 =	vmul.f32 v1, v0;
	_ =	sdelay $0x1  }
0x305: {  	[tilespmem:s7+$0xFFFFFFE0] =	vst v0;
	v0 =	vld [tilespmem:s7+$0xFFFFFFF0]  }
0x306: {  	v1 =	vld [tilespmem:s22+$0xFFFFFFF0];
	_ =	sdelay $0x4  }
0x307: {  	v0 =	vmul.f32 v1, v0;
	_ =	sdelay $0x1  }
0x308: {  	[tilespmem:s7+$0xFFFFFFF0] =	vst v0;
	v0 =	vld [tilespmem:s7+$0x0]  }
0x309: {  	v1 =	vld [tilespmem:s22+$0x0];
	_ =	sdelay $0x4  }
0x30a: {  	v0 =	vmul.f32 v1, v0;
	_ =	sdelay $0x1  }
0x30b: {  	[tilespmem:s7+$0x0] =	vst v0;
	v0 =	vld [tilespmem:s7+$0x10]  }
0x30c: {  	v1 =	vld [tilespmem:s22+$0x10];
	_ =	sdelay $0x4  }
0x30d: {  	v0 =	vmul.f32 v1, v0;
	_ =	sdelay $0x1  }
0x30e: {  	[tilespmem:s7+$0x10] =	vst v0;
	v0 =	vld [tilespmem:s7+$0x20]  }
0x30f: {  	v1 =	vld [tilespmem:s22+$0x20];
	_ =	sdelay $0x4  }
0x310: {  	v0 =	vmul.f32 v1, v0;
	_ =	sdelay $0x1  }
0x311: {  	[tilespmem:s7+$0x20] =	vst v0;
	v0 =	vld [tilespmem:s7+$0x30]  }
0x312: {  	v1 =	vld [tilespmem:s22+$0x30];
	_ =	sdelay $0x4  }
0x313: {  	v0 =	vmul.f32 v1, v0;
	_ =	sdelay $0x1  }
0x314: {  	[tilespmem:s7+$0x30] =	vst v0;
	v0 =	vld [tilespmem:s7+$0x40]  }
0x315: {  	v1 =	vld [tilespmem:s22+$0x40];
	_ =	sdelay $0x4  }
0x316: {  	v0 =	vmul.f32 v1, v0;
	_ =	sdelay $0x1  }
0x317: {  	[tilespmem:s7+$0x40] =	vst v0;
	v0 =	vld [tilespmem:s7+$0x50]  }
0x318: {  	v1 =	vld [tilespmem:s22+$0x50];
	_ =	sdelay $0x4  }
0x319: {  	v0 =	vmul.f32 v1, v0;
	_ =	sdelay $0x1  }
0x31a: {  	[tilespmem:s7+$0x50] =	vst v0;
	v0 =	vld [tilespmem:s7+$0x60]  }
0x31b: {  	v1 =	vld [tilespmem:s22+$0x60];
	_ =	sdelay $0x4  }
0x31c: {  	v0 =	vmul.f32 v1, v0;
	_ =	sdelay $0x1  }
0x31d: {  	[tilespmem:s7+$0x60] =	vst v0;
	v0 =	vld [tilespmem:s7+$0x70]  }
0x31e: {  	v1 =	vld [tilespmem:s22+$0x70];
	_ =	sdelay $0x1  }
.Ltmp4:
0x31f: {  	(pc) =	sbr.rel @p0 .LBB2_10-.Ltmp4, $3  }
0x320: {  	_ =	sdelay $0x1  }
0x321: {  	v0 =	vmul.f32 v1, v0  }
0x322: {  	s7 =	sadd.s32 $0x100, s7  }
0x323: {  	s22 =	sld [smem:$0x7F6];
	_ =	sdelay $0x1  }
0x324: {  	[tilespmem:s4+$0x70] =	vst v0  }
0x325: {  	[hbm4b:s22+s1] =	stream.linear.scatter [tilespmem:s30], [sflag:$0x6], $0x2000, $0x38;
	[tilespmem:$0x12C00] =	vst v63  }
0x326: {  	_ =	swait.ge [sflag:s21], $0x2000  }
0x327: {  	[sflag:s21] =	ssyncset.done $0x0  }
0x328: {  	[sflag:s21] =	ssyncadd.s32 $0xFFFFE000  }
0x329: {  	_ =	swait.ge [sflag:s21], $0x2000  }
0x32a: {  	[sflag:s21] =	ssyncset.done $0x0  }
0x32b: {  	s0 =	simm.s32 $0x380;
	[sflag:s21] =	ssyncadd.s32 $0xFFFFE000  }
0x32c: {  	[tilespmem:s30], [sflag:$0x3] =	stream.indirect.gather [hbm4b:s6+s18], $0x80, s0, s18, $0xb8;
	[tilespmem:$0x12C00] =	vst v63  }
0x32d: {  	s24 =	simm.s32 $0x780  }
0x32e: {  	[tilespmem:s8], [sflag:$0x3] =	stream.indirect.gather [hbm4b:s20+s18], $0x80, s24, s18, $0xb8;
	[tilespmem:$0x12C00] =	vst v63  }
0x32f: {  	s29 =	simm.s32 $0xB80  }
0x330: {  	[tilespmem:s23], [sflag:$0x3] =	stream.indirect.gather [hbm4b:s6+s18], $0x80, s29, s18, $0xb8;
	[tilespmem:$0x12C00] =	vst v63  }
0x331: {  	_ =	swait.ge [sflag:s3], $0x2000  }
0x332: {  	[sflag:s3] =	ssyncset.done $0x0  }
0x333: {  	[sflag:s3] =	ssyncadd.s32 $0xFFFFE000  }
0x334: {  	_ =	swait.ge [sflag:s3], $0x2000  }
0x335: {  	[sflag:s3] =	ssyncset.done $0x0  }
0x336: {  	[sflag:s3] =	ssyncadd.s32 $0xFFFFE000  }
0x337: {  	_ =	swait.ge [sflag:s3], $0x2000  }
0x338: {  	s31 =	sld [smem:$0x7F7]  }
0x339: {  	[sflag:s3] =	ssyncset.done $0x0  }
0x33a: {  	s4 =	simm.s32 $0xCC80;
	[sflag:s3] =	ssyncadd.s32 $0xFFFFE000  }
0x33b: {  	[hbm4b:s31+s1] =	stream.linear.scatter [tilespmem:s12], [sflag:$0x7], $0x2000, $0x38;
	[tilespmem:$0x12C00] =	vst v63  }
0x33c: {  	s22 =	simm.s32 $0xEC80;
	v0 =	vld [tilespmem:s4+$0xFFFFFF80]  }
0x33d: {  	v1 =	vld [tilespmem:s22+$0xFFFFFF80];
	_ =	sdelay $0x4  }
0x33e: {  	v0 =	vmul.f32 v1, v0;
	_ =	sdelay $0x1  }
0x33f: {  	[tilespmem:s4+$0xFFFFFF80] =	vst v0;
	v0 =	vld [tilespmem:s4+$0xFFFFFF90]  }
0x340: {  	v1 =	vld [tilespmem:s22+$0xFFFFFF90];
	_ =	sdelay $0x4  }
0x341: {  	v0 =	vmul.f32 v1, v0;
	_ =	sdelay $0x1  }
0x342: {  	[tilespmem:s4+$0xFFFFFF90] =	vst v0;
	v0 =	vld [tilespmem:s4+$0xFFFFFFA0]  }
0x343: {  	v1 =	vld [tilespmem:s22+$0xFFFFFFA0];
	_ =	sdelay $0x4  }
0x344: {  	v0 =	vmul.f32 v1, v0;
	_ =	sdelay $0x1  }
0x345: {  	[tilespmem:s4+$0xFFFFFFA0] =	vst v0;
	v0 =	vld [tilespmem:s4+$0xFFFFFFB0]  }
0x346: {  	v1 =	vld [tilespmem:s22+$0xFFFFFFB0];
	_ =	sdelay $0x4  }
0x347: {  	v0 =	vmul.f32 v1, v0;
	_ =	sdelay $0x1  }
0x348: {  	[tilespmem:s4+$0xFFFFFFB0] =	vst v0;
	v0 =	vld [tilespmem:s4+$0xFFFFFFC0]  }
0x349: {  	v1 =	vld [tilespmem:s22+$0xFFFFFFC0];
	_ =	sdelay $0x4  }
0x34a: {  	v0 =	vmul.f32 v1, v0;
	_ =	sdelay $0x1  }
0x34b: {  	[tilespmem:s4+$0xFFFFFFC0] =	vst v0;
	v0 =	vld [tilespmem:s4+$0xFFFFFFD0]  }
0x34c: {  	v1 =	vld [tilespmem:s22+$0xFFFFFFD0];
	_ =	sdelay $0x4  }
0x34d: {  	v0 =	vmul.f32 v1, v0;
	_ =	sdelay $0x1  }
0x34e: {  	[tilespmem:s4+$0xFFFFFFD0] =	vst v0;
	v0 =	vld [tilespmem:s4+$0xFFFFFFE0]  }
0x34f: {  	v1 =	vld [tilespmem:s22+$0xFFFFFFE0];
	_ =	sdelay $0x4  }
0x350: {  	v0 =	vmul.f32 v1, v0;
	_ =	sdelay $0x1  }
0x351: {  	[tilespmem:s4+$0xFFFFFFE0] =	vst v0;
	v0 =	vld [tilespmem:s4+$0xFFFFFFF0]  }
0x352: {  	v1 =	vld [tilespmem:s22+$0xFFFFFFF0];
	_ =	sdelay $0x4  }
0x353: {  	v0 =	vmul.f32 v1, v0;
	_ =	sdelay $0x1  }
0x354: {  	[tilespmem:s4+$0xFFFFFFF0] =	vst v0;
	v0 =	vld [tilespmem:s4+$0x0]  }
0x355: {  	v1 =	vld [tilespmem:s22+$0x0];
	_ =	sdelay $0x4  }
0x356: {  	v0 =	vmul.f32 v1, v0;
	_ =	sdelay $0x1  }
0x357: {  	[tilespmem:s4+$0x0] =	vst v0;
	v0 =	vld [tilespmem:s4+$0x10]  }
0x358: {  	v1 =	vld [tilespmem:s22+$0x10];
	_ =	sdelay $0x4  }
0x359: {  	v0 =	vmul.f32 v1, v0;
	_ =	sdelay $0x1  }
0x35a: {  	[tilespmem:s4+$0x10] =	vst v0;
	v0 =	vld [tilespmem:s4+$0x20]  }
0x35b: {  	v1 =	vld [tilespmem:s22+$0x20];
	_ =	sdelay $0x4  }
0x35c: {  	v0 =	vmul.f32 v1, v0;
	_ =	sdelay $0x1  }
0x35d: {  	[tilespmem:s4+$0x20] =	vst v0;
	v0 =	vld [tilespmem:s4+$0x30]  }
0x35e: {  	v1 =	vld [tilespmem:s22+$0x30];
	_ =	sdelay $0x4  }
0x35f: {  	v0 =	vmul.f32 v1, v0;
	_ =	sdelay $0x1  }
0x360: {  	[tilespmem:s4+$0x30] =	vst v0;
	v0 =	vld [tilespmem:s4+$0x40]  }
0x361: {  	v1 =	vld [tilespmem:s22+$0x40];
	_ =	sdelay $0x4  }
0x362: {  	v0 =	vmul.f32 v1, v0;
	_ =	sdelay $0x1  }
0x363: {  	[tilespmem:s4+$0x40] =	vst v0;
	v0 =	vld [tilespmem:s4+$0x50]  }
0x364: {  	v1 =	vld [tilespmem:s22+$0x50];
	_ =	sdelay $0x4  }
0x365: {  	v0 =	vmul.f32 v1, v0;
	_ =	sdelay $0x1  }
0x366: {  	[tilespmem:s4+$0x50] =	vst v0;
	v0 =	vld [tilespmem:s4+$0x60]  }
0x367: {  	v1 =	vld [tilespmem:s22+$0x60];
	_ =	sdelay $0x4  }
0x368: {  	v0 =	vmul.f32 v1, v0;
	_ =	sdelay $0x1  }
0x369: {  	[tilespmem:s4+$0x60] =	vst v0;
	v0 =	vld [tilespmem:s4+$0x70]  }
0x36a: {  	v1 =	vld [tilespmem:s22+$0x70];
	_ =	sdelay $0x4  }
0x36b: {  	v0 =	vmul.f32 v1, v0  }
0x36c: {  	s5 =	simm.s32 $0x0;
	s7 =	simm.s32 $0xCD80  }
.LBB2_12:
0x36d: {  	v1 =	vld [tilespmem:s7+$0xFFFFFF80];
	[tilespmem:s4+$0x70] =	vst v0;
	s22 =	sadd.s32 $0x100, s22;
	s4 =	smov.u32 s7  }
0x36e: {  	s5 =	sadd.s32 $0x2, s5;
	v0 =	vld [tilespmem:s22+$0xFFFFFF80]  }
0x36f: {  	p0 =	slt.u32 s5, $0x3E;
	_ =	sdelay $0x3  }
0x370: {  	v0 =	vmul.f32 v0, v1;
	_ =	sdelay $0x1  }
0x371: {  	[tilespmem:s7+$0xFFFFFF80] =	vst v0;
	v0 =	vld [tilespmem:s7+$0xFFFFFF90]  }
0x372: {  	v1 =	vld [tilespmem:s22+$0xFFFFFF90];
	_ =	sdelay $0x4  }
0x373: {  	v0 =	vmul.f32 v1, v0;
	_ =	sdelay $0x1  }
0x374: {  	[tilespmem:s7+$0xFFFFFF90] =	vst v0;
	v0 =	vld [tilespmem:s7+$0xFFFFFFA0]  }
0x375: {  	v1 =	vld [tilespmem:s22+$0xFFFFFFA0];
	_ =	sdelay $0x4  }
0x376: {  	v0 =	vmul.f32 v1, v0;
	_ =	sdelay $0x1  }
0x377: {  	[tilespmem:s7+$0xFFFFFFA0] =	vst v0;
	v0 =	vld [tilespmem:s7+$0xFFFFFFB0]  }
0x378: {  	v1 =	vld [tilespmem:s22+$0xFFFFFFB0];
	_ =	sdelay $0x4  }
0x379: {  	v0 =	vmul.f32 v1, v0;
	_ =	sdelay $0x1  }
0x37a: {  	[tilespmem:s7+$0xFFFFFFB0] =	vst v0;
	v0 =	vld [tilespmem:s7+$0xFFFFFFC0]  }
0x37b: {  	v1 =	vld [tilespmem:s22+$0xFFFFFFC0];
	_ =	sdelay $0x4  }
0x37c: {  	v0 =	vmul.f32 v1, v0;
	_ =	sdelay $0x1  }
0x37d: {  	[tilespmem:s7+$0xFFFFFFC0] =	vst v0;
	v0 =	vld [tilespmem:s7+$0xFFFFFFD0]  }
0x37e: {  	v1 =	vld [tilespmem:s22+$0xFFFFFFD0];
	_ =	sdelay $0x4  }
0x37f: {  	v0 =	vmul.f32 v1, v0;
	_ =	sdelay $0x1  }
0x380: {  	[tilespmem:s7+$0xFFFFFFD0] =	vst v0;
	v0 =	vld [tilespmem:s7+$0xFFFFFFE0]  }
0x381: {  	v1 =	vld [tilespmem:s22+$0xFFFFFFE0];
	_ =	sdelay $0x4  }
0x382: {  	v0 =	vmul.f32 v1, v0;
	_ =	sdelay $0x1  }
0x383: {  	[tilespmem:s7+$0xFFFFFFE0] =	vst v0;
	v0 =	vld [tilespmem:s7+$0xFFFFFFF0]  }
0x384: {  	v1 =	vld [tilespmem:s22+$0xFFFFFFF0];
	_ =	sdelay $0x4  }
0x385: {  	v0 =	vmul.f32 v1, v0;
	_ =	sdelay $0x1  }
0x386: {  	[tilespmem:s7+$0xFFFFFFF0] =	vst v0;
	v0 =	vld [tilespmem:s7+$0x0]  }
0x387: {  	v1 =	vld [tilespmem:s22+$0x0];
	_ =	sdelay $0x4  }
0x388: {  	v0 =	vmul.f32 v1, v0;
	_ =	sdelay $0x1  }
0x389: {  	[tilespmem:s7+$0x0] =	vst v0;
	v0 =	vld [tilespmem:s7+$0x10]  }
0x38a: {  	v1 =	vld [tilespmem:s22+$0x10];
	_ =	sdelay $0x4  }
0x38b: {  	v0 =	vmul.f32 v1, v0;
	_ =	sdelay $0x1  }
0x38c: {  	[tilespmem:s7+$0x10] =	vst v0;
	v0 =	vld [tilespmem:s7+$0x20]  }
0x38d: {  	v1 =	vld [tilespmem:s22+$0x20];
	_ =	sdelay $0x4  }
0x38e: {  	v0 =	vmul.f32 v1, v0;
	_ =	sdelay $0x1  }
0x38f: {  	[tilespmem:s7+$0x20] =	vst v0;
	v0 =	vld [tilespmem:s7+$0x30]  }
0x390: {  	v1 =	vld [tilespmem:s22+$0x30];
	_ =	sdelay $0x4  }
0x391: {  	v0 =	vmul.f32 v1, v0;
	_ =	sdelay $0x1  }
0x392: {  	[tilespmem:s7+$0x30] =	vst v0;
	v0 =	vld [tilespmem:s7+$0x40]  }
0x393: {  	v1 =	vld [tilespmem:s22+$0x40];
	_ =	sdelay $0x4  }
0x394: {  	v0 =	vmul.f32 v1, v0;
	_ =	sdelay $0x1  }
0x395: {  	[tilespmem:s7+$0x40] =	vst v0;
	v0 =	vld [tilespmem:s7+$0x50]  }
0x396: {  	v1 =	vld [tilespmem:s22+$0x50];
	_ =	sdelay $0x4  }
0x397: {  	v0 =	vmul.f32 v1, v0;
	_ =	sdelay $0x1  }
0x398: {  	[tilespmem:s7+$0x50] =	vst v0;
	v0 =	vld [tilespmem:s7+$0x60]  }
0x399: {  	v1 =	vld [tilespmem:s22+$0x60];
	_ =	sdelay $0x4  }
0x39a: {  	v0 =	vmul.f32 v1, v0;
	_ =	sdelay $0x1  }
0x39b: {  	[tilespmem:s7+$0x60] =	vst v0;
	v0 =	vld [tilespmem:s7+$0x70]  }
0x39c: {  	v1 =	vld [tilespmem:s22+$0x70];
	_ =	sdelay $0x1  }
.Ltmp5:
0x39d: {  	(pc) =	sbr.rel @p0 .LBB2_12-.Ltmp5, $3  }
0x39e: {  	_ =	sdelay $0x1  }
0x39f: {  	v0 =	vmul.f32 v1, v0  }
0x3a0: {  	s7 =	sadd.s32 $0x100, s7  }
0x3a1: {  	s29 =	sld [smem:$0x7F8];
	_ =	sdelay $0x1  }
0x3a2: {  	[tilespmem:s4+$0x70] =	vst v0  }
0x3a3: {  	[hbm4b:s29+s1] =	stream.linear.scatter [tilespmem:s11], [sflag:$0x7], $0x2000, $0x38;
	[tilespmem:$0x12C00] =	vst v63  }
0x3a4: {  	_ =	swait.ge [sflag:s15], $0x2000  }
0x3a5: {  	[sflag:s15] =	ssyncset.done $0x0  }
0x3a6: {  	[sflag:s15] =	ssyncadd.s32 $0xFFFFE000  }
0x3a7: {  	_ =	swait.ge [sflag:s15], $0x2000  }
0x3a8: {  	[sflag:s15] =	ssyncset.done $0x0  }
0x3a9: {  	[sflag:s15] =	ssyncadd.s32 $0xFFFFE000  }
0x3aa: {  	_ =	swait.ge [sflag:s15], $0x2000  }
0x3ab: {  	s31 =	sld [smem:$0x7F9]  }
0x3ac: {  	[sflag:s15] =	ssyncset.done $0x0  }
0x3ad: {  	s4 =	simm.s32 $0xC80;
	[sflag:s15] =	ssyncadd.s32 $0xFFFFE000  }
0x3ae: {  	[hbm4b:s31+s1] =	stream.linear.scatter [tilespmem:s10], [sflag:$0x5], $0x2000, $0x38;
	[tilespmem:$0x12C00] =	vst v63  }
0x3af: {  	s22 =	simm.s32 $0x2C80;
	v0 =	vld [tilespmem:s4+$0xFFFFFF80]  }
0x3b0: {  	v1 =	vld [tilespmem:s22+$0xFFFFFF80];
	_ =	sdelay $0x4  }
0x3b1: {  	v0 =	vmul.f32 v1, v0;
	_ =	sdelay $0x1  }
0x3b2: {  	[tilespmem:s4+$0xFFFFFF80] =	vst v0;
	v0 =	vld [tilespmem:s4+$0xFFFFFF90]  }
0x3b3: {  	v1 =	vld [tilespmem:s22+$0xFFFFFF90];
	_ =	sdelay $0x4  }
0x3b4: {  	v0 =	vmul.f32 v1, v0;
	_ =	sdelay $0x1  }
0x3b5: {  	[tilespmem:s4+$0xFFFFFF90] =	vst v0;
	v0 =	vld [tilespmem:s4+$0xFFFFFFA0]  }
0x3b6: {  	v1 =	vld [tilespmem:s22+$0xFFFFFFA0];
	_ =	sdelay $0x4  }
0x3b7: {  	v0 =	vmul.f32 v1, v0;
	_ =	sdelay $0x1  }
0x3b8: {  	[tilespmem:s4+$0xFFFFFFA0] =	vst v0;
	v0 =	vld [tilespmem:s4+$0xFFFFFFB0]  }
0x3b9: {  	v1 =	vld [tilespmem:s22+$0xFFFFFFB0];
	_ =	sdelay $0x4  }
0x3ba: {  	v0 =	vmul.f32 v1, v0;
	_ =	sdelay $0x1  }
0x3bb: {  	[tilespmem:s4+$0xFFFFFFB0] =	vst v0;
	v0 =	vld [tilespmem:s4+$0xFFFFFFC0]  }
0x3bc: {  	v1 =	vld [tilespmem:s22+$0xFFFFFFC0];
	_ =	sdelay $0x4  }
0x3bd: {  	v0 =	vmul.f32 v1, v0;
	_ =	sdelay $0x1  }
0x3be: {  	[tilespmem:s4+$0xFFFFFFC0] =	vst v0;
	v0 =	vld [tilespmem:s4+$0xFFFFFFD0]  }
0x3bf: {  	v1 =	vld [tilespmem:s22+$0xFFFFFFD0];
	_ =	sdelay $0x4  }
0x3c0: {  	v0 =	vmul.f32 v1, v0;
	_ =	sdelay $0x1  }
0x3c1: {  	[tilespmem:s4+$0xFFFFFFD0] =	vst v0;
	v0 =	vld [tilespmem:s4+$0xFFFFFFE0]  }
0x3c2: {  	v1 =	vld [tilespmem:s22+$0xFFFFFFE0];
	_ =	sdelay $0x4  }
0x3c3: {  	v0 =	vmul.f32 v1, v0;
	_ =	sdelay $0x1  }
0x3c4: {  	[tilespmem:s4+$0xFFFFFFE0] =	vst v0;
	v0 =	vld [tilespmem:s4+$0xFFFFFFF0]  }
0x3c5: {  	v1 =	vld [tilespmem:s22+$0xFFFFFFF0];
	_ =	sdelay $0x4  }
0x3c6: {  	v0 =	vmul.f32 v1, v0;
	_ =	sdelay $0x1  }
0x3c7: {  	[tilespmem:s4+$0xFFFFFFF0] =	vst v0;
	v0 =	vld [tilespmem:s4+$0x0]  }
0x3c8: {  	v1 =	vld [tilespmem:s22+$0x0];
	_ =	sdelay $0x4  }
0x3c9: {  	v0 =	vmul.f32 v1, v0;
	_ =	sdelay $0x1  }
0x3ca: {  	[tilespmem:s4+$0x0] =	vst v0;
	v0 =	vld [tilespmem:s4+$0x10]  }
0x3cb: {  	v1 =	vld [tilespmem:s22+$0x10];
	_ =	sdelay $0x4  }
0x3cc: {  	v0 =	vmul.f32 v1, v0;
	_ =	sdelay $0x1  }
0x3cd: {  	[tilespmem:s4+$0x10] =	vst v0;
	v0 =	vld [tilespmem:s4+$0x20]  }
0x3ce: {  	v1 =	vld [tilespmem:s22+$0x20];
	_ =	sdelay $0x4  }
0x3cf: {  	v0 =	vmul.f32 v1, v0;
	_ =	sdelay $0x1  }
0x3d0: {  	[tilespmem:s4+$0x20] =	vst v0;
	v0 =	vld [tilespmem:s4+$0x30]  }
0x3d1: {  	v1 =	vld [tilespmem:s22+$0x30];
	_ =	sdelay $0x4  }
0x3d2: {  	v0 =	vmul.f32 v1, v0;
	_ =	sdelay $0x1  }
0x3d3: {  	[tilespmem:s4+$0x30] =	vst v0;
	v0 =	vld [tilespmem:s4+$0x40]  }
0x3d4: {  	v1 =	vld [tilespmem:s22+$0x40];
	_ =	sdelay $0x4  }
0x3d5: {  	v0 =	vmul.f32 v1, v0;
	_ =	sdelay $0x1  }
0x3d6: {  	[tilespmem:s4+$0x40] =	vst v0;
	v0 =	vld [tilespmem:s4+$0x50]  }
0x3d7: {  	v1 =	vld [tilespmem:s22+$0x50];
	_ =	sdelay $0x4  }
0x3d8: {  	v0 =	vmul.f32 v1, v0;
	_ =	sdelay $0x1  }
0x3d9: {  	[tilespmem:s4+$0x50] =	vst v0;
	v0 =	vld [tilespmem:s4+$0x60]  }
0x3da: {  	v1 =	vld [tilespmem:s22+$0x60];
	_ =	sdelay $0x4  }
0x3db: {  	v0 =	vmul.f32 v1, v0;
	_ =	sdelay $0x1  }
0x3dc: {  	[tilespmem:s4+$0x60] =	vst v0;
	v0 =	vld [tilespmem:s4+$0x70]  }
0x3dd: {  	v1 =	vld [tilespmem:s22+$0x70];
	_ =	sdelay $0x4  }
0x3de: {  	v0 =	vmul.f32 v1, v0  }
0x3df: {  	s5 =	simm.s32 $0x0;
	s7 =	simm.s32 $0xD80  }
.LBB2_14:
0x3e0: {  	v1 =	vld [tilespmem:s7+$0xFFFFFF80];
	[tilespmem:s4+$0x70] =	vst v0;
	s22 =	sadd.s32 $0x100, s22;
	s4 =	smov.u32 s7  }
0x3e1: {  	s5 =	sadd.s32 $0x2, s5;
	v0 =	vld [tilespmem:s22+$0xFFFFFF80]  }
0x3e2: {  	p0 =	slt.u32 s5, $0x3E;
	_ =	sdelay $0x3  }
0x3e3: {  	v0 =	vmul.f32 v0, v1;
	_ =	sdelay $0x1  }
0x3e4: {  	[tilespmem:s7+$0xFFFFFF80] =	vst v0;
	v0 =	vld [tilespmem:s7+$0xFFFFFF90]  }
0x3e5: {  	v1 =	vld [tilespmem:s22+$0xFFFFFF90];
	_ =	sdelay $0x4  }
0x3e6: {  	v0 =	vmul.f32 v1, v0;
	_ =	sdelay $0x1  }
0x3e7: {  	[tilespmem:s7+$0xFFFFFF90] =	vst v0;
	v0 =	vld [tilespmem:s7+$0xFFFFFFA0]  }
0x3e8: {  	v1 =	vld [tilespmem:s22+$0xFFFFFFA0];
	_ =	sdelay $0x4  }
0x3e9: {  	v0 =	vmul.f32 v1, v0;
	_ =	sdelay $0x1  }
0x3ea: {  	[tilespmem:s7+$0xFFFFFFA0] =	vst v0;
	v0 =	vld [tilespmem:s7+$0xFFFFFFB0]  }
0x3eb: {  	v1 =	vld [tilespmem:s22+$0xFFFFFFB0];
	_ =	sdelay $0x4  }
0x3ec: {  	v0 =	vmul.f32 v1, v0;
	_ =	sdelay $0x1  }
0x3ed: {  	[tilespmem:s7+$0xFFFFFFB0] =	vst v0;
	v0 =	vld [tilespmem:s7+$0xFFFFFFC0]  }
0x3ee: {  	v1 =	vld [tilespmem:s22+$0xFFFFFFC0];
	_ =	sdelay $0x4  }
0x3ef: {  	v0 =	vmul.f32 v1, v0;
	_ =	sdelay $0x1  }
0x3f0: {  	[tilespmem:s7+$0xFFFFFFC0] =	vst v0;
	v0 =	vld [tilespmem:s7+$0xFFFFFFD0]  }
0x3f1: {  	v1 =	vld [tilespmem:s22+$0xFFFFFFD0];
	_ =	sdelay $0x4  }
0x3f2: {  	v0 =	vmul.f32 v1, v0;
	_ =	sdelay $0x1  }
0x3f3: {  	[tilespmem:s7+$0xFFFFFFD0] =	vst v0;
	v0 =	vld [tilespmem:s7+$0xFFFFFFE0]  }
0x3f4: {  	v1 =	vld [tilespmem:s22+$0xFFFFFFE0];
	_ =	sdelay $0x4  }
0x3f5: {  	v0 =	vmul.f32 v1, v0;
	_ =	sdelay $0x1  }
0x3f6: {  	[tilespmem:s7+$0xFFFFFFE0] =	vst v0;
	v0 =	vld [tilespmem:s7+$0xFFFFFFF0]  }
0x3f7: {  	v1 =	vld [tilespmem:s22+$0xFFFFFFF0];
	_ =	sdelay $0x4  }
0x3f8: {  	v0 =	vmul.f32 v1, v0;
	_ =	sdelay $0x1  }
0x3f9: {  	[tilespmem:s7+$0xFFFFFFF0] =	vst v0;
	v0 =	vld [tilespmem:s7+$0x0]  }
0x3fa: {  	v1 =	vld [tilespmem:s22+$0x0];
	_ =	sdelay $0x4  }
0x3fb: {  	v0 =	vmul.f32 v1, v0;
	_ =	sdelay $0x1  }
0x3fc: {  	[tilespmem:s7+$0x0] =	vst v0;
	v0 =	vld [tilespmem:s7+$0x10]  }
0x3fd: {  	v1 =	vld [tilespmem:s22+$0x10];
	_ =	sdelay $0x4  }
0x3fe: {  	v0 =	vmul.f32 v1, v0;
	_ =	sdelay $0x1  }
0x3ff: {  	[tilespmem:s7+$0x10] =	vst v0;
	v0 =	vld [tilespmem:s7+$0x20]  }
0x400: {  	v1 =	vld [tilespmem:s22+$0x20];
	_ =	sdelay $0x4  }
0x401: {  	v0 =	vmul.f32 v1, v0;
	_ =	sdelay $0x1  }
0x402: {  	[tilespmem:s7+$0x20] =	vst v0;
	v0 =	vld [tilespmem:s7+$0x30]  }
0x403: {  	v1 =	vld [tilespmem:s22+$0x30];
	_ =	sdelay $0x4  }
0x404: {  	v0 =	vmul.f32 v1, v0;
	_ =	sdelay $0x1  }
0x405: {  	[tilespmem:s7+$0x30] =	vst v0;
	v0 =	vld [tilespmem:s7+$0x40]  }
0x406: {  	v1 =	vld [tilespmem:s22+$0x40];
	_ =	sdelay $0x4  }
0x407: {  	v0 =	vmul.f32 v1, v0;
	_ =	sdelay $0x1  }
0x408: {  	[tilespmem:s7+$0x40] =	vst v0;
	v0 =	vld [tilespmem:s7+$0x50]  }
0x409: {  	v1 =	vld [tilespmem:s22+$0x50];
	_ =	sdelay $0x4  }
0x40a: {  	v0 =	vmul.f32 v1, v0;
	_ =	sdelay $0x1  }
0x40b: {  	[tilespmem:s7+$0x50] =	vst v0;
	v0 =	vld [tilespmem:s7+$0x60]  }
0x40c: {  	v1 =	vld [tilespmem:s22+$0x60];
	_ =	sdelay $0x4  }
0x40d: {  	v0 =	vmul.f32 v1, v0;
	_ =	sdelay $0x1  }
0x40e: {  	[tilespmem:s7+$0x60] =	vst v0;
	v0 =	vld [tilespmem:s7+$0x70]  }
0x40f: {  	v1 =	vld [tilespmem:s22+$0x70];
	_ =	sdelay $0x1  }
.Ltmp6:
0x410: {  	(pc) =	sbr.rel @p0 .LBB2_14-.Ltmp6, $3  }
0x411: {  	_ =	sdelay $0x1  }
0x412: {  	v0 =	vmul.f32 v1, v0  }
0x413: {  	s7 =	sadd.s32 $0x100, s7  }
0x414: {  	s29 =	sld [smem:$0x7FA];
	_ =	sdelay $0x1  }
0x415: {  	[tilespmem:s4+$0x70] =	vst v0;
	s0 =	simm.s32 $0xC00  }
0x416: {  	[hbm4b:s29+s1] =	stream.linear.scatter [tilespmem:s0], [sflag:$0x5], $0x2000, $0x38;
	[tilespmem:$0x12C00] =	vst v63  }
0x417: {  	_ =	swait.ge [sflag:s2], $0x2000  }
0x418: {  	[sflag:s2] =	ssyncset.done $0x0  }
0x419: {  	[sflag:s2] =	ssyncadd.s32 $0xFFFFE000  }
0x41a: {  	_ =	swait.ge [sflag:s2], $0x2000  }
0x41b: {  	[sflag:s2] =	ssyncset.done $0x0  }
0x41c: {  	[sflag:s2] =	ssyncadd.s32 $0xFFFFE000  }
0x41d: {  	_ =	swait.ge [sflag:s2], $0x2000  }
0x41e: {  	s31 =	sld [smem:$0x7FB]  }
0x41f: {  	[sflag:s2] =	ssyncset.done $0x0  }
0x420: {  	s4 =	simm.s32 $0x6C80;
	[sflag:s2] =	ssyncadd.s32 $0xFFFFE000  }
0x421: {  	[hbm4b:s31+s1] =	stream.linear.scatter [tilespmem:s23], [sflag:$0x6], $0x2000, $0x38;
	[tilespmem:$0x12C00] =	vst v63  }
0x422: {  	s22 =	simm.s32 $0x8C80;
	v0 =	vld [tilespmem:s4+$0xFFFFFF80]  }
0x423: {  	v1 =	vld [tilespmem:s22+$0xFFFFFF80];
	_ =	sdelay $0x4  }
0x424: {  	v0 =	vmul.f32 v1, v0;
	_ =	sdelay $0x1  }
0x425: {  	[tilespmem:s4+$0xFFFFFF80] =	vst v0;
	v0 =	vld [tilespmem:s4+$0xFFFFFF90]  }
0x426: {  	v1 =	vld [tilespmem:s22+$0xFFFFFF90];
	_ =	sdelay $0x4  }
0x427: {  	v0 =	vmul.f32 v1, v0;
	_ =	sdelay $0x1  }
0x428: {  	[tilespmem:s4+$0xFFFFFF90] =	vst v0;
	v0 =	vld [tilespmem:s4+$0xFFFFFFA0]  }
0x429: {  	v1 =	vld [tilespmem:s22+$0xFFFFFFA0];
	_ =	sdelay $0x4  }
0x42a: {  	v0 =	vmul.f32 v1, v0;
	_ =	sdelay $0x1  }
0x42b: {  	[tilespmem:s4+$0xFFFFFFA0] =	vst v0;
	v0 =	vld [tilespmem:s4+$0xFFFFFFB0]  }
0x42c: {  	v1 =	vld [tilespmem:s22+$0xFFFFFFB0];
	_ =	sdelay $0x4  }
0x42d: {  	v0 =	vmul.f32 v1, v0;
	_ =	sdelay $0x1  }
0x42e: {  	[tilespmem:s4+$0xFFFFFFB0] =	vst v0;
	v0 =	vld [tilespmem:s4+$0xFFFFFFC0]  }
0x42f: {  	v1 =	vld [tilespmem:s22+$0xFFFFFFC0];
	_ =	sdelay $0x4  }
0x430: {  	v0 =	vmul.f32 v1, v0;
	_ =	sdelay $0x1  }
0x431: {  	[tilespmem:s4+$0xFFFFFFC0] =	vst v0;
	v0 =	vld [tilespmem:s4+$0xFFFFFFD0]  }
0x432: {  	v1 =	vld [tilespmem:s22+$0xFFFFFFD0];
	_ =	sdelay $0x4  }
0x433: {  	v0 =	vmul.f32 v1, v0;
	_ =	sdelay $0x1  }
0x434: {  	[tilespmem:s4+$0xFFFFFFD0] =	vst v0;
	v0 =	vld [tilespmem:s4+$0xFFFFFFE0]  }
0x435: {  	v1 =	vld [tilespmem:s22+$0xFFFFFFE0];
	_ =	sdelay $0x4  }
0x436: {  	v0 =	vmul.f32 v1, v0;
	_ =	sdelay $0x1  }
0x437: {  	[tilespmem:s4+$0xFFFFFFE0] =	vst v0;
	v0 =	vld [tilespmem:s4+$0xFFFFFFF0]  }
0x438: {  	v1 =	vld [tilespmem:s22+$0xFFFFFFF0];
	_ =	sdelay $0x4  }
0x439: {  	v0 =	vmul.f32 v1, v0;
	_ =	sdelay $0x1  }
0x43a: {  	[tilespmem:s4+$0xFFFFFFF0] =	vst v0;
	v0 =	vld [tilespmem:s4+$0x0]  }
0x43b: {  	v1 =	vld [tilespmem:s22+$0x0];
	_ =	sdelay $0x4  }
0x43c: {  	v0 =	vmul.f32 v1, v0;
	_ =	sdelay $0x1  }
0x43d: {  	[tilespmem:s4+$0x0] =	vst v0;
	v0 =	vld [tilespmem:s4+$0x10]  }
0x43e: {  	v1 =	vld [tilespmem:s22+$0x10];
	_ =	sdelay $0x4  }
0x43f: {  	v0 =	vmul.f32 v1, v0;
	_ =	sdelay $0x1  }
0x440: {  	[tilespmem:s4+$0x10] =	vst v0;
	v0 =	vld [tilespmem:s4+$0x20]  }
0x441: {  	v1 =	vld [tilespmem:s22+$0x20];
	_ =	sdelay $0x4  }
0x442: {  	v0 =	vmul.f32 v1, v0;
	_ =	sdelay $0x1  }
0x443: {  	[tilespmem:s4+$0x20] =	vst v0;
	v0 =	vld [tilespmem:s4+$0x30]  }
0x444: {  	v1 =	vld [tilespmem:s22+$0x30];
	_ =	sdelay $0x4  }
0x445: {  	v0 =	vmul.f32 v1, v0;
	_ =	sdelay $0x1  }
0x446: {  	[tilespmem:s4+$0x30] =	vst v0;
	v0 =	vld [tilespmem:s4+$0x40]  }
0x447: {  	v1 =	vld [tilespmem:s22+$0x40];
	_ =	sdelay $0x4  }
0x448: {  	v0 =	vmul.f32 v1, v0;
	_ =	sdelay $0x1  }
0x449: {  	[tilespmem:s4+$0x40] =	vst v0;
	v0 =	vld [tilespmem:s4+$0x50]  }
0x44a: {  	v1 =	vld [tilespmem:s22+$0x50];
	_ =	sdelay $0x4  }
0x44b: {  	v0 =	vmul.f32 v1, v0;
	_ =	sdelay $0x1  }
0x44c: {  	[tilespmem:s4+$0x50] =	vst v0;
	v0 =	vld [tilespmem:s4+$0x60]  }
0x44d: {  	v1 =	vld [tilespmem:s22+$0x60];
	_ =	sdelay $0x4  }
0x44e: {  	v0 =	vmul.f32 v1, v0;
	_ =	sdelay $0x1  }
0x44f: {  	[tilespmem:s4+$0x60] =	vst v0;
	v0 =	vld [tilespmem:s4+$0x70]  }
0x450: {  	v1 =	vld [tilespmem:s22+$0x70];
	_ =	sdelay $0x4  }
0x451: {  	v0 =	vmul.f32 v1, v0  }
0x452: {  	s5 =	simm.s32 $0x0;
	s7 =	simm.s32 $0x6D80  }
.LBB2_16:
0x453: {  	v1 =	vld [tilespmem:s7+$0xFFFFFF80];
	[tilespmem:s4+$0x70] =	vst v0;
	s22 =	sadd.s32 $0x100, s22;
	s4 =	smov.u32 s7  }
0x454: {  	s5 =	sadd.s32 $0x2, s5;
	v0 =	vld [tilespmem:s22+$0xFFFFFF80]  }
0x455: {  	p0 =	slt.u32 s5, $0x3E;
	_ =	sdelay $0x3  }
0x456: {  	v0 =	vmul.f32 v0, v1;
	_ =	sdelay $0x1  }
0x457: {  	[tilespmem:s7+$0xFFFFFF80] =	vst v0;
	v0 =	vld [tilespmem:s7+$0xFFFFFF90]  }
0x458: {  	v1 =	vld [tilespmem:s22+$0xFFFFFF90];
	_ =	sdelay $0x4  }
0x459: {  	v0 =	vmul.f32 v1, v0;
	_ =	sdelay $0x1  }
0x45a: {  	[tilespmem:s7+$0xFFFFFF90] =	vst v0;
	v0 =	vld [tilespmem:s7+$0xFFFFFFA0]  }
0x45b: {  	v1 =	vld [tilespmem:s22+$0xFFFFFFA0];
	_ =	sdelay $0x4  }
0x45c: {  	v0 =	vmul.f32 v1, v0;
	_ =	sdelay $0x1  }
0x45d: {  	[tilespmem:s7+$0xFFFFFFA0] =	vst v0;
	v0 =	vld [tilespmem:s7+$0xFFFFFFB0]  }
0x45e: {  	v1 =	vld [tilespmem:s22+$0xFFFFFFB0];
	_ =	sdelay $0x4  }
0x45f: {  	v0 =	vmul.f32 v1, v0;
	_ =	sdelay $0x1  }
0x460: {  	[tilespmem:s7+$0xFFFFFFB0] =	vst v0;
	v0 =	vld [tilespmem:s7+$0xFFFFFFC0]  }
0x461: {  	v1 =	vld [tilespmem:s22+$0xFFFFFFC0];
	_ =	sdelay $0x4  }
0x462: {  	v0 =	vmul.f32 v1, v0;
	_ =	sdelay $0x1  }
0x463: {  	[tilespmem:s7+$0xFFFFFFC0] =	vst v0;
	v0 =	vld [tilespmem:s7+$0xFFFFFFD0]  }
0x464: {  	v1 =	vld [tilespmem:s22+$0xFFFFFFD0];
	_ =	sdelay $0x4  }
0x465: {  	v0 =	vmul.f32 v1, v0;
	_ =	sdelay $0x1  }
0x466: {  	[tilespmem:s7+$0xFFFFFFD0] =	vst v0;
	v0 =	vld [tilespmem:s7+$0xFFFFFFE0]  }
0x467: {  	v1 =	vld [tilespmem:s22+$0xFFFFFFE0];
	_ =	sdelay $0x4  }
0x468: {  	v0 =	vmul.f32 v1, v0;
	_ =	sdelay $0x1  }
0x469: {  	[tilespmem:s7+$0xFFFFFFE0] =	vst v0;
	v0 =	vld [tilespmem:s7+$0xFFFFFFF0]  }
0x46a: {  	v1 =	vld [tilespmem:s22+$0xFFFFFFF0];
	_ =	sdelay $0x4  }
0x46b: {  	v0 =	vmul.f32 v1, v0;
	_ =	sdelay $0x1  }
0x46c: {  	[tilespmem:s7+$0xFFFFFFF0] =	vst v0;
	v0 =	vld [tilespmem:s7+$0x0]  }
0x46d: {  	v1 =	vld [tilespmem:s22+$0x0];
	_ =	sdelay $0x4  }
0x46e: {  	v0 =	vmul.f32 v1, v0;
	_ =	sdelay $0x1  }
0x46f: {  	[tilespmem:s7+$0x0] =	vst v0;
	v0 =	vld [tilespmem:s7+$0x10]  }
0x470: {  	v1 =	vld [tilespmem:s22+$0x10];
	_ =	sdelay $0x4  }
0x471: {  	v0 =	vmul.f32 v1, v0;
	_ =	sdelay $0x1  }
0x472: {  	[tilespmem:s7+$0x10] =	vst v0;
	v0 =	vld [tilespmem:s7+$0x20]  }
0x473: {  	v1 =	vld [tilespmem:s22+$0x20];
	_ =	sdelay $0x4  }
0x474: {  	v0 =	vmul.f32 v1, v0;
	_ =	sdelay $0x1  }
0x475: {  	[tilespmem:s7+$0x20] =	vst v0;
	v0 =	vld [tilespmem:s7+$0x30]  }
0x476: {  	v1 =	vld [tilespmem:s22+$0x30];
	_ =	sdelay $0x4  }
0x477: {  	v0 =	vmul.f32 v1, v0;
	_ =	sdelay $0x1  }
0x478: {  	[tilespmem:s7+$0x30] =	vst v0;
	v0 =	vld [tilespmem:s7+$0x40]  }
0x479: {  	v1 =	vld [tilespmem:s22+$0x40];
	_ =	sdelay $0x4  }
0x47a: {  	v0 =	vmul.f32 v1, v0;
	_ =	sdelay $0x1  }
0x47b: {  	[tilespmem:s7+$0x40] =	vst v0;
	v0 =	vld [tilespmem:s7+$0x50]  }
0x47c: {  	v1 =	vld [tilespmem:s22+$0x50];
	_ =	sdelay $0x4  }
0x47d: {  	v0 =	vmul.f32 v1, v0;
	_ =	sdelay $0x1  }
0x47e: {  	[tilespmem:s7+$0x50] =	vst v0;
	v0 =	vld [tilespmem:s7+$0x60]  }
0x47f: {  	v1 =	vld [tilespmem:s22+$0x60];
	_ =	sdelay $0x4  }
0x480: {  	v0 =	vmul.f32 v1, v0;
	_ =	sdelay $0x1  }
0x481: {  	[tilespmem:s7+$0x60] =	vst v0;
	v0 =	vld [tilespmem:s7+$0x70]  }
0x482: {  	v1 =	vld [tilespmem:s22+$0x70];
	_ =	sdelay $0x1  }
.Ltmp7:
0x483: {  	(pc) =	sbr.rel @p0 .LBB2_16-.Ltmp7, $3  }
0x484: {  	_ =	sdelay $0x1  }
0x485: {  	v0 =	vmul.f32 v1, v0  }
0x486: {  	s7 =	sadd.s32 $0x100, s7  }
0x487: {  	s29 =	sld [smem:$0x7FC];
	_ =	sdelay $0x1  }
0x488: {  	[tilespmem:s4+$0x70] =	vst v0  }
0x489: {  	[hbm4b:s29+s1] =	stream.linear.scatter [tilespmem:s30], [sflag:$0x6], $0x2000, $0x38;
	[tilespmem:$0x12C00] =	vst v63  }
0x48a: {  	_ =	swait.ge [sflag:s17], $0x2000  }
0x48b: {  	[sflag:s17] =	ssyncset.done $0x0  }
0x48c: {  	[sflag:s17] =	ssyncadd.s32 $0xFFFFE000  }
0x48d: {  	_ =	swait.ge [sflag:s17], $0x2000  }
0x48e: {  	[sflag:s17] =	ssyncset.done $0x0  }
0x48f: {  	[sflag:s17] =	ssyncadd.s32 $0xFFFFE000  }
0x490: {  	_ =	swait.ge [sflag:s16], $0x2000  }
0x491: {  	[sflag:s16] =	ssyncset.done $0x0  }
0x492: {  	[sflag:s16] =	ssyncadd.s32 $0xFFFFE000  }
0x493: {  	_ =	swait.ge [sflag:s16], $0x2000  }
0x494: {  	[sflag:s16] =	ssyncset.done $0x0  }
0x495: {  	[sflag:s16] =	ssyncadd.s32 $0xFFFFE000  }
0x496: {  	_ =	swait.ge [sflag:s21], $0x2000  }
0x497: {  	[sflag:s21] =	ssyncset.done $0x0  }
0x498: {  	[sflag:s21] =	ssyncadd.s32 $0xFFFFE000  }
0x499: {  	_ =	swait.ge [sflag:s21], $0x2000  }
0x49a: {  	s31 =	sld [smem:$0x7FD];
	_ =	sdelay $0x1  }
0x49b: {  	s26 =	sadd.s32 $0x1, s26  }
0x49c: {  	p0 =	sne.s32 s26, s31  }
.Ltmp8:
0x49d: {  	_ = 	snop;
	(pc) =	sbr.rel @p0 .LBB2_1-.Ltmp8, $3  }
0x49e: {  	_ =	sdelay $0x1  }
0x49f: {  	[sflag:s21] =	ssyncset.done $0x0  }
0x4a0: {  	[sflag:s21] =	ssyncadd.s32 $0xFFFFE000  }
0x4a1: {  	_ =	sfence.sel $0x180000  }
0x4a2: {  	[bflag:$0x0] =	sbarrier.arrive $0xFFFF  }
0x4a3: {  	_ =	strace $0x90000047  }
0x4a4: {  	s0 =	stileid.u32;
	[bflag:$0x2] =	sbarrier.arrive $0xFFFF  }
0x4a5: {  	p0 =	sne.s32 s0, $0x0;
	s0 =	rddreg [dreg:$0x6]  }
0x4a6: {  	s0 =	sadd.s32 @!p0 $0x100000, s0  }
0x4a7: {  	[sflag:s0] =	ssyncadd.tile.s32 @!p0 $0x1;
	_ =	shalt  }
.Lfunc_end2:
_tile_overlayer_lowered:
.L_overlay_start_2:
0x4a8: {  	(tag) =	ssettag $0x2  }
0x4a9: {  	s0 =	rddreg [dreg:$0x0];
	s2 =	stileid.u32  }
0x4aa: {  	s1 =	rddreg [dreg:$0x1];
	p0 =	sne.s32 s2, $0x0  }
0x4ab: {  	s3 =	rddreg [dreg:$0x2];
	[bflag:$0x3] =	sbarrier.arrive $0xFFFF;
	s2 =	simm.s32 @!p0 $0x1C08  }
0x4ac: {  	[timem:s3], [sflag:s2] =	dma.local @!p0 [hbm:s0], s1  }
0x4ad: {  	s0 =	simm.s32 @!p0 $0x8  }
0x4ae: {  	_ =	swait.ge @!p0 [sflag:s0], s1  }
0x4af: {  	s1 =	ssub.s32 @!p0 $0x0, s1;
	[sflag:s0] =	ssyncset.done @!p0 $0x0  }
0x4b0: {  	[sflag:s0] =	ssyncadd.s32 @!p0 s1  }
0x4b1: {  	[bflag:$0x3] =	sbarrier.arrive $0xFFFF  }
0x4b2: {  	_ =	shalt  }

</sc_bundles>
